<compile_context>
chip_gen: v7x
topology: tpu7x:2x2x1
jax: 0.10.2.dev20260603
libtpu: 0.0.44.dev20260713+nightly
codegen_flags: <defaults>
</compile_context>

<pallas_src>
import math

import jax
import jax.numpy as jnp
from jax import lax
from jax.experimental import pallas as pl
from jax.experimental.pallas import tpu as pltpu
from jax.experimental.pallas import tpu_sc as plsc

_B = 2
_S = 512
_L_CMP = 32
_L_SLC = 32
_L_WIN = 128
_DIM = 512
_H = 8
_STRIDE = 16
_TOPK = 2
_HD = _DIM // _H
_KV_CMP = (_S - _L_CMP) // _STRIDE + 1
_KV_SLC = _S // _L_SLC
_SCALE = 1.0 / math.sqrt(_HD)
_NEG_INF = float("-inf")
_NSEL = _TOPK * _L_SLC


def _softmax(s):
    m = jnp.max(s, axis=-1, keepdims=True)
    e = jnp.exp(s - m)
    return e / jnp.sum(e, axis=-1, keepdims=True)


def _slc_map():
    rr = lax.broadcasted_iota(jnp.int32, (_KV_CMP, _KV_SLC), 0)
    jj = lax.broadcasted_iota(jnp.int32, (_KV_CMP, _KV_SLC), 1)
    return ((rr == 2 * jj).astype(jnp.float32)
            + 2.0 * (rr == 2 * jj + 1).astype(jnp.float32)
            + (rr == 2 * jj + 2).astype(jnp.float32))


def _stage_ab(x_ref, wc_ref, bc_ref, wk_ref, bk_ref, wv_ref, bv_ref,
              wg_ref, bg_ref, out_ref, kvtab_ref, pslc_ref, qrow_ref):
    x = x_ref[0]
    qkv = jnp.dot(x, wc_ref[...].T, preferred_element_type=jnp.float32)
    qkv = qkv + bc_ref[...]
    q = qkv[:, :_DIM]
    k = qkv[:, _DIM:2 * _DIM]
    v = qkv[:, 2 * _DIM:]
    gate = jnp.dot(x, wg_ref[...].T, preferred_element_type=jnp.float32)
    gate = gate + bg_ref[...]
    g0 = gate[:, 0:1]
    g2 = gate[:, 2:3]

    r = lax.broadcasted_iota(jnp.int32, (_KV_CMP, _S), 0)
    c = lax.broadcasted_iota(jnp.int32, (_KV_CMP, _S), 1)
    off = c - r * _STRIDE
    mk = jnp.zeros((_KV_CMP, _S), dtype=jnp.float32)
    mv = jnp.zeros((_KV_CMP, _S), dtype=jnp.float32)
    for l in range(_L_CMP):
        sel = (off == l).astype(jnp.float32)
        mk = mk + sel * wk_ref[0, l]
        mv = mv + sel * wv_ref[0, l]
    k_cmp = jnp.dot(mk, k, preferred_element_type=jnp.float32) + bk_ref[0, 0]
    v_cmp = jnp.dot(mv, v, preferred_element_type=jnp.float32) + bv_ref[0, 0]

    ii_c = lax.broadcasted_iota(jnp.int32, (_S, _KV_CMP), 0)
    jj_c = lax.broadcasted_iota(jnp.int32, (_S, _KV_CMP), 1)
    cmp_valid = jj_c < ii_c
    m_slc = _slc_map()

    n_t = _S // 128
    win_valid_t = []
    for t in range(n_t):
        slab0 = max(0, (t - 1) * 128)
        ii = lax.broadcasted_iota(jnp.int32, (128, 256), 0) + t * 128
        jj = lax.broadcasted_iota(jnp.int32, (128, 256), 1) + slab0
        win_valid_t.append((jj <= ii) & (jj >= ii - _L_WIN))

    pslc_rows = []
    for h in range(_H):
        c0 = h * _HD
        qh = q[:, c0:c0 + _HD]
        kh = k[:, c0:c0 + _HD]
        vh = v[:, c0:c0 + _HD]
        kvtab_ref[pl.ds(h * _S, _S), :] = jnp.concatenate([kh, vh], axis=1)

        cs = jnp.dot(qh, k_cmp[:, c0:c0 + _HD].T,
                     preferred_element_type=jnp.float32) * _SCALE
        cs = jnp.where(cmp_valid, cs, _NEG_INF)
        p_cmp = _softmax(cs)
        cmp_o = jnp.dot(p_cmp, v_cmp[:, c0:c0 + _HD],
                        preferred_element_type=jnp.float32)

        for t in range(n_t):
            slab0 = max(0, (t - 1) * 128)
            qt = qh[t * 128:(t + 1) * 128, :]
            kt = kh[slab0:slab0 + 256, :]
            vt = vh[slab0:slab0 + 256, :]
            ws = jnp.dot(qt, kt.T, preferred_element_type=jnp.float32)
            ws = jnp.where(win_valid_t[t], ws, _NEG_INF) * _SCALE
            p_win = _softmax(ws)
            win_o = jnp.dot(p_win, vt, preferred_element_type=jnp.float32)
            r0 = t * 128
            out_ref[0, r0:r0 + 128, c0:c0 + _HD] = (
                g0[r0:r0 + 128] * cmp_o[r0:r0 + 128, :]
                + g2[r0:r0 + 128] * win_o)

        pslc_rows.append(jnp.dot(p_cmp[_S - 1:_S, :], m_slc,
                                 preferred_element_type=jnp.float32))
    pslc_ref[0] = jnp.concatenate(pslc_rows, axis=0)
    qrow_ref[0] = jnp.broadcast_to(q[_S - 1:_S, :], (8, _DIM))


def _bcast_max(x):
    c = plsc.cummax(x)
    return plsc.cummax(lax.rev(c, (0,)))


def _argmax_low(p, lane):
    m_all = _bcast_max(p)
    cand = jnp.where(p == m_all, -lane, -_KV_SLC)
    return -_bcast_max(cand)


def _sc_body(kvtab, pslc, kvsum_o, pslc_v, idx_v, slot_v, kvacc, shared):
    b = lax.axis_index("c")
    s = lax.axis_index("s")
    lane = lax.broadcasted_iota(jnp.int32, (16,), 0)

    @pl.when(s < _H)
    def _():
        h = s
        pltpu.sync_copy(pslc.at[b, h], pslc_v)
        p = pslc_v[...]
        i0 = _argmax_low(p, lane)
        pm = jnp.where(lane == i0, _NEG_INF, p)
        i1 = _argmax_low(pm, lane)
        base = (b * _H + h) * _S
        r0 = base + i0 * _L_SLC
        r1 = base + i1 * _L_SLC
        idx_v[pl.ds(0, 16)] = r0 + lane
        idx_v[pl.ds(16, 16)] = r0 + 16 + lane
        idx_v[pl.ds(32, 16)] = r1 + lane
        idx_v[pl.ds(48, 16)] = r1 + 16 + lane
        slot_v[pl.ds(0, 16)] = lane
        slot_v[pl.ds(16, 16)] = 16 + lane
        slot_v[pl.ds(32, 16)] = 32 + lane
        slot_v[pl.ds(48, 16)] = 48 + lane
        pltpu.sync_copy(kvtab.at[idx_v], kvacc)

    @pl.when(s == 0)
    def _():
        pltpu.sync_copy(kvacc, shared)

    plsc.subcore_barrier()

    @pl.when((s >= 1) & (s < _H))
    def _():
        pltpu.sync_copy(kvacc, shared.at[slot_v], add=True)

    plsc.subcore_barrier()

    @pl.when(s == 0)
    def _():
        pltpu.sync_copy(shared, kvsum_o.at[b])


def _sc_select(kvtab2, pslc):
    fn = pl.kernel(
        _sc_body,
        out_type=[
            jax.ShapeDtypeStruct((_B, _NSEL, 2 * _HD), jnp.float32),
        ],
        mesh=plsc.VectorSubcoreMesh(core_axis_name="c", subcore_axis_name="s"),
        compiler_params=pltpu.CompilerParams(needs_layout_passes=False),
        scratch_types=[
            pltpu.VMEM((16,), jnp.float32),
            pltpu.VMEM((_NSEL,), jnp.int32),
            pltpu.VMEM((_NSEL,), jnp.int32),
            pltpu.VMEM((_NSEL, 2 * _HD), jnp.float32),
            pltpu.VMEM_SHARED((_NSEL, 2 * _HD), jnp.float32),
        ],
    )
    return fn(kvtab2, pslc)


def _stage_c(oin_ref, qrow_ref, xg_ref, wg_ref, bg_ref, kvsum_ref, out_ref):
    out_ref[...] = oin_ref[...]
    for b in range(_B):
        g1 = jnp.sum(xg_ref[b, 7:8, :] * wg_ref[1:2, :]) + bg_ref[0, 1]
        q_last = qrow_ref[b, 0:1, :]
        ks = kvsum_ref[b, :, :_HD]
        vs = kvsum_ref[b, :, _HD:]
        for h in range(_H):
            c0 = h * _HD
            a = jnp.dot(q_last[:, c0:c0 + _HD], ks.T,
                        preferred_element_type=jnp.float32) * _SCALE
            p = _softmax(a)
            o = jnp.dot(p, vs, preferred_element_type=jnp.float32)
            cur = out_ref[b, 7:8, c0:c0 + _HD]
            out_ref[b, 7:8, c0:c0 + _HD] = cur + g1 * o


def kernel(x, Wc, bc, Wk, bk, Wv, bv, Wg, bg):
    bc2 = bc.reshape(1, 3 * _DIM)
    bk2 = bk.reshape(1, 1)
    bv2 = bv.reshape(1, 1)
    bg2 = bg.reshape(1, 3)

    def full(shape):
        return pl.BlockSpec(shape, lambda b: (0,) * len(shape))

    out, kvtab, pslc, qrow = pl.pallas_call(
        _stage_ab,
        grid=(_B,),
        in_specs=[
            pl.BlockSpec((1, _S, _DIM), lambda b: (b, 0, 0)),
            full((3 * _DIM, _DIM)),
            full((1, 3 * _DIM)),
            full((1, _L_CMP)),
            full((1, 1)),
            full((1, _L_CMP)),
            full((1, 1)),
            full((3, _DIM)),
            full((1, 3)),
        ],
        out_specs=[
            pl.BlockSpec((1, _S, _DIM), lambda b: (b, 0, 0)),
            pl.BlockSpec((_H * _S, 2 * _HD), lambda b: (b, 0)),
            pl.BlockSpec((1, _H, _KV_SLC), lambda b: (b, 0, 0)),
            pl.BlockSpec((1, 8, _DIM), lambda b: (b, 0, 0)),
        ],
        out_shape=[
            jax.ShapeDtypeStruct((_B, _S, _DIM), jnp.float32),
            jax.ShapeDtypeStruct((_B * _H * _S, 2 * _HD), jnp.float32),
            jax.ShapeDtypeStruct((_B, _H, _KV_SLC), jnp.float32),
            jax.ShapeDtypeStruct((_B, 8, _DIM), jnp.float32),
        ],
        compiler_params=pltpu.CompilerParams(
            dimension_semantics=("parallel",),
        ),
    )(x, Wc, bc2, Wk, bk2, Wv, bv2, Wg, bg2)

    (kvsum,) = _sc_select(kvtab, pslc)

    row_blk = pl.BlockSpec((_B, 8, _DIM), lambda i: (0, 1, 0))
    out = pl.pallas_call(
        _stage_c,
        grid=(1,),
        in_specs=[
            row_blk,
            pl.BlockSpec((_B, 8, _DIM), lambda i: (0, 0, 0)),
            pl.BlockSpec((_B, 8, _DIM), lambda i: (0, 1, 0)),
            pl.BlockSpec((3, _DIM), lambda i: (0, 0)),
            pl.BlockSpec((1, 3), lambda i: (0, 0)),
            pl.BlockSpec((_B, _NSEL, 2 * _HD), lambda i: (0, 0, 0)),
        ],
        out_specs=row_blk,
        out_shape=jax.ShapeDtypeStruct((_B, _S, _DIM), jnp.float32),
        input_output_aliases={0: 0},
    )(out, qrow, x, Wg, bg2, kvsum)
    return out

# --- scband reference (transcript-rebuilt; emitter-appended) ---
"""Pipeline reference for scband-naive-sparse-attention-83184926589086 (READ-ONLY COPY).

The authoritative reference and input builder live on the scoring server;
editing this copy changes nothing except your own understanding.
"""

import jax, jax.numpy as jnp
import numpy as np
import math

B = 2; S = 512; L_CMP = 32; L_SLC = 32; L_WIN = 128; DIM = 512; H = 8; STRIDE = 16; TOPK = 2
HD = DIM // H
KV_CMP = (S - L_CMP) // STRIDE + 1
KV_SLC = S // L_SLC
SCALE = 1.0 / math.sqrt(HD)


def setup_inputs(seed: int = 0) -> dict:
    key = jax.random.key(seed)
    ks = jax.random.split(key, 9)
    x = jax.random.normal(ks[0], (B, S, DIM), dtype=jnp.float32)
    Wc = jax.random.normal(ks[1], (3 * DIM, DIM), dtype=jnp.float32) * 0.02
    bc = jnp.zeros((3 * DIM,), dtype=jnp.float32)
    Wk = jax.random.normal(ks[2], (1, L_CMP), dtype=jnp.float32) * 0.1
    bk = jnp.zeros((1,), dtype=jnp.float32)
    Wv = jax.random.normal(ks[3], (1, L_CMP), dtype=jnp.float32) * 0.1
    bv = jnp.zeros((1,), dtype=jnp.float32)
    Wg = jax.random.normal(ks[4], (3, DIM), dtype=jnp.float32) * 0.02
    bg = jnp.zeros((3,), dtype=jnp.float32)
    return {"x": x, "Wc": Wc, "bc": bc, "Wk": Wk, "bk": bk, "Wv": Wv, "bv": bv, "Wg": Wg, "bg": bg}


def _build_slc_map():
    m_max = L_SLC // STRIDE
    n_max = L_CMP // STRIDE
    M = np.zeros((KV_CMP, KV_SLC), dtype=np.float32)
    for j in range(KV_SLC):
        for m in range(m_max):
            for n in range(n_max):
                idx = m_max * j + m + n
                if 0 <= idx < KV_CMP:
                    M[idx, j] += 1.0
    return M

_SLC_MAP = _build_slc_map()
_CMP_MASK = np.tril(np.ones((S, KV_CMP), dtype=np.float32), -1)
_ii = np.arange(S)[:, None]; _jj = np.arange(S)[None, :]
_WIN_MASK = (_jj <= _ii) & (_jj >= _ii - L_WIN)
_WIDX = np.arange(KV_CMP)[:, None] * STRIDE + np.arange(L_CMP)[None, :]


def reference(x, Wc, bc, Wk, bk, Wv, bv, Wg, bg):
    qkv = x @ Wc.T + bc
    q, k, v = jnp.split(qkv, 3, axis=-1)
    # compressed KV: sliding windows of length l_cmp, Linear(l_cmp -> 1) over window axis
    kwin = k[:, _WIDX, :]  # (B, KV_CMP, L_CMP, DIM)
    vwin = v[:, _WIDX, :]
    k_cmp = jnp.einsum('bjld,l->bjd', kwin, Wk[0]) + bk[0]
    v_cmp = jnp.einsum('bjld,l->bjd', vwin, Wv[0]) + bv[0]
    qh = q.reshape(B, S, H, HD).transpose(0, 2, 1, 3)
    kh = k.reshape(B, S, H, HD).transpose(0, 2, 1, 3)
    vh = v.reshape(B, S, H, HD).transpose(0, 2, 1, 3)
    kch = k_cmp.reshape(B, KV_CMP, H, HD).transpose(0, 2, 1, 3)
    vch = v_cmp.reshape(B, KV_CMP, H, HD).transpose(0, 2, 1, 3)
    # compressed attention (row 0 is fully masked -> NaN after softmax, matching torch)
    cmp_attn = jnp.einsum('bhsd,bhjd->bhsj', qh, kch) * SCALE
    cmp_attn = jnp.where(_CMP_MASK[None, None] == 0, -jnp.inf, cmp_attn)
    p_t_cmp = jax.nn.softmax(cmp_attn, axis=-1)
    cmp_out = jnp.einsum('bhsj,bhjd->bhsd', p_t_cmp, vch).transpose(0, 2, 1, 3).reshape(B, S, DIM)
    # selection scores: p_t_slc[..., j] = sum over mapped compressed indices
    p_t_slc = p_t_cmp @ jnp.asarray(_SLC_MAP)
    _, idx = jax.lax.top_k(p_t_slc, TOPK)  # (B, H, S, TOPK)
    pos = (idx[..., None] * L_SLC + jnp.arange(L_SLC)).reshape(B, H, S, TOPK * L_SLC)
    gather = jax.vmap(jax.vmap(lambda kk, pp: kk[pp]))
    k_slc = gather(kh, pos)  # (B, H, S, TOPK*L_SLC, HD)
    v_slc = gather(vh, pos)
    K_slc = k_slc.sum(axis=1)  # (B, S, TOPK*L_SLC, HD) == sum(dim=1,keepdim).transpose(1,2) squeezed
    V_slc = v_slc.sum(axis=1)
    # NOTE: original torch code writes every loop iteration i into cls_attn[:, j]
    # with stale j = kv_slc_len - 1; only i = seq_len - 1 survives (overwritten
    # writes carry zero grad), so compute just that slot.
    j_last = KV_SLC - 1
    i_last = S - 1
    q_i = qh[:, :, i_last, :]              # (B, H, HD)
    K_i = K_slc[:, i_last]                 # (B, L, HD), broadcast over heads == repeat
    V_i = V_slc[:, i_last]
    attn_i = jnp.einsum('bhd,bld->bhl', q_i, K_i) * SCALE
    p_i = jax.nn.softmax(attn_i, axis=-1)
    out_i = jnp.einsum('bhl,bld->bhd', p_i, V_i).reshape(B, DIM)
    cls_attn = jnp.zeros((B, S, DIM), dtype=x.dtype).at[:, j_last, :].set(out_i)
    # sliding-window attention (out-of-window entries -inf before scale, as in torch)
    wattn = jnp.einsum('bhsd,bhtd->bhst', qh, kh)
    wattn = jnp.where(_WIN_MASK[None, None], wattn, -jnp.inf) * SCALE
    p_w = jax.nn.softmax(wattn, axis=-1)
    win_attn = jnp.einsum('bhst,bhtd->bhsd', p_w, vh).transpose(0, 2, 1, 3).reshape(B, S, DIM)
    gate = x @ Wg.T + bg
    o_fused = gate[:, :, 0:1] * cmp_out + gate[:, :, 1:2] * cls_attn + gate[:, :, 2:3] * win_attn
    return o_fused

if __name__ == "__main__":
    import jax
    _d = setup_inputs()
    print(jax.jit(kernel)(*tuple(_d.values())))

</pallas_src>

<mosaic_0001>
#map = affine_map<(d0, d1) -> (0, 0)>
#map1 = affine_map<(d0, d1) -> (0, 0, 0)>
module attributes {stable_mosaic.version = 14 : i64} {
  func.func @_sc_body(%arg0: i32, %arg1: i32, %arg2: memref<8192x128xf32, #tpu.memory_space<hbm>>, %arg3: memref<2x8x16xf32, #tpu.memory_space<hbm>>, %arg4: memref<2x64x128xf32, #tpu.memory_space<hbm>>, %arg5: memref<16xf32, #tpu.memory_space<vmem>>, %arg6: memref<64xi32, #tpu.memory_space<vmem>>, %arg7: memref<64xi32, #tpu.memory_space<vmem>>, %arg8: memref<64x128xf32, #tpu.memory_space<vmem>>, %arg9: memref<64x128xf32, #tpu.memory_space<vmem_shared>>) attributes {dimension_semantics = [#tpu.dimension_semantics<core_parallel>, #tpu.dimension_semantics<subcore_parallel>], iteration_bounds = array<i64: 2, 16>, scalar_prefetch = 0 : i64, scratch_operands = 5 : i64, tpu.core_type = #tpu.core_type<sc_vector_subcore>, window_params = [{transform_indices = #map}, {transform_indices = #map1}, {transform_indices = #map1}]} {
    %iota3A = tpu.iota {dimensions = array<i32: 0>} : vector<16xi32>
    %lt3A = arith.constant 8 : i32
    %lt3A_0 = arith.cmpi slt, %arg1, %lt3A : i32
    %convert_element_type3A = arith.extui %lt3A_0 : i1 to i32
    %cond3A = arith.constant 0 : i32
    %cond3A_1 = arith.cmpi ne, %convert_element_type3A, %cond3A : i32
    scf.if %cond3A_1 {
      "tpu.region"() ({
        %run_scoped3A = tpu.sem_alloc : memref<!tpu.dma_semaphore, #tpu.memory_space<semaphore_mem>>
        %dma_start3A = arith.constant 0 : i32
        %dma_start3A_144 = tpu.memref_slice %arg3[%arg0, %arg1, %dma_start3A] : memref<2x8x16xf32, #tpu.memory_space<hbm>> -> memref<1x1x16xf32, #tpu.memory_space<hbm>>
        %dma_start3A_145 = tpu.memref_squeeze %dma_start3A_144 : memref<1x1x16xf32, #tpu.memory_space<hbm>> -> memref<16xf32, #tpu.memory_space<hbm>>
        %dma_start3A_146 = arith.constant 0 : i32
        %dma_start3A_147 = tpu.memref_slice %arg3[%arg0, %arg1, %dma_start3A_146] : memref<2x8x16xf32, #tpu.memory_space<hbm>> -> memref<1x1x16xf32, #tpu.memory_space<hbm>>
        %dma_start3A_148 = tpu.memref_squeeze %dma_start3A_147 : memref<1x1x16xf32, #tpu.memory_space<hbm>> -> memref<16xf32, #tpu.memory_space<hbm>>
        tpu.enqueue_dma source(%dma_start3A_148 : memref<16xf32, #tpu.memory_space<hbm>>) target(%arg5 : memref<16xf32, #tpu.memory_space<vmem>>) target_semaphore(%run_scoped3A : memref<!tpu.dma_semaphore, #tpu.memory_space<semaphore_mem>>)
        %dma_wait3A = arith.constant 0 : i32
        %dma_wait3A_149 = tpu.memref_slice %arg3[%arg0, %arg1, %dma_wait3A] : memref<2x8x16xf32, #tpu.memory_space<hbm>> -> memref<1x1x16xf32, #tpu.memory_space<hbm>>
        %dma_wait3A_150 = tpu.memref_squeeze %dma_wait3A_149 : memref<1x1x16xf32, #tpu.memory_space<hbm>> -> memref<16xf32, #tpu.memory_space<hbm>>
        %dma_wait3A_151 = arith.constant 0 : i32
        %dma_wait3A_152 = tpu.memref_slice %arg3[%arg0, %arg1, %dma_wait3A_151] : memref<2x8x16xf32, #tpu.memory_space<hbm>> -> memref<1x1x16xf32, #tpu.memory_space<hbm>>
        %dma_wait3A_153 = tpu.memref_squeeze %dma_wait3A_152 : memref<1x1x16xf32, #tpu.memory_space<hbm>> -> memref<16xf32, #tpu.memory_space<hbm>>
        tpu.wait_dma2 semaphore(%run_scoped3A : memref<!tpu.dma_semaphore, #tpu.memory_space<semaphore_mem>>) src(%dma_wait3A_153 : memref<16xf32, #tpu.memory_space<hbm>>) dst(%arg5 : memref<16xf32, #tpu.memory_space<vmem>>)
        tpu.yield
      }) : () -> ()
      %get3A = arith.constant 0 : index
      %get3A_18 = tpu.vector_load %arg5[%get3A] {strides = array<i32>} : memref<16xf32, #tpu.memory_space<vmem>>, vector<16xf32>,
      %broadcast_in_dim3A = arith.constant true
      %broadcast_in_dim3A_19 = vector.broadcast %broadcast_in_dim3A : i1 to vector<16xi1>
      %masked_cummax3A = tpu.scan <max>, %get3A_18 masked %broadcast_in_dim3A_19 : vector<16xf32>, vector<16xi1> -> vector<16xf32>
      %rev3A = arith.constant 15 : i32
      %rev3A_20 = vector.broadcast %rev3A : i32 to vector<16xi32>
      %rev3A_21 = tpu.iota {dimensions = array<i32: 0>} : vector<16xi32>
      %rev3A_22 = arith.subi %rev3A_20, %rev3A_21 : vector<16xi32>
      %rev3A_23 = tpu.dynamic_gather %masked_cummax3A[%rev3A_22] in [0] : vector<16xf32>, vector<16xi32> -> vector<16xf32>
      %broadcast_in_dim3A_24 = arith.constant true
      %broadcast_in_dim3A_25 = vector.broadcast %broadcast_in_dim3A_24 : i1 to vector<16xi1>
      %masked_cummax3A_26 = tpu.scan <max>, %rev3A_23 masked %broadcast_in_dim3A_25 : vector<16xf32>, vector<16xi1> -> vector<16xf32>
      %eq3A_27 = arith.cmpf oeq, %get3A_18, %masked_cummax3A_26 : vector<16xf32>
      %neg3A = arith.constant 0 : i32
      %neg3A_28 = vector.broadcast %neg3A : i32 to vector<16xi32>
      %neg3A_29 = arith.subi %neg3A_28, %iota3A : vector<16xi32>
      %jit3A = arith.constant -16 : i32
      %broadcast_in_dim3A_30 = vector.broadcast %jit3A : i32 to vector<16xi32>
      %select_n3A = arith.select %eq3A_27, %neg3A_29, %broadcast_in_dim3A_30 : vector<16xi1>, vector<16xi32>
      %broadcast_in_dim3A_31 = arith.constant true
      %broadcast_in_dim3A_32 = vector.broadcast %broadcast_in_dim3A_31 : i1 to vector<16xi1>
      %masked_cummax3A_33 = arith.constant -2147483648 : i32
      %masked_cummax3A_34 = vector.broadcast %masked_cummax3A_33 : i32 to vector<16xi32>
      %masked_cummax3A_35 = arith.xori %select_n3A, %masked_cummax3A_34 : vector<16xi32>
      %masked_cummax3A_36 = tpu.scan <max>, %masked_cummax3A_35 masked %broadcast_in_dim3A_32 : vector<16xi32>, vector<16xi1> -> vector<16xi32>
      %masked_cummax3A_37 = arith.xori %masked_cummax3A_36, %masked_cummax3A_34 : vector<16xi32>
      %rev3A_38 = arith.constant 15 : i32
      %rev3A_39 = vector.broadcast %rev3A_38 : i32 to vector<16xi32>
      %rev3A_40 = tpu.iota {dimensions = array<i32: 0>} : vector<16xi32>
      %rev3A_41 = arith.subi %rev3A_39, %rev3A_40 : vector<16xi32>
      %rev3A_42 = tpu.dynamic_gather %masked_cummax3A_37[%rev3A_41] in [0] : vector<16xi32>, vector<16xi32> -> vector<16xi32>
      %broadcast_in_dim3A_43 = arith.constant true
      %broadcast_in_dim3A_44 = vector.broadcast %broadcast_in_dim3A_43 : i1 to vector<16xi1>
      %masked_cummax3A_45 = arith.constant -2147483648 : i32
      %masked_cummax3A_46 = vector.broadcast %masked_cummax3A_45 : i32 to vector<16xi32>
      %masked_cummax3A_47 = arith.xori %rev3A_42, %masked_cummax3A_46 : vector<16xi32>
      %masked_cummax3A_48 = tpu.scan <max>, %masked_cummax3A_47 masked %broadcast_in_dim3A_44 : vector<16xi32>, vector<16xi1> -> vector<16xi32>
      %masked_cummax3A_49 = arith.xori %masked_cummax3A_48, %masked_cummax3A_46 : vector<16xi32>
      %neg3A_50 = arith.constant 0 : i32
      %neg3A_51 = vector.broadcast %neg3A_50 : i32 to vector<16xi32>
      %neg3A_52 = arith.subi %neg3A_51, %masked_cummax3A_49 : vector<16xi32>
      %eq3A_53 = arith.cmpi eq, %iota3A, %neg3A_52 : vector<16xi32>
      %jit3A_54 = arith.constant 0xFF800000 : f32
      %broadcast_in_dim3A_55 = vector.broadcast %jit3A_54 : f32 to vector<16xf32>
      %select_n3A_56 = arith.select %eq3A_53, %broadcast_in_dim3A_55, %get3A_18 : vector<16xi1>, vector<16xf32>
      %broadcast_in_dim3A_57 = arith.constant true
      %broadcast_in_dim3A_58 = vector.broadcast %broadcast_in_dim3A_57 : i1 to vector<16xi1>
      %masked_cummax3A_59 = tpu.scan <max>, %select_n3A_56 masked %broadcast_in_dim3A_58 : vector<16xf32>, vector<16xi1> -> vector<16xf32>
      %rev3A_60 = arith.constant 15 : i32
      %rev3A_61 = vector.broadcast %rev3A_60 : i32 to vector<16xi32>
      %rev3A_62 = tpu.iota {dimensions = array<i32: 0>} : vector<16xi32>
      %rev3A_63 = arith.subi %rev3A_61, %rev3A_62 : vector<16xi32>
      %rev3A_64 = tpu.dynamic_gather %masked_cummax3A_59[%rev3A_63] in [0] : vector<16xf32>, vector<16xi32> -> vector<16xf32>
      %broadcast_in_dim3A_65 = arith.constant true
      %broadcast_in_dim3A_66 = vector.broadcast %broadcast_in_dim3A_65 : i1 to vector<16xi1>
      %masked_cummax3A_67 = tpu.scan <max>, %rev3A_64 masked %broadcast_in_dim3A_66 : vector<16xf32>, vector<16xi1> -> vector<16xf32>
      %eq3A_68 = arith.cmpf oeq, %select_n3A_56, %masked_cummax3A_67 : vector<16xf32>
      %neg3A_69 = arith.constant 0 : i32
      %neg3A_70 = vector.broadcast %neg3A_69 : i32 to vector<16xi32>
      %neg3A_71 = arith.subi %neg3A_70, %iota3A : vector<16xi32>
      %jit3A_72 = arith.constant -16 : i32
      %broadcast_in_dim3A_73 = vector.broadcast %jit3A_72 : i32 to vector<16xi32>
      %select_n3A_74 = arith.select %eq3A_68, %neg3A_71, %broadcast_in_dim3A_73 : vector<16xi1>, vector<16xi32>
      %broadcast_in_dim3A_75 = arith.constant true
      %broadcast_in_dim3A_76 = vector.broadcast %broadcast_in_dim3A_75 : i1 to vector<16xi1>
      %masked_cummax3A_77 = arith.constant -2147483648 : i32
      %masked_cummax3A_78 = vector.broadcast %masked_cummax3A_77 : i32 to vector<16xi32>
      %masked_cummax3A_79 = arith.xori %select_n3A_74, %masked_cummax3A_78 : vector<16xi32>
      %masked_cummax3A_80 = tpu.scan <max>, %masked_cummax3A_79 masked %broadcast_in_dim3A_76 : vector<16xi32>, vector<16xi1> -> vector<16xi32>
      %masked_cummax3A_81 = arith.xori %masked_cummax3A_80, %masked_cummax3A_78 : vector<16xi32>
      %rev3A_82 = arith.constant 15 : i32
      %rev3A_83 = vector.broadcast %rev3A_82 : i32 to vector<16xi32>
      %rev3A_84 = tpu.iota {dimensions = array<i32: 0>} : vector<16xi32>
      %rev3A_85 = arith.subi %rev3A_83, %rev3A_84 : vector<16xi32>
      %rev3A_86 = tpu.dynamic_gather %masked_cummax3A_81[%rev3A_85] in [0] : vector<16xi32>, vector<16xi32> -> vector<16xi32>
      %broadcast_in_dim3A_87 = arith.constant true
      %broadcast_in_dim3A_88 = vector.broadcast %broadcast_in_dim3A_87 : i1 to vector<16xi1>
      %masked_cummax3A_89 = arith.constant -2147483648 : i32
      %masked_cummax3A_90 = vector.broadcast %masked_cummax3A_89 : i32 to vector<16xi32>
      %masked_cummax3A_91 = arith.xori %rev3A_86, %masked_cummax3A_90 : vector<16xi32>
      %masked_cummax3A_92 = tpu.scan <max>, %masked_cummax3A_91 masked %broadcast_in_dim3A_88 : vector<16xi32>, vector<16xi1> -> vector<16xi32>
      %masked_cummax3A_93 = arith.xori %masked_cummax3A_92, %masked_cummax3A_90 : vector<16xi32>
      %neg3A_94 = arith.constant 0 : i32
      %neg3A_95 = vector.broadcast %neg3A_94 : i32 to vector<16xi32>
      %neg3A_96 = arith.subi %neg3A_95, %masked_cummax3A_93 : vector<16xi32>
      %mul3A = arith.constant 8 : i32
      %mul3A_97 = arith.muli %arg0, %mul3A : i32
      %add3A = arith.addi %mul3A_97, %arg1 : i32
      %mul3A_98 = arith.constant 512 : i32
      %mul3A_99 = arith.muli %add3A, %mul3A_98 : i32
      %mul3A_100 = arith.constant 32 : i32
      %mul3A_101 = vector.broadcast %mul3A_100 : i32 to vector<16xi32>
      %mul3A_102 = arith.muli %neg3A_52, %mul3A_101 : vector<16xi32>
      %add3A_103 = vector.broadcast %mul3A_99 : i32 to vector<16xi32>
      %add3A_104 = arith.addi %add3A_103, %mul3A_102 : vector<16xi32>
      %mul3A_105 = arith.constant 32 : i32
      %mul3A_106 = vector.broadcast %mul3A_105 : i32 to vector<16xi32>
      %mul3A_107 = arith.muli %neg3A_96, %mul3A_106 : vector<16xi32>
      %add3A_108 = vector.broadcast %mul3A_99 : i32 to vector<16xi32>
      %add3A_109 = arith.addi %add3A_108, %mul3A_107 : vector<16xi32>
      %add3A_110 = arith.addi %add3A_104, %iota3A : vector<16xi32>
      %swap3A = arith.constant 0 : index
      %swap3A_111 = tpu.vector_load %arg6[%swap3A] {strides = array<i32>} : memref<64xi32, #tpu.memory_space<vmem>>, vector<16xi32>,
      tpu.vector_store %arg6[%swap3A], %add3A_110 {strides = array<i32>} : memref<64xi32, #tpu.memory_space<vmem>>, vector<16xi32>,
      %add3A_112 = arith.constant 16 : i32
      %add3A_113 = vector.broadcast %add3A_112 : i32 to vector<16xi32>
      %add3A_114 = arith.addi %add3A_104, %add3A_113 : vector<16xi32>
      %add3A_115 = arith.addi %add3A_114, %iota3A : vector<16xi32>
      %swap3A_116 = arith.constant 16 : index
      %swap3A_117 = tpu.vector_load %arg6[%swap3A_116] {strides = array<i32>} : memref<64xi32, #tpu.memory_space<vmem>>, vector<16xi32>,
      tpu.vector_store %arg6[%swap3A_116], %add3A_115 {strides = array<i32>} : memref<64xi32, #tpu.memory_space<vmem>>, vector<16xi32>,
      %add3A_118 = arith.addi %add3A_109, %iota3A : vector<16xi32>
      %swap3A_119 = arith.constant 32 : index
      %swap3A_120 = tpu.vector_load %arg6[%swap3A_119] {strides = array<i32>} : memref<64xi32, #tpu.memory_space<vmem>>, vector<16xi32>,
      tpu.vector_store %arg6[%swap3A_119], %add3A_118 {strides = array<i32>} : memref<64xi32, #tpu.memory_space<vmem>>, vector<16xi32>,
      %add3A_121 = arith.constant 16 : i32
      %add3A_122 = vector.broadcast %add3A_121 : i32 to vector<16xi32>
      %add3A_123 = arith.addi %add3A_109, %add3A_122 : vector<16xi32>
      %add3A_124 = arith.addi %add3A_123, %iota3A : vector<16xi32>
      %swap3A_125 = arith.constant 48 : index
      %swap3A_126 = tpu.vector_load %arg6[%swap3A_125] {strides = array<i32>} : memref<64xi32, #tpu.memory_space<vmem>>, vector<16xi32>,
      tpu.vector_store %arg6[%swap3A_125], %add3A_124 {strides = array<i32>} : memref<64xi32, #tpu.memory_space<vmem>>, vector<16xi32>,
      %swap3A_127 = arith.constant 0 : index
      %swap3A_128 = tpu.vector_load %arg7[%swap3A_127] {strides = array<i32>} : memref<64xi32, #tpu.memory_space<vmem>>, vector<16xi32>,
      tpu.vector_store %arg7[%swap3A_127], %iota3A {strides = array<i32>} : memref<64xi32, #tpu.memory_space<vmem>>, vector<16xi32>,
      %add3A_129 = arith.constant 16 : i32
      %add3A_130 = vector.broadcast %add3A_129 : i32 to vector<16xi32>
      %add3A_131 = arith.addi %add3A_130, %iota3A : vector<16xi32>
      %swap3A_132 = arith.constant 16 : index
      %swap3A_133 = tpu.vector_load %arg7[%swap3A_132] {strides = array<i32>} : memref<64xi32, #tpu.memory_space<vmem>>, vector<16xi32>,
      tpu.vector_store %arg7[%swap3A_132], %add3A_131 {strides = array<i32>} : memref<64xi32, #tpu.memory_space<vmem>>, vector<16xi32>,
      %add3A_134 = arith.constant 32 : i32
      %add3A_135 = vector.broadcast %add3A_134 : i32 to vector<16xi32>
      %add3A_136 = arith.addi %add3A_135, %iota3A : vector<16xi32>
      %swap3A_137 = arith.constant 32 : index
      %swap3A_138 = tpu.vector_load %arg7[%swap3A_137] {strides = array<i32>} : memref<64xi32, #tpu.memory_space<vmem>>, vector<16xi32>,
      tpu.vector_store %arg7[%swap3A_137], %add3A_136 {strides = array<i32>} : memref<64xi32, #tpu.memory_space<vmem>>, vector<16xi32>,
      %add3A_139 = arith.constant 48 : i32
      %add3A_140 = vector.broadcast %add3A_139 : i32 to vector<16xi32>
      %add3A_141 = arith.addi %add3A_140, %iota3A : vector<16xi32>
      %swap3A_142 = arith.constant 48 : index
      %swap3A_143 = tpu.vector_load %arg7[%swap3A_142] {strides = array<i32>} : memref<64xi32, #tpu.memory_space<vmem>>, vector<16xi32>,
      tpu.vector_store %arg7[%swap3A_142], %add3A_141 {strides = array<i32>} : memref<64xi32, #tpu.memory_space<vmem>>, vector<16xi32>,
      "tpu.region"() ({
        %run_scoped3A = tpu.sem_alloc : memref<!tpu.dma_semaphore, #tpu.memory_space<semaphore_mem>>
        %dma_start3A = arith.constant 0 : i32
        %dma_start3A_144 = arith.constant 0 : i32
        %dma_start3A_145 = tpu.memref_slice %arg2[%dma_start3A, %dma_start3A_144] : memref<8192x128xf32, #tpu.memory_space<hbm>> -> memref<8192x128xf32, #tpu.memory_space<hbm>>
        tpu.enqueue_indirect_dma source(%dma_start3A_145 : memref<8192x128xf32, #tpu.memory_space<hbm>>) target(%arg8 : memref<64x128xf32, #tpu.memory_space<vmem>>) offsets(%arg6 : memref<64xi32, #tpu.memory_space<vmem>>) semaphore(%run_scoped3A : memref<!tpu.dma_semaphore, #tpu.memory_space<semaphore_mem>>)
        %dma_wait3A = arith.constant 0 : i32
        %dma_wait3A_146 = arith.constant 0 : i32
        %dma_wait3A_147 = tpu.memref_slice %arg2[%dma_wait3A, %dma_wait3A_146] : memref<8192x128xf32, #tpu.memory_space<hbm>> -> memref<8192x128xf32, #tpu.memory_space<hbm>>
        tpu.wait_indirect_dma semaphore(%run_scoped3A : memref<!tpu.dma_semaphore, #tpu.memory_space<semaphore_mem>>) src(%dma_wait3A_147 : memref<8192x128xf32, #tpu.memory_space<hbm>>) dst(%arg8 : memref<64x128xf32, #tpu.memory_space<vmem>>)
        tpu.yield
      }) : () -> ()
    } else {
    }
    %eq3A = arith.constant 0 : i32
    %eq3A_2 = arith.cmpi eq, %arg1, %eq3A : i32
    %convert_element_type3A_3 = arith.extui %eq3A_2 : i1 to i32
    %cond3A_4 = arith.constant 0 : i32
    %cond3A_5 = arith.cmpi ne, %convert_element_type3A_3, %cond3A_4 : i32
    scf.if %cond3A_5 {
      "tpu.region"() ({
        %run_scoped3A = tpu.sem_alloc : memref<!tpu.dma_semaphore, #tpu.memory_space<semaphore_mem>>
        tpu.enqueue_dma source(%arg8 : memref<64x128xf32, #tpu.memory_space<vmem>>) target(%arg9 : memref<64x128xf32, #tpu.memory_space<vmem_shared>>) target_semaphore(%run_scoped3A : memref<!tpu.dma_semaphore, #tpu.memory_space<semaphore_mem>>)
        tpu.wait_dma2 semaphore(%run_scoped3A : memref<!tpu.dma_semaphore, #tpu.memory_space<semaphore_mem>>) src(%arg8 : memref<64x128xf32, #tpu.memory_space<vmem>>) dst(%arg9 : memref<64x128xf32, #tpu.memory_space<vmem_shared>>)
        tpu.yield
      }) : () -> ()
    } else {
    }
    %barrier3A = arith.constant 0 : index
    tpu.barrier barrier_id(%barrier3A)
    %ge3A = arith.constant 1 : i32
    %ge3A_6 = arith.cmpi sge, %arg1, %ge3A : i32
    %lt3A_7 = arith.constant 8 : i32
    %lt3A_8 = arith.cmpi slt, %arg1, %lt3A_7 : i32
    %and3A = arith.andi %ge3A_6, %lt3A_8 : i1
    %convert_element_type3A_9 = arith.extui %and3A : i1 to i32
    %cond3A_10 = arith.constant 0 : i32
    %cond3A_11 = arith.cmpi ne, %convert_element_type3A_9, %cond3A_10 : i32
    scf.if %cond3A_11 {
      "tpu.region"() ({
        %run_scoped3A = tpu.sem_alloc : memref<!tpu.dma_semaphore, #tpu.memory_space<semaphore_mem>>
        %dma_start3A = arith.constant 0 : i32
        %dma_start3A_18 = arith.constant 0 : i32
        %dma_start3A_19 = tpu.memref_slice %arg9[%dma_start3A, %dma_start3A_18] : memref<64x128xf32, #tpu.memory_space<vmem_shared>> -> memref<64x128xf32, #tpu.memory_space<vmem_shared>>
        tpu.enqueue_indirect_dma source(%arg8 : memref<64x128xf32, #tpu.memory_space<vmem>>) target(%dma_start3A_19 : memref<64x128xf32, #tpu.memory_space<vmem_shared>>) offsets(%arg7 : memref<64xi32, #tpu.memory_space<vmem>>) semaphore(%run_scoped3A : memref<!tpu.dma_semaphore, #tpu.memory_space<semaphore_mem>>) {add = true}
        %dma_wait3A = arith.constant 0 : i32
        %dma_wait3A_20 = arith.constant 0 : i32
        %dma_wait3A_21 = tpu.memref_slice %arg9[%dma_wait3A, %dma_wait3A_20] : memref<64x128xf32, #tpu.memory_space<vmem_shared>> -> memref<64x128xf32, #tpu.memory_space<vmem_shared>>
        tpu.wait_indirect_dma semaphore(%run_scoped3A : memref<!tpu.dma_semaphore, #tpu.memory_space<semaphore_mem>>) src(%arg8 : memref<64x128xf32, #tpu.memory_space<vmem>>) dst(%dma_wait3A_21 : memref<64x128xf32, #tpu.memory_space<vmem_shared>>)
        tpu.yield
      }) : () -> ()
    } else {
    }
    %barrier3A_12 = arith.constant 0 : index
    tpu.barrier barrier_id(%barrier3A_12)
    %eq3A_13 = arith.constant 0 : i32
    %eq3A_14 = arith.cmpi eq, %arg1, %eq3A_13 : i32
    %convert_element_type3A_15 = arith.extui %eq3A_14 : i1 to i32
    %cond3A_16 = arith.constant 0 : i32
    %cond3A_17 = arith.cmpi ne, %convert_element_type3A_15, %cond3A_16 : i32
    scf.if %cond3A_17 {
      "tpu.region"() ({
        %run_scoped3A = tpu.sem_alloc : memref<!tpu.dma_semaphore, #tpu.memory_space<semaphore_mem>>
        %dma_start3A = arith.constant 0 : i32
        %dma_start3A_18 = arith.constant 0 : i32
        %dma_start3A_19 = tpu.memref_slice %arg4[%arg0, %dma_start3A, %dma_start3A_18] : memref<2x64x128xf32, #tpu.memory_space<hbm>> -> memref<1x64x128xf32, #tpu.memory_space<hbm>>
        %dma_start3A_20 = tpu.memref_squeeze %dma_start3A_19 : memref<1x64x128xf32, #tpu.memory_space<hbm>> -> memref<64x128xf32, #tpu.memory_space<hbm>>
        tpu.enqueue_dma source(%arg9 : memref<64x128xf32, #tpu.memory_space<vmem_shared>>) target(%dma_start3A_20 : memref<64x128xf32, #tpu.memory_space<hbm>>) target_semaphore(%run_scoped3A : memref<!tpu.dma_semaphore, #tpu.memory_space<semaphore_mem>>)
        %dma_wait3A = arith.constant 0 : i32
        %dma_wait3A_21 = arith.constant 0 : i32
        %dma_wait3A_22 = tpu.memref_slice %arg4[%arg0, %dma_wait3A, %dma_wait3A_21] : memref<2x64x128xf32, #tpu.memory_space<hbm>> -> memref<1x64x128xf32, #tpu.memory_space<hbm>>
        %dma_wait3A_23 = tpu.memref_squeeze %dma_wait3A_22 : memref<1x64x128xf32, #tpu.memory_space<hbm>> -> memref<64x128xf32, #tpu.memory_space<hbm>>
        tpu.wait_dma2 semaphore(%run_scoped3A : memref<!tpu.dma_semaphore, #tpu.memory_space<semaphore_mem>>) src(%arg9 : memref<64x128xf32, #tpu.memory_space<vmem_shared>>) dst(%dma_wait3A_23 : memref<64x128xf32, #tpu.memory_space<hbm>>)
        tpu.yield
      }) : () -> ()
    } else {
    }
    return
  }
}

module attributes {stable_mosaic.version = 14 : i64} {
  func.func @_stage_c(%arg0: i32, %arg1: memref<2x8x512xf32, #tpu.memory_space<vmem>>, %arg2: memref<2x8x512xf32, #tpu.memory_space<vmem>>, %arg3: memref<2x8x512xf32, #tpu.memory_space<vmem>>, %arg4: memref<3x512xf32, #tpu.memory_space<vmem>>, %arg5: memref<1x3xf32, #tpu.memory_space<vmem>>, %arg6: memref<2x64x128xf32, #tpu.memory_space<vmem>>, %arg7: memref<2x8x512xf32, #tpu.memory_space<vmem>>) attributes {dimension_semantics = [#tpu.dimension_semantics<arbitrary>], iteration_bounds = array<i64: 1>, scalar_prefetch = 0 : i64, scratch_operands = 0 : i64, tpu.core_type = #tpu.core_type<tc>, window_params = [{transform_indices = @transform_0, window_bounds = array<i64: 2, 8, 512>}, {pipeline_mode = #tpu.pipeline_mode<synchronous>, transform_indices = @transform_1, window_bounds = array<i64: 2, 8, 512>}, {transform_indices = @transform_2, window_bounds = array<i64: 2, 8, 512>}, {pipeline_mode = #tpu.pipeline_mode<synchronous>, transform_indices = @transform_3, window_bounds = array<i64: 3, 512>}, {pipeline_mode = #tpu.pipeline_mode<synchronous>, transform_indices = @transform_4, window_bounds = array<i64: 1, 3>}, {pipeline_mode = #tpu.pipeline_mode<synchronous>, transform_indices = @transform_5, window_bounds = array<i64: 2, 64, 128>}, {transform_indices = @transform_6, window_bounds = array<i64: 2, 8, 512>}]} {
    %get3A = arith.constant 0 : index
    %get3A_0 = arith.constant 0 : index
    %get3A_1 = arith.constant 0 : index
    %get3A_2 = vector.load %arg1[%get3A, %get3A_0, %get3A_1] : memref<2x8x512xf32, #tpu.memory_space<vmem>>, vector<2x8x512xf32>
    %swap3A = arith.constant 0 : index
    %swap3A_3 = arith.constant 0 : index
    %swap3A_4 = arith.constant 0 : index
    %swap3A_5 = vector.load %arg7[%swap3A, %swap3A_3, %swap3A_4] : memref<2x8x512xf32, #tpu.memory_space<vmem>>, vector<2x8x512xf32>
    tpu.vector_store %arg7[%swap3A, %swap3A_3, %swap3A_4], %get3A_2 {strides = array<i32>} : memref<2x8x512xf32, #tpu.memory_space<vmem>>, vector<2x8x512xf32>,
    %get3A_6 = arith.constant 0 : index
    %get3A_7 = arith.constant 7 : index
    %get3A_8 = arith.constant 0 : index
    %get3A_9 = vector.load %arg3[%get3A_6, %get3A_7, %get3A_8] : memref<2x8x512xf32, #tpu.memory_space<vmem>>, vector<1x1x512xf32>
    %get3A_10 = vector.shape_cast %get3A_9 : vector<1x1x512xf32> to vector<1x512xf32>
    %get3A_11 = arith.constant 1 : index
    %get3A_12 = arith.constant 0 : index
    %get3A_13 = vector.load %arg4[%get3A_11, %get3A_12] : memref<3x512xf32, #tpu.memory_space<vmem>>, vector<1x512xf32>
    %mul3A = arith.mulf %get3A_10, %get3A_13 : vector<1x512xf32>
    %reduce_sum3A = vector.shape_cast %mul3A : vector<1x512xf32> to vector<1x1x512xf32>
    %reduce_sum3A_14 = arith.constant dense<0.000000e+00> : vector<1xf32>
    %reduce_sum3A_15 = vector.multi_reduction <add>, %reduce_sum3A, %reduce_sum3A_14 [1, 2] : vector<1x1x512xf32> to vector<1xf32>
    %reduce_sum3A_16 = vector.shape_cast %reduce_sum3A_15 : vector<1xf32> to vector<1x1x1xf32>
    %reduce_sum3A_17 = vector.extract %reduce_sum3A_16[0, 0, 0] : f32 from vector<1x1x1xf32>
    %get3A_18 = arith.constant 0 : index
    %get3A_19 = arith.constant 1 : index
    %get3A_20 = vector.load %arg5[%get3A_18, %get3A_19] : memref<1x3xf32, #tpu.memory_space<vmem>>, vector<1x1xf32>
    %get3A_21 = vector.extract %get3A_20[0, 0] : f32 from vector<1x1xf32>
    %add3A = arith.addf %reduce_sum3A_17, %get3A_21 : f32
    %get3A_22 = arith.constant 0 : index
    %get3A_23 = arith.constant 0 : index
    %get3A_24 = arith.constant 0 : index
    %get3A_25 = vector.load %arg2[%get3A_22, %get3A_23, %get3A_24] : memref<2x8x512xf32, #tpu.memory_space<vmem>>, vector<1x1x512xf32>
    %get3A_26 = vector.shape_cast %get3A_25 : vector<1x1x512xf32> to vector<1x512xf32>
    %get3A_27 = arith.constant 0 : index
    %get3A_28 = arith.constant 0 : index
    %get3A_29 = arith.constant 0 : index
    %get3A_30 = vector.load %arg6[%get3A_27, %get3A_28, %get3A_29] : memref<2x64x128xf32, #tpu.memory_space<vmem>>, vector<1x64x64xf32>
    %get3A_31 = vector.shape_cast %get3A_30 : vector<1x64x64xf32> to vector<64x64xf32>
    %get3A_32 = arith.constant 0 : index
    %get3A_33 = arith.constant 0 : index
    %get3A_34 = arith.constant 64 : index
    %get3A_35 = vector.load %arg6[%get3A_32, %get3A_33, %get3A_34] : memref<2x64x128xf32, #tpu.memory_space<vmem>>, vector<1x64x64xf32>
    %get3A_36 = vector.shape_cast %get3A_35 : vector<1x64x64xf32> to vector<64x64xf32>
    %slice3A = vector.extract_strided_slice %get3A_26 {offsets = [0, 0], sizes = [1, 64], strides = [1, 1]} : vector<1x512xf32> to vector<1x64xf32>
    %transpose3A = tpu.transpose %get3A_31, [1, 0] : vector<64x64xf32> -> vector<64x64xf32>
    %dot_general3A = arith.constant dense<0.000000e+00> : vector<1x64xf32>
    %dot_general3A_37 = tpu.matmul %slice3A, %transpose3A, %dot_general3A {dimension_numbers = #tpu.dot_dimension_numbers<[1], [0], [0], [1], [0, 0, 1, 1], [], []>, transpose_lhs_hint = false} : vector<1x64xf32>, vector<64x64xf32>, vector<1x64xf32> -> vector<1x64xf32>
    %mul3A_38 = arith.constant 1.250000e-01 : f32
    %mul3A_39 = vector.broadcast %mul3A_38 : f32 to vector<1x64xf32>
    %mul3A_40 = arith.mulf %dot_general3A_37, %mul3A_39 : vector<1x64xf32>
    %reduce_max3A = arith.constant dense<0xFF800000> : vector<1xf32>
    %reduce_max3A_41 = vector.multi_reduction <maximumf>, %mul3A_40, %reduce_max3A [1] : vector<1x64xf32> to vector<1xf32>
    %broadcast_in_dim3A = vector.shape_cast %reduce_max3A_41 : vector<1xf32> to vector<1x1xf32>
    %sub3A = vector.broadcast %broadcast_in_dim3A : vector<1x1xf32> to vector<1x64xf32>
    %sub3A_42 = arith.subf %mul3A_40, %sub3A : vector<1x64xf32>
    %exp3A = math.exp %sub3A_42 : vector<1x64xf32>
    %reduce_sum3A_43 = arith.constant dense<0.000000e+00> : vector<1xf32>
    %reduce_sum3A_44 = vector.multi_reduction <add>, %exp3A, %reduce_sum3A_43 [1] : vector<1x64xf32> to vector<1xf32>
    %broadcast_in_dim3A_45 = vector.shape_cast %reduce_sum3A_44 : vector<1xf32> to vector<1x1xf32>
    %div3A = vector.broadcast %broadcast_in_dim3A_45 : vector<1x1xf32> to vector<1x64xf32>
    %div3A_46 = arith.divf %exp3A, %div3A : vector<1x64xf32>
    %dot_general3A_47 = arith.constant dense<0.000000e+00> : vector<1x64xf32>
    %dot_general3A_48 = tpu.matmul %div3A_46, %get3A_36, %dot_general3A_47 {dimension_numbers = #tpu.dot_dimension_numbers<[1], [0], [0], [1], [0, 0, 1, 1], [], []>, transpose_lhs_hint = false} : vector<1x64xf32>, vector<64x64xf32>, vector<1x64xf32> -> vector<1x64xf32>
    %get3A_49 = arith.constant 0 : index
    %get3A_50 = arith.constant 7 : index
    %get3A_51 = arith.constant 0 : index
    %get3A_52 = vector.load %arg7[%get3A_49, %get3A_50, %get3A_51] : memref<2x8x512xf32, #tpu.memory_space<vmem>>, vector<1x1x64xf32>
    %get3A_53 = vector.shape_cast %get3A_52 : vector<1x1x64xf32> to vector<1x64xf32>
    %mul3A_54 = vector.broadcast %add3A : f32 to vector<1x64xf32>
    %mul3A_55 = arith.mulf %mul3A_54, %dot_general3A_48 : vector<1x64xf32>
    %add3A_56 = arith.addf %get3A_53, %mul3A_55 : vector<1x64xf32>
    %swap3A_57 = arith.constant 0 : index
    %swap3A_58 = arith.constant 7 : index
    %swap3A_59 = arith.constant 0 : index
    %swap3A_60 = vector.load %arg7[%swap3A_57, %swap3A_58, %swap3A_59] : memref<2x8x512xf32, #tpu.memory_space<vmem>>, vector<1x1x64xf32>
    %swap3A_61 = vector.shape_cast %swap3A_60 : vector<1x1x64xf32> to vector<1x64xf32>
    %swap3A_62 = vector.shape_cast %add3A_56 : vector<1x64xf32> to vector<1x1x64xf32>
    tpu.vector_store %arg7[%swap3A_57, %swap3A_58, %swap3A_59], %swap3A_62 {strides = array<i32>} : memref<2x8x512xf32, #tpu.memory_space<vmem>>, vector<1x1x64xf32>,
    %slice3A_63 = vector.extract_strided_slice %get3A_26 {offsets = [0, 64], sizes = [1, 64], strides = [1, 1]} : vector<1x512xf32> to vector<1x64xf32>
    %transpose3A_64 = tpu.transpose %get3A_31, [1, 0] : vector<64x64xf32> -> vector<64x64xf32>
    %dot_general3A_65 = arith.constant dense<0.000000e+00> : vector<1x64xf32>
    %dot_general3A_66 = tpu.matmul %slice3A_63, %transpose3A_64, %dot_general3A_65 {dimension_numbers = #tpu.dot_dimension_numbers<[1], [0], [0], [1], [0, 0, 1, 1], [], []>, transpose_lhs_hint = false} : vector<1x64xf32>, vector<64x64xf32>, vector<1x64xf32> -> vector<1x64xf32>
    %mul3A_67 = arith.constant 1.250000e-01 : f32
    %mul3A_68 = vector.broadcast %mul3A_67 : f32 to vector<1x64xf32>
    %mul3A_69 = arith.mulf %dot_general3A_66, %mul3A_68 : vector<1x64xf32>
    %reduce_max3A_70 = arith.constant dense<0xFF800000> : vector<1xf32>
    %reduce_max3A_71 = vector.multi_reduction <maximumf>, %mul3A_69, %reduce_max3A_70 [1] : vector<1x64xf32> to vector<1xf32>
    %broadcast_in_dim3A_72 = vector.shape_cast %reduce_max3A_71 : vector<1xf32> to vector<1x1xf32>
    %sub3A_73 = vector.broadcast %broadcast_in_dim3A_72 : vector<1x1xf32> to vector<1x64xf32>
    %sub3A_74 = arith.subf %mul3A_69, %sub3A_73 : vector<1x64xf32>
    %exp3A_75 = math.exp %sub3A_74 : vector<1x64xf32>
    %reduce_sum3A_76 = arith.constant dense<0.000000e+00> : vector<1xf32>
    %reduce_sum3A_77 = vector.multi_reduction <add>, %exp3A_75, %reduce_sum3A_76 [1] : vector<1x64xf32> to vector<1xf32>
    %broadcast_in_dim3A_78 = vector.shape_cast %reduce_sum3A_77 : vector<1xf32> to vector<1x1xf32>
    %div3A_79 = vector.broadcast %broadcast_in_dim3A_78 : vector<1x1xf32> to vector<1x64xf32>
    %div3A_80 = arith.divf %exp3A_75, %div3A_79 : vector<1x64xf32>
    %dot_general3A_81 = arith.constant dense<0.000000e+00> : vector<1x64xf32>
    %dot_general3A_82 = tpu.matmul %div3A_80, %get3A_36, %dot_general3A_81 {dimension_numbers = #tpu.dot_dimension_numbers<[1], [0], [0], [1], [0, 0, 1, 1], [], []>, transpose_lhs_hint = false} : vector<1x64xf32>, vector<64x64xf32>, vector<1x64xf32> -> vector<1x64xf32>
    %get3A_83 = arith.constant 0 : index
    %get3A_84 = arith.constant 7 : index
    %get3A_85 = arith.constant 64 : index
    %get3A_86 = vector.load %arg7[%get3A_83, %get3A_84, %get3A_85] : memref<2x8x512xf32, #tpu.memory_space<vmem>>, vector<1x1x64xf32>
    %get3A_87 = vector.shape_cast %get3A_86 : vector<1x1x64xf32> to vector<1x64xf32>
    %mul3A_88 = vector.broadcast %add3A : f32 to vector<1x64xf32>
    %mul3A_89 = arith.mulf %mul3A_88, %dot_general3A_82 : vector<1x64xf32>
    %add3A_90 = arith.addf %get3A_87, %mul3A_89 : vector<1x64xf32>
    %swap3A_91 = arith.constant 0 : index
    %swap3A_92 = arith.constant 7 : index
    %swap3A_93 = arith.constant 64 : index
    %swap3A_94 = vector.load %arg7[%swap3A_91, %swap3A_92, %swap3A_93] : memref<2x8x512xf32, #tpu.memory_space<vmem>>, vector<1x1x64xf32>
    %swap3A_95 = vector.shape_cast %swap3A_94 : vector<1x1x64xf32> to vector<1x64xf32>
    %swap3A_96 = vector.shape_cast %add3A_90 : vector<1x64xf32> to vector<1x1x64xf32>
    tpu.vector_store %arg7[%swap3A_91, %swap3A_92, %swap3A_93], %swap3A_96 {strides = array<i32>} : memref<2x8x512xf32, #tpu.memory_space<vmem>>, vector<1x1x64xf32>,
    %slice3A_97 = vector.extract_strided_slice %get3A_26 {offsets = [0, 128], sizes = [1, 64], strides = [1, 1]} : vector<1x512xf32> to vector<1x64xf32>
    %transpose3A_98 = tpu.transpose %get3A_31, [1, 0] : vector<64x64xf32> -> vector<64x64xf32>
    %dot_general3A_99 = arith.constant dense<0.000000e+00> : vector<1x64xf32>
    %dot_general3A_100 = tpu.matmul %slice3A_97, %transpose3A_98, %dot_general3A_99 {dimension_numbers = #tpu.dot_dimension_numbers<[1], [0], [0], [1], [0, 0, 1, 1], [], []>, transpose_lhs_hint = false} : vector<1x64xf32>, vector<64x64xf32>, vector<1x64xf32> -> vector<1x64xf32>
    %mul3A_101 = arith.constant 1.250000e-01 : f32
    %mul3A_102 = vector.broadcast %mul3A_101 : f32 to vector<1x64xf32>
    %mul3A_103 = arith.mulf %dot_general3A_100, %mul3A_102 : vector<1x64xf32>
    %reduce_max3A_104 = arith.constant dense<0xFF800000> : vector<1xf32>
    %reduce_max3A_105 = vector.multi_reduction <maximumf>, %mul3A_103, %reduce_max3A_104 [1] : vector<1x64xf32> to vector<1xf32>
    %broadcast_in_dim3A_106 = vector.shape_cast %reduce_max3A_105 : vector<1xf32> to vector<1x1xf32>
    %sub3A_107 = vector.broadcast %broadcast_in_dim3A_106 : vector<1x1xf32> to vector<1x64xf32>
    %sub3A_108 = arith.subf %mul3A_103, %sub3A_107 : vector<1x64xf32>
    %exp3A_109 = math.exp %sub3A_108 : vector<1x64xf32>
    %reduce_sum3A_110 = arith.constant dense<0.000000e+00> : vector<1xf32>
    %reduce_sum3A_111 = vector.multi_reduction <add>, %exp3A_109, %reduce_sum3A_110 [1] : vector<1x64xf32> to vector<1xf32>
    %broadcast_in_dim3A_112 = vector.shape_cast %reduce_sum3A_111 : vector<1xf32> to vector<1x1xf32>
    %div3A_113 = vector.broadcast %broadcast_in_dim3A_112 : vector<1x1xf32> to vector<1x64xf32>
    %div3A_114 = arith.divf %exp3A_109, %div3A_113 : vector<1x64xf32>
    %dot_general3A_115 = arith.constant dense<0.000000e+00> : vector<1x64xf32>
    %dot_general3A_116 = tpu.matmul %div3A_114, %get3A_36, %dot_general3A_115 {dimension_numbers = #tpu.dot_dimension_numbers<[1], [0], [0], [1], [0, 0, 1, 1], [], []>, transpose_lhs_hint = false} : vector<1x64xf32>, vector<64x64xf32>, vector<1x64xf32> -> vector<1x64xf32>
    %get3A_117 = arith.constant 0 : index
    %get3A_118 = arith.constant 7 : index
    %get3A_119 = arith.constant 128 : index
    %get3A_120 = vector.load %arg7[%get3A_117, %get3A_118, %get3A_119] : memref<2x8x512xf32, #tpu.memory_space<vmem>>, vector<1x1x64xf32>
    %get3A_121 = vector.shape_cast %get3A_120 : vector<1x1x64xf32> to vector<1x64xf32>
    %mul3A_122 = vector.broadcast %add3A : f32 to vector<1x64xf32>
    %mul3A_123 = arith.mulf %mul3A_122, %dot_general3A_116 : vector<1x64xf32>
    %add3A_124 = arith.addf %get3A_121, %mul3A_123 : vector<1x64xf32>
    %swap3A_125 = arith.constant 0 : index
    %swap3A_126 = arith.constant 7 : index
    %swap3A_127 = arith.constant 128 : index
    %swap3A_128 = vector.load %arg7[%swap3A_125, %swap3A_126, %swap3A_127] : memref<2x8x512xf32, #tpu.memory_space<vmem>>, vector<1x1x64xf32>
    %swap3A_129 = vector.shape_cast %swap3A_128 : vector<1x1x64xf32> to vector<1x64xf32>
    %swap3A_130 = vector.shape_cast %add3A_124 : vector<1x64xf32> to vector<1x1x64xf32>
    tpu.vector_store %arg7[%swap3A_125, %swap3A_126, %swap3A_127], %swap3A_130 {strides = array<i32>} : memref<2x8x512xf32, #tpu.memory_space<vmem>>, vector<1x1x64xf32>,
    %slice3A_131 = vector.extract_strided_slice %get3A_26 {offsets = [0, 192], sizes = [1, 64], strides = [1, 1]} : vector<1x512xf32> to vector<1x64xf32>
    %transpose3A_132 = tpu.transpose %get3A_31, [1, 0] : vector<64x64xf32> -> vector<64x64xf32>
    %dot_general3A_133 = arith.constant dense<0.000000e+00> : vector<1x64xf32>
    %dot_general3A_134 = tpu.matmul %slice3A_131, %transpose3A_132, %dot_general3A_133 {dimension_numbers = #tpu.dot_dimension_numbers<[1], [0], [0], [1], [0, 0, 1, 1], [], []>, transpose_lhs_hint = false} : vector<1x64xf32>, vector<64x64xf32>, vector<1x64xf32> -> vector<1x64xf32>
    %mul3A_135 = arith.constant 1.250000e-01 : f32
    %mul3A_136 = vector.broadcast %mul3A_135 : f32 to vector<1x64xf32>
    %mul3A_137 = arith.mulf %dot_general3A_134, %mul3A_136 : vector<1x64xf32>
    %reduce_max3A_138 = arith.constant dense<0xFF800000> : vector<1xf32>
    %reduce_max3A_139 = vector.multi_reduction <maximumf>, %mul3A_137, %reduce_max3A_138 [1] : vector<1x64xf32> to vector<1xf32>
    %broadcast_in_dim3A_140 = vector.shape_cast %reduce_max3A_139 : vector<1xf32> to vector<1x1xf32>
    %sub3A_141 = vector.broadcast %broadcast_in_dim3A_140 : vector<1x1xf32> to vector<1x64xf32>
    %sub3A_142 = arith.subf %mul3A_137, %sub3A_141 : vector<1x64xf32>
    %exp3A_143 = math.exp %sub3A_142 : vector<1x64xf32>
    %reduce_sum3A_144 = arith.constant dense<0.000000e+00> : vector<1xf32>
    %reduce_sum3A_145 = vector.multi_reduction <add>, %exp3A_143, %reduce_sum3A_144 [1] : vector<1x64xf32> to vector<1xf32>
    %broadcast_in_dim3A_146 = vector.shape_cast %reduce_sum3A_145 : vector<1xf32> to vector<1x1xf32>
    %div3A_147 = vector.broadcast %broadcast_in_dim3A_146 : vector<1x1xf32> to vector<1x64xf32>
    %div3A_148 = arith.divf %exp3A_143, %div3A_147 : vector<1x64xf32>
    %dot_general3A_149 = arith.constant dense<0.000000e+00> : vector<1x64xf32>
    %dot_general3A_150 = tpu.matmul %div3A_148, %get3A_36, %dot_general3A_149 {dimension_numbers = #tpu.dot_dimension_numbers<[1], [0], [0], [1], [0, 0, 1, 1], [], []>, transpose_lhs_hint = false} : vector<1x64xf32>, vector<64x64xf32>, vector<1x64xf32> -> vector<1x64xf32>
    %get3A_151 = arith.constant 0 : index
    %get3A_152 = arith.constant 7 : index
    %get3A_153 = arith.constant 192 : index
    %get3A_154 = vector.load %arg7[%get3A_151, %get3A_152, %get3A_153] : memref<2x8x512xf32, #tpu.memory_space<vmem>>, vector<1x1x64xf32>
    %get3A_155 = vector.shape_cast %get3A_154 : vector<1x1x64xf32> to vector<1x64xf32>
    %mul3A_156 = vector.broadcast %add3A : f32 to vector<1x64xf32>
    %mul3A_157 = arith.mulf %mul3A_156, %dot_general3A_150 : vector<1x64xf32>
    %add3A_158 = arith.addf %get3A_155, %mul3A_157 : vector<1x64xf32>
    %swap3A_159 = arith.constant 0 : index
    %swap3A_160 = arith.constant 7 : index
    %swap3A_161 = arith.constant 192 : index
    %swap3A_162 = vector.load %arg7[%swap3A_159, %swap3A_160, %swap3A_161] : memref<2x8x512xf32, #tpu.memory_space<vmem>>, vector<1x1x64xf32>
    %swap3A_163 = vector.shape_cast %swap3A_162 : vector<1x1x64xf32> to vector<1x64xf32>
    %swap3A_164 = vector.shape_cast %add3A_158 : vector<1x64xf32> to vector<1x1x64xf32>
    tpu.vector_store %arg7[%swap3A_159, %swap3A_160, %swap3A_161], %swap3A_164 {strides = array<i32>} : memref<2x8x512xf32, #tpu.memory_space<vmem>>, vector<1x1x64xf32>,
    %slice3A_165 = vector.extract_strided_slice %get3A_26 {offsets = [0, 256], sizes = [1, 64], strides = [1, 1]} : vector<1x512xf32> to vector<1x64xf32>
    %transpose3A_166 = tpu.transpose %get3A_31, [1, 0] : vector<64x64xf32> -> vector<64x64xf32>
    %dot_general3A_167 = arith.constant dense<0.000000e+00> : vector<1x64xf32>
    %dot_general3A_168 = tpu.matmul %slice3A_165, %transpose3A_166, %dot_general3A_167 {dimension_numbers = #tpu.dot_dimension_numbers<[1], [0], [0], [1], [0, 0, 1, 1], [], []>, transpose_lhs_hint = false} : vector<1x64xf32>, vector<64x64xf32>, vector<1x64xf32> -> vector<1x64xf32>
    %mul3A_169 = arith.constant 1.250000e-01 : f32
    %mul3A_170 = vector.broadcast %mul3A_169 : f32 to vector<1x64xf32>
    %mul3A_171 = arith.mulf %dot_general3A_168, %mul3A_170 : vector<1x64xf32>
    %reduce_max3A_172 = arith.constant dense<0xFF800000> : vector<1xf32>
    %reduce_max3A_173 = vector.multi_reduction <maximumf>, %mul3A_171, %reduce_max3A_172 [1] : vector<1x64xf32> to vector<1xf32>
    %broadcast_in_dim3A_174 = vector.shape_cast %reduce_max3A_173 : vector<1xf32> to vector<1x1xf32>
    %sub3A_175 = vector.broadcast %broadcast_in_dim3A_174 : vector<1x1xf32> to vector<1x64xf32>
    %sub3A_176 = arith.subf %mul3A_171, %sub3A_175 : vector<1x64xf32>
    %exp3A_177 = math.exp %sub3A_176 : vector<1x64xf32>
    %reduce_sum3A_178 = arith.constant dense<0.000000e+00> : vector<1xf32>
    %reduce_sum3A_179 = vector.multi_reduction <add>, %exp3A_177, %reduce_sum3A_178 [1] : vector<1x64xf32> to vector<1xf32>
    %broadcast_in_dim3A_180 = vector.shape_cast %reduce_sum3A_179 : vector<1xf32> to vector<1x1xf32>
    %div3A_181 = vector.broadcast %broadcast_in_dim3A_180 : vector<1x1xf32> to vector<1x64xf32>
    %div3A_182 = arith.divf %exp3A_177, %div3A_181 : vector<1x64xf32>
    %dot_general3A_183 = arith.constant dense<0.000000e+00> : vector<1x64xf32>
    %dot_general3A_184 = tpu.matmul %div3A_182, %get3A_36, %dot_general3A_183 {dimension_numbers = #tpu.dot_dimension_numbers<[1], [0], [0], [1], [0, 0, 1, 1], [], []>, transpose_lhs_hint = false} : vector<1x64xf32>, vector<64x64xf32>, vector<1x64xf32> -> vector<1x64xf32>
    %get3A_185 = arith.constant 0 : index
    %get3A_186 = arith.constant 7 : index
    %get3A_187 = arith.constant 256 : index
    %get3A_188 = vector.load %arg7[%get3A_185, %get3A_186, %get3A_187] : memref<2x8x512xf32, #tpu.memory_space<vmem>>, vector<1x1x64xf32>
    %get3A_189 = vector.shape_cast %get3A_188 : vector<1x1x64xf32> to vector<1x64xf32>
    %mul3A_190 = vector.broadcast %add3A : f32 to vector<1x64xf32>
    %mul3A_191 = arith.mulf %mul3A_190, %dot_general3A_184 : vector<1x64xf32>
    %add3A_192 = arith.addf %get3A_189, %mul3A_191 : vector<1x64xf32>
    %swap3A_193 = arith.constant 0 : index
    %swap3A_194 = arith.constant 7 : index
    %swap3A_195 = arith.constant 256 : index
    %swap3A_196 = vector.load %arg7[%swap3A_193, %swap3A_194, %swap3A_195] : memref<2x8x512xf32, #tpu.memory_space<vmem>>, vector<1x1x64xf32>
    %swap3A_197 = vector.shape_cast %swap3A_196 : vector<1x1x64xf32> to vector<1x64xf32>
    %swap3A_198 = vector.shape_cast %add3A_192 : vector<1x64xf32> to vector<1x1x64xf32>
    tpu.vector_store %arg7[%swap3A_193, %swap3A_194, %swap3A_195], %swap3A_198 {strides = array<i32>} : memref<2x8x512xf32, #tpu.memory_space<vmem>>, vector<1x1x64xf32>,
    %slice3A_199 = vector.extract_strided_slice %get3A_26 {offsets = [0, 320], sizes = [1, 64], strides = [1, 1]} : vector<1x512xf32> to vector<1x64xf32>
    %transpose3A_200 = tpu.transpose %get3A_31, [1, 0] : vector<64x64xf32> -> vector<64x64xf32>
    %dot_general3A_201 = arith.constant dense<0.000000e+00> : vector<1x64xf32>
    %dot_general3A_202 = tpu.matmul %slice3A_199, %transpose3A_200, %dot_general3A_201 {dimension_numbers = #tpu.dot_dimension_numbers<[1], [0], [0], [1], [0, 0, 1, 1], [], []>, transpose_lhs_hint = false} : vector<1x64xf32>, vector<64x64xf32>, vector<1x64xf32> -> vector<1x64xf32>
    %mul3A_203 = arith.constant 1.250000e-01 : f32
    %mul3A_204 = vector.broadcast %mul3A_203 : f32 to vector<1x64xf32>
    %mul3A_205 = arith.mulf %dot_general3A_202, %mul3A_204 : vector<1x64xf32>
    %reduce_max3A_206 = arith.constant dense<0xFF800000> : vector<1xf32>
    %reduce_max3A_207 = vector.multi_reduction <maximumf>, %mul3A_205, %reduce_max3A_206 [1] : vector<1x64xf32> to vector<1xf32>
    %broadcast_in_dim3A_208 = vector.shape_cast %reduce_max3A_207 : vector<1xf32> to vector<1x1xf32>
    %sub3A_209 = vector.broadcast %broadcast_in_dim3A_208 : vector<1x1xf32> to vector<1x64xf32>
    %sub3A_210 = arith.subf %mul3A_205, %sub3A_209 : vector<1x64xf32>
    %exp3A_211 = math.exp %sub3A_210 : vector<1x64xf32>
    %reduce_sum3A_212 = arith.constant dense<0.000000e+00> : vector<1xf32>
    %reduce_sum3A_213 = vector.multi_reduction <add>, %exp3A_211, %reduce_sum3A_212 [1] : vector<1x64xf32> to vector<1xf32>
    %broadcast_in_dim3A_214 = vector.shape_cast %reduce_sum3A_213 : vector<1xf32> to vector<1x1xf32>
    %div3A_215 = vector.broadcast %broadcast_in_dim3A_214 : vector<1x1xf32> to vector<1x64xf32>
    %div3A_216 = arith.divf %exp3A_211, %div3A_215 : vector<1x64xf32>
    %dot_general3A_217 = arith.constant dense<0.000000e+00> : vector<1x64xf32>
    %dot_general3A_218 = tpu.matmul %div3A_216, %get3A_36, %dot_general3A_217 {dimension_numbers = #tpu.dot_dimension_numbers<[1], [0], [0], [1], [0, 0, 1, 1], [], []>, transpose_lhs_hint = false} : vector<1x64xf32>, vector<64x64xf32>, vector<1x64xf32> -> vector<1x64xf32>
    %get3A_219 = arith.constant 0 : index
    %get3A_220 = arith.constant 7 : index
    %get3A_221 = arith.constant 320 : index
    %get3A_222 = vector.load %arg7[%get3A_219, %get3A_220, %get3A_221] : memref<2x8x512xf32, #tpu.memory_space<vmem>>, vector<1x1x64xf32>
    %get3A_223 = vector.shape_cast %get3A_222 : vector<1x1x64xf32> to vector<1x64xf32>
    %mul3A_224 = vector.broadcast %add3A : f32 to vector<1x64xf32>
    %mul3A_225 = arith.mulf %mul3A_224, %dot_general3A_218 : vector<1x64xf32>
    %add3A_226 = arith.addf %get3A_223, %mul3A_225 : vector<1x64xf32>
    %swap3A_227 = arith.constant 0 : index
    %swap3A_228 = arith.constant 7 : index
    %swap3A_229 = arith.constant 320 : index
    %swap3A_230 = vector.load %arg7[%swap3A_227, %swap3A_228, %swap3A_229] : memref<2x8x512xf32, #tpu.memory_space<vmem>>, vector<1x1x64xf32>
    %swap3A_231 = vector.shape_cast %swap3A_230 : vector<1x1x64xf32> to vector<1x64xf32>
    %swap3A_232 = vector.shape_cast %add3A_226 : vector<1x64xf32> to vector<1x1x64xf32>
    tpu.vector_store %arg7[%swap3A_227, %swap3A_228, %swap3A_229], %swap3A_232 {strides = array<i32>} : memref<2x8x512xf32, #tpu.memory_space<vmem>>, vector<1x1x64xf32>,
    %slice3A_233 = vector.extract_strided_slice %get3A_26 {offsets = [0, 384], sizes = [1, 64], strides = [1, 1]} : vector<1x512xf32> to vector<1x64xf32>
    %transpose3A_234 = tpu.transpose %get3A_31, [1, 0] : vector<64x64xf32> -> vector<64x64xf32>
    %dot_general3A_235 = arith.constant dense<0.000000e+00> : vector<1x64xf32>
    %dot_general3A_236 = tpu.matmul %slice3A_233, %transpose3A_234, %dot_general3A_235 {dimension_numbers = #tpu.dot_dimension_numbers<[1], [0], [0], [1], [0, 0, 1, 1], [], []>, transpose_lhs_hint = false} : vector<1x64xf32>, vector<64x64xf32>, vector<1x64xf32> -> vector<1x64xf32>
    %mul3A_237 = arith.constant 1.250000e-01 : f32
    %mul3A_238 = vector.broadcast %mul3A_237 : f32 to vector<1x64xf32>
    %mul3A_239 = arith.mulf %dot_general3A_236, %mul3A_238 : vector<1x64xf32>
    %reduce_max3A_240 = arith.constant dense<0xFF800000> : vector<1xf32>
    %reduce_max3A_241 = vector.multi_reduction <maximumf>, %mul3A_239, %reduce_max3A_240 [1] : vector<1x64xf32> to vector<1xf32>
    %broadcast_in_dim3A_242 = vector.shape_cast %reduce_max3A_241 : vector<1xf32> to vector<1x1xf32>
    %sub3A_243 = vector.broadcast %broadcast_in_dim3A_242 : vector<1x1xf32> to vector<1x64xf32>
    %sub3A_244 = arith.subf %mul3A_239, %sub3A_243 : vector<1x64xf32>
    %exp3A_245 = math.exp %sub3A_244 : vector<1x64xf32>
    %reduce_sum3A_246 = arith.constant dense<0.000000e+00> : vector<1xf32>
    %reduce_sum3A_247 = vector.multi_reduction <add>, %exp3A_245, %reduce_sum3A_246 [1] : vector<1x64xf32> to vector<1xf32>
    %broadcast_in_dim3A_248 = vector.shape_cast %reduce_sum3A_247 : vector<1xf32> to vector<1x1xf32>
    %div3A_249 = vector.broadcast %broadcast_in_dim3A_248 : vector<1x1xf32> to vector<1x64xf32>
    %div3A_250 = arith.divf %exp3A_245, %div3A_249 : vector<1x64xf32>
    %dot_general3A_251 = arith.constant dense<0.000000e+00> : vector<1x64xf32>
    %dot_general3A_252 = tpu.matmul %div3A_250, %get3A_36, %dot_general3A_251 {dimension_numbers = #tpu.dot_dimension_numbers<[1], [0], [0], [1], [0, 0, 1, 1], [], []>, transpose_lhs_hint = false} : vector<1x64xf32>, vector<64x64xf32>, vector<1x64xf32> -> vector<1x64xf32>
    %get3A_253 = arith.constant 0 : index
    %get3A_254 = arith.constant 7 : index
    %get3A_255 = arith.constant 384 : index
    %get3A_256 = vector.load %arg7[%get3A_253, %get3A_254, %get3A_255] : memref<2x8x512xf32, #tpu.memory_space<vmem>>, vector<1x1x64xf32>
    %get3A_257 = vector.shape_cast %get3A_256 : vector<1x1x64xf32> to vector<1x64xf32>
    %mul3A_258 = vector.broadcast %add3A : f32 to vector<1x64xf32>
    %mul3A_259 = arith.mulf %mul3A_258, %dot_general3A_252 : vector<1x64xf32>
    %add3A_260 = arith.addf %get3A_257, %mul3A_259 : vector<1x64xf32>
    %swap3A_261 = arith.constant 0 : index
    %swap3A_262 = arith.constant 7 : index
    %swap3A_263 = arith.constant 384 : index
    %swap3A_264 = vector.load %arg7[%swap3A_261, %swap3A_262, %swap3A_263] : memref<2x8x512xf32, #tpu.memory_space<vmem>>, vector<1x1x64xf32>
    %swap3A_265 = vector.shape_cast %swap3A_264 : vector<1x1x64xf32> to vector<1x64xf32>
    %swap3A_266 = vector.shape_cast %add3A_260 : vector<1x64xf32> to vector<1x1x64xf32>
    tpu.vector_store %arg7[%swap3A_261, %swap3A_262, %swap3A_263], %swap3A_266 {strides = array<i32>} : memref<2x8x512xf32, #tpu.memory_space<vmem>>, vector<1x1x64xf32>,
    %slice3A_267 = vector.extract_strided_slice %get3A_26 {offsets = [0, 448], sizes = [1, 64], strides = [1, 1]} : vector<1x512xf32> to vector<1x64xf32>
    %transpose3A_268 = tpu.transpose %get3A_31, [1, 0] : vector<64x64xf32> -> vector<64x64xf32>
    %dot_general3A_269 = arith.constant dense<0.000000e+00> : vector<1x64xf32>
    %dot_general3A_270 = tpu.matmul %slice3A_267, %transpose3A_268, %dot_general3A_269 {dimension_numbers = #tpu.dot_dimension_numbers<[1], [0], [0], [1], [0, 0, 1, 1], [], []>, transpose_lhs_hint = false} : vector<1x64xf32>, vector<64x64xf32>, vector<1x64xf32> -> vector<1x64xf32>
    %mul3A_271 = arith.constant 1.250000e-01 : f32
    %mul3A_272 = vector.broadcast %mul3A_271 : f32 to vector<1x64xf32>
    %mul3A_273 = arith.mulf %dot_general3A_270, %mul3A_272 : vector<1x64xf32>
    %reduce_max3A_274 = arith.constant dense<0xFF800000> : vector<1xf32>
    %reduce_max3A_275 = vector.multi_reduction <maximumf>, %mul3A_273, %reduce_max3A_274 [1] : vector<1x64xf32> to vector<1xf32>
    %broadcast_in_dim3A_276 = vector.shape_cast %reduce_max3A_275 : vector<1xf32> to vector<1x1xf32>
    %sub3A_277 = vector.broadcast %broadcast_in_dim3A_276 : vector<1x1xf32> to vector<1x64xf32>
    %sub3A_278 = arith.subf %mul3A_273, %sub3A_277 : vector<1x64xf32>
    %exp3A_279 = math.exp %sub3A_278 : vector<1x64xf32>
    %reduce_sum3A_280 = arith.constant dense<0.000000e+00> : vector<1xf32>
    %reduce_sum3A_281 = vector.multi_reduction <add>, %exp3A_279, %reduce_sum3A_280 [1] : vector<1x64xf32> to vector<1xf32>
    %broadcast_in_dim3A_282 = vector.shape_cast %reduce_sum3A_281 : vector<1xf32> to vector<1x1xf32>
    %div3A_283 = vector.broadcast %broadcast_in_dim3A_282 : vector<1x1xf32> to vector<1x64xf32>
    %div3A_284 = arith.divf %exp3A_279, %div3A_283 : vector<1x64xf32>
    %dot_general3A_285 = arith.constant dense<0.000000e+00> : vector<1x64xf32>
    %dot_general3A_286 = tpu.matmul %div3A_284, %get3A_36, %dot_general3A_285 {dimension_numbers = #tpu.dot_dimension_numbers<[1], [0], [0], [1], [0, 0, 1, 1], [], []>, transpose_lhs_hint = false} : vector<1x64xf32>, vector<64x64xf32>, vector<1x64xf32> -> vector<1x64xf32>
    %get3A_287 = arith.constant 0 : index
    %get3A_288 = arith.constant 7 : index
    %get3A_289 = arith.constant 448 : index
    %get3A_290 = vector.load %arg7[%get3A_287, %get3A_288, %get3A_289] : memref<2x8x512xf32, #tpu.memory_space<vmem>>, vector<1x1x64xf32>
    %get3A_291 = vector.shape_cast %get3A_290 : vector<1x1x64xf32> to vector<1x64xf32>
    %mul3A_292 = vector.broadcast %add3A : f32 to vector<1x64xf32>
    %mul3A_293 = arith.mulf %mul3A_292, %dot_general3A_286 : vector<1x64xf32>
    %add3A_294 = arith.addf %get3A_291, %mul3A_293 : vector<1x64xf32>
    %swap3A_295 = arith.constant 0 : index
    %swap3A_296 = arith.constant 7 : index
    %swap3A_297 = arith.constant 448 : index
    %swap3A_298 = vector.load %arg7[%swap3A_295, %swap3A_296, %swap3A_297] : memref<2x8x512xf32, #tpu.memory_space<vmem>>, vector<1x1x64xf32>
    %swap3A_299 = vector.shape_cast %swap3A_298 : vector<1x1x64xf32> to vector<1x64xf32>
    %swap3A_300 = vector.shape_cast %add3A_294 : vector<1x64xf32> to vector<1x1x64xf32>
    tpu.vector_store %arg7[%swap3A_295, %swap3A_296, %swap3A_297], %swap3A_300 {strides = array<i32>} : memref<2x8x512xf32, #tpu.memory_space<vmem>>, vector<1x1x64xf32>,
    %get3A_301 = arith.constant 1 : index
    %get3A_302 = arith.constant 7 : index
    %get3A_303 = arith.constant 0 : index
    %get3A_304 = vector.load %arg3[%get3A_301, %get3A_302, %get3A_303] : memref<2x8x512xf32, #tpu.memory_space<vmem>>, vector<1x1x512xf32>
    %get3A_305 = vector.shape_cast %get3A_304 : vector<1x1x512xf32> to vector<1x512xf32>
    %get3A_306 = arith.constant 1 : index
    %get3A_307 = arith.constant 0 : index
    %get3A_308 = vector.load %arg4[%get3A_306, %get3A_307] : memref<3x512xf32, #tpu.memory_space<vmem>>, vector<1x512xf32>
    %mul3A_309 = arith.mulf %get3A_305, %get3A_308 : vector<1x512xf32>
    %reduce_sum3A_310 = vector.shape_cast %mul3A_309 : vector<1x512xf32> to vector<1x1x512xf32>
    %reduce_sum3A_311 = arith.constant dense<0.000000e+00> : vector<1xf32>
    %reduce_sum3A_312 = vector.multi_reduction <add>, %reduce_sum3A_310, %reduce_sum3A_311 [1, 2] : vector<1x1x512xf32> to vector<1xf32>
    %reduce_sum3A_313 = vector.shape_cast %reduce_sum3A_312 : vector<1xf32> to vector<1x1x1xf32>
    %reduce_sum3A_314 = vector.extract %reduce_sum3A_313[0, 0, 0] : f32 from vector<1x1x1xf32>
    %get3A_315 = arith.constant 0 : index
    %get3A_316 = arith.constant 1 : index
    %get3A_317 = vector.load %arg5[%get3A_315, %get3A_316] : memref<1x3xf32, #tpu.memory_space<vmem>>, vector<1x1xf32>
    %get3A_318 = vector.extract %get3A_317[0, 0] : f32 from vector<1x1xf32>
    %add3A_319 = arith.addf %reduce_sum3A_314, %get3A_318 : f32
    %get3A_320 = arith.constant 1 : index
    %get3A_321 = arith.constant 0 : index
    %get3A_322 = arith.constant 0 : index
    %get3A_323 = vector.load %arg2[%get3A_320, %get3A_321, %get3A_322] : memref<2x8x512xf32, #tpu.memory_space<vmem>>, vector<1x1x512xf32>
    %get3A_324 = vector.shape_cast %get3A_323 : vector<1x1x512xf32> to vector<1x512xf32>
    %get3A_325 = arith.constant 1 : index
    %get3A_326 = arith.constant 0 : index
    %get3A_327 = arith.constant 0 : index
    %get3A_328 = vector.load %arg6[%get3A_325, %get3A_326, %get3A_327] : memref<2x64x128xf32, #tpu.memory_space<vmem>>, vector<1x64x64xf32>
    %get3A_329 = vector.shape_cast %get3A_328 : vector<1x64x64xf32> to vector<64x64xf32>
    %get3A_330 = arith.constant 1 : index
    %get3A_331 = arith.constant 0 : index
    %get3A_332 = arith.constant 64 : index
    %get3A_333 = vector.load %arg6[%get3A_330, %get3A_331, %get3A_332] : memref<2x64x128xf32, #tpu.memory_space<vmem>>, vector<1x64x64xf32>
    %get3A_334 = vector.shape_cast %get3A_333 : vector<1x64x64xf32> to vector<64x64xf32>
    %slice3A_335 = vector.extract_strided_slice %get3A_324 {offsets = [0, 0], sizes = [1, 64], strides = [1, 1]} : vector<1x512xf32> to vector<1x64xf32>
    %transpose3A_336 = tpu.transpose %get3A_329, [1, 0] : vector<64x64xf32> -> vector<64x64xf32>
    %dot_general3A_337 = arith.constant dense<0.000000e+00> : vector<1x64xf32>
    %dot_general3A_338 = tpu.matmul %slice3A_335, %transpose3A_336, %dot_general3A_337 {dimension_numbers = #tpu.dot_dimension_numbers<[1], [0], [0], [1], [0, 0, 1, 1], [], []>, transpose_lhs_hint = false} : vector<1x64xf32>, vector<64x64xf32>, vector<1x64xf32> -> vector<1x64xf32>
    %mul3A_339 = arith.constant 1.250000e-01 : f32
    %mul3A_340 = vector.broadcast %mul3A_339 : f32 to vector<1x64xf32>
    %mul3A_341 = arith.mulf %dot_general3A_338, %mul3A_340 : vector<1x64xf32>
    %reduce_max3A_342 = arith.constant dense<0xFF800000> : vector<1xf32>
    %reduce_max3A_343 = vector.multi_reduction <maximumf>, %mul3A_341, %reduce_max3A_342 [1] : vector<1x64xf32> to vector<1xf32>
    %broadcast_in_dim3A_344 = vector.shape_cast %reduce_max3A_343 : vector<1xf32> to vector<1x1xf32>
    %sub3A_345 = vector.broadcast %broadcast_in_dim3A_344 : vector<1x1xf32> to vector<1x64xf32>
    %sub3A_346 = arith.subf %mul3A_341, %sub3A_345 : vector<1x64xf32>
    %exp3A_347 = math.exp %sub3A_346 : vector<1x64xf32>
    %reduce_sum3A_348 = arith.constant dense<0.000000e+00> : vector<1xf32>
    %reduce_sum3A_349 = vector.multi_reduction <add>, %exp3A_347, %reduce_sum3A_348 [1] : vector<1x64xf32> to vector<1xf32>
    %broadcast_in_dim3A_350 = vector.shape_cast %reduce_sum3A_349 : vector<1xf32> to vector<1x1xf32>
    %div3A_351 = vector.broadcast %broadcast_in_dim3A_350 : vector<1x1xf32> to vector<1x64xf32>
    %div3A_352 = arith.divf %exp3A_347, %div3A_351 : vector<1x64xf32>
    %dot_general3A_353 = arith.constant dense<0.000000e+00> : vector<1x64xf32>
    %dot_general3A_354 = tpu.matmul %div3A_352, %get3A_334, %dot_general3A_353 {dimension_numbers = #tpu.dot_dimension_numbers<[1], [0], [0], [1], [0, 0, 1, 1], [], []>, transpose_lhs_hint = false} : vector<1x64xf32>, vector<64x64xf32>, vector<1x64xf32> -> vector<1x64xf32>
    %get3A_355 = arith.constant 1 : index
    %get3A_356 = arith.constant 7 : index
    %get3A_357 = arith.constant 0 : index
    %get3A_358 = vector.load %arg7[%get3A_355, %get3A_356, %get3A_357] : memref<2x8x512xf32, #tpu.memory_space<vmem>>, vector<1x1x64xf32>
    %get3A_359 = vector.shape_cast %get3A_358 : vector<1x1x64xf32> to vector<1x64xf32>
    %mul3A_360 = vector.broadcast %add3A_319 : f32 to vector<1x64xf32>
    %mul3A_361 = arith.mulf %mul3A_360, %dot_general3A_354 : vector<1x64xf32>
    %add3A_362 = arith.addf %get3A_359, %mul3A_361 : vector<1x64xf32>
    %swap3A_363 = arith.constant 1 : index
    %swap3A_364 = arith.constant 7 : index
    %swap3A_365 = arith.constant 0 : index
    %swap3A_366 = vector.load %arg7[%swap3A_363, %swap3A_364, %swap3A_365] : memref<2x8x512xf32, #tpu.memory_space<vmem>>, vector<1x1x64xf32>
    %swap3A_367 = vector.shape_cast %swap3A_366 : vector<1x1x64xf32> to vector<1x64xf32>
    %swap3A_368 = vector.shape_cast %add3A_362 : vector<1x64xf32> to vector<1x1x64xf32>
    tpu.vector_store %arg7[%swap3A_363, %swap3A_364, %swap3A_365], %swap3A_368 {strides = array<i32>} : memref<2x8x512xf32, #tpu.memory_space<vmem>>, vector<1x1x64xf32>,
    %slice3A_369 = vector.extract_strided_slice %get3A_324 {offsets = [0, 64], sizes = [1, 64], strides = [1, 1]} : vector<1x512xf32> to vector<1x64xf32>
    %transpose3A_370 = tpu.transpose %get3A_329, [1, 0] : vector<64x64xf32> -> vector<64x64xf32>
    %dot_general3A_371 = arith.constant dense<0.000000e+00> : vector<1x64xf32>
    %dot_general3A_372 = tpu.matmul %slice3A_369, %transpose3A_370, %dot_general3A_371 {dimension_numbers = #tpu.dot_dimension_numbers<[1], [0], [0], [1], [0, 0, 1, 1], [], []>, transpose_lhs_hint = false} : vector<1x64xf32>, vector<64x64xf32>, vector<1x64xf32> -> vector<1x64xf32>
    %mul3A_373 = arith.constant 1.250000e-01 : f32
    %mul3A_374 = vector.broadcast %mul3A_373 : f32 to vector<1x64xf32>
    %mul3A_375 = arith.mulf %dot_general3A_372, %mul3A_374 : vector<1x64xf32>
    %reduce_max3A_376 = arith.constant dense<0xFF800000> : vector<1xf32>
    %reduce_max3A_377 = vector.multi_reduction <maximumf>, %mul3A_375, %reduce_max3A_376 [1] : vector<1x64xf32> to vector<1xf32>
    %broadcast_in_dim3A_378 = vector.shape_cast %reduce_max3A_377 : vector<1xf32> to vector<1x1xf32>
    %sub3A_379 = vector.broadcast %broadcast_in_dim3A_378 : vector<1x1xf32> to vector<1x64xf32>
    %sub3A_380 = arith.subf %mul3A_375, %sub3A_379 : vector<1x64xf32>
    %exp3A_381 = math.exp %sub3A_380 : vector<1x64xf32>
    %reduce_sum3A_382 = arith.constant dense<0.000000e+00> : vector<1xf32>
    %reduce_sum3A_383 = vector.multi_reduction <add>, %exp3A_381, %reduce_sum3A_382 [1] : vector<1x64xf32> to vector<1xf32>
    %broadcast_in_dim3A_384 = vector.shape_cast %reduce_sum3A_383 : vector<1xf32> to vector<1x1xf32>
    %div3A_385 = vector.broadcast %broadcast_in_dim3A_384 : vector<1x1xf32> to vector<1x64xf32>
    %div3A_386 = arith.divf %exp3A_381, %div3A_385 : vector<1x64xf32>
    %dot_general3A_387 = arith.constant dense<0.000000e+00> : vector<1x64xf32>
    %dot_general3A_388 = tpu.matmul %div3A_386, %get3A_334, %dot_general3A_387 {dimension_numbers = #tpu.dot_dimension_numbers<[1], [0], [0], [1], [0, 0, 1, 1], [], []>, transpose_lhs_hint = false} : vector<1x64xf32>, vector<64x64xf32>, vector<1x64xf32> -> vector<1x64xf32>
    %get3A_389 = arith.constant 1 : index
    %get3A_390 = arith.constant 7 : index
    %get3A_391 = arith.constant 64 : index
    %get3A_392 = vector.load %arg7[%get3A_389, %get3A_390, %get3A_391] : memref<2x8x512xf32, #tpu.memory_space<vmem>>, vector<1x1x64xf32>
    %get3A_393 = vector.shape_cast %get3A_392 : vector<1x1x64xf32> to vector<1x64xf32>
    %mul3A_394 = vector.broadcast %add3A_319 : f32 to vector<1x64xf32>
    %mul3A_395 = arith.mulf %mul3A_394, %dot_general3A_388 : vector<1x64xf32>
    %add3A_396 = arith.addf %get3A_393, %mul3A_395 : vector<1x64xf32>
    %swap3A_397 = arith.constant 1 : index
    %swap3A_398 = arith.constant 7 : index
    %swap3A_399 = arith.constant 64 : index
    %swap3A_400 = vector.load %arg7[%swap3A_397, %swap3A_398, %swap3A_399] : memref<2x8x512xf32, #tpu.memory_space<vmem>>, vector<1x1x64xf32>
    %swap3A_401 = vector.shape_cast %swap3A_400 : vector<1x1x64xf32> to vector<1x64xf32>
    %swap3A_402 = vector.shape_cast %add3A_396 : vector<1x64xf32> to vector<1x1x64xf32>
    tpu.vector_store %arg7[%swap3A_397, %swap3A_398, %swap3A_399], %swap3A_402 {strides = array<i32>} : memref<2x8x512xf32, #tpu.memory_space<vmem>>, vector<1x1x64xf32>,
    %slice3A_403 = vector.extract_strided_slice %get3A_324 {offsets = [0, 128], sizes = [1, 64], strides = [1, 1]} : vector<1x512xf32> to vector<1x64xf32>
    %transpose3A_404 = tpu.transpose %get3A_329, [1, 0] : vector<64x64xf32> -> vector<64x64xf32>
    %dot_general3A_405 = arith.constant dense<0.000000e+00> : vector<1x64xf32>
    %dot_general3A_406 = tpu.matmul %slice3A_403, %transpose3A_404, %dot_general3A_405 {dimension_numbers = #tpu.dot_dimension_numbers<[1], [0], [0], [1], [0, 0, 1, 1], [], []>, transpose_lhs_hint = false} : vector<1x64xf32>, vector<64x64xf32>, vector<1x64xf32> -> vector<1x64xf32>
    %mul3A_407 = arith.constant 1.250000e-01 : f32
    %mul3A_408 = vector.broadcast %mul3A_407 : f32 to vector<1x64xf32>
    %mul3A_409 = arith.mulf %dot_general3A_406, %mul3A_408 : vector<1x64xf32>
    %reduce_max3A_410 = arith.constant dense<0xFF800000> : vector<1xf32>
    %reduce_max3A_411 = vector.multi_reduction <maximumf>, %mul3A_409, %reduce_max3A_410 [1] : vector<1x64xf32> to vector<1xf32>
    %broadcast_in_dim3A_412 = vector.shape_cast %reduce_max3A_411 : vector<1xf32> to vector<1x1xf32>
    %sub3A_413 = vector.broadcast %broadcast_in_dim3A_412 : vector<1x1xf32> to vector<1x64xf32>
    %sub3A_414 = arith.subf %mul3A_409, %sub3A_413 : vector<1x64xf32>
    %exp3A_415 = math.exp %sub3A_414 : vector<1x64xf32>
    %reduce_sum3A_416 = arith.constant dense<0.000000e+00> : vector<1xf32>
    %reduce_sum3A_417 = vector.multi_reduction <add>, %exp3A_415, %reduce_sum3A_416 [1] : vector<1x64xf32> to vector<1xf32>
    %broadcast_in_dim3A_418 = vector.shape_cast %reduce_sum3A_417 : vector<1xf32> to vector<1x1xf32>
    %div3A_419 = vector.broadcast %broadcast_in_dim3A_418 : vector<1x1xf32> to vector<1x64xf32>
    %div3A_420 = arith.divf %exp3A_415, %div3A_419 : vector<1x64xf32>
    %dot_general3A_421 = arith.constant dense<0.000000e+00> : vector<1x64xf32>
    %dot_general3A_422 = tpu.matmul %div3A_420, %get3A_334, %dot_general3A_421 {dimension_numbers = #tpu.dot_dimension_numbers<[1], [0], [0], [1], [0, 0, 1, 1], [], []>, transpose_lhs_hint = false} : vector<1x64xf32>, vector<64x64xf32>, vector<1x64xf32> -> vector<1x64xf32>
    %get3A_423 = arith.constant 1 : index
    %get3A_424 = arith.constant 7 : index
    %get3A_425 = arith.constant 128 : index
    %get3A_426 = vector.load %arg7[%get3A_423, %get3A_424, %get3A_425] : memref<2x8x512xf32, #tpu.memory_space<vmem>>, vector<1x1x64xf32>
    %get3A_427 = vector.shape_cast %get3A_426 : vector<1x1x64xf32> to vector<1x64xf32>
    %mul3A_428 = vector.broadcast %add3A_319 : f32 to vector<1x64xf32>
    %mul3A_429 = arith.mulf %mul3A_428, %dot_general3A_422 : vector<1x64xf32>
    %add3A_430 = arith.addf %get3A_427, %mul3A_429 : vector<1x64xf32>
    %swap3A_431 = arith.constant 1 : index
    %swap3A_432 = arith.constant 7 : index
    %swap3A_433 = arith.constant 128 : index
    %swap3A_434 = vector.load %arg7[%swap3A_431, %swap3A_432, %swap3A_433] : memref<2x8x512xf32, #tpu.memory_space<vmem>>, vector<1x1x64xf32>
    %swap3A_435 = vector.shape_cast %swap3A_434 : vector<1x1x64xf32> to vector<1x64xf32>
    %swap3A_436 = vector.shape_cast %add3A_430 : vector<1x64xf32> to vector<1x1x64xf32>
    tpu.vector_store %arg7[%swap3A_431, %swap3A_432, %swap3A_433], %swap3A_436 {strides = array<i32>} : memref<2x8x512xf32, #tpu.memory_space<vmem>>, vector<1x1x64xf32>,
    %slice3A_437 = vector.extract_strided_slice %get3A_324 {offsets = [0, 192], sizes = [1, 64], strides = [1, 1]} : vector<1x512xf32> to vector<1x64xf32>
    %transpose3A_438 = tpu.transpose %get3A_329, [1, 0] : vector<64x64xf32> -> vector<64x64xf32>
    %dot_general3A_439 = arith.constant dense<0.000000e+00> : vector<1x64xf32>
    %dot_general3A_440 = tpu.matmul %slice3A_437, %transpose3A_438, %dot_general3A_439 {dimension_numbers = #tpu.dot_dimension_numbers<[1], [0], [0], [1], [0, 0, 1, 1], [], []>, transpose_lhs_hint = false} : vector<1x64xf32>, vector<64x64xf32>, vector<1x64xf32> -> vector<1x64xf32>
    %mul3A_441 = arith.constant 1.250000e-01 : f32
    %mul3A_442 = vector.broadcast %mul3A_441 : f32 to vector<1x64xf32>
    %mul3A_443 = arith.mulf %dot_general3A_440, %mul3A_442 : vector<1x64xf32>
    %reduce_max3A_444 = arith.constant dense<0xFF800000> : vector<1xf32>
    %reduce_max3A_445 = vector.multi_reduction <maximumf>, %mul3A_443, %reduce_max3A_444 [1] : vector<1x64xf32> to vector<1xf32>
    %broadcast_in_dim3A_446 = vector.shape_cast %reduce_max3A_445 : vector<1xf32> to vector<1x1xf32>
    %sub3A_447 = vector.broadcast %broadcast_in_dim3A_446 : vector<1x1xf32> to vector<1x64xf32>
    %sub3A_448 = arith.subf %mul3A_443, %sub3A_447 : vector<1x64xf32>
    %exp3A_449 = math.exp %sub3A_448 : vector<1x64xf32>
    %reduce_sum3A_450 = arith.constant dense<0.000000e+00> : vector<1xf32>
    %reduce_sum3A_451 = vector.multi_reduction <add>, %exp3A_449, %reduce_sum3A_450 [1] : vector<1x64xf32> to vector<1xf32>
    %broadcast_in_dim3A_452 = vector.shape_cast %reduce_sum3A_451 : vector<1xf32> to vector<1x1xf32>
    %div3A_453 = vector.broadcast %broadcast_in_dim3A_452 : vector<1x1xf32> to vector<1x64xf32>
    %div3A_454 = arith.divf %exp3A_449, %div3A_453 : vector<1x64xf32>
    %dot_general3A_455 = arith.constant dense<0.000000e+00> : vector<1x64xf32>
    %dot_general3A_456 = tpu.matmul %div3A_454, %get3A_334, %dot_general3A_455 {dimension_numbers = #tpu.dot_dimension_numbers<[1], [0], [0], [1], [0, 0, 1, 1], [], []>, transpose_lhs_hint = false} : vector<1x64xf32>, vector<64x64xf32>, vector<1x64xf32> -> vector<1x64xf32>
    %get3A_457 = arith.constant 1 : index
    %get3A_458 = arith.constant 7 : index
    %get3A_459 = arith.constant 192 : index
    %get3A_460 = vector.load %arg7[%get3A_457, %get3A_458, %get3A_459] : memref<2x8x512xf32, #tpu.memory_space<vmem>>, vector<1x1x64xf32>
    %get3A_461 = vector.shape_cast %get3A_460 : vector<1x1x64xf32> to vector<1x64xf32>
    %mul3A_462 = vector.broadcast %add3A_319 : f32 to vector<1x64xf32>
    %mul3A_463 = arith.mulf %mul3A_462, %dot_general3A_456 : vector<1x64xf32>
    %add3A_464 = arith.addf %get3A_461, %mul3A_463 : vector<1x64xf32>
    %swap3A_465 = arith.constant 1 : index
    %swap3A_466 = arith.constant 7 : index
    %swap3A_467 = arith.constant 192 : index
    %swap3A_468 = vector.load %arg7[%swap3A_465, %swap3A_466, %swap3A_467] : memref<2x8x512xf32, #tpu.memory_space<vmem>>, vector<1x1x64xf32>
    %swap3A_469 = vector.shape_cast %swap3A_468 : vector<1x1x64xf32> to vector<1x64xf32>
    %swap3A_470 = vector.shape_cast %add3A_464 : vector<1x64xf32> to vector<1x1x64xf32>
    tpu.vector_store %arg7[%swap3A_465, %swap3A_466, %swap3A_467], %swap3A_470 {strides = array<i32>} : memref<2x8x512xf32, #tpu.memory_space<vmem>>, vector<1x1x64xf32>,
    %slice3A_471 = vector.extract_strided_slice %get3A_324 {offsets = [0, 256], sizes = [1, 64], strides = [1, 1]} : vector<1x512xf32> to vector<1x64xf32>
    %transpose3A_472 = tpu.transpose %get3A_329, [1, 0] : vector<64x64xf32> -> vector<64x64xf32>
    %dot_general3A_473 = arith.constant dense<0.000000e+00> : vector<1x64xf32>
    %dot_general3A_474 = tpu.matmul %slice3A_471, %transpose3A_472, %dot_general3A_473 {dimension_numbers = #tpu.dot_dimension_numbers<[1], [0], [0], [1], [0, 0, 1, 1], [], []>, transpose_lhs_hint = false} : vector<1x64xf32>, vector<64x64xf32>, vector<1x64xf32> -> vector<1x64xf32>
    %mul3A_475 = arith.constant 1.250000e-01 : f32
    %mul3A_476 = vector.broadcast %mul3A_475 : f32 to vector<1x64xf32>
    %mul3A_477 = arith.mulf %dot_general3A_474, %mul3A_476 : vector<1x64xf32>
    %reduce_max3A_478 = arith.constant dense<0xFF800000> : vector<1xf32>
    %reduce_max3A_479 = vector.multi_reduction <maximumf>, %mul3A_477, %reduce_max3A_478 [1] : vector<1x64xf32> to vector<1xf32>
    %broadcast_in_dim3A_480 = vector.shape_cast %reduce_max3A_479 : vector<1xf32> to vector<1x1xf32>
    %sub3A_481 = vector.broadcast %broadcast_in_dim3A_480 : vector<1x1xf32> to vector<1x64xf32>
    %sub3A_482 = arith.subf %mul3A_477, %sub3A_481 : vector<1x64xf32>
    %exp3A_483 = math.exp %sub3A_482 : vector<1x64xf32>
    %reduce_sum3A_484 = arith.constant dense<0.000000e+00> : vector<1xf32>
    %reduce_sum3A_485 = vector.multi_reduction <add>, %exp3A_483, %reduce_sum3A_484 [1] : vector<1x64xf32> to vector<1xf32>
    %broadcast_in_dim3A_486 = vector.shape_cast %reduce_sum3A_485 : vector<1xf32> to vector<1x1xf32>
    %div3A_487 = vector.broadcast %broadcast_in_dim3A_486 : vector<1x1xf32> to vector<1x64xf32>
    %div3A_488 = arith.divf %exp3A_483, %div3A_487 : vector<1x64xf32>
    %dot_general3A_489 = arith.constant dense<0.000000e+00> : vector<1x64xf32>
    %dot_general3A_490 = tpu.matmul %div3A_488, %get3A_334, %dot_general3A_489 {dimension_numbers = #tpu.dot_dimension_numbers<[1], [0], [0], [1], [0, 0, 1, 1], [], []>, transpose_lhs_hint = false} : vector<1x64xf32>, vector<64x64xf32>, vector<1x64xf32> -> vector<1x64xf32>
    %get3A_491 = arith.constant 1 : index
    %get3A_492 = arith.constant 7 : index
    %get3A_493 = arith.constant 256 : index
    %get3A_494 = vector.load %arg7[%get3A_491, %get3A_492, %get3A_493] : memref<2x8x512xf32, #tpu.memory_space<vmem>>, vector<1x1x64xf32>
    %get3A_495 = vector.shape_cast %get3A_494 : vector<1x1x64xf32> to vector<1x64xf32>
    %mul3A_496 = vector.broadcast %add3A_319 : f32 to vector<1x64xf32>
    %mul3A_497 = arith.mulf %mul3A_496, %dot_general3A_490 : vector<1x64xf32>
    %add3A_498 = arith.addf %get3A_495, %mul3A_497 : vector<1x64xf32>
    %swap3A_499 = arith.constant 1 : index
    %swap3A_500 = arith.constant 7 : index
    %swap3A_501 = arith.constant 256 : index
    %swap3A_502 = vector.load %arg7[%swap3A_499, %swap3A_500, %swap3A_501] : memref<2x8x512xf32, #tpu.memory_space<vmem>>, vector<1x1x64xf32>
    %swap3A_503 = vector.shape_cast %swap3A_502 : vector<1x1x64xf32> to vector<1x64xf32>
    %swap3A_504 = vector.shape_cast %add3A_498 : vector<1x64xf32> to vector<1x1x64xf32>
    tpu.vector_store %arg7[%swap3A_499, %swap3A_500, %swap3A_501], %swap3A_504 {strides = array<i32>} : memref<2x8x512xf32, #tpu.memory_space<vmem>>, vector<1x1x64xf32>,
    %slice3A_505 = vector.extract_strided_slice %get3A_324 {offsets = [0, 320], sizes = [1, 64], strides = [1, 1]} : vector<1x512xf32> to vector<1x64xf32>
    %transpose3A_506 = tpu.transpose %get3A_329, [1, 0] : vector<64x64xf32> -> vector<64x64xf32>
    %dot_general3A_507 = arith.constant dense<0.000000e+00> : vector<1x64xf32>
    %dot_general3A_508 = tpu.matmul %slice3A_505, %transpose3A_506, %dot_general3A_507 {dimension_numbers = #tpu.dot_dimension_numbers<[1], [0], [0], [1], [0, 0, 1, 1], [], []>, transpose_lhs_hint = false} : vector<1x64xf32>, vector<64x64xf32>, vector<1x64xf32> -> vector<1x64xf32>
    %mul3A_509 = arith.constant 1.250000e-01 : f32
    %mul3A_510 = vector.broadcast %mul3A_509 : f32 to vector<1x64xf32>
    %mul3A_511 = arith.mulf %dot_general3A_508, %mul3A_510 : vector<1x64xf32>
    %reduce_max3A_512 = arith.constant dense<0xFF800000> : vector<1xf32>
    %reduce_max3A_513 = vector.multi_reduction <maximumf>, %mul3A_511, %reduce_max3A_512 [1] : vector<1x64xf32> to vector<1xf32>
    %broadcast_in_dim3A_514 = vector.shape_cast %reduce_max3A_513 : vector<1xf32> to vector<1x1xf32>
    %sub3A_515 = vector.broadcast %broadcast_in_dim3A_514 : vector<1x1xf32> to vector<1x64xf32>
    %sub3A_516 = arith.subf %mul3A_511, %sub3A_515 : vector<1x64xf32>
    %exp3A_517 = math.exp %sub3A_516 : vector<1x64xf32>
    %reduce_sum3A_518 = arith.constant dense<0.000000e+00> : vector<1xf32>
    %reduce_sum3A_519 = vector.multi_reduction <add>, %exp3A_517, %reduce_sum3A_518 [1] : vector<1x64xf32> to vector<1xf32>
    %broadcast_in_dim3A_520 = vector.shape_cast %reduce_sum3A_519 : vector<1xf32> to vector<1x1xf32>
    %div3A_521 = vector.broadcast %broadcast_in_dim3A_520 : vector<1x1xf32> to vector<1x64xf32>
    %div3A_522 = arith.divf %exp3A_517, %div3A_521 : vector<1x64xf32>
    %dot_general3A_523 = arith.constant dense<0.000000e+00> : vector<1x64xf32>
    %dot_general3A_524 = tpu.matmul %div3A_522, %get3A_334, %dot_general3A_523 {dimension_numbers = #tpu.dot_dimension_numbers<[1], [0], [0], [1], [0, 0, 1, 1], [], []>, transpose_lhs_hint = false} : vector<1x64xf32>, vector<64x64xf32>, vector<1x64xf32> -> vector<1x64xf32>
    %get3A_525 = arith.constant 1 : index
    %get3A_526 = arith.constant 7 : index
    %get3A_527 = arith.constant 320 : index
    %get3A_528 = vector.load %arg7[%get3A_525, %get3A_526, %get3A_527] : memref<2x8x512xf32, #tpu.memory_space<vmem>>, vector<1x1x64xf32>
    %get3A_529 = vector.shape_cast %get3A_528 : vector<1x1x64xf32> to vector<1x64xf32>
    %mul3A_530 = vector.broadcast %add3A_319 : f32 to vector<1x64xf32>
    %mul3A_531 = arith.mulf %mul3A_530, %dot_general3A_524 : vector<1x64xf32>
    %add3A_532 = arith.addf %get3A_529, %mul3A_531 : vector<1x64xf32>
    %swap3A_533 = arith.constant 1 : index
    %swap3A_534 = arith.constant 7 : index
    %swap3A_535 = arith.constant 320 : index
    %swap3A_536 = vector.load %arg7[%swap3A_533, %swap3A_534, %swap3A_535] : memref<2x8x512xf32, #tpu.memory_space<vmem>>, vector<1x1x64xf32>
    %swap3A_537 = vector.shape_cast %swap3A_536 : vector<1x1x64xf32> to vector<1x64xf32>
    %swap3A_538 = vector.shape_cast %add3A_532 : vector<1x64xf32> to vector<1x1x64xf32>
    tpu.vector_store %arg7[%swap3A_533, %swap3A_534, %swap3A_535], %swap3A_538 {strides = array<i32>} : memref<2x8x512xf32, #tpu.memory_space<vmem>>, vector<1x1x64xf32>,
    %slice3A_539 = vector.extract_strided_slice %get3A_324 {offsets = [0, 384], sizes = [1, 64], strides = [1, 1]} : vector<1x512xf32> to vector<1x64xf32>
    %transpose3A_540 = tpu.transpose %get3A_329, [1, 0] : vector<64x64xf32> -> vector<64x64xf32>
    %dot_general3A_541 = arith.constant dense<0.000000e+00> : vector<1x64xf32>
    %dot_general3A_542 = tpu.matmul %slice3A_539, %transpose3A_540, %dot_general3A_541 {dimension_numbers = #tpu.dot_dimension_numbers<[1], [0], [0], [1], [0, 0, 1, 1], [], []>, transpose_lhs_hint = false} : vector<1x64xf32>, vector<64x64xf32>, vector<1x64xf32> -> vector<1x64xf32>
    %mul3A_543 = arith.constant 1.250000e-01 : f32
    %mul3A_544 = vector.broadcast %mul3A_543 : f32 to vector<1x64xf32>
    %mul3A_545 = arith.mulf %dot_general3A_542, %mul3A_544 : vector<1x64xf32>
    %reduce_max3A_546 = arith.constant dense<0xFF800000> : vector<1xf32>
    %reduce_max3A_547 = vector.multi_reduction <maximumf>, %mul3A_545, %reduce_max3A_546 [1] : vector<1x64xf32> to vector<1xf32>
    %broadcast_in_dim3A_548 = vector.shape_cast %reduce_max3A_547 : vector<1xf32> to vector<1x1xf32>
    %sub3A_549 = vector.broadcast %broadcast_in_dim3A_548 : vector<1x1xf32> to vector<1x64xf32>
    %sub3A_550 = arith.subf %mul3A_545, %sub3A_549 : vector<1x64xf32>
    %exp3A_551 = math.exp %sub3A_550 : vector<1x64xf32>
    %reduce_sum3A_552 = arith.constant dense<0.000000e+00> : vector<1xf32>
    %reduce_sum3A_553 = vector.multi_reduction <add>, %exp3A_551, %reduce_sum3A_552 [1] : vector<1x64xf32> to vector<1xf32>
    %broadcast_in_dim3A_554 = vector.shape_cast %reduce_sum3A_553 : vector<1xf32> to vector<1x1xf32>
    %div3A_555 = vector.broadcast %broadcast_in_dim3A_554 : vector<1x1xf32> to vector<1x64xf32>
    %div3A_556 = arith.divf %exp3A_551, %div3A_555 : vector<1x64xf32>
    %dot_general3A_557 = arith.constant dense<0.000000e+00> : vector<1x64xf32>
    %dot_general3A_558 = tpu.matmul %div3A_556, %get3A_334, %dot_general3A_557 {dimension_numbers = #tpu.dot_dimension_numbers<[1], [0], [0], [1], [0, 0, 1, 1], [], []>, transpose_lhs_hint = false} : vector<1x64xf32>, vector<64x64xf32>, vector<1x64xf32> -> vector<1x64xf32>
    %get3A_559 = arith.constant 1 : index
    %get3A_560 = arith.constant 7 : index
    %get3A_561 = arith.constant 384 : index
    %get3A_562 = vector.load %arg7[%get3A_559, %get3A_560, %get3A_561] : memref<2x8x512xf32, #tpu.memory_space<vmem>>, vector<1x1x64xf32>
    %get3A_563 = vector.shape_cast %get3A_562 : vector<1x1x64xf32> to vector<1x64xf32>
    %mul3A_564 = vector.broadcast %add3A_319 : f32 to vector<1x64xf32>
    %mul3A_565 = arith.mulf %mul3A_564, %dot_general3A_558 : vector<1x64xf32>
    %add3A_566 = arith.addf %get3A_563, %mul3A_565 : vector<1x64xf32>
    %swap3A_567 = arith.constant 1 : index
    %swap3A_568 = arith.constant 7 : index
    %swap3A_569 = arith.constant 384 : index
    %swap3A_570 = vector.load %arg7[%swap3A_567, %swap3A_568, %swap3A_569] : memref<2x8x512xf32, #tpu.memory_space<vmem>>, vector<1x1x64xf32>
    %swap3A_571 = vector.shape_cast %swap3A_570 : vector<1x1x64xf32> to vector<1x64xf32>
    %swap3A_572 = vector.shape_cast %add3A_566 : vector<1x64xf32> to vector<1x1x64xf32>
    tpu.vector_store %arg7[%swap3A_567, %swap3A_568, %swap3A_569], %swap3A_572 {strides = array<i32>} : memref<2x8x512xf32, #tpu.memory_space<vmem>>, vector<1x1x64xf32>,
    %slice3A_573 = vector.extract_strided_slice %get3A_324 {offsets = [0, 448], sizes = [1, 64], strides = [1, 1]} : vector<1x512xf32> to vector<1x64xf32>
    %transpose3A_574 = tpu.transpose %get3A_329, [1, 0] : vector<64x64xf32> -> vector<64x64xf32>
    %dot_general3A_575 = arith.constant dense<0.000000e+00> : vector<1x64xf32>
    %dot_general3A_576 = tpu.matmul %slice3A_573, %transpose3A_574, %dot_general3A_575 {dimension_numbers = #tpu.dot_dimension_numbers<[1], [0], [0], [1], [0, 0, 1, 1], [], []>, transpose_lhs_hint = false} : vector<1x64xf32>, vector<64x64xf32>, vector<1x64xf32> -> vector<1x64xf32>
    %mul3A_577 = arith.constant 1.250000e-01 : f32
    %mul3A_578 = vector.broadcast %mul3A_577 : f32 to vector<1x64xf32>
    %mul3A_579 = arith.mulf %dot_general3A_576, %mul3A_578 : vector<1x64xf32>
    %reduce_max3A_580 = arith.constant dense<0xFF800000> : vector<1xf32>
    %reduce_max3A_581 = vector.multi_reduction <maximumf>, %mul3A_579, %reduce_max3A_580 [1] : vector<1x64xf32> to vector<1xf32>
    %broadcast_in_dim3A_582 = vector.shape_cast %reduce_max3A_581 : vector<1xf32> to vector<1x1xf32>
    %sub3A_583 = vector.broadcast %broadcast_in_dim3A_582 : vector<1x1xf32> to vector<1x64xf32>
    %sub3A_584 = arith.subf %mul3A_579, %sub3A_583 : vector<1x64xf32>
    %exp3A_585 = math.exp %sub3A_584 : vector<1x64xf32>
    %reduce_sum3A_586 = arith.constant dense<0.000000e+00> : vector<1xf32>
    %reduce_sum3A_587 = vector.multi_reduction <add>, %exp3A_585, %reduce_sum3A_586 [1] : vector<1x64xf32> to vector<1xf32>
    %broadcast_in_dim3A_588 = vector.shape_cast %reduce_sum3A_587 : vector<1xf32> to vector<1x1xf32>
    %div3A_589 = vector.broadcast %broadcast_in_dim3A_588 : vector<1x1xf32> to vector<1x64xf32>
    %div3A_590 = arith.divf %exp3A_585, %div3A_589 : vector<1x64xf32>
    %dot_general3A_591 = arith.constant dense<0.000000e+00> : vector<1x64xf32>
    %dot_general3A_592 = tpu.matmul %div3A_590, %get3A_334, %dot_general3A_591 {dimension_numbers = #tpu.dot_dimension_numbers<[1], [0], [0], [1], [0, 0, 1, 1], [], []>, transpose_lhs_hint = false} : vector<1x64xf32>, vector<64x64xf32>, vector<1x64xf32> -> vector<1x64xf32>
    %get3A_593 = arith.constant 1 : index
    %get3A_594 = arith.constant 7 : index
    %get3A_595 = arith.constant 448 : index
    %get3A_596 = vector.load %arg7[%get3A_593, %get3A_594, %get3A_595] : memref<2x8x512xf32, #tpu.memory_space<vmem>>, vector<1x1x64xf32>
    %get3A_597 = vector.shape_cast %get3A_596 : vector<1x1x64xf32> to vector<1x64xf32>
    %mul3A_598 = vector.broadcast %add3A_319 : f32 to vector<1x64xf32>
    %mul3A_599 = arith.mulf %mul3A_598, %dot_general3A_592 : vector<1x64xf32>
    %add3A_600 = arith.addf %get3A_597, %mul3A_599 : vector<1x64xf32>
    %swap3A_601 = arith.constant 1 : index
    %swap3A_602 = arith.constant 7 : index
    %swap3A_603 = arith.constant 448 : index
    %swap3A_604 = vector.load %arg7[%swap3A_601, %swap3A_602, %swap3A_603] : memref<2x8x512xf32, #tpu.memory_space<vmem>>, vector<1x1x64xf32>
    %swap3A_605 = vector.shape_cast %swap3A_604 : vector<1x1x64xf32> to vector<1x64xf32>
    %swap3A_606 = vector.shape_cast %add3A_600 : vector<1x64xf32> to vector<1x1x64xf32>
    tpu.vector_store %arg7[%swap3A_601, %swap3A_602, %swap3A_603], %swap3A_606 {strides = array<i32>} : memref<2x8x512xf32, #tpu.memory_space<vmem>>, vector<1x1x64xf32>,
    return
  }
  func.func @transform_0(%arg0: i32) -> (i32, i32, i32) {
    %c0_i32 = arith.constant 0 : i32
    %c1_i32 = arith.constant 1 : i32
    %c0_i32_0 = arith.constant 0 : i32
    %c0_i32_1 = arith.constant 0 : i32
    return %c0_i32, %c1_i32, %c0_i32_0 : i32, i32, i32
  }
  func.func @transform_1(%arg0: i32) -> (i32, i32, i32) {
    %c0_i32 = arith.constant 0 : i32
    %c0_i32_0 = arith.constant 0 : i32
    %c0_i32_1 = arith.constant 0 : i32
    %c0_i32_2 = arith.constant 0 : i32
    return %c0_i32, %c0_i32_0, %c0_i32_1 : i32, i32, i32
  }
  func.func @transform_2(%arg0: i32) -> (i32, i32, i32) {
    %c0_i32 = arith.constant 0 : i32
    %c1_i32 = arith.constant 1 : i32
    %c0_i32_0 = arith.constant 0 : i32
    %c0_i32_1 = arith.constant 0 : i32
    return %c0_i32, %c1_i32, %c0_i32_0 : i32, i32, i32
  }
  func.func @transform_3(%arg0: i32) -> (i32, i32) {
    %c0_i32 = arith.constant 0 : i32
    %c0_i32_0 = arith.constant 0 : i32
    %c0_i32_1 = arith.constant 0 : i32
    return %c0_i32, %c0_i32_0 : i32, i32
  }
  func.func @transform_4(%arg0: i32) -> (i32, i32) {
    %c0_i32 = arith.constant 0 : i32
    %c0_i32_0 = arith.constant 0 : i32
    %c0_i32_1 = arith.constant 0 : i32
    return %c0_i32, %c0_i32_0 : i32, i32
  }
  func.func @transform_5(%arg0: i32) -> (i32, i32, i32) {
    %c0_i32 = arith.constant 0 : i32
    %c0_i32_0 = arith.constant 0 : i32
    %c0_i32_1 = arith.constant 0 : i32
    %c0_i32_2 = arith.constant 0 : i32
    return %c0_i32, %c0_i32_0, %c0_i32_1 : i32, i32, i32
  }
  func.func @transform_6(%arg0: i32) -> (i32, i32, i32) {
    %c0_i32 = arith.constant 0 : i32
    %c1_i32 = arith.constant 1 : i32
    %c0_i32_0 = arith.constant 0 : i32
    %c0_i32_1 = arith.constant 0 : i32
    return %c0_i32, %c1_i32, %c0_i32_0 : i32, i32, i32
  }
}

module attributes {stable_mosaic.version = 14 : i64} {
  func.func @_stage_ab(%arg0: i32, %arg1: memref<1x512x512xf32, #tpu.memory_space<vmem>>, %arg2: memref<1536x512xf32, #tpu.memory_space<vmem>>, %arg3: memref<1x1536xf32, #tpu.memory_space<vmem>>, %arg4: memref<1x32xf32, #tpu.memory_space<vmem>>, %arg5: memref<1x1xf32, #tpu.memory_space<vmem>>, %arg6: memref<1x32xf32, #tpu.memory_space<vmem>>, %arg7: memref<1x1xf32, #tpu.memory_space<vmem>>, %arg8: memref<3x512xf32, #tpu.memory_space<vmem>>, %arg9: memref<1x3xf32, #tpu.memory_space<vmem>>, %arg10: memref<1x512x512xf32, #tpu.memory_space<vmem>>, %arg11: memref<4096x128xf32, #tpu.memory_space<vmem>>, %arg12: memref<1x8x16xf32, #tpu.memory_space<vmem>>, %arg13: memref<1x8x512xf32, #tpu.memory_space<vmem>>) attributes {dimension_semantics = [#tpu.dimension_semantics<parallel>], iteration_bounds = array<i64: 2>, scalar_prefetch = 0 : i64, scratch_operands = 0 : i64, tpu.core_type = #tpu.core_type<tc>, window_params = [{transform_indices = @transform_0, window_bounds = array<i64: 1, 512, 512>}, {pipeline_mode = #tpu.pipeline_mode<synchronous>, transform_indices = @transform_1, window_bounds = array<i64: 1536, 512>}, {pipeline_mode = #tpu.pipeline_mode<synchronous>, transform_indices = @transform_2, window_bounds = array<i64: 1, 1536>}, {pipeline_mode = #tpu.pipeline_mode<synchronous>, transform_indices = @transform_3, window_bounds = array<i64: 1, 32>}, {pipeline_mode = #tpu.pipeline_mode<synchronous>, transform_indices = @transform_4, window_bounds = array<i64: 1, 1>}, {pipeline_mode = #tpu.pipeline_mode<synchronous>, transform_indices = @transform_5, window_bounds = array<i64: 1, 32>}, {pipeline_mode = #tpu.pipeline_mode<synchronous>, transform_indices = @transform_6, window_bounds = array<i64: 1, 1>}, {pipeline_mode = #tpu.pipeline_mode<synchronous>, transform_indices = @transform_7, window_bounds = array<i64: 3, 512>}, {pipeline_mode = #tpu.pipeline_mode<synchronous>, transform_indices = @transform_8, window_bounds = array<i64: 1, 3>}, {transform_indices = @transform_9, window_bounds = array<i64: 1, 512, 512>}, {transform_indices = @transform_10, window_bounds = array<i64: 4096, 128>}, {transform_indices = @transform_11, window_bounds = array<i64: 1, 8, 16>}, {transform_indices = @transform_12, window_bounds = array<i64: 1, 8, 512>}]} {
    %get3A = arith.constant 0 : index
    %get3A_0 = arith.constant 0 : index
    %get3A_1 = arith.constant 0 : index
    %get3A_2 = vector.load %arg1[%get3A, %get3A_0, %get3A_1] : memref<1x512x512xf32, #tpu.memory_space<vmem>>, vector<1x512x512xf32>
    %get3A_3 = vector.shape_cast %get3A_2 : vector<1x512x512xf32> to vector<512x512xf32>
    %get3A_4 = arith.constant 0 : index
    %get3A_5 = arith.constant 0 : index
    %get3A_6 = vector.load %arg2[%get3A_4, %get3A_5] : memref<1536x512xf32, #tpu.memory_space<vmem>>, vector<1536x512xf32>
    %transpose3A = tpu.transpose %get3A_6, [1, 0] : vector<1536x512xf32> -> vector<512x1536xf32>
    %dot_general3A = arith.constant dense<0.000000e+00> : vector<512x1536xf32>
    %dot_general3A_7 = tpu.matmul %get3A_3, %transpose3A, %dot_general3A {dimension_numbers = #tpu.dot_dimension_numbers<[1], [0], [0], [1], [0, 0, 1, 1], [], []>, transpose_lhs_hint = false} : vector<512x512xf32>, vector<512x1536xf32>, vector<512x1536xf32> -> vector<512x1536xf32>
    %get3A_8 = arith.constant 0 : index
    %get3A_9 = arith.constant 0 : index
    %get3A_10 = vector.load %arg3[%get3A_8, %get3A_9] : memref<1x1536xf32, #tpu.memory_space<vmem>>, vector<1x1536xf32>
    %add3A = vector.broadcast %get3A_10 : vector<1x1536xf32> to vector<512x1536xf32>
    %add3A_11 = arith.addf %dot_general3A_7, %add3A : vector<512x1536xf32>
    %slice3A = vector.extract_strided_slice %add3A_11 {offsets = [0, 0], sizes = [512, 512], strides = [1, 1]} : vector<512x1536xf32> to vector<512x512xf32>
    %slice3A_12 = vector.extract_strided_slice %add3A_11 {offsets = [0, 512], sizes = [512, 512], strides = [1, 1]} : vector<512x1536xf32> to vector<512x512xf32>
    %slice3A_13 = vector.extract_strided_slice %add3A_11 {offsets = [0, 1024], sizes = [512, 512], strides = [1, 1]} : vector<512x1536xf32> to vector<512x512xf32>
    %get3A_14 = arith.constant 0 : index
    %get3A_15 = arith.constant 0 : index
    %get3A_16 = vector.load %arg8[%get3A_14, %get3A_15] : memref<3x512xf32, #tpu.memory_space<vmem>>, vector<3x512xf32>
    %transpose3A_17 = tpu.transpose %get3A_16, [1, 0] : vector<3x512xf32> -> vector<512x3xf32>
    %dot_general3A_18 = arith.constant dense<0.000000e+00> : vector<512x3xf32>
    %dot_general3A_19 = tpu.matmul %get3A_3, %transpose3A_17, %dot_general3A_18 {dimension_numbers = #tpu.dot_dimension_numbers<[1], [0], [0], [1], [0, 0, 1, 1], [], []>, transpose_lhs_hint = false} : vector<512x512xf32>, vector<512x3xf32>, vector<512x3xf32> -> vector<512x3xf32>
    %get3A_20 = arith.constant 0 : index
    %get3A_21 = arith.constant 0 : index
    %get3A_22 = vector.load %arg9[%get3A_20, %get3A_21] : memref<1x3xf32, #tpu.memory_space<vmem>>, vector<1x3xf32>
    %add3A_23 = vector.broadcast %get3A_22 : vector<1x3xf32> to vector<512x3xf32>
    %add3A_24 = arith.addf %dot_general3A_19, %add3A_23 : vector<512x3xf32>
    %slice3A_25 = vector.extract_strided_slice %add3A_24 {offsets = [0, 0], sizes = [512, 1], strides = [1, 1]} : vector<512x3xf32> to vector<512x1xf32>
    %slice3A_26 = vector.extract_strided_slice %add3A_24 {offsets = [0, 2], sizes = [512, 1], strides = [1, 1]} : vector<512x3xf32> to vector<512x1xf32>
    %iota3A = tpu.iota {dimensions = array<i32: 0>} : vector<31x512xi32>
    %iota3A_27 = tpu.iota {dimensions = array<i32: 1>} : vector<31x512xi32>
    %mul3A = arith.constant 16 : i32
    %mul3A_28 = vector.broadcast %mul3A : i32 to vector<31x512xi32>
    %mul3A_29 = arith.muli %iota3A, %mul3A_28 : vector<31x512xi32>
    %sub3A = arith.subi %iota3A_27, %mul3A_29 : vector<31x512xi32>
    %broadcast_in_dim3A = arith.constant 0.000000e+00 : f32
    %broadcast_in_dim3A_30 = vector.broadcast %broadcast_in_dim3A : f32 to vector<31x512xf32>
    %broadcast_in_dim3A_31 = arith.constant 0.000000e+00 : f32
    %broadcast_in_dim3A_32 = vector.broadcast %broadcast_in_dim3A_31 : f32 to vector<31x512xf32>
    %eq3A = arith.constant 0 : i32
    %eq3A_33 = vector.broadcast %eq3A : i32 to vector<31x512xi32>
    %eq3A_34 = arith.cmpi eq, %sub3A, %eq3A_33 : vector<31x512xi32>
    %convert_element_type3A = arith.extui %eq3A_34 : vector<31x512xi1> to vector<31x512xi32>
    %convert_element_type3A_35 = arith.sitofp %convert_element_type3A : vector<31x512xi32> to vector<31x512xf32>
    %get3A_36 = arith.constant 0 : index
    %get3A_37 = arith.constant 0 : index
    %get3A_38 = vector.load %arg4[%get3A_36, %get3A_37] : memref<1x32xf32, #tpu.memory_space<vmem>>, vector<1x1xf32>
    %get3A_39 = vector.extract %get3A_38[0, 0] : f32 from vector<1x1xf32>
    %mul3A_40 = vector.broadcast %get3A_39 : f32 to vector<31x512xf32>
    %mul3A_41 = arith.mulf %convert_element_type3A_35, %mul3A_40 : vector<31x512xf32>
    %add3A_42 = arith.addf %broadcast_in_dim3A_30, %mul3A_41 : vector<31x512xf32>
    %get3A_43 = arith.constant 0 : index
    %get3A_44 = arith.constant 0 : index
    %get3A_45 = vector.load %arg6[%get3A_43, %get3A_44] : memref<1x32xf32, #tpu.memory_space<vmem>>, vector<1x1xf32>
    %get3A_46 = vector.extract %get3A_45[0, 0] : f32 from vector<1x1xf32>
    %mul3A_47 = vector.broadcast %get3A_46 : f32 to vector<31x512xf32>
    %mul3A_48 = arith.mulf %convert_element_type3A_35, %mul3A_47 : vector<31x512xf32>
    %add3A_49 = arith.addf %broadcast_in_dim3A_32, %mul3A_48 : vector<31x512xf32>
    %eq3A_50 = arith.constant 1 : i32
    %eq3A_51 = vector.broadcast %eq3A_50 : i32 to vector<31x512xi32>
    %eq3A_52 = arith.cmpi eq, %sub3A, %eq3A_51 : vector<31x512xi32>
    %convert_element_type3A_53 = arith.extui %eq3A_52 : vector<31x512xi1> to vector<31x512xi32>
    %convert_element_type3A_54 = arith.sitofp %convert_element_type3A_53 : vector<31x512xi32> to vector<31x512xf32>
    %get3A_55 = arith.constant 0 : index
    %get3A_56 = arith.constant 1 : index
    %get3A_57 = vector.load %arg4[%get3A_55, %get3A_56] : memref<1x32xf32, #tpu.memory_space<vmem>>, vector<1x1xf32>
    %get3A_58 = vector.extract %get3A_57[0, 0] : f32 from vector<1x1xf32>
    %mul3A_59 = vector.broadcast %get3A_58 : f32 to vector<31x512xf32>
    %mul3A_60 = arith.mulf %convert_element_type3A_54, %mul3A_59 : vector<31x512xf32>
    %add3A_61 = arith.addf %add3A_42, %mul3A_60 : vector<31x512xf32>
    %get3A_62 = arith.constant 0 : index
    %get3A_63 = arith.constant 1 : index
    %get3A_64 = vector.load %arg6[%get3A_62, %get3A_63] : memref<1x32xf32, #tpu.memory_space<vmem>>, vector<1x1xf32>
    %get3A_65 = vector.extract %get3A_64[0, 0] : f32 from vector<1x1xf32>
    %mul3A_66 = vector.broadcast %get3A_65 : f32 to vector<31x512xf32>
    %mul3A_67 = arith.mulf %convert_element_type3A_54, %mul3A_66 : vector<31x512xf32>
    %add3A_68 = arith.addf %add3A_49, %mul3A_67 : vector<31x512xf32>
    %eq3A_69 = arith.constant 2 : i32
    %eq3A_70 = vector.broadcast %eq3A_69 : i32 to vector<31x512xi32>
    %eq3A_71 = arith.cmpi eq, %sub3A, %eq3A_70 : vector<31x512xi32>
    %convert_element_type3A_72 = arith.extui %eq3A_71 : vector<31x512xi1> to vector<31x512xi32>
    %convert_element_type3A_73 = arith.sitofp %convert_element_type3A_72 : vector<31x512xi32> to vector<31x512xf32>
    %get3A_74 = arith.constant 0 : index
    %get3A_75 = arith.constant 2 : index
    %get3A_76 = vector.load %arg4[%get3A_74, %get3A_75] : memref<1x32xf32, #tpu.memory_space<vmem>>, vector<1x1xf32>
    %get3A_77 = vector.extract %get3A_76[0, 0] : f32 from vector<1x1xf32>
    %mul3A_78 = vector.broadcast %get3A_77 : f32 to vector<31x512xf32>
    %mul3A_79 = arith.mulf %convert_element_type3A_73, %mul3A_78 : vector<31x512xf32>
    %add3A_80 = arith.addf %add3A_61, %mul3A_79 : vector<31x512xf32>
    %get3A_81 = arith.constant 0 : index
    %get3A_82 = arith.constant 2 : index
    %get3A_83 = vector.load %arg6[%get3A_81, %get3A_82] : memref<1x32xf32, #tpu.memory_space<vmem>>, vector<1x1xf32>
    %get3A_84 = vector.extract %get3A_83[0, 0] : f32 from vector<1x1xf32>
    %mul3A_85 = vector.broadcast %get3A_84 : f32 to vector<31x512xf32>
    %mul3A_86 = arith.mulf %convert_element_type3A_73, %mul3A_85 : vector<31x512xf32>
    %add3A_87 = arith.addf %add3A_68, %mul3A_86 : vector<31x512xf32>
    %eq3A_88 = arith.constant 3 : i32
    %eq3A_89 = vector.broadcast %eq3A_88 : i32 to vector<31x512xi32>
    %eq3A_90 = arith.cmpi eq, %sub3A, %eq3A_89 : vector<31x512xi32>
    %convert_element_type3A_91 = arith.extui %eq3A_90 : vector<31x512xi1> to vector<31x512xi32>
    %convert_element_type3A_92 = arith.sitofp %convert_element_type3A_91 : vector<31x512xi32> to vector<31x512xf32>
    %get3A_93 = arith.constant 0 : index
    %get3A_94 = arith.constant 3 : index
    %get3A_95 = vector.load %arg4[%get3A_93, %get3A_94] : memref<1x32xf32, #tpu.memory_space<vmem>>, vector<1x1xf32>
    %get3A_96 = vector.extract %get3A_95[0, 0] : f32 from vector<1x1xf32>
    %mul3A_97 = vector.broadcast %get3A_96 : f32 to vector<31x512xf32>
    %mul3A_98 = arith.mulf %convert_element_type3A_92, %mul3A_97 : vector<31x512xf32>
    %add3A_99 = arith.addf %add3A_80, %mul3A_98 : vector<31x512xf32>
    %get3A_100 = arith.constant 0 : index
    %get3A_101 = arith.constant 3 : index
    %get3A_102 = vector.load %arg6[%get3A_100, %get3A_101] : memref<1x32xf32, #tpu.memory_space<vmem>>, vector<1x1xf32>
    %get3A_103 = vector.extract %get3A_102[0, 0] : f32 from vector<1x1xf32>
    %mul3A_104 = vector.broadcast %get3A_103 : f32 to vector<31x512xf32>
    %mul3A_105 = arith.mulf %convert_element_type3A_92, %mul3A_104 : vector<31x512xf32>
    %add3A_106 = arith.addf %add3A_87, %mul3A_105 : vector<31x512xf32>
    %eq3A_107 = arith.constant 4 : i32
    %eq3A_108 = vector.broadcast %eq3A_107 : i32 to vector<31x512xi32>
    %eq3A_109 = arith.cmpi eq, %sub3A, %eq3A_108 : vector<31x512xi32>
    %convert_element_type3A_110 = arith.extui %eq3A_109 : vector<31x512xi1> to vector<31x512xi32>
    %convert_element_type3A_111 = arith.sitofp %convert_element_type3A_110 : vector<31x512xi32> to vector<31x512xf32>
    %get3A_112 = arith.constant 0 : index
    %get3A_113 = arith.constant 4 : index
    %get3A_114 = vector.load %arg4[%get3A_112, %get3A_113] : memref<1x32xf32, #tpu.memory_space<vmem>>, vector<1x1xf32>
    %get3A_115 = vector.extract %get3A_114[0, 0] : f32 from vector<1x1xf32>
    %mul3A_116 = vector.broadcast %get3A_115 : f32 to vector<31x512xf32>
    %mul3A_117 = arith.mulf %convert_element_type3A_111, %mul3A_116 : vector<31x512xf32>
    %add3A_118 = arith.addf %add3A_99, %mul3A_117 : vector<31x512xf32>
    %get3A_119 = arith.constant 0 : index
    %get3A_120 = arith.constant 4 : index
    %get3A_121 = vector.load %arg6[%get3A_119, %get3A_120] : memref<1x32xf32, #tpu.memory_space<vmem>>, vector<1x1xf32>
    %get3A_122 = vector.extract %get3A_121[0, 0] : f32 from vector<1x1xf32>
    %mul3A_123 = vector.broadcast %get3A_122 : f32 to vector<31x512xf32>
    %mul3A_124 = arith.mulf %convert_element_type3A_111, %mul3A_123 : vector<31x512xf32>
    %add3A_125 = arith.addf %add3A_106, %mul3A_124 : vector<31x512xf32>
    %eq3A_126 = arith.constant 5 : i32
    %eq3A_127 = vector.broadcast %eq3A_126 : i32 to vector<31x512xi32>
    %eq3A_128 = arith.cmpi eq, %sub3A, %eq3A_127 : vector<31x512xi32>
    %convert_element_type3A_129 = arith.extui %eq3A_128 : vector<31x512xi1> to vector<31x512xi32>
    %convert_element_type3A_130 = arith.sitofp %convert_element_type3A_129 : vector<31x512xi32> to vector<31x512xf32>
    %get3A_131 = arith.constant 0 : index
    %get3A_132 = arith.constant 5 : index
    %get3A_133 = vector.load %arg4[%get3A_131, %get3A_132] : memref<1x32xf32, #tpu.memory_space<vmem>>, vector<1x1xf32>
    %get3A_134 = vector.extract %get3A_133[0, 0] : f32 from vector<1x1xf32>
    %mul3A_135 = vector.broadcast %get3A_134 : f32 to vector<31x512xf32>
    %mul3A_136 = arith.mulf %convert_element_type3A_130, %mul3A_135 : vector<31x512xf32>
    %add3A_137 = arith.addf %add3A_118, %mul3A_136 : vector<31x512xf32>
    %get3A_138 = arith.constant 0 : index
    %get3A_139 = arith.constant 5 : index
    %get3A_140 = vector.load %arg6[%get3A_138, %get3A_139] : memref<1x32xf32, #tpu.memory_space<vmem>>, vector<1x1xf32>
    %get3A_141 = vector.extract %get3A_140[0, 0] : f32 from vector<1x1xf32>
    %mul3A_142 = vector.broadcast %get3A_141 : f32 to vector<31x512xf32>
    %mul3A_143 = arith.mulf %convert_element_type3A_130, %mul3A_142 : vector<31x512xf32>
    %add3A_144 = arith.addf %add3A_125, %mul3A_143 : vector<31x512xf32>
    %eq3A_145 = arith.constant 6 : i32
    %eq3A_146 = vector.broadcast %eq3A_145 : i32 to vector<31x512xi32>
    %eq3A_147 = arith.cmpi eq, %sub3A, %eq3A_146 : vector<31x512xi32>
    %convert_element_type3A_148 = arith.extui %eq3A_147 : vector<31x512xi1> to vector<31x512xi32>
    %convert_element_type3A_149 = arith.sitofp %convert_element_type3A_148 : vector<31x512xi32> to vector<31x512xf32>
    %get3A_150 = arith.constant 0 : index
    %get3A_151 = arith.constant 6 : index
    %get3A_152 = vector.load %arg4[%get3A_150, %get3A_151] : memref<1x32xf32, #tpu.memory_space<vmem>>, vector<1x1xf32>
    %get3A_153 = vector.extract %get3A_152[0, 0] : f32 from vector<1x1xf32>
    %mul3A_154 = vector.broadcast %get3A_153 : f32 to vector<31x512xf32>
    %mul3A_155 = arith.mulf %convert_element_type3A_149, %mul3A_154 : vector<31x512xf32>
    %add3A_156 = arith.addf %add3A_137, %mul3A_155 : vector<31x512xf32>
    %get3A_157 = arith.constant 0 : index
    %get3A_158 = arith.constant 6 : index
    %get3A_159 = vector.load %arg6[%get3A_157, %get3A_158] : memref<1x32xf32, #tpu.memory_space<vmem>>, vector<1x1xf32>
    %get3A_160 = vector.extract %get3A_159[0, 0] : f32 from vector<1x1xf32>
    %mul3A_161 = vector.broadcast %get3A_160 : f32 to vector<31x512xf32>
    %mul3A_162 = arith.mulf %convert_element_type3A_149, %mul3A_161 : vector<31x512xf32>
    %add3A_163 = arith.addf %add3A_144, %mul3A_162 : vector<31x512xf32>
    %eq3A_164 = arith.constant 7 : i32
    %eq3A_165 = vector.broadcast %eq3A_164 : i32 to vector<31x512xi32>
    %eq3A_166 = arith.cmpi eq, %sub3A, %eq3A_165 : vector<31x512xi32>
    %convert_element_type3A_167 = arith.extui %eq3A_166 : vector<31x512xi1> to vector<31x512xi32>
    %convert_element_type3A_168 = arith.sitofp %convert_element_type3A_167 : vector<31x512xi32> to vector<31x512xf32>
    %get3A_169 = arith.constant 0 : index
    %get3A_170 = arith.constant 7 : index
    %get3A_171 = vector.load %arg4[%get3A_169, %get3A_170] : memref<1x32xf32, #tpu.memory_space<vmem>>, vector<1x1xf32>
    %get3A_172 = vector.extract %get3A_171[0, 0] : f32 from vector<1x1xf32>
    %mul3A_173 = vector.broadcast %get3A_172 : f32 to vector<31x512xf32>
    %mul3A_174 = arith.mulf %convert_element_type3A_168, %mul3A_173 : vector<31x512xf32>
    %add3A_175 = arith.addf %add3A_156, %mul3A_174 : vector<31x512xf32>
    %get3A_176 = arith.constant 0 : index
    %get3A_177 = arith.constant 7 : index
    %get3A_178 = vector.load %arg6[%get3A_176, %get3A_177] : memref<1x32xf32, #tpu.memory_space<vmem>>, vector<1x1xf32>
    %get3A_179 = vector.extract %get3A_178[0, 0] : f32 from vector<1x1xf32>
    %mul3A_180 = vector.broadcast %get3A_179 : f32 to vector<31x512xf32>
    %mul3A_181 = arith.mulf %convert_element_type3A_168, %mul3A_180 : vector<31x512xf32>
    %add3A_182 = arith.addf %add3A_163, %mul3A_181 : vector<31x512xf32>
    %eq3A_183 = arith.constant 8 : i32
    %eq3A_184 = vector.broadcast %eq3A_183 : i32 to vector<31x512xi32>
    %eq3A_185 = arith.cmpi eq, %sub3A, %eq3A_184 : vector<31x512xi32>
    %convert_element_type3A_186 = arith.extui %eq3A_185 : vector<31x512xi1> to vector<31x512xi32>
    %convert_element_type3A_187 = arith.sitofp %convert_element_type3A_186 : vector<31x512xi32> to vector<31x512xf32>
    %get3A_188 = arith.constant 0 : index
    %get3A_189 = arith.constant 8 : index
    %get3A_190 = vector.load %arg4[%get3A_188, %get3A_189] : memref<1x32xf32, #tpu.memory_space<vmem>>, vector<1x1xf32>
    %get3A_191 = vector.extract %get3A_190[0, 0] : f32 from vector<1x1xf32>
    %mul3A_192 = vector.broadcast %get3A_191 : f32 to vector<31x512xf32>
    %mul3A_193 = arith.mulf %convert_element_type3A_187, %mul3A_192 : vector<31x512xf32>
    %add3A_194 = arith.addf %add3A_175, %mul3A_193 : vector<31x512xf32>
    %get3A_195 = arith.constant 0 : index
    %get3A_196 = arith.constant 8 : index
    %get3A_197 = vector.load %arg6[%get3A_195, %get3A_196] : memref<1x32xf32, #tpu.memory_space<vmem>>, vector<1x1xf32>
    %get3A_198 = vector.extract %get3A_197[0, 0] : f32 from vector<1x1xf32>
    %mul3A_199 = vector.broadcast %get3A_198 : f32 to vector<31x512xf32>
    %mul3A_200 = arith.mulf %convert_element_type3A_187, %mul3A_199 : vector<31x512xf32>
    %add3A_201 = arith.addf %add3A_182, %mul3A_200 : vector<31x512xf32>
    %eq3A_202 = arith.constant 9 : i32
    %eq3A_203 = vector.broadcast %eq3A_202 : i32 to vector<31x512xi32>
    %eq3A_204 = arith.cmpi eq, %sub3A, %eq3A_203 : vector<31x512xi32>
    %convert_element_type3A_205 = arith.extui %eq3A_204 : vector<31x512xi1> to vector<31x512xi32>
    %convert_element_type3A_206 = arith.sitofp %convert_element_type3A_205 : vector<31x512xi32> to vector<31x512xf32>
    %get3A_207 = arith.constant 0 : index
    %get3A_208 = arith.constant 9 : index
    %get3A_209 = vector.load %arg4[%get3A_207, %get3A_208] : memref<1x32xf32, #tpu.memory_space<vmem>>, vector<1x1xf32>
    %get3A_210 = vector.extract %get3A_209[0, 0] : f32 from vector<1x1xf32>
    %mul3A_211 = vector.broadcast %get3A_210 : f32 to vector<31x512xf32>
    %mul3A_212 = arith.mulf %convert_element_type3A_206, %mul3A_211 : vector<31x512xf32>
    %add3A_213 = arith.addf %add3A_194, %mul3A_212 : vector<31x512xf32>
    %get3A_214 = arith.constant 0 : index
    %get3A_215 = arith.constant 9 : index
    %get3A_216 = vector.load %arg6[%get3A_214, %get3A_215] : memref<1x32xf32, #tpu.memory_space<vmem>>, vector<1x1xf32>
    %get3A_217 = vector.extract %get3A_216[0, 0] : f32 from vector<1x1xf32>
    %mul3A_218 = vector.broadcast %get3A_217 : f32 to vector<31x512xf32>
    %mul3A_219 = arith.mulf %convert_element_type3A_206, %mul3A_218 : vector<31x512xf32>
    %add3A_220 = arith.addf %add3A_201, %mul3A_219 : vector<31x512xf32>
    %eq3A_221 = arith.constant 10 : i32
    %eq3A_222 = vector.broadcast %eq3A_221 : i32 to vector<31x512xi32>
    %eq3A_223 = arith.cmpi eq, %sub3A, %eq3A_222 : vector<31x512xi32>
    %convert_element_type3A_224 = arith.extui %eq3A_223 : vector<31x512xi1> to vector<31x512xi32>
    %convert_element_type3A_225 = arith.sitofp %convert_element_type3A_224 : vector<31x512xi32> to vector<31x512xf32>
    %get3A_226 = arith.constant 0 : index
    %get3A_227 = arith.constant 10 : index
    %get3A_228 = vector.load %arg4[%get3A_226, %get3A_227] : memref<1x32xf32, #tpu.memory_space<vmem>>, vector<1x1xf32>
    %get3A_229 = vector.extract %get3A_228[0, 0] : f32 from vector<1x1xf32>
    %mul3A_230 = vector.broadcast %get3A_229 : f32 to vector<31x512xf32>
    %mul3A_231 = arith.mulf %convert_element_type3A_225, %mul3A_230 : vector<31x512xf32>
    %add3A_232 = arith.addf %add3A_213, %mul3A_231 : vector<31x512xf32>
    %get3A_233 = arith.constant 0 : index
    %get3A_234 = arith.constant 10 : index
    %get3A_235 = vector.load %arg6[%get3A_233, %get3A_234] : memref<1x32xf32, #tpu.memory_space<vmem>>, vector<1x1xf32>
    %get3A_236 = vector.extract %get3A_235[0, 0] : f32 from vector<1x1xf32>
    %mul3A_237 = vector.broadcast %get3A_236 : f32 to vector<31x512xf32>
    %mul3A_238 = arith.mulf %convert_element_type3A_225, %mul3A_237 : vector<31x512xf32>
    %add3A_239 = arith.addf %add3A_220, %mul3A_238 : vector<31x512xf32>
    %eq3A_240 = arith.constant 11 : i32
    %eq3A_241 = vector.broadcast %eq3A_240 : i32 to vector<31x512xi32>
    %eq3A_242 = arith.cmpi eq, %sub3A, %eq3A_241 : vector<31x512xi32>
    %convert_element_type3A_243 = arith.extui %eq3A_242 : vector<31x512xi1> to vector<31x512xi32>
    %convert_element_type3A_244 = arith.sitofp %convert_element_type3A_243 : vector<31x512xi32> to vector<31x512xf32>
    %get3A_245 = arith.constant 0 : index
    %get3A_246 = arith.constant 11 : index
    %get3A_247 = vector.load %arg4[%get3A_245, %get3A_246] : memref<1x32xf32, #tpu.memory_space<vmem>>, vector<1x1xf32>
    %get3A_248 = vector.extract %get3A_247[0, 0] : f32 from vector<1x1xf32>
    %mul3A_249 = vector.broadcast %get3A_248 : f32 to vector<31x512xf32>
    %mul3A_250 = arith.mulf %convert_element_type3A_244, %mul3A_249 : vector<31x512xf32>
    %add3A_251 = arith.addf %add3A_232, %mul3A_250 : vector<31x512xf32>
    %get3A_252 = arith.constant 0 : index
    %get3A_253 = arith.constant 11 : index
    %get3A_254 = vector.load %arg6[%get3A_252, %get3A_253] : memref<1x32xf32, #tpu.memory_space<vmem>>, vector<1x1xf32>
    %get3A_255 = vector.extract %get3A_254[0, 0] : f32 from vector<1x1xf32>
    %mul3A_256 = vector.broadcast %get3A_255 : f32 to vector<31x512xf32>
    %mul3A_257 = arith.mulf %convert_element_type3A_244, %mul3A_256 : vector<31x512xf32>
    %add3A_258 = arith.addf %add3A_239, %mul3A_257 : vector<31x512xf32>
    %eq3A_259 = arith.constant 12 : i32
    %eq3A_260 = vector.broadcast %eq3A_259 : i32 to vector<31x512xi32>
    %eq3A_261 = arith.cmpi eq, %sub3A, %eq3A_260 : vector<31x512xi32>
    %convert_element_type3A_262 = arith.extui %eq3A_261 : vector<31x512xi1> to vector<31x512xi32>
    %convert_element_type3A_263 = arith.sitofp %convert_element_type3A_262 : vector<31x512xi32> to vector<31x512xf32>
    %get3A_264 = arith.constant 0 : index
    %get3A_265 = arith.constant 12 : index
    %get3A_266 = vector.load %arg4[%get3A_264, %get3A_265] : memref<1x32xf32, #tpu.memory_space<vmem>>, vector<1x1xf32>
    %get3A_267 = vector.extract %get3A_266[0, 0] : f32 from vector<1x1xf32>
    %mul3A_268 = vector.broadcast %get3A_267 : f32 to vector<31x512xf32>
    %mul3A_269 = arith.mulf %convert_element_type3A_263, %mul3A_268 : vector<31x512xf32>
    %add3A_270 = arith.addf %add3A_251, %mul3A_269 : vector<31x512xf32>
    %get3A_271 = arith.constant 0 : index
    %get3A_272 = arith.constant 12 : index
    %get3A_273 = vector.load %arg6[%get3A_271, %get3A_272] : memref<1x32xf32, #tpu.memory_space<vmem>>, vector<1x1xf32>
    %get3A_274 = vector.extract %get3A_273[0, 0] : f32 from vector<1x1xf32>
    %mul3A_275 = vector.broadcast %get3A_274 : f32 to vector<31x512xf32>
    %mul3A_276 = arith.mulf %convert_element_type3A_263, %mul3A_275 : vector<31x512xf32>
    %add3A_277 = arith.addf %add3A_258, %mul3A_276 : vector<31x512xf32>
    %eq3A_278 = arith.constant 13 : i32
    %eq3A_279 = vector.broadcast %eq3A_278 : i32 to vector<31x512xi32>
    %eq3A_280 = arith.cmpi eq, %sub3A, %eq3A_279 : vector<31x512xi32>
    %convert_element_type3A_281 = arith.extui %eq3A_280 : vector<31x512xi1> to vector<31x512xi32>
    %convert_element_type3A_282 = arith.sitofp %convert_element_type3A_281 : vector<31x512xi32> to vector<31x512xf32>
    %get3A_283 = arith.constant 0 : index
    %get3A_284 = arith.constant 13 : index
    %get3A_285 = vector.load %arg4[%get3A_283, %get3A_284] : memref<1x32xf32, #tpu.memory_space<vmem>>, vector<1x1xf32>
    %get3A_286 = vector.extract %get3A_285[0, 0] : f32 from vector<1x1xf32>
    %mul3A_287 = vector.broadcast %get3A_286 : f32 to vector<31x512xf32>
    %mul3A_288 = arith.mulf %convert_element_type3A_282, %mul3A_287 : vector<31x512xf32>
    %add3A_289 = arith.addf %add3A_270, %mul3A_288 : vector<31x512xf32>
    %get3A_290 = arith.constant 0 : index
    %get3A_291 = arith.constant 13 : index
    %get3A_292 = vector.load %arg6[%get3A_290, %get3A_291] : memref<1x32xf32, #tpu.memory_space<vmem>>, vector<1x1xf32>
    %get3A_293 = vector.extract %get3A_292[0, 0] : f32 from vector<1x1xf32>
    %mul3A_294 = vector.broadcast %get3A_293 : f32 to vector<31x512xf32>
    %mul3A_295 = arith.mulf %convert_element_type3A_282, %mul3A_294 : vector<31x512xf32>
    %add3A_296 = arith.addf %add3A_277, %mul3A_295 : vector<31x512xf32>
    %eq3A_297 = arith.constant 14 : i32
    %eq3A_298 = vector.broadcast %eq3A_297 : i32 to vector<31x512xi32>
    %eq3A_299 = arith.cmpi eq, %sub3A, %eq3A_298 : vector<31x512xi32>
    %convert_element_type3A_300 = arith.extui %eq3A_299 : vector<31x512xi1> to vector<31x512xi32>
    %convert_element_type3A_301 = arith.sitofp %convert_element_type3A_300 : vector<31x512xi32> to vector<31x512xf32>
    %get3A_302 = arith.constant 0 : index
    %get3A_303 = arith.constant 14 : index
    %get3A_304 = vector.load %arg4[%get3A_302, %get3A_303] : memref<1x32xf32, #tpu.memory_space<vmem>>, vector<1x1xf32>
    %get3A_305 = vector.extract %get3A_304[0, 0] : f32 from vector<1x1xf32>
    %mul3A_306 = vector.broadcast %get3A_305 : f32 to vector<31x512xf32>
    %mul3A_307 = arith.mulf %convert_element_type3A_301, %mul3A_306 : vector<31x512xf32>
    %add3A_308 = arith.addf %add3A_289, %mul3A_307 : vector<31x512xf32>
    %get3A_309 = arith.constant 0 : index
    %get3A_310 = arith.constant 14 : index
    %get3A_311 = vector.load %arg6[%get3A_309, %get3A_310] : memref<1x32xf32, #tpu.memory_space<vmem>>, vector<1x1xf32>
    %get3A_312 = vector.extract %get3A_311[0, 0] : f32 from vector<1x1xf32>
    %mul3A_313 = vector.broadcast %get3A_312 : f32 to vector<31x512xf32>
    %mul3A_314 = arith.mulf %convert_element_type3A_301, %mul3A_313 : vector<31x512xf32>
    %add3A_315 = arith.addf %add3A_296, %mul3A_314 : vector<31x512xf32>
    %eq3A_316 = arith.constant 15 : i32
    %eq3A_317 = vector.broadcast %eq3A_316 : i32 to vector<31x512xi32>
    %eq3A_318 = arith.cmpi eq, %sub3A, %eq3A_317 : vector<31x512xi32>
    %convert_element_type3A_319 = arith.extui %eq3A_318 : vector<31x512xi1> to vector<31x512xi32>
    %convert_element_type3A_320 = arith.sitofp %convert_element_type3A_319 : vector<31x512xi32> to vector<31x512xf32>
    %get3A_321 = arith.constant 0 : index
    %get3A_322 = arith.constant 15 : index
    %get3A_323 = vector.load %arg4[%get3A_321, %get3A_322] : memref<1x32xf32, #tpu.memory_space<vmem>>, vector<1x1xf32>
    %get3A_324 = vector.extract %get3A_323[0, 0] : f32 from vector<1x1xf32>
    %mul3A_325 = vector.broadcast %get3A_324 : f32 to vector<31x512xf32>
    %mul3A_326 = arith.mulf %convert_element_type3A_320, %mul3A_325 : vector<31x512xf32>
    %add3A_327 = arith.addf %add3A_308, %mul3A_326 : vector<31x512xf32>
    %get3A_328 = arith.constant 0 : index
    %get3A_329 = arith.constant 15 : index
    %get3A_330 = vector.load %arg6[%get3A_328, %get3A_329] : memref<1x32xf32, #tpu.memory_space<vmem>>, vector<1x1xf32>
    %get3A_331 = vector.extract %get3A_330[0, 0] : f32 from vector<1x1xf32>
    %mul3A_332 = vector.broadcast %get3A_331 : f32 to vector<31x512xf32>
    %mul3A_333 = arith.mulf %convert_element_type3A_320, %mul3A_332 : vector<31x512xf32>
    %add3A_334 = arith.addf %add3A_315, %mul3A_333 : vector<31x512xf32>
    %eq3A_335 = arith.constant 16 : i32
    %eq3A_336 = vector.broadcast %eq3A_335 : i32 to vector<31x512xi32>
    %eq3A_337 = arith.cmpi eq, %sub3A, %eq3A_336 : vector<31x512xi32>
    %convert_element_type3A_338 = arith.extui %eq3A_337 : vector<31x512xi1> to vector<31x512xi32>
    %convert_element_type3A_339 = arith.sitofp %convert_element_type3A_338 : vector<31x512xi32> to vector<31x512xf32>
    %get3A_340 = arith.constant 0 : index
    %get3A_341 = arith.constant 16 : index
    %get3A_342 = vector.load %arg4[%get3A_340, %get3A_341] : memref<1x32xf32, #tpu.memory_space<vmem>>, vector<1x1xf32>
    %get3A_343 = vector.extract %get3A_342[0, 0] : f32 from vector<1x1xf32>
    %mul3A_344 = vector.broadcast %get3A_343 : f32 to vector<31x512xf32>
    %mul3A_345 = arith.mulf %convert_element_type3A_339, %mul3A_344 : vector<31x512xf32>
    %add3A_346 = arith.addf %add3A_327, %mul3A_345 : vector<31x512xf32>
    %get3A_347 = arith.constant 0 : index
    %get3A_348 = arith.constant 16 : index
    %get3A_349 = vector.load %arg6[%get3A_347, %get3A_348] : memref<1x32xf32, #tpu.memory_space<vmem>>, vector<1x1xf32>
    %get3A_350 = vector.extract %get3A_349[0, 0] : f32 from vector<1x1xf32>
    %mul3A_351 = vector.broadcast %get3A_350 : f32 to vector<31x512xf32>
    %mul3A_352 = arith.mulf %convert_element_type3A_339, %mul3A_351 : vector<31x512xf32>
    %add3A_353 = arith.addf %add3A_334, %mul3A_352 : vector<31x512xf32>
    %eq3A_354 = arith.constant 17 : i32
    %eq3A_355 = vector.broadcast %eq3A_354 : i32 to vector<31x512xi32>
    %eq3A_356 = arith.cmpi eq, %sub3A, %eq3A_355 : vector<31x512xi32>
    %convert_element_type3A_357 = arith.extui %eq3A_356 : vector<31x512xi1> to vector<31x512xi32>
    %convert_element_type3A_358 = arith.sitofp %convert_element_type3A_357 : vector<31x512xi32> to vector<31x512xf32>
    %get3A_359 = arith.constant 0 : index
    %get3A_360 = arith.constant 17 : index
    %get3A_361 = vector.load %arg4[%get3A_359, %get3A_360] : memref<1x32xf32, #tpu.memory_space<vmem>>, vector<1x1xf32>
    %get3A_362 = vector.extract %get3A_361[0, 0] : f32 from vector<1x1xf32>
    %mul3A_363 = vector.broadcast %get3A_362 : f32 to vector<31x512xf32>
    %mul3A_364 = arith.mulf %convert_element_type3A_358, %mul3A_363 : vector<31x512xf32>
    %add3A_365 = arith.addf %add3A_346, %mul3A_364 : vector<31x512xf32>
    %get3A_366 = arith.constant 0 : index
    %get3A_367 = arith.constant 17 : index
    %get3A_368 = vector.load %arg6[%get3A_366, %get3A_367] : memref<1x32xf32, #tpu.memory_space<vmem>>, vector<1x1xf32>
    %get3A_369 = vector.extract %get3A_368[0, 0] : f32 from vector<1x1xf32>
    %mul3A_370 = vector.broadcast %get3A_369 : f32 to vector<31x512xf32>
    %mul3A_371 = arith.mulf %convert_element_type3A_358, %mul3A_370 : vector<31x512xf32>
    %add3A_372 = arith.addf %add3A_353, %mul3A_371 : vector<31x512xf32>
    %eq3A_373 = arith.constant 18 : i32
    %eq3A_374 = vector.broadcast %eq3A_373 : i32 to vector<31x512xi32>
    %eq3A_375 = arith.cmpi eq, %sub3A, %eq3A_374 : vector<31x512xi32>
    %convert_element_type3A_376 = arith.extui %eq3A_375 : vector<31x512xi1> to vector<31x512xi32>
    %convert_element_type3A_377 = arith.sitofp %convert_element_type3A_376 : vector<31x512xi32> to vector<31x512xf32>
    %get3A_378 = arith.constant 0 : index
    %get3A_379 = arith.constant 18 : index
    %get3A_380 = vector.load %arg4[%get3A_378, %get3A_379] : memref<1x32xf32, #tpu.memory_space<vmem>>, vector<1x1xf32>
    %get3A_381 = vector.extract %get3A_380[0, 0] : f32 from vector<1x1xf32>
    %mul3A_382 = vector.broadcast %get3A_381 : f32 to vector<31x512xf32>
    %mul3A_383 = arith.mulf %convert_element_type3A_377, %mul3A_382 : vector<31x512xf32>
    %add3A_384 = arith.addf %add3A_365, %mul3A_383 : vector<31x512xf32>
    %get3A_385 = arith.constant 0 : index
    %get3A_386 = arith.constant 18 : index
    %get3A_387 = vector.load %arg6[%get3A_385, %get3A_386] : memref<1x32xf32, #tpu.memory_space<vmem>>, vector<1x1xf32>
    %get3A_388 = vector.extract %get3A_387[0, 0] : f32 from vector<1x1xf32>
    %mul3A_389 = vector.broadcast %get3A_388 : f32 to vector<31x512xf32>
    %mul3A_390 = arith.mulf %convert_element_type3A_377, %mul3A_389 : vector<31x512xf32>
    %add3A_391 = arith.addf %add3A_372, %mul3A_390 : vector<31x512xf32>
    %eq3A_392 = arith.constant 19 : i32
    %eq3A_393 = vector.broadcast %eq3A_392 : i32 to vector<31x512xi32>
    %eq3A_394 = arith.cmpi eq, %sub3A, %eq3A_393 : vector<31x512xi32>
    %convert_element_type3A_395 = arith.extui %eq3A_394 : vector<31x512xi1> to vector<31x512xi32>
    %convert_element_type3A_396 = arith.sitofp %convert_element_type3A_395 : vector<31x512xi32> to vector<31x512xf32>
    %get3A_397 = arith.constant 0 : index
    %get3A_398 = arith.constant 19 : index
    %get3A_399 = vector.load %arg4[%get3A_397, %get3A_398] : memref<1x32xf32, #tpu.memory_space<vmem>>, vector<1x1xf32>
    %get3A_400 = vector.extract %get3A_399[0, 0] : f32 from vector<1x1xf32>
    %mul3A_401 = vector.broadcast %get3A_400 : f32 to vector<31x512xf32>
    %mul3A_402 = arith.mulf %convert_element_type3A_396, %mul3A_401 : vector<31x512xf32>
    %add3A_403 = arith.addf %add3A_384, %mul3A_402 : vector<31x512xf32>
    %get3A_404 = arith.constant 0 : index
    %get3A_405 = arith.constant 19 : index
    %get3A_406 = vector.load %arg6[%get3A_404, %get3A_405] : memref<1x32xf32, #tpu.memory_space<vmem>>, vector<1x1xf32>
    %get3A_407 = vector.extract %get3A_406[0, 0] : f32 from vector<1x1xf32>
    %mul3A_408 = vector.broadcast %get3A_407 : f32 to vector<31x512xf32>
    %mul3A_409 = arith.mulf %convert_element_type3A_396, %mul3A_408 : vector<31x512xf32>
    %add3A_410 = arith.addf %add3A_391, %mul3A_409 : vector<31x512xf32>
    %eq3A_411 = arith.constant 20 : i32
    %eq3A_412 = vector.broadcast %eq3A_411 : i32 to vector<31x512xi32>
    %eq3A_413 = arith.cmpi eq, %sub3A, %eq3A_412 : vector<31x512xi32>
    %convert_element_type3A_414 = arith.extui %eq3A_413 : vector<31x512xi1> to vector<31x512xi32>
    %convert_element_type3A_415 = arith.sitofp %convert_element_type3A_414 : vector<31x512xi32> to vector<31x512xf32>
    %get3A_416 = arith.constant 0 : index
    %get3A_417 = arith.constant 20 : index
    %get3A_418 = vector.load %arg4[%get3A_416, %get3A_417] : memref<1x32xf32, #tpu.memory_space<vmem>>, vector<1x1xf32>
    %get3A_419 = vector.extract %get3A_418[0, 0] : f32 from vector<1x1xf32>
    %mul3A_420 = vector.broadcast %get3A_419 : f32 to vector<31x512xf32>
    %mul3A_421 = arith.mulf %convert_element_type3A_415, %mul3A_420 : vector<31x512xf32>
    %add3A_422 = arith.addf %add3A_403, %mul3A_421 : vector<31x512xf32>
    %get3A_423 = arith.constant 0 : index
    %get3A_424 = arith.constant 20 : index
    %get3A_425 = vector.load %arg6[%get3A_423, %get3A_424] : memref<1x32xf32, #tpu.memory_space<vmem>>, vector<1x1xf32>
    %get3A_426 = vector.extract %get3A_425[0, 0] : f32 from vector<1x1xf32>
    %mul3A_427 = vector.broadcast %get3A_426 : f32 to vector<31x512xf32>
    %mul3A_428 = arith.mulf %convert_element_type3A_415, %mul3A_427 : vector<31x512xf32>
    %add3A_429 = arith.addf %add3A_410, %mul3A_428 : vector<31x512xf32>
    %eq3A_430 = arith.constant 21 : i32
    %eq3A_431 = vector.broadcast %eq3A_430 : i32 to vector<31x512xi32>
    %eq3A_432 = arith.cmpi eq, %sub3A, %eq3A_431 : vector<31x512xi32>
    %convert_element_type3A_433 = arith.extui %eq3A_432 : vector<31x512xi1> to vector<31x512xi32>
    %convert_element_type3A_434 = arith.sitofp %convert_element_type3A_433 : vector<31x512xi32> to vector<31x512xf32>
    %get3A_435 = arith.constant 0 : index
    %get3A_436 = arith.constant 21 : index
    %get3A_437 = vector.load %arg4[%get3A_435, %get3A_436] : memref<1x32xf32, #tpu.memory_space<vmem>>, vector<1x1xf32>
    %get3A_438 = vector.extract %get3A_437[0, 0] : f32 from vector<1x1xf32>
    %mul3A_439 = vector.broadcast %get3A_438 : f32 to vector<31x512xf32>
    %mul3A_440 = arith.mulf %convert_element_type3A_434, %mul3A_439 : vector<31x512xf32>
    %add3A_441 = arith.addf %add3A_422, %mul3A_440 : vector<31x512xf32>
    %get3A_442 = arith.constant 0 : index
    %get3A_443 = arith.constant 21 : index
    %get3A_444 = vector.load %arg6[%get3A_442, %get3A_443] : memref<1x32xf32, #tpu.memory_space<vmem>>, vector<1x1xf32>
    %get3A_445 = vector.extract %get3A_444[0, 0] : f32 from vector<1x1xf32>
    %mul3A_446 = vector.broadcast %get3A_445 : f32 to vector<31x512xf32>
    %mul3A_447 = arith.mulf %convert_element_type3A_434, %mul3A_446 : vector<31x512xf32>
    %add3A_448 = arith.addf %add3A_429, %mul3A_447 : vector<31x512xf32>
    %eq3A_449 = arith.constant 22 : i32
    %eq3A_450 = vector.broadcast %eq3A_449 : i32 to vector<31x512xi32>
    %eq3A_451 = arith.cmpi eq, %sub3A, %eq3A_450 : vector<31x512xi32>
    %convert_element_type3A_452 = arith.extui %eq3A_451 : vector<31x512xi1> to vector<31x512xi32>
    %convert_element_type3A_453 = arith.sitofp %convert_element_type3A_452 : vector<31x512xi32> to vector<31x512xf32>
    %get3A_454 = arith.constant 0 : index
    %get3A_455 = arith.constant 22 : index
    %get3A_456 = vector.load %arg4[%get3A_454, %get3A_455] : memref<1x32xf32, #tpu.memory_space<vmem>>, vector<1x1xf32>
    %get3A_457 = vector.extract %get3A_456[0, 0] : f32 from vector<1x1xf32>
    %mul3A_458 = vector.broadcast %get3A_457 : f32 to vector<31x512xf32>
    %mul3A_459 = arith.mulf %convert_element_type3A_453, %mul3A_458 : vector<31x512xf32>
    %add3A_460 = arith.addf %add3A_441, %mul3A_459 : vector<31x512xf32>
    %get3A_461 = arith.constant 0 : index
    %get3A_462 = arith.constant 22 : index
    %get3A_463 = vector.load %arg6[%get3A_461, %get3A_462] : memref<1x32xf32, #tpu.memory_space<vmem>>, vector<1x1xf32>
    %get3A_464 = vector.extract %get3A_463[0, 0] : f32 from vector<1x1xf32>
    %mul3A_465 = vector.broadcast %get3A_464 : f32 to vector<31x512xf32>
    %mul3A_466 = arith.mulf %convert_element_type3A_453, %mul3A_465 : vector<31x512xf32>
    %add3A_467 = arith.addf %add3A_448, %mul3A_466 : vector<31x512xf32>
    %eq3A_468 = arith.constant 23 : i32
    %eq3A_469 = vector.broadcast %eq3A_468 : i32 to vector<31x512xi32>
    %eq3A_470 = arith.cmpi eq, %sub3A, %eq3A_469 : vector<31x512xi32>
    %convert_element_type3A_471 = arith.extui %eq3A_470 : vector<31x512xi1> to vector<31x512xi32>
    %convert_element_type3A_472 = arith.sitofp %convert_element_type3A_471 : vector<31x512xi32> to vector<31x512xf32>
    %get3A_473 = arith.constant 0 : index
    %get3A_474 = arith.constant 23 : index
    %get3A_475 = vector.load %arg4[%get3A_473, %get3A_474] : memref<1x32xf32, #tpu.memory_space<vmem>>, vector<1x1xf32>
    %get3A_476 = vector.extract %get3A_475[0, 0] : f32 from vector<1x1xf32>
    %mul3A_477 = vector.broadcast %get3A_476 : f32 to vector<31x512xf32>
    %mul3A_478 = arith.mulf %convert_element_type3A_472, %mul3A_477 : vector<31x512xf32>
    %add3A_479 = arith.addf %add3A_460, %mul3A_478 : vector<31x512xf32>
    %get3A_480 = arith.constant 0 : index
    %get3A_481 = arith.constant 23 : index
    %get3A_482 = vector.load %arg6[%get3A_480, %get3A_481] : memref<1x32xf32, #tpu.memory_space<vmem>>, vector<1x1xf32>
    %get3A_483 = vector.extract %get3A_482[0, 0] : f32 from vector<1x1xf32>
    %mul3A_484 = vector.broadcast %get3A_483 : f32 to vector<31x512xf32>
    %mul3A_485 = arith.mulf %convert_element_type3A_472, %mul3A_484 : vector<31x512xf32>
    %add3A_486 = arith.addf %add3A_467, %mul3A_485 : vector<31x512xf32>
    %eq3A_487 = arith.constant 24 : i32
    %eq3A_488 = vector.broadcast %eq3A_487 : i32 to vector<31x512xi32>
    %eq3A_489 = arith.cmpi eq, %sub3A, %eq3A_488 : vector<31x512xi32>
    %convert_element_type3A_490 = arith.extui %eq3A_489 : vector<31x512xi1> to vector<31x512xi32>
    %convert_element_type3A_491 = arith.sitofp %convert_element_type3A_490 : vector<31x512xi32> to vector<31x512xf32>
    %get3A_492 = arith.constant 0 : index
    %get3A_493 = arith.constant 24 : index
    %get3A_494 = vector.load %arg4[%get3A_492, %get3A_493] : memref<1x32xf32, #tpu.memory_space<vmem>>, vector<1x1xf32>
    %get3A_495 = vector.extract %get3A_494[0, 0] : f32 from vector<1x1xf32>
    %mul3A_496 = vector.broadcast %get3A_495 : f32 to vector<31x512xf32>
    %mul3A_497 = arith.mulf %convert_element_type3A_491, %mul3A_496 : vector<31x512xf32>
    %add3A_498 = arith.addf %add3A_479, %mul3A_497 : vector<31x512xf32>
    %get3A_499 = arith.constant 0 : index
    %get3A_500 = arith.constant 24 : index
    %get3A_501 = vector.load %arg6[%get3A_499, %get3A_500] : memref<1x32xf32, #tpu.memory_space<vmem>>, vector<1x1xf32>
    %get3A_502 = vector.extract %get3A_501[0, 0] : f32 from vector<1x1xf32>
    %mul3A_503 = vector.broadcast %get3A_502 : f32 to vector<31x512xf32>
    %mul3A_504 = arith.mulf %convert_element_type3A_491, %mul3A_503 : vector<31x512xf32>
    %add3A_505 = arith.addf %add3A_486, %mul3A_504 : vector<31x512xf32>
    %eq3A_506 = arith.constant 25 : i32
    %eq3A_507 = vector.broadcast %eq3A_506 : i32 to vector<31x512xi32>
    %eq3A_508 = arith.cmpi eq, %sub3A, %eq3A_507 : vector<31x512xi32>
    %convert_element_type3A_509 = arith.extui %eq3A_508 : vector<31x512xi1> to vector<31x512xi32>
    %convert_element_type3A_510 = arith.sitofp %convert_element_type3A_509 : vector<31x512xi32> to vector<31x512xf32>
    %get3A_511 = arith.constant 0 : index
    %get3A_512 = arith.constant 25 : index
    %get3A_513 = vector.load %arg4[%get3A_511, %get3A_512] : memref<1x32xf32, #tpu.memory_space<vmem>>, vector<1x1xf32>
    %get3A_514 = vector.extract %get3A_513[0, 0] : f32 from vector<1x1xf32>
    %mul3A_515 = vector.broadcast %get3A_514 : f32 to vector<31x512xf32>
    %mul3A_516 = arith.mulf %convert_element_type3A_510, %mul3A_515 : vector<31x512xf32>
    %add3A_517 = arith.addf %add3A_498, %mul3A_516 : vector<31x512xf32>
    %get3A_518 = arith.constant 0 : index
    %get3A_519 = arith.constant 25 : index
    %get3A_520 = vector.load %arg6[%get3A_518, %get3A_519] : memref<1x32xf32, #tpu.memory_space<vmem>>, vector<1x1xf32>
    %get3A_521 = vector.extract %get3A_520[0, 0] : f32 from vector<1x1xf32>
    %mul3A_522 = vector.broadcast %get3A_521 : f32 to vector<31x512xf32>
    %mul3A_523 = arith.mulf %convert_element_type3A_510, %mul3A_522 : vector<31x512xf32>
    %add3A_524 = arith.addf %add3A_505, %mul3A_523 : vector<31x512xf32>
    %eq3A_525 = arith.constant 26 : i32
    %eq3A_526 = vector.broadcast %eq3A_525 : i32 to vector<31x512xi32>
    %eq3A_527 = arith.cmpi eq, %sub3A, %eq3A_526 : vector<31x512xi32>
    %convert_element_type3A_528 = arith.extui %eq3A_527 : vector<31x512xi1> to vector<31x512xi32>
    %convert_element_type3A_529 = arith.sitofp %convert_element_type3A_528 : vector<31x512xi32> to vector<31x512xf32>
    %get3A_530 = arith.constant 0 : index
    %get3A_531 = arith.constant 26 : index
    %get3A_532 = vector.load %arg4[%get3A_530, %get3A_531] : memref<1x32xf32, #tpu.memory_space<vmem>>, vector<1x1xf32>
    %get3A_533 = vector.extract %get3A_532[0, 0] : f32 from vector<1x1xf32>
    %mul3A_534 = vector.broadcast %get3A_533 : f32 to vector<31x512xf32>
    %mul3A_535 = arith.mulf %convert_element_type3A_529, %mul3A_534 : vector<31x512xf32>
    %add3A_536 = arith.addf %add3A_517, %mul3A_535 : vector<31x512xf32>
    %get3A_537 = arith.constant 0 : index
    %get3A_538 = arith.constant 26 : index
    %get3A_539 = vector.load %arg6[%get3A_537, %get3A_538] : memref<1x32xf32, #tpu.memory_space<vmem>>, vector<1x1xf32>
    %get3A_540 = vector.extract %get3A_539[0, 0] : f32 from vector<1x1xf32>
    %mul3A_541 = vector.broadcast %get3A_540 : f32 to vector<31x512xf32>
    %mul3A_542 = arith.mulf %convert_element_type3A_529, %mul3A_541 : vector<31x512xf32>
    %add3A_543 = arith.addf %add3A_524, %mul3A_542 : vector<31x512xf32>
    %eq3A_544 = arith.constant 27 : i32
    %eq3A_545 = vector.broadcast %eq3A_544 : i32 to vector<31x512xi32>
    %eq3A_546 = arith.cmpi eq, %sub3A, %eq3A_545 : vector<31x512xi32>
    %convert_element_type3A_547 = arith.extui %eq3A_546 : vector<31x512xi1> to vector<31x512xi32>
    %convert_element_type3A_548 = arith.sitofp %convert_element_type3A_547 : vector<31x512xi32> to vector<31x512xf32>
    %get3A_549 = arith.constant 0 : index
    %get3A_550 = arith.constant 27 : index
    %get3A_551 = vector.load %arg4[%get3A_549, %get3A_550] : memref<1x32xf32, #tpu.memory_space<vmem>>, vector<1x1xf32>
    %get3A_552 = vector.extract %get3A_551[0, 0] : f32 from vector<1x1xf32>
    %mul3A_553 = vector.broadcast %get3A_552 : f32 to vector<31x512xf32>
    %mul3A_554 = arith.mulf %convert_element_type3A_548, %mul3A_553 : vector<31x512xf32>
    %add3A_555 = arith.addf %add3A_536, %mul3A_554 : vector<31x512xf32>
    %get3A_556 = arith.constant 0 : index
    %get3A_557 = arith.constant 27 : index
    %get3A_558 = vector.load %arg6[%get3A_556, %get3A_557] : memref<1x32xf32, #tpu.memory_space<vmem>>, vector<1x1xf32>
    %get3A_559 = vector.extract %get3A_558[0, 0] : f32 from vector<1x1xf32>
    %mul3A_560 = vector.broadcast %get3A_559 : f32 to vector<31x512xf32>
    %mul3A_561 = arith.mulf %convert_element_type3A_548, %mul3A_560 : vector<31x512xf32>
    %add3A_562 = arith.addf %add3A_543, %mul3A_561 : vector<31x512xf32>
    %eq3A_563 = arith.constant 28 : i32
    %eq3A_564 = vector.broadcast %eq3A_563 : i32 to vector<31x512xi32>
    %eq3A_565 = arith.cmpi eq, %sub3A, %eq3A_564 : vector<31x512xi32>
    %convert_element_type3A_566 = arith.extui %eq3A_565 : vector<31x512xi1> to vector<31x512xi32>
    %convert_element_type3A_567 = arith.sitofp %convert_element_type3A_566 : vector<31x512xi32> to vector<31x512xf32>
    %get3A_568 = arith.constant 0 : index
    %get3A_569 = arith.constant 28 : index
    %get3A_570 = vector.load %arg4[%get3A_568, %get3A_569] : memref<1x32xf32, #tpu.memory_space<vmem>>, vector<1x1xf32>
    %get3A_571 = vector.extract %get3A_570[0, 0] : f32 from vector<1x1xf32>
    %mul3A_572 = vector.broadcast %get3A_571 : f32 to vector<31x512xf32>
    %mul3A_573 = arith.mulf %convert_element_type3A_567, %mul3A_572 : vector<31x512xf32>
    %add3A_574 = arith.addf %add3A_555, %mul3A_573 : vector<31x512xf32>
    %get3A_575 = arith.constant 0 : index
    %get3A_576 = arith.constant 28 : index
    %get3A_577 = vector.load %arg6[%get3A_575, %get3A_576] : memref<1x32xf32, #tpu.memory_space<vmem>>, vector<1x1xf32>
    %get3A_578 = vector.extract %get3A_577[0, 0] : f32 from vector<1x1xf32>
    %mul3A_579 = vector.broadcast %get3A_578 : f32 to vector<31x512xf32>
    %mul3A_580 = arith.mulf %convert_element_type3A_567, %mul3A_579 : vector<31x512xf32>
    %add3A_581 = arith.addf %add3A_562, %mul3A_580 : vector<31x512xf32>
    %eq3A_582 = arith.constant 29 : i32
    %eq3A_583 = vector.broadcast %eq3A_582 : i32 to vector<31x512xi32>
    %eq3A_584 = arith.cmpi eq, %sub3A, %eq3A_583 : vector<31x512xi32>
    %convert_element_type3A_585 = arith.extui %eq3A_584 : vector<31x512xi1> to vector<31x512xi32>
    %convert_element_type3A_586 = arith.sitofp %convert_element_type3A_585 : vector<31x512xi32> to vector<31x512xf32>
    %get3A_587 = arith.constant 0 : index
    %get3A_588 = arith.constant 29 : index
    %get3A_589 = vector.load %arg4[%get3A_587, %get3A_588] : memref<1x32xf32, #tpu.memory_space<vmem>>, vector<1x1xf32>
    %get3A_590 = vector.extract %get3A_589[0, 0] : f32 from vector<1x1xf32>
    %mul3A_591 = vector.broadcast %get3A_590 : f32 to vector<31x512xf32>
    %mul3A_592 = arith.mulf %convert_element_type3A_586, %mul3A_591 : vector<31x512xf32>
    %add3A_593 = arith.addf %add3A_574, %mul3A_592 : vector<31x512xf32>
    %get3A_594 = arith.constant 0 : index
    %get3A_595 = arith.constant 29 : index
    %get3A_596 = vector.load %arg6[%get3A_594, %get3A_595] : memref<1x32xf32, #tpu.memory_space<vmem>>, vector<1x1xf32>
    %get3A_597 = vector.extract %get3A_596[0, 0] : f32 from vector<1x1xf32>
    %mul3A_598 = vector.broadcast %get3A_597 : f32 to vector<31x512xf32>
    %mul3A_599 = arith.mulf %convert_element_type3A_586, %mul3A_598 : vector<31x512xf32>
    %add3A_600 = arith.addf %add3A_581, %mul3A_599 : vector<31x512xf32>
    %eq3A_601 = arith.constant 30 : i32
    %eq3A_602 = vector.broadcast %eq3A_601 : i32 to vector<31x512xi32>
    %eq3A_603 = arith.cmpi eq, %sub3A, %eq3A_602 : vector<31x512xi32>
    %convert_element_type3A_604 = arith.extui %eq3A_603 : vector<31x512xi1> to vector<31x512xi32>
    %convert_element_type3A_605 = arith.sitofp %convert_element_type3A_604 : vector<31x512xi32> to vector<31x512xf32>
    %get3A_606 = arith.constant 0 : index
    %get3A_607 = arith.constant 30 : index
    %get3A_608 = vector.load %arg4[%get3A_606, %get3A_607] : memref<1x32xf32, #tpu.memory_space<vmem>>, vector<1x1xf32>
    %get3A_609 = vector.extract %get3A_608[0, 0] : f32 from vector<1x1xf32>
    %mul3A_610 = vector.broadcast %get3A_609 : f32 to vector<31x512xf32>
    %mul3A_611 = arith.mulf %convert_element_type3A_605, %mul3A_610 : vector<31x512xf32>
    %add3A_612 = arith.addf %add3A_593, %mul3A_611 : vector<31x512xf32>
    %get3A_613 = arith.constant 0 : index
    %get3A_614 = arith.constant 30 : index
    %get3A_615 = vector.load %arg6[%get3A_613, %get3A_614] : memref<1x32xf32, #tpu.memory_space<vmem>>, vector<1x1xf32>
    %get3A_616 = vector.extract %get3A_615[0, 0] : f32 from vector<1x1xf32>
    %mul3A_617 = vector.broadcast %get3A_616 : f32 to vector<31x512xf32>
    %mul3A_618 = arith.mulf %convert_element_type3A_605, %mul3A_617 : vector<31x512xf32>
    %add3A_619 = arith.addf %add3A_600, %mul3A_618 : vector<31x512xf32>
    %eq3A_620 = arith.constant 31 : i32
    %eq3A_621 = vector.broadcast %eq3A_620 : i32 to vector<31x512xi32>
    %eq3A_622 = arith.cmpi eq, %sub3A, %eq3A_621 : vector<31x512xi32>
    %convert_element_type3A_623 = arith.extui %eq3A_622 : vector<31x512xi1> to vector<31x512xi32>
    %convert_element_type3A_624 = arith.sitofp %convert_element_type3A_623 : vector<31x512xi32> to vector<31x512xf32>
    %get3A_625 = arith.constant 0 : index
    %get3A_626 = arith.constant 31 : index
    %get3A_627 = vector.load %arg4[%get3A_625, %get3A_626] : memref<1x32xf32, #tpu.memory_space<vmem>>, vector<1x1xf32>
    %get3A_628 = vector.extract %get3A_627[0, 0] : f32 from vector<1x1xf32>
    %mul3A_629 = vector.broadcast %get3A_628 : f32 to vector<31x512xf32>
    %mul3A_630 = arith.mulf %convert_element_type3A_624, %mul3A_629 : vector<31x512xf32>
    %add3A_631 = arith.addf %add3A_612, %mul3A_630 : vector<31x512xf32>
    %get3A_632 = arith.constant 0 : index
    %get3A_633 = arith.constant 31 : index
    %get3A_634 = vector.load %arg6[%get3A_632, %get3A_633] : memref<1x32xf32, #tpu.memory_space<vmem>>, vector<1x1xf32>
    %get3A_635 = vector.extract %get3A_634[0, 0] : f32 from vector<1x1xf32>
    %mul3A_636 = vector.broadcast %get3A_635 : f32 to vector<31x512xf32>
    %mul3A_637 = arith.mulf %convert_element_type3A_624, %mul3A_636 : vector<31x512xf32>
    %add3A_638 = arith.addf %add3A_619, %mul3A_637 : vector<31x512xf32>
    %dot_general3A_639 = arith.constant dense<0.000000e+00> : vector<31x512xf32>
    %dot_general3A_640 = tpu.matmul %add3A_631, %slice3A_12, %dot_general3A_639 {dimension_numbers = #tpu.dot_dimension_numbers<[1], [0], [0], [1], [0, 0, 1, 1], [], []>, transpose_lhs_hint = false} : vector<31x512xf32>, vector<512x512xf32>, vector<31x512xf32> -> vector<31x512xf32>
    %get3A_641 = arith.constant 0 : index
    %get3A_642 = arith.constant 0 : index
    %get3A_643 = vector.load %arg5[%get3A_641, %get3A_642] : memref<1x1xf32, #tpu.memory_space<vmem>>, vector<1x1xf32>
    %get3A_644 = vector.extract %get3A_643[0, 0] : f32 from vector<1x1xf32>
    %add3A_645 = vector.broadcast %get3A_644 : f32 to vector<31x512xf32>
    %add3A_646 = arith.addf %dot_general3A_640, %add3A_645 : vector<31x512xf32>
    %dot_general3A_647 = arith.constant dense<0.000000e+00> : vector<31x512xf32>
    %dot_general3A_648 = tpu.matmul %add3A_638, %slice3A_13, %dot_general3A_647 {dimension_numbers = #tpu.dot_dimension_numbers<[1], [0], [0], [1], [0, 0, 1, 1], [], []>, transpose_lhs_hint = false} : vector<31x512xf32>, vector<512x512xf32>, vector<31x512xf32> -> vector<31x512xf32>
    %get3A_649 = arith.constant 0 : index
    %get3A_650 = arith.constant 0 : index
    %get3A_651 = vector.load %arg7[%get3A_649, %get3A_650] : memref<1x1xf32, #tpu.memory_space<vmem>>, vector<1x1xf32>
    %get3A_652 = vector.extract %get3A_651[0, 0] : f32 from vector<1x1xf32>
    %add3A_653 = vector.broadcast %get3A_652 : f32 to vector<31x512xf32>
    %add3A_654 = arith.addf %dot_general3A_648, %add3A_653 : vector<31x512xf32>
    %iota3A_655 = tpu.iota {dimensions = array<i32: 0>} : vector<512x31xi32>
    %iota3A_656 = tpu.iota {dimensions = array<i32: 1>} : vector<512x31xi32>
    %lt3A = arith.cmpi slt, %iota3A_656, %iota3A_655 : vector<512x31xi32>
    %iota3A_657 = tpu.iota {dimensions = array<i32: 0>} : vector<31x16xi32>
    %iota3A_658 = tpu.iota {dimensions = array<i32: 1>} : vector<31x16xi32>
    %mul3A_659 = arith.constant 2 : i32
    %mul3A_660 = vector.broadcast %mul3A_659 : i32 to vector<31x16xi32>
    %mul3A_661 = arith.muli %mul3A_660, %iota3A_658 : vector<31x16xi32>
    %eq3A_662 = arith.cmpi eq, %iota3A_657, %mul3A_661 : vector<31x16xi32>
    %convert_element_type3A_663 = arith.extui %eq3A_662 : vector<31x16xi1> to vector<31x16xi32>
    %convert_element_type3A_664 = arith.sitofp %convert_element_type3A_663 : vector<31x16xi32> to vector<31x16xf32>
    %mul3A_665 = arith.constant 2 : i32
    %mul3A_666 = vector.broadcast %mul3A_665 : i32 to vector<31x16xi32>
    %mul3A_667 = arith.muli %mul3A_666, %iota3A_658 : vector<31x16xi32>
    %add3A_668 = arith.constant 1 : i32
    %add3A_669 = vector.broadcast %add3A_668 : i32 to vector<31x16xi32>
    %add3A_670 = arith.addi %mul3A_667, %add3A_669 : vector<31x16xi32>
    %eq3A_671 = arith.cmpi eq, %iota3A_657, %add3A_670 : vector<31x16xi32>
    %convert_element_type3A_672 = arith.extui %eq3A_671 : vector<31x16xi1> to vector<31x16xi32>
    %convert_element_type3A_673 = arith.sitofp %convert_element_type3A_672 : vector<31x16xi32> to vector<31x16xf32>
    %mul3A_674 = arith.constant 2.000000e+00 : f32
    %mul3A_675 = vector.broadcast %mul3A_674 : f32 to vector<31x16xf32>
    %mul3A_676 = arith.mulf %mul3A_675, %convert_element_type3A_673 : vector<31x16xf32>
    %add3A_677 = arith.addf %convert_element_type3A_664, %mul3A_676 : vector<31x16xf32>
    %mul3A_678 = arith.constant 2 : i32
    %mul3A_679 = vector.broadcast %mul3A_678 : i32 to vector<31x16xi32>
    %mul3A_680 = arith.muli %mul3A_679, %iota3A_658 : vector<31x16xi32>
    %add3A_681 = arith.constant 2 : i32
    %add3A_682 = vector.broadcast %add3A_681 : i32 to vector<31x16xi32>
    %add3A_683 = arith.addi %mul3A_680, %add3A_682 : vector<31x16xi32>
    %eq3A_684 = arith.cmpi eq, %iota3A_657, %add3A_683 : vector<31x16xi32>
    %convert_element_type3A_685 = arith.extui %eq3A_684 : vector<31x16xi1> to vector<31x16xi32>
    %convert_element_type3A_686 = arith.sitofp %convert_element_type3A_685 : vector<31x16xi32> to vector<31x16xf32>
    %add3A_687 = arith.addf %add3A_677, %convert_element_type3A_686 : vector<31x16xf32>
    %iota3A_688 = tpu.iota {dimensions = array<i32: 0>} : vector<128x256xi32>
    %add3A_689 = arith.constant 0 : i32
    %add3A_690 = vector.broadcast %add3A_689 : i32 to vector<128x256xi32>
    %add3A_691 = arith.addi %iota3A_688, %add3A_690 : vector<128x256xi32>
    %iota3A_692 = tpu.iota {dimensions = array<i32: 1>} : vector<128x256xi32>
    %add3A_693 = arith.constant 0 : i32
    %add3A_694 = vector.broadcast %add3A_693 : i32 to vector<128x256xi32>
    %add3A_695 = arith.addi %iota3A_692, %add3A_694 : vector<128x256xi32>
    %le3A = arith.cmpi sle, %add3A_695, %add3A_691 : vector<128x256xi32>
    %sub3A_696 = arith.constant 128 : i32
    %sub3A_697 = vector.broadcast %sub3A_696 : i32 to vector<128x256xi32>
    %sub3A_698 = arith.subi %add3A_691, %sub3A_697 : vector<128x256xi32>
    %ge3A = arith.cmpi sge, %add3A_695, %sub3A_698 : vector<128x256xi32>
    %and3A = arith.andi %le3A, %ge3A : vector<128x256xi1>
    %iota3A_699 = tpu.iota {dimensions = array<i32: 0>} : vector<128x256xi32>
    %add3A_700 = arith.constant 128 : i32
    %add3A_701 = vector.broadcast %add3A_700 : i32 to vector<128x256xi32>
    %add3A_702 = arith.addi %iota3A_699, %add3A_701 : vector<128x256xi32>
    %iota3A_703 = tpu.iota {dimensions = array<i32: 1>} : vector<128x256xi32>
    %add3A_704 = arith.constant 0 : i32
    %add3A_705 = vector.broadcast %add3A_704 : i32 to vector<128x256xi32>
    %add3A_706 = arith.addi %iota3A_703, %add3A_705 : vector<128x256xi32>
    %le3A_707 = arith.cmpi sle, %add3A_706, %add3A_702 : vector<128x256xi32>
    %sub3A_708 = arith.constant 128 : i32
    %sub3A_709 = vector.broadcast %sub3A_708 : i32 to vector<128x256xi32>
    %sub3A_710 = arith.subi %add3A_702, %sub3A_709 : vector<128x256xi32>
    %ge3A_711 = arith.cmpi sge, %add3A_706, %sub3A_710 : vector<128x256xi32>
    %and3A_712 = arith.andi %le3A_707, %ge3A_711 : vector<128x256xi1>
    %iota3A_713 = tpu.iota {dimensions = array<i32: 0>} : vector<128x256xi32>
    %add3A_714 = arith.constant 256 : i32
    %add3A_715 = vector.broadcast %add3A_714 : i32 to vector<128x256xi32>
    %add3A_716 = arith.addi %iota3A_713, %add3A_715 : vector<128x256xi32>
    %iota3A_717 = tpu.iota {dimensions = array<i32: 1>} : vector<128x256xi32>
    %add3A_718 = arith.constant 128 : i32
    %add3A_719 = vector.broadcast %add3A_718 : i32 to vector<128x256xi32>
    %add3A_720 = arith.addi %iota3A_717, %add3A_719 : vector<128x256xi32>
    %le3A_721 = arith.cmpi sle, %add3A_720, %add3A_716 : vector<128x256xi32>
    %sub3A_722 = arith.constant 128 : i32
    %sub3A_723 = vector.broadcast %sub3A_722 : i32 to vector<128x256xi32>
    %sub3A_724 = arith.subi %add3A_716, %sub3A_723 : vector<128x256xi32>
    %ge3A_725 = arith.cmpi sge, %add3A_720, %sub3A_724 : vector<128x256xi32>
    %and3A_726 = arith.andi %le3A_721, %ge3A_725 : vector<128x256xi1>
    %iota3A_727 = tpu.iota {dimensions = array<i32: 0>} : vector<128x256xi32>
    %add3A_728 = arith.constant 384 : i32
    %add3A_729 = vector.broadcast %add3A_728 : i32 to vector<128x256xi32>
    %add3A_730 = arith.addi %iota3A_727, %add3A_729 : vector<128x256xi32>
    %iota3A_731 = tpu.iota {dimensions = array<i32: 1>} : vector<128x256xi32>
    %add3A_732 = arith.constant 256 : i32
    %add3A_733 = vector.broadcast %add3A_732 : i32 to vector<128x256xi32>
    %add3A_734 = arith.addi %iota3A_731, %add3A_733 : vector<128x256xi32>
    %le3A_735 = arith.cmpi sle, %add3A_734, %add3A_730 : vector<128x256xi32>
    %sub3A_736 = arith.constant 128 : i32
    %sub3A_737 = vector.broadcast %sub3A_736 : i32 to vector<128x256xi32>
    %sub3A_738 = arith.subi %add3A_730, %sub3A_737 : vector<128x256xi32>
    %ge3A_739 = arith.cmpi sge, %add3A_734, %sub3A_738 : vector<128x256xi32>
    %and3A_740 = arith.andi %le3A_735, %ge3A_739 : vector<128x256xi1>
    %slice3A_741 = vector.extract_strided_slice %slice3A {offsets = [0, 0], sizes = [512, 64], strides = [1, 1]} : vector<512x512xf32> to vector<512x64xf32>
    %slice3A_742 = vector.extract_strided_slice %slice3A_12 {offsets = [0, 0], sizes = [512, 64], strides = [1, 1]} : vector<512x512xf32> to vector<512x64xf32>
    %slice3A_743 = vector.extract_strided_slice %slice3A_13 {offsets = [0, 0], sizes = [512, 64], strides = [1, 1]} : vector<512x512xf32> to vector<512x64xf32>
    %concatenate3A = tpu.concatenate %slice3A_742, %slice3A_743 in 1 : vector<512x64xf32>, vector<512x64xf32> -> vector<512x128xf32>
    %swap3A = arith.constant 0 : index
    %swap3A_744 = arith.constant 0 : index
    %swap3A_745 = vector.load %arg11[%swap3A, %swap3A_744] : memref<4096x128xf32, #tpu.memory_space<vmem>>, vector<512x128xf32>
    tpu.vector_store %arg11[%swap3A, %swap3A_744], %concatenate3A {strides = array<i32>} : memref<4096x128xf32, #tpu.memory_space<vmem>>, vector<512x128xf32>,
    %slice3A_746 = vector.extract_strided_slice %add3A_646 {offsets = [0, 0], sizes = [31, 64], strides = [1, 1]} : vector<31x512xf32> to vector<31x64xf32>
    %transpose3A_747 = tpu.transpose %slice3A_746, [1, 0] : vector<31x64xf32> -> vector<64x31xf32>
    %dot_general3A_748 = arith.constant dense<0.000000e+00> : vector<512x31xf32>
    %dot_general3A_749 = tpu.matmul %slice3A_741, %transpose3A_747, %dot_general3A_748 {dimension_numbers = #tpu.dot_dimension_numbers<[1], [0], [0], [1], [0, 0, 1, 1], [], []>, transpose_lhs_hint = false} : vector<512x64xf32>, vector<64x31xf32>, vector<512x31xf32> -> vector<512x31xf32>
    %mul3A_750 = arith.constant 1.250000e-01 : f32
    %mul3A_751 = vector.broadcast %mul3A_750 : f32 to vector<512x31xf32>
    %mul3A_752 = arith.mulf %dot_general3A_749, %mul3A_751 : vector<512x31xf32>
    %jit3A = arith.constant 0xFF800000 : f32
    %broadcast_in_dim3A_753 = vector.broadcast %jit3A : f32 to vector<512x31xf32>
    %select_n3A = arith.select %lt3A, %mul3A_752, %broadcast_in_dim3A_753 : vector<512x31xi1>, vector<512x31xf32>
    %reduce_max3A = arith.constant dense<0xFF800000> : vector<512xf32>
    %reduce_max3A_754 = vector.multi_reduction <maximumf>, %select_n3A, %reduce_max3A [1] : vector<512x31xf32> to vector<512xf32>
    %broadcast_in_dim3A_755 = vector.shape_cast %reduce_max3A_754 : vector<512xf32> to vector<512x1xf32>
    %sub3A_756 = vector.broadcast %broadcast_in_dim3A_755 : vector<512x1xf32> to vector<512x31xf32>
    %sub3A_757 = arith.subf %select_n3A, %sub3A_756 : vector<512x31xf32>
    %exp3A = math.exp %sub3A_757 : vector<512x31xf32>
    %reduce_sum3A = arith.constant dense<0.000000e+00> : vector<512xf32>
    %reduce_sum3A_758 = vector.multi_reduction <add>, %exp3A, %reduce_sum3A [1] : vector<512x31xf32> to vector<512xf32>
    %broadcast_in_dim3A_759 = vector.shape_cast %reduce_sum3A_758 : vector<512xf32> to vector<512x1xf32>
    %div3A = vector.broadcast %broadcast_in_dim3A_759 : vector<512x1xf32> to vector<512x31xf32>
    %div3A_760 = arith.divf %exp3A, %div3A : vector<512x31xf32>
    %slice3A_761 = vector.extract_strided_slice %add3A_654 {offsets = [0, 0], sizes = [31, 64], strides = [1, 1]} : vector<31x512xf32> to vector<31x64xf32>
    %dot_general3A_762 = arith.constant dense<0.000000e+00> : vector<512x64xf32>
    %dot_general3A_763 = tpu.matmul %div3A_760, %slice3A_761, %dot_general3A_762 {dimension_numbers = #tpu.dot_dimension_numbers<[1], [0], [0], [1], [0, 0, 1, 1], [], []>, transpose_lhs_hint = false} : vector<512x31xf32>, vector<31x64xf32>, vector<512x64xf32> -> vector<512x64xf32>
    %slice3A_764 = vector.extract_strided_slice %slice3A_741 {offsets = [0, 0], sizes = [128, 64], strides = [1, 1]} : vector<512x64xf32> to vector<128x64xf32>
    %slice3A_765 = vector.extract_strided_slice %slice3A_742 {offsets = [0, 0], sizes = [256, 64], strides = [1, 1]} : vector<512x64xf32> to vector<256x64xf32>
    %slice3A_766 = vector.extract_strided_slice %slice3A_743 {offsets = [0, 0], sizes = [256, 64], strides = [1, 1]} : vector<512x64xf32> to vector<256x64xf32>
    %transpose3A_767 = tpu.transpose %slice3A_765, [1, 0] : vector<256x64xf32> -> vector<64x256xf32>
    %dot_general3A_768 = arith.constant dense<0.000000e+00> : vector<128x256xf32>
    %dot_general3A_769 = tpu.matmul %slice3A_764, %transpose3A_767, %dot_general3A_768 {dimension_numbers = #tpu.dot_dimension_numbers<[1], [0], [0], [1], [0, 0, 1, 1], [], []>, transpose_lhs_hint = false} : vector<128x64xf32>, vector<64x256xf32>, vector<128x256xf32> -> vector<128x256xf32>
    %jit3A_770 = arith.constant 0xFF800000 : f32
    %broadcast_in_dim3A_771 = vector.broadcast %jit3A_770 : f32 to vector<128x256xf32>
    %select_n3A_772 = arith.select %and3A, %dot_general3A_769, %broadcast_in_dim3A_771 : vector<128x256xi1>, vector<128x256xf32>
    %mul3A_773 = arith.constant 1.250000e-01 : f32
    %mul3A_774 = vector.broadcast %mul3A_773 : f32 to vector<128x256xf32>
    %mul3A_775 = arith.mulf %select_n3A_772, %mul3A_774 : vector<128x256xf32>
    %reduce_max3A_776 = arith.constant dense<0xFF800000> : vector<128xf32>
    %reduce_max3A_777 = vector.multi_reduction <maximumf>, %mul3A_775, %reduce_max3A_776 [1] : vector<128x256xf32> to vector<128xf32>
    %broadcast_in_dim3A_778 = vector.shape_cast %reduce_max3A_777 : vector<128xf32> to vector<128x1xf32>
    %sub3A_779 = vector.broadcast %broadcast_in_dim3A_778 : vector<128x1xf32> to vector<128x256xf32>
    %sub3A_780 = arith.subf %mul3A_775, %sub3A_779 : vector<128x256xf32>
    %exp3A_781 = math.exp %sub3A_780 : vector<128x256xf32>
    %reduce_sum3A_782 = arith.constant dense<0.000000e+00> : vector<128xf32>
    %reduce_sum3A_783 = vector.multi_reduction <add>, %exp3A_781, %reduce_sum3A_782 [1] : vector<128x256xf32> to vector<128xf32>
    %broadcast_in_dim3A_784 = vector.shape_cast %reduce_sum3A_783 : vector<128xf32> to vector<128x1xf32>
    %div3A_785 = vector.broadcast %broadcast_in_dim3A_784 : vector<128x1xf32> to vector<128x256xf32>
    %div3A_786 = arith.divf %exp3A_781, %div3A_785 : vector<128x256xf32>
    %dot_general3A_787 = arith.constant dense<0.000000e+00> : vector<128x64xf32>
    %dot_general3A_788 = tpu.matmul %div3A_786, %slice3A_766, %dot_general3A_787 {dimension_numbers = #tpu.dot_dimension_numbers<[1], [0], [0], [1], [0, 0, 1, 1], [], []>, transpose_lhs_hint = false} : vector<128x256xf32>, vector<256x64xf32>, vector<128x64xf32> -> vector<128x64xf32>
    %slice3A_789 = vector.extract_strided_slice %slice3A_25 {offsets = [0, 0], sizes = [128, 1], strides = [1, 1]} : vector<512x1xf32> to vector<128x1xf32>
    %slice3A_790 = vector.extract_strided_slice %dot_general3A_763 {offsets = [0, 0], sizes = [128, 64], strides = [1, 1]} : vector<512x64xf32> to vector<128x64xf32>
    %mul3A_791 = vector.broadcast %slice3A_789 : vector<128x1xf32> to vector<128x64xf32>
    %mul3A_792 = arith.mulf %mul3A_791, %slice3A_790 : vector<128x64xf32>
    %slice3A_793 = vector.extract_strided_slice %slice3A_26 {offsets = [0, 0], sizes = [128, 1], strides = [1, 1]} : vector<512x1xf32> to vector<128x1xf32>
    %mul3A_794 = vector.broadcast %slice3A_793 : vector<128x1xf32> to vector<128x64xf32>
    %mul3A_795 = arith.mulf %mul3A_794, %dot_general3A_788 : vector<128x64xf32>
    %add3A_796 = arith.addf %mul3A_792, %mul3A_795 : vector<128x64xf32>
    %swap3A_797 = arith.constant 0 : index
    %swap3A_798 = arith.constant 0 : index
    %swap3A_799 = arith.constant 0 : index
    %swap3A_800 = vector.load %arg10[%swap3A_797, %swap3A_798, %swap3A_799] : memref<1x512x512xf32, #tpu.memory_space<vmem>>, vector<1x128x64xf32>
    %swap3A_801 = vector.shape_cast %swap3A_800 : vector<1x128x64xf32> to vector<128x64xf32>
    %swap3A_802 = vector.shape_cast %add3A_796 : vector<128x64xf32> to vector<1x128x64xf32>
    tpu.vector_store %arg10[%swap3A_797, %swap3A_798, %swap3A_799], %swap3A_802 {strides = array<i32>} : memref<1x512x512xf32, #tpu.memory_space<vmem>>, vector<1x128x64xf32>,
    %slice3A_803 = vector.extract_strided_slice %slice3A_741 {offsets = [128, 0], sizes = [128, 64], strides = [1, 1]} : vector<512x64xf32> to vector<128x64xf32>
    %slice3A_804 = vector.extract_strided_slice %slice3A_742 {offsets = [0, 0], sizes = [256, 64], strides = [1, 1]} : vector<512x64xf32> to vector<256x64xf32>
    %slice3A_805 = vector.extract_strided_slice %slice3A_743 {offsets = [0, 0], sizes = [256, 64], strides = [1, 1]} : vector<512x64xf32> to vector<256x64xf32>
    %transpose3A_806 = tpu.transpose %slice3A_804, [1, 0] : vector<256x64xf32> -> vector<64x256xf32>
    %dot_general3A_807 = arith.constant dense<0.000000e+00> : vector<128x256xf32>
    %dot_general3A_808 = tpu.matmul %slice3A_803, %transpose3A_806, %dot_general3A_807 {dimension_numbers = #tpu.dot_dimension_numbers<[1], [0], [0], [1], [0, 0, 1, 1], [], []>, transpose_lhs_hint = false} : vector<128x64xf32>, vector<64x256xf32>, vector<128x256xf32> -> vector<128x256xf32>
    %jit3A_809 = arith.constant 0xFF800000 : f32
    %broadcast_in_dim3A_810 = vector.broadcast %jit3A_809 : f32 to vector<128x256xf32>
    %select_n3A_811 = arith.select %and3A_712, %dot_general3A_808, %broadcast_in_dim3A_810 : vector<128x256xi1>, vector<128x256xf32>
    %mul3A_812 = arith.constant 1.250000e-01 : f32
    %mul3A_813 = vector.broadcast %mul3A_812 : f32 to vector<128x256xf32>
    %mul3A_814 = arith.mulf %select_n3A_811, %mul3A_813 : vector<128x256xf32>
    %reduce_max3A_815 = arith.constant dense<0xFF800000> : vector<128xf32>
    %reduce_max3A_816 = vector.multi_reduction <maximumf>, %mul3A_814, %reduce_max3A_815 [1] : vector<128x256xf32> to vector<128xf32>
    %broadcast_in_dim3A_817 = vector.shape_cast %reduce_max3A_816 : vector<128xf32> to vector<128x1xf32>
    %sub3A_818 = vector.broadcast %broadcast_in_dim3A_817 : vector<128x1xf32> to vector<128x256xf32>
    %sub3A_819 = arith.subf %mul3A_814, %sub3A_818 : vector<128x256xf32>
    %exp3A_820 = math.exp %sub3A_819 : vector<128x256xf32>
    %reduce_sum3A_821 = arith.constant dense<0.000000e+00> : vector<128xf32>
    %reduce_sum3A_822 = vector.multi_reduction <add>, %exp3A_820, %reduce_sum3A_821 [1] : vector<128x256xf32> to vector<128xf32>
    %broadcast_in_dim3A_823 = vector.shape_cast %reduce_sum3A_822 : vector<128xf32> to vector<128x1xf32>
    %div3A_824 = vector.broadcast %broadcast_in_dim3A_823 : vector<128x1xf32> to vector<128x256xf32>
    %div3A_825 = arith.divf %exp3A_820, %div3A_824 : vector<128x256xf32>
    %dot_general3A_826 = arith.constant dense<0.000000e+00> : vector<128x64xf32>
    %dot_general3A_827 = tpu.matmul %div3A_825, %slice3A_805, %dot_general3A_826 {dimension_numbers = #tpu.dot_dimension_numbers<[1], [0], [0], [1], [0, 0, 1, 1], [], []>, transpose_lhs_hint = false} : vector<128x256xf32>, vector<256x64xf32>, vector<128x64xf32> -> vector<128x64xf32>
    %slice3A_828 = vector.extract_strided_slice %slice3A_25 {offsets = [128, 0], sizes = [128, 1], strides = [1, 1]} : vector<512x1xf32> to vector<128x1xf32>
    %slice3A_829 = vector.extract_strided_slice %dot_general3A_763 {offsets = [128, 0], sizes = [128, 64], strides = [1, 1]} : vector<512x64xf32> to vector<128x64xf32>
    %mul3A_830 = vector.broadcast %slice3A_828 : vector<128x1xf32> to vector<128x64xf32>
    %mul3A_831 = arith.mulf %mul3A_830, %slice3A_829 : vector<128x64xf32>
    %slice3A_832 = vector.extract_strided_slice %slice3A_26 {offsets = [128, 0], sizes = [128, 1], strides = [1, 1]} : vector<512x1xf32> to vector<128x1xf32>
    %mul3A_833 = vector.broadcast %slice3A_832 : vector<128x1xf32> to vector<128x64xf32>
    %mul3A_834 = arith.mulf %mul3A_833, %dot_general3A_827 : vector<128x64xf32>
    %add3A_835 = arith.addf %mul3A_831, %mul3A_834 : vector<128x64xf32>
    %swap3A_836 = arith.constant 0 : index
    %swap3A_837 = arith.constant 128 : index
    %swap3A_838 = arith.constant 0 : index
    %swap3A_839 = vector.load %arg10[%swap3A_836, %swap3A_837, %swap3A_838] : memref<1x512x512xf32, #tpu.memory_space<vmem>>, vector<1x128x64xf32>
    %swap3A_840 = vector.shape_cast %swap3A_839 : vector<1x128x64xf32> to vector<128x64xf32>
    %swap3A_841 = vector.shape_cast %add3A_835 : vector<128x64xf32> to vector<1x128x64xf32>
    tpu.vector_store %arg10[%swap3A_836, %swap3A_837, %swap3A_838], %swap3A_841 {strides = array<i32>} : memref<1x512x512xf32, #tpu.memory_space<vmem>>, vector<1x128x64xf32>,
    %slice3A_842 = vector.extract_strided_slice %slice3A_741 {offsets = [256, 0], sizes = [128, 64], strides = [1, 1]} : vector<512x64xf32> to vector<128x64xf32>
    %slice3A_843 = vector.extract_strided_slice %slice3A_742 {offsets = [128, 0], sizes = [256, 64], strides = [1, 1]} : vector<512x64xf32> to vector<256x64xf32>
    %slice3A_844 = vector.extract_strided_slice %slice3A_743 {offsets = [128, 0], sizes = [256, 64], strides = [1, 1]} : vector<512x64xf32> to vector<256x64xf32>
    %transpose3A_845 = tpu.transpose %slice3A_843, [1, 0] : vector<256x64xf32> -> vector<64x256xf32>
    %dot_general3A_846 = arith.constant dense<0.000000e+00> : vector<128x256xf32>
    %dot_general3A_847 = tpu.matmul %slice3A_842, %transpose3A_845, %dot_general3A_846 {dimension_numbers = #tpu.dot_dimension_numbers<[1], [0], [0], [1], [0, 0, 1, 1], [], []>, transpose_lhs_hint = false} : vector<128x64xf32>, vector<64x256xf32>, vector<128x256xf32> -> vector<128x256xf32>
    %jit3A_848 = arith.constant 0xFF800000 : f32
    %broadcast_in_dim3A_849 = vector.broadcast %jit3A_848 : f32 to vector<128x256xf32>
    %select_n3A_850 = arith.select %and3A_726, %dot_general3A_847, %broadcast_in_dim3A_849 : vector<128x256xi1>, vector<128x256xf32>
    %mul3A_851 = arith.constant 1.250000e-01 : f32
    %mul3A_852 = vector.broadcast %mul3A_851 : f32 to vector<128x256xf32>
    %mul3A_853 = arith.mulf %select_n3A_850, %mul3A_852 : vector<128x256xf32>
    %reduce_max3A_854 = arith.constant dense<0xFF800000> : vector<128xf32>
    %reduce_max3A_855 = vector.multi_reduction <maximumf>, %mul3A_853, %reduce_max3A_854 [1] : vector<128x256xf32> to vector<128xf32>
    %broadcast_in_dim3A_856 = vector.shape_cast %reduce_max3A_855 : vector<128xf32> to vector<128x1xf32>
    %sub3A_857 = vector.broadcast %broadcast_in_dim3A_856 : vector<128x1xf32> to vector<128x256xf32>
    %sub3A_858 = arith.subf %mul3A_853, %sub3A_857 : vector<128x256xf32>
    %exp3A_859 = math.exp %sub3A_858 : vector<128x256xf32>
    %reduce_sum3A_860 = arith.constant dense<0.000000e+00> : vector<128xf32>
    %reduce_sum3A_861 = vector.multi_reduction <add>, %exp3A_859, %reduce_sum3A_860 [1] : vector<128x256xf32> to vector<128xf32>
    %broadcast_in_dim3A_862 = vector.shape_cast %reduce_sum3A_861 : vector<128xf32> to vector<128x1xf32>
    %div3A_863 = vector.broadcast %broadcast_in_dim3A_862 : vector<128x1xf32> to vector<128x256xf32>
    %div3A_864 = arith.divf %exp3A_859, %div3A_863 : vector<128x256xf32>
    %dot_general3A_865 = arith.constant dense<0.000000e+00> : vector<128x64xf32>
    %dot_general3A_866 = tpu.matmul %div3A_864, %slice3A_844, %dot_general3A_865 {dimension_numbers = #tpu.dot_dimension_numbers<[1], [0], [0], [1], [0, 0, 1, 1], [], []>, transpose_lhs_hint = false} : vector<128x256xf32>, vector<256x64xf32>, vector<128x64xf32> -> vector<128x64xf32>
    %slice3A_867 = vector.extract_strided_slice %slice3A_25 {offsets = [256, 0], sizes = [128, 1], strides = [1, 1]} : vector<512x1xf32> to vector<128x1xf32>
    %slice3A_868 = vector.extract_strided_slice %dot_general3A_763 {offsets = [256, 0], sizes = [128, 64], strides = [1, 1]} : vector<512x64xf32> to vector<128x64xf32>
    %mul3A_869 = vector.broadcast %slice3A_867 : vector<128x1xf32> to vector<128x64xf32>
    %mul3A_870 = arith.mulf %mul3A_869, %slice3A_868 : vector<128x64xf32>
    %slice3A_871 = vector.extract_strided_slice %slice3A_26 {offsets = [256, 0], sizes = [128, 1], strides = [1, 1]} : vector<512x1xf32> to vector<128x1xf32>
    %mul3A_872 = vector.broadcast %slice3A_871 : vector<128x1xf32> to vector<128x64xf32>
    %mul3A_873 = arith.mulf %mul3A_872, %dot_general3A_866 : vector<128x64xf32>
    %add3A_874 = arith.addf %mul3A_870, %mul3A_873 : vector<128x64xf32>
    %swap3A_875 = arith.constant 0 : index
    %swap3A_876 = arith.constant 256 : index
    %swap3A_877 = arith.constant 0 : index
    %swap3A_878 = vector.load %arg10[%swap3A_875, %swap3A_876, %swap3A_877] : memref<1x512x512xf32, #tpu.memory_space<vmem>>, vector<1x128x64xf32>
    %swap3A_879 = vector.shape_cast %swap3A_878 : vector<1x128x64xf32> to vector<128x64xf32>
    %swap3A_880 = vector.shape_cast %add3A_874 : vector<128x64xf32> to vector<1x128x64xf32>
    tpu.vector_store %arg10[%swap3A_875, %swap3A_876, %swap3A_877], %swap3A_880 {strides = array<i32>} : memref<1x512x512xf32, #tpu.memory_space<vmem>>, vector<1x128x64xf32>,
    %slice3A_881 = vector.extract_strided_slice %slice3A_741 {offsets = [384, 0], sizes = [128, 64], strides = [1, 1]} : vector<512x64xf32> to vector<128x64xf32>
    %slice3A_882 = vector.extract_strided_slice %slice3A_742 {offsets = [256, 0], sizes = [256, 64], strides = [1, 1]} : vector<512x64xf32> to vector<256x64xf32>
    %slice3A_883 = vector.extract_strided_slice %slice3A_743 {offsets = [256, 0], sizes = [256, 64], strides = [1, 1]} : vector<512x64xf32> to vector<256x64xf32>
    %transpose3A_884 = tpu.transpose %slice3A_882, [1, 0] : vector<256x64xf32> -> vector<64x256xf32>
    %dot_general3A_885 = arith.constant dense<0.000000e+00> : vector<128x256xf32>
    %dot_general3A_886 = tpu.matmul %slice3A_881, %transpose3A_884, %dot_general3A_885 {dimension_numbers = #tpu.dot_dimension_numbers<[1], [0], [0], [1], [0, 0, 1, 1], [], []>, transpose_lhs_hint = false} : vector<128x64xf32>, vector<64x256xf32>, vector<128x256xf32> -> vector<128x256xf32>
    %jit3A_887 = arith.constant 0xFF800000 : f32
    %broadcast_in_dim3A_888 = vector.broadcast %jit3A_887 : f32 to vector<128x256xf32>
    %select_n3A_889 = arith.select %and3A_740, %dot_general3A_886, %broadcast_in_dim3A_888 : vector<128x256xi1>, vector<128x256xf32>
    %mul3A_890 = arith.constant 1.250000e-01 : f32
    %mul3A_891 = vector.broadcast %mul3A_890 : f32 to vector<128x256xf32>
    %mul3A_892 = arith.mulf %select_n3A_889, %mul3A_891 : vector<128x256xf32>
    %reduce_max3A_893 = arith.constant dense<0xFF800000> : vector<128xf32>
    %reduce_max3A_894 = vector.multi_reduction <maximumf>, %mul3A_892, %reduce_max3A_893 [1] : vector<128x256xf32> to vector<128xf32>
    %broadcast_in_dim3A_895 = vector.shape_cast %reduce_max3A_894 : vector<128xf32> to vector<128x1xf32>
    %sub3A_896 = vector.broadcast %broadcast_in_dim3A_895 : vector<128x1xf32> to vector<128x256xf32>
    %sub3A_897 = arith.subf %mul3A_892, %sub3A_896 : vector<128x256xf32>
    %exp3A_898 = math.exp %sub3A_897 : vector<128x256xf32>
    %reduce_sum3A_899 = arith.constant dense<0.000000e+00> : vector<128xf32>
    %reduce_sum3A_900 = vector.multi_reduction <add>, %exp3A_898, %reduce_sum3A_899 [1] : vector<128x256xf32> to vector<128xf32>
    %broadcast_in_dim3A_901 = vector.shape_cast %reduce_sum3A_900 : vector<128xf32> to vector<128x1xf32>
    %div3A_902 = vector.broadcast %broadcast_in_dim3A_901 : vector<128x1xf32> to vector<128x256xf32>
    %div3A_903 = arith.divf %exp3A_898, %div3A_902 : vector<128x256xf32>
    %dot_general3A_904 = arith.constant dense<0.000000e+00> : vector<128x64xf32>
    %dot_general3A_905 = tpu.matmul %div3A_903, %slice3A_883, %dot_general3A_904 {dimension_numbers = #tpu.dot_dimension_numbers<[1], [0], [0], [1], [0, 0, 1, 1], [], []>, transpose_lhs_hint = false} : vector<128x256xf32>, vector<256x64xf32>, vector<128x64xf32> -> vector<128x64xf32>
    %slice3A_906 = vector.extract_strided_slice %slice3A_25 {offsets = [384, 0], sizes = [128, 1], strides = [1, 1]} : vector<512x1xf32> to vector<128x1xf32>
    %slice3A_907 = vector.extract_strided_slice %dot_general3A_763 {offsets = [384, 0], sizes = [128, 64], strides = [1, 1]} : vector<512x64xf32> to vector<128x64xf32>
    %mul3A_908 = vector.broadcast %slice3A_906 : vector<128x1xf32> to vector<128x64xf32>
    %mul3A_909 = arith.mulf %mul3A_908, %slice3A_907 : vector<128x64xf32>
    %slice3A_910 = vector.extract_strided_slice %slice3A_26 {offsets = [384, 0], sizes = [128, 1], strides = [1, 1]} : vector<512x1xf32> to vector<128x1xf32>
    %mul3A_911 = vector.broadcast %slice3A_910 : vector<128x1xf32> to vector<128x64xf32>
    %mul3A_912 = arith.mulf %mul3A_911, %dot_general3A_905 : vector<128x64xf32>
    %add3A_913 = arith.addf %mul3A_909, %mul3A_912 : vector<128x64xf32>
    %swap3A_914 = arith.constant 0 : index
    %swap3A_915 = arith.constant 384 : index
    %swap3A_916 = arith.constant 0 : index
    %swap3A_917 = vector.load %arg10[%swap3A_914, %swap3A_915, %swap3A_916] : memref<1x512x512xf32, #tpu.memory_space<vmem>>, vector<1x128x64xf32>
    %swap3A_918 = vector.shape_cast %swap3A_917 : vector<1x128x64xf32> to vector<128x64xf32>
    %swap3A_919 = vector.shape_cast %add3A_913 : vector<128x64xf32> to vector<1x128x64xf32>
    tpu.vector_store %arg10[%swap3A_914, %swap3A_915, %swap3A_916], %swap3A_919 {strides = array<i32>} : memref<1x512x512xf32, #tpu.memory_space<vmem>>, vector<1x128x64xf32>,
    %slice3A_920 = vector.extract_strided_slice %div3A_760 {offsets = [511, 0], sizes = [1, 31], strides = [1, 1]} : vector<512x31xf32> to vector<1x31xf32>
    %dot_general3A_921 = arith.constant dense<0.000000e+00> : vector<1x16xf32>
    %dot_general3A_922 = tpu.matmul %slice3A_920, %add3A_687, %dot_general3A_921 {dimension_numbers = #tpu.dot_dimension_numbers<[1], [0], [0], [1], [0, 0, 1, 1], [], []>, transpose_lhs_hint = false} : vector<1x31xf32>, vector<31x16xf32>, vector<1x16xf32> -> vector<1x16xf32>
    %slice3A_923 = vector.extract_strided_slice %slice3A {offsets = [0, 64], sizes = [512, 64], strides = [1, 1]} : vector<512x512xf32> to vector<512x64xf32>
    %slice3A_924 = vector.extract_strided_slice %slice3A_12 {offsets = [0, 64], sizes = [512, 64], strides = [1, 1]} : vector<512x512xf32> to vector<512x64xf32>
    %slice3A_925 = vector.extract_strided_slice %slice3A_13 {offsets = [0, 64], sizes = [512, 64], strides = [1, 1]} : vector<512x512xf32> to vector<512x64xf32>
    %concatenate3A_926 = tpu.concatenate %slice3A_924, %slice3A_925 in 1 : vector<512x64xf32>, vector<512x64xf32> -> vector<512x128xf32>
    %swap3A_927 = arith.constant 512 : index
    %swap3A_928 = arith.constant 0 : index
    %swap3A_929 = vector.load %arg11[%swap3A_927, %swap3A_928] : memref<4096x128xf32, #tpu.memory_space<vmem>>, vector<512x128xf32>
    tpu.vector_store %arg11[%swap3A_927, %swap3A_928], %concatenate3A_926 {strides = array<i32>} : memref<4096x128xf32, #tpu.memory_space<vmem>>, vector<512x128xf32>,
    %slice3A_930 = vector.extract_strided_slice %add3A_646 {offsets = [0, 64], sizes = [31, 64], strides = [1, 1]} : vector<31x512xf32> to vector<31x64xf32>
    %transpose3A_931 = tpu.transpose %slice3A_930, [1, 0] : vector<31x64xf32> -> vector<64x31xf32>
    %dot_general3A_932 = arith.constant dense<0.000000e+00> : vector<512x31xf32>
    %dot_general3A_933 = tpu.matmul %slice3A_923, %transpose3A_931, %dot_general3A_932 {dimension_numbers = #tpu.dot_dimension_numbers<[1], [0], [0], [1], [0, 0, 1, 1], [], []>, transpose_lhs_hint = false} : vector<512x64xf32>, vector<64x31xf32>, vector<512x31xf32> -> vector<512x31xf32>
    %mul3A_934 = arith.constant 1.250000e-01 : f32
    %mul3A_935 = vector.broadcast %mul3A_934 : f32 to vector<512x31xf32>
    %mul3A_936 = arith.mulf %dot_general3A_933, %mul3A_935 : vector<512x31xf32>
    %jit3A_937 = arith.constant 0xFF800000 : f32
    %broadcast_in_dim3A_938 = vector.broadcast %jit3A_937 : f32 to vector<512x31xf32>
    %select_n3A_939 = arith.select %lt3A, %mul3A_936, %broadcast_in_dim3A_938 : vector<512x31xi1>, vector<512x31xf32>
    %reduce_max3A_940 = arith.constant dense<0xFF800000> : vector<512xf32>
    %reduce_max3A_941 = vector.multi_reduction <maximumf>, %select_n3A_939, %reduce_max3A_940 [1] : vector<512x31xf32> to vector<512xf32>
    %broadcast_in_dim3A_942 = vector.shape_cast %reduce_max3A_941 : vector<512xf32> to vector<512x1xf32>
    %sub3A_943 = vector.broadcast %broadcast_in_dim3A_942 : vector<512x1xf32> to vector<512x31xf32>
    %sub3A_944 = arith.subf %select_n3A_939, %sub3A_943 : vector<512x31xf32>
    %exp3A_945 = math.exp %sub3A_944 : vector<512x31xf32>
    %reduce_sum3A_946 = arith.constant dense<0.000000e+00> : vector<512xf32>
    %reduce_sum3A_947 = vector.multi_reduction <add>, %exp3A_945, %reduce_sum3A_946 [1] : vector<512x31xf32> to vector<512xf32>
    %broadcast_in_dim3A_948 = vector.shape_cast %reduce_sum3A_947 : vector<512xf32> to vector<512x1xf32>
    %div3A_949 = vector.broadcast %broadcast_in_dim3A_948 : vector<512x1xf32> to vector<512x31xf32>
    %div3A_950 = arith.divf %exp3A_945, %div3A_949 : vector<512x31xf32>
    %slice3A_951 = vector.extract_strided_slice %add3A_654 {offsets = [0, 64], sizes = [31, 64], strides = [1, 1]} : vector<31x512xf32> to vector<31x64xf32>
    %dot_general3A_952 = arith.constant dense<0.000000e+00> : vector<512x64xf32>
    %dot_general3A_953 = tpu.matmul %div3A_950, %slice3A_951, %dot_general3A_952 {dimension_numbers = #tpu.dot_dimension_numbers<[1], [0], [0], [1], [0, 0, 1, 1], [], []>, transpose_lhs_hint = false} : vector<512x31xf32>, vector<31x64xf32>, vector<512x64xf32> -> vector<512x64xf32>
    %slice3A_954 = vector.extract_strided_slice %slice3A_923 {offsets = [0, 0], sizes = [128, 64], strides = [1, 1]} : vector<512x64xf32> to vector<128x64xf32>
    %slice3A_955 = vector.extract_strided_slice %slice3A_924 {offsets = [0, 0], sizes = [256, 64], strides = [1, 1]} : vector<512x64xf32> to vector<256x64xf32>
    %slice3A_956 = vector.extract_strided_slice %slice3A_925 {offsets = [0, 0], sizes = [256, 64], strides = [1, 1]} : vector<512x64xf32> to vector<256x64xf32>
    %transpose3A_957 = tpu.transpose %slice3A_955, [1, 0] : vector<256x64xf32> -> vector<64x256xf32>
    %dot_general3A_958 = arith.constant dense<0.000000e+00> : vector<128x256xf32>
    %dot_general3A_959 = tpu.matmul %slice3A_954, %transpose3A_957, %dot_general3A_958 {dimension_numbers = #tpu.dot_dimension_numbers<[1], [0], [0], [1], [0, 0, 1, 1], [], []>, transpose_lhs_hint = false} : vector<128x64xf32>, vector<64x256xf32>, vector<128x256xf32> -> vector<128x256xf32>
    %jit3A_960 = arith.constant 0xFF800000 : f32
    %broadcast_in_dim3A_961 = vector.broadcast %jit3A_960 : f32 to vector<128x256xf32>
    %select_n3A_962 = arith.select %and3A, %dot_general3A_959, %broadcast_in_dim3A_961 : vector<128x256xi1>, vector<128x256xf32>
    %mul3A_963 = arith.constant 1.250000e-01 : f32
    %mul3A_964 = vector.broadcast %mul3A_963 : f32 to vector<128x256xf32>
    %mul3A_965 = arith.mulf %select_n3A_962, %mul3A_964 : vector<128x256xf32>
    %reduce_max3A_966 = arith.constant dense<0xFF800000> : vector<128xf32>
    %reduce_max3A_967 = vector.multi_reduction <maximumf>, %mul3A_965, %reduce_max3A_966 [1] : vector<128x256xf32> to vector<128xf32>
    %broadcast_in_dim3A_968 = vector.shape_cast %reduce_max3A_967 : vector<128xf32> to vector<128x1xf32>
    %sub3A_969 = vector.broadcast %broadcast_in_dim3A_968 : vector<128x1xf32> to vector<128x256xf32>
    %sub3A_970 = arith.subf %mul3A_965, %sub3A_969 : vector<128x256xf32>
    %exp3A_971 = math.exp %sub3A_970 : vector<128x256xf32>
    %reduce_sum3A_972 = arith.constant dense<0.000000e+00> : vector<128xf32>
    %reduce_sum3A_973 = vector.multi_reduction <add>, %exp3A_971, %reduce_sum3A_972 [1] : vector<128x256xf32> to vector<128xf32>
    %broadcast_in_dim3A_974 = vector.shape_cast %reduce_sum3A_973 : vector<128xf32> to vector<128x1xf32>
    %div3A_975 = vector.broadcast %broadcast_in_dim3A_974 : vector<128x1xf32> to vector<128x256xf32>
    %div3A_976 = arith.divf %exp3A_971, %div3A_975 : vector<128x256xf32>
    %dot_general3A_977 = arith.constant dense<0.000000e+00> : vector<128x64xf32>
    %dot_general3A_978 = tpu.matmul %div3A_976, %slice3A_956, %dot_general3A_977 {dimension_numbers = #tpu.dot_dimension_numbers<[1], [0], [0], [1], [0, 0, 1, 1], [], []>, transpose_lhs_hint = false} : vector<128x256xf32>, vector<256x64xf32>, vector<128x64xf32> -> vector<128x64xf32>
    %slice3A_979 = vector.extract_strided_slice %slice3A_25 {offsets = [0, 0], sizes = [128, 1], strides = [1, 1]} : vector<512x1xf32> to vector<128x1xf32>
    %slice3A_980 = vector.extract_strided_slice %dot_general3A_953 {offsets = [0, 0], sizes = [128, 64], strides = [1, 1]} : vector<512x64xf32> to vector<128x64xf32>
    %mul3A_981 = vector.broadcast %slice3A_979 : vector<128x1xf32> to vector<128x64xf32>
    %mul3A_982 = arith.mulf %mul3A_981, %slice3A_980 : vector<128x64xf32>
    %slice3A_983 = vector.extract_strided_slice %slice3A_26 {offsets = [0, 0], sizes = [128, 1], strides = [1, 1]} : vector<512x1xf32> to vector<128x1xf32>
    %mul3A_984 = vector.broadcast %slice3A_983 : vector<128x1xf32> to vector<128x64xf32>
    %mul3A_985 = arith.mulf %mul3A_984, %dot_general3A_978 : vector<128x64xf32>
    %add3A_986 = arith.addf %mul3A_982, %mul3A_985 : vector<128x64xf32>
    %swap3A_987 = arith.constant 0 : index
    %swap3A_988 = arith.constant 0 : index
    %swap3A_989 = arith.constant 64 : index
    %swap3A_990 = vector.load %arg10[%swap3A_987, %swap3A_988, %swap3A_989] : memref<1x512x512xf32, #tpu.memory_space<vmem>>, vector<1x128x64xf32>
    %swap3A_991 = vector.shape_cast %swap3A_990 : vector<1x128x64xf32> to vector<128x64xf32>
    %swap3A_992 = vector.shape_cast %add3A_986 : vector<128x64xf32> to vector<1x128x64xf32>
    tpu.vector_store %arg10[%swap3A_987, %swap3A_988, %swap3A_989], %swap3A_992 {strides = array<i32>} : memref<1x512x512xf32, #tpu.memory_space<vmem>>, vector<1x128x64xf32>,
    %slice3A_993 = vector.extract_strided_slice %slice3A_923 {offsets = [128, 0], sizes = [128, 64], strides = [1, 1]} : vector<512x64xf32> to vector<128x64xf32>
    %slice3A_994 = vector.extract_strided_slice %slice3A_924 {offsets = [0, 0], sizes = [256, 64], strides = [1, 1]} : vector<512x64xf32> to vector<256x64xf32>
    %slice3A_995 = vector.extract_strided_slice %slice3A_925 {offsets = [0, 0], sizes = [256, 64], strides = [1, 1]} : vector<512x64xf32> to vector<256x64xf32>
    %transpose3A_996 = tpu.transpose %slice3A_994, [1, 0] : vector<256x64xf32> -> vector<64x256xf32>
    %dot_general3A_997 = arith.constant dense<0.000000e+00> : vector<128x256xf32>
    %dot_general3A_998 = tpu.matmul %slice3A_993, %transpose3A_996, %dot_general3A_997 {dimension_numbers = #tpu.dot_dimension_numbers<[1], [0], [0], [1], [0, 0, 1, 1], [], []>, transpose_lhs_hint = false} : vector<128x64xf32>, vector<64x256xf32>, vector<128x256xf32> -> vector<128x256xf32>
    %jit3A_999 = arith.constant 0xFF800000 : f32
    %broadcast_in_dim3A_1000 = vector.broadcast %jit3A_999 : f32 to vector<128x256xf32>
    %select_n3A_1001 = arith.select %and3A_712, %dot_general3A_998, %broadcast_in_dim3A_1000 : vector<128x256xi1>, vector<128x256xf32>
    %mul3A_1002 = arith.constant 1.250000e-01 : f32
    %mul3A_1003 = vector.broadcast %mul3A_1002 : f32 to vector<128x256xf32>
    %mul3A_1004 = arith.mulf %select_n3A_1001, %mul3A_1003 : vector<128x256xf32>
    %reduce_max3A_1005 = arith.constant dense<0xFF800000> : vector<128xf32>
    %reduce_max3A_1006 = vector.multi_reduction <maximumf>, %mul3A_1004, %reduce_max3A_1005 [1] : vector<128x256xf32> to vector<128xf32>
    %broadcast_in_dim3A_1007 = vector.shape_cast %reduce_max3A_1006 : vector<128xf32> to vector<128x1xf32>
    %sub3A_1008 = vector.broadcast %broadcast_in_dim3A_1007 : vector<128x1xf32> to vector<128x256xf32>
    %sub3A_1009 = arith.subf %mul3A_1004, %sub3A_1008 : vector<128x256xf32>
    %exp3A_1010 = math.exp %sub3A_1009 : vector<128x256xf32>
    %reduce_sum3A_1011 = arith.constant dense<0.000000e+00> : vector<128xf32>
    %reduce_sum3A_1012 = vector.multi_reduction <add>, %exp3A_1010, %reduce_sum3A_1011 [1] : vector<128x256xf32> to vector<128xf32>
    %broadcast_in_dim3A_1013 = vector.shape_cast %reduce_sum3A_1012 : vector<128xf32> to vector<128x1xf32>
    %div3A_1014 = vector.broadcast %broadcast_in_dim3A_1013 : vector<128x1xf32> to vector<128x256xf32>
    %div3A_1015 = arith.divf %exp3A_1010, %div3A_1014 : vector<128x256xf32>
    %dot_general3A_1016 = arith.constant dense<0.000000e+00> : vector<128x64xf32>
    %dot_general3A_1017 = tpu.matmul %div3A_1015, %slice3A_995, %dot_general3A_1016 {dimension_numbers = #tpu.dot_dimension_numbers<[1], [0], [0], [1], [0, 0, 1, 1], [], []>, transpose_lhs_hint = false} : vector<128x256xf32>, vector<256x64xf32>, vector<128x64xf32> -> vector<128x64xf32>
    %slice3A_1018 = vector.extract_strided_slice %slice3A_25 {offsets = [128, 0], sizes = [128, 1], strides = [1, 1]} : vector<512x1xf32> to vector<128x1xf32>
    %slice3A_1019 = vector.extract_strided_slice %dot_general3A_953 {offsets = [128, 0], sizes = [128, 64], strides = [1, 1]} : vector<512x64xf32> to vector<128x64xf32>
    %mul3A_1020 = vector.broadcast %slice3A_1018 : vector<128x1xf32> to vector<128x64xf32>
    %mul3A_1021 = arith.mulf %mul3A_1020, %slice3A_1019 : vector<128x64xf32>
    %slice3A_1022 = vector.extract_strided_slice %slice3A_26 {offsets = [128, 0], sizes = [128, 1], strides = [1, 1]} : vector<512x1xf32> to vector<128x1xf32>
    %mul3A_1023 = vector.broadcast %slice3A_1022 : vector<128x1xf32> to vector<128x64xf32>
    %mul3A_1024 = arith.mulf %mul3A_1023, %dot_general3A_1017 : vector<128x64xf32>
    %add3A_1025 = arith.addf %mul3A_1021, %mul3A_1024 : vector<128x64xf32>
    %swap3A_1026 = arith.constant 0 : index
    %swap3A_1027 = arith.constant 128 : index
    %swap3A_1028 = arith.constant 64 : index
    %swap3A_1029 = vector.load %arg10[%swap3A_1026, %swap3A_1027, %swap3A_1028] : memref<1x512x512xf32, #tpu.memory_space<vmem>>, vector<1x128x64xf32>
    %swap3A_1030 = vector.shape_cast %swap3A_1029 : vector<1x128x64xf32> to vector<128x64xf32>
    %swap3A_1031 = vector.shape_cast %add3A_1025 : vector<128x64xf32> to vector<1x128x64xf32>
    tpu.vector_store %arg10[%swap3A_1026, %swap3A_1027, %swap3A_1028], %swap3A_1031 {strides = array<i32>} : memref<1x512x512xf32, #tpu.memory_space<vmem>>, vector<1x128x64xf32>,
    %slice3A_1032 = vector.extract_strided_slice %slice3A_923 {offsets = [256, 0], sizes = [128, 64], strides = [1, 1]} : vector<512x64xf32> to vector<128x64xf32>
    %slice3A_1033 = vector.extract_strided_slice %slice3A_924 {offsets = [128, 0], sizes = [256, 64], strides = [1, 1]} : vector<512x64xf32> to vector<256x64xf32>
    %slice3A_1034 = vector.extract_strided_slice %slice3A_925 {offsets = [128, 0], sizes = [256, 64], strides = [1, 1]} : vector<512x64xf32> to vector<256x64xf32>
    %transpose3A_1035 = tpu.transpose %slice3A_1033, [1, 0] : vector<256x64xf32> -> vector<64x256xf32>
    %dot_general3A_1036 = arith.constant dense<0.000000e+00> : vector<128x256xf32>
    %dot_general3A_1037 = tpu.matmul %slice3A_1032, %transpose3A_1035, %dot_general3A_1036 {dimension_numbers = #tpu.dot_dimension_numbers<[1], [0], [0], [1], [0, 0, 1, 1], [], []>, transpose_lhs_hint = false} : vector<128x64xf32>, vector<64x256xf32>, vector<128x256xf32> -> vector<128x256xf32>
    %jit3A_1038 = arith.constant 0xFF800000 : f32
    %broadcast_in_dim3A_1039 = vector.broadcast %jit3A_1038 : f32 to vector<128x256xf32>
    %select_n3A_1040 = arith.select %and3A_726, %dot_general3A_1037, %broadcast_in_dim3A_1039 : vector<128x256xi1>, vector<128x256xf32>
    %mul3A_1041 = arith.constant 1.250000e-01 : f32
    %mul3A_1042 = vector.broadcast %mul3A_1041 : f32 to vector<128x256xf32>
    %mul3A_1043 = arith.mulf %select_n3A_1040, %mul3A_1042 : vector<128x256xf32>
    %reduce_max3A_1044 = arith.constant dense<0xFF800000> : vector<128xf32>
    %reduce_max3A_1045 = vector.multi_reduction <maximumf>, %mul3A_1043, %reduce_max3A_1044 [1] : vector<128x256xf32> to vector<128xf32>
    %broadcast_in_dim3A_1046 = vector.shape_cast %reduce_max3A_1045 : vector<128xf32> to vector<128x1xf32>
    %sub3A_1047 = vector.broadcast %broadcast_in_dim3A_1046 : vector<128x1xf32> to vector<128x256xf32>
    %sub3A_1048 = arith.subf %mul3A_1043, %sub3A_1047 : vector<128x256xf32>
    %exp3A_1049 = math.exp %sub3A_1048 : vector<128x256xf32>
    %reduce_sum3A_1050 = arith.constant dense<0.000000e+00> : vector<128xf32>
    %reduce_sum3A_1051 = vector.multi_reduction <add>, %exp3A_1049, %reduce_sum3A_1050 [1] : vector<128x256xf32> to vector<128xf32>
    %broadcast_in_dim3A_1052 = vector.shape_cast %reduce_sum3A_1051 : vector<128xf32> to vector<128x1xf32>
    %div3A_1053 = vector.broadcast %broadcast_in_dim3A_1052 : vector<128x1xf32> to vector<128x256xf32>
    %div3A_1054 = arith.divf %exp3A_1049, %div3A_1053 : vector<128x256xf32>
    %dot_general3A_1055 = arith.constant dense<0.000000e+00> : vector<128x64xf32>
    %dot_general3A_1056 = tpu.matmul %div3A_1054, %slice3A_1034, %dot_general3A_1055 {dimension_numbers = #tpu.dot_dimension_numbers<[1], [0], [0], [1], [0, 0, 1, 1], [], []>, transpose_lhs_hint = false} : vector<128x256xf32>, vector<256x64xf32>, vector<128x64xf32> -> vector<128x64xf32>
    %slice3A_1057 = vector.extract_strided_slice %slice3A_25 {offsets = [256, 0], sizes = [128, 1], strides = [1, 1]} : vector<512x1xf32> to vector<128x1xf32>
    %slice3A_1058 = vector.extract_strided_slice %dot_general3A_953 {offsets = [256, 0], sizes = [128, 64], strides = [1, 1]} : vector<512x64xf32> to vector<128x64xf32>
    %mul3A_1059 = vector.broadcast %slice3A_1057 : vector<128x1xf32> to vector<128x64xf32>
    %mul3A_1060 = arith.mulf %mul3A_1059, %slice3A_1058 : vector<128x64xf32>
    %slice3A_1061 = vector.extract_strided_slice %slice3A_26 {offsets = [256, 0], sizes = [128, 1], strides = [1, 1]} : vector<512x1xf32> to vector<128x1xf32>
    %mul3A_1062 = vector.broadcast %slice3A_1061 : vector<128x1xf32> to vector<128x64xf32>
    %mul3A_1063 = arith.mulf %mul3A_1062, %dot_general3A_1056 : vector<128x64xf32>
    %add3A_1064 = arith.addf %mul3A_1060, %mul3A_1063 : vector<128x64xf32>
    %swap3A_1065 = arith.constant 0 : index
    %swap3A_1066 = arith.constant 256 : index
    %swap3A_1067 = arith.constant 64 : index
    %swap3A_1068 = vector.load %arg10[%swap3A_1065, %swap3A_1066, %swap3A_1067] : memref<1x512x512xf32, #tpu.memory_space<vmem>>, vector<1x128x64xf32>
    %swap3A_1069 = vector.shape_cast %swap3A_1068 : vector<1x128x64xf32> to vector<128x64xf32>
    %swap3A_1070 = vector.shape_cast %add3A_1064 : vector<128x64xf32> to vector<1x128x64xf32>
    tpu.vector_store %arg10[%swap3A_1065, %swap3A_1066, %swap3A_1067], %swap3A_1070 {strides = array<i32>} : memref<1x512x512xf32, #tpu.memory_space<vmem>>, vector<1x128x64xf32>,
    %slice3A_1071 = vector.extract_strided_slice %slice3A_923 {offsets = [384, 0], sizes = [128, 64], strides = [1, 1]} : vector<512x64xf32> to vector<128x64xf32>
    %slice3A_1072 = vector.extract_strided_slice %slice3A_924 {offsets = [256, 0], sizes = [256, 64], strides = [1, 1]} : vector<512x64xf32> to vector<256x64xf32>
    %slice3A_1073 = vector.extract_strided_slice %slice3A_925 {offsets = [256, 0], sizes = [256, 64], strides = [1, 1]} : vector<512x64xf32> to vector<256x64xf32>
    %transpose3A_1074 = tpu.transpose %slice3A_1072, [1, 0] : vector<256x64xf32> -> vector<64x256xf32>
    %dot_general3A_1075 = arith.constant dense<0.000000e+00> : vector<128x256xf32>
    %dot_general3A_1076 = tpu.matmul %slice3A_1071, %transpose3A_1074, %dot_general3A_1075 {dimension_numbers = #tpu.dot_dimension_numbers<[1], [0], [0], [1], [0, 0, 1, 1], [], []>, transpose_lhs_hint = false} : vector<128x64xf32>, vector<64x256xf32>, vector<128x256xf32> -> vector<128x256xf32>
    %jit3A_1077 = arith.constant 0xFF800000 : f32
    %broadcast_in_dim3A_1078 = vector.broadcast %jit3A_1077 : f32 to vector<128x256xf32>
    %select_n3A_1079 = arith.select %and3A_740, %dot_general3A_1076, %broadcast_in_dim3A_1078 : vector<128x256xi1>, vector<128x256xf32>
    %mul3A_1080 = arith.constant 1.250000e-01 : f32
    %mul3A_1081 = vector.broadcast %mul3A_1080 : f32 to vector<128x256xf32>
    %mul3A_1082 = arith.mulf %select_n3A_1079, %mul3A_1081 : vector<128x256xf32>
    %reduce_max3A_1083 = arith.constant dense<0xFF800000> : vector<128xf32>
    %reduce_max3A_1084 = vector.multi_reduction <maximumf>, %mul3A_1082, %reduce_max3A_1083 [1] : vector<128x256xf32> to vector<128xf32>
    %broadcast_in_dim3A_1085 = vector.shape_cast %reduce_max3A_1084 : vector<128xf32> to vector<128x1xf32>
    %sub3A_1086 = vector.broadcast %broadcast_in_dim3A_1085 : vector<128x1xf32> to vector<128x256xf32>
    %sub3A_1087 = arith.subf %mul3A_1082, %sub3A_1086 : vector<128x256xf32>
    %exp3A_1088 = math.exp %sub3A_1087 : vector<128x256xf32>
    %reduce_sum3A_1089 = arith.constant dense<0.000000e+00> : vector<128xf32>
    %reduce_sum3A_1090 = vector.multi_reduction <add>, %exp3A_1088, %reduce_sum3A_1089 [1] : vector<128x256xf32> to vector<128xf32>
    %broadcast_in_dim3A_1091 = vector.shape_cast %reduce_sum3A_1090 : vector<128xf32> to vector<128x1xf32>
    %div3A_1092 = vector.broadcast %broadcast_in_dim3A_1091 : vector<128x1xf32> to vector<128x256xf32>
    %div3A_1093 = arith.divf %exp3A_1088, %div3A_1092 : vector<128x256xf32>
    %dot_general3A_1094 = arith.constant dense<0.000000e+00> : vector<128x64xf32>
    %dot_general3A_1095 = tpu.matmul %div3A_1093, %slice3A_1073, %dot_general3A_1094 {dimension_numbers = #tpu.dot_dimension_numbers<[1], [0], [0], [1], [0, 0, 1, 1], [], []>, transpose_lhs_hint = false} : vector<128x256xf32>, vector<256x64xf32>, vector<128x64xf32> -> vector<128x64xf32>
    %slice3A_1096 = vector.extract_strided_slice %slice3A_25 {offsets = [384, 0], sizes = [128, 1], strides = [1, 1]} : vector<512x1xf32> to vector<128x1xf32>
    %slice3A_1097 = vector.extract_strided_slice %dot_general3A_953 {offsets = [384, 0], sizes = [128, 64], strides = [1, 1]} : vector<512x64xf32> to vector<128x64xf32>
    %mul3A_1098 = vector.broadcast %slice3A_1096 : vector<128x1xf32> to vector<128x64xf32>
    %mul3A_1099 = arith.mulf %mul3A_1098, %slice3A_1097 : vector<128x64xf32>
    %slice3A_1100 = vector.extract_strided_slice %slice3A_26 {offsets = [384, 0], sizes = [128, 1], strides = [1, 1]} : vector<512x1xf32> to vector<128x1xf32>
    %mul3A_1101 = vector.broadcast %slice3A_1100 : vector<128x1xf32> to vector<128x64xf32>
    %mul3A_1102 = arith.mulf %mul3A_1101, %dot_general3A_1095 : vector<128x64xf32>
    %add3A_1103 = arith.addf %mul3A_1099, %mul3A_1102 : vector<128x64xf32>
    %swap3A_1104 = arith.constant 0 : index
    %swap3A_1105 = arith.constant 384 : index
    %swap3A_1106 = arith.constant 64 : index
    %swap3A_1107 = vector.load %arg10[%swap3A_1104, %swap3A_1105, %swap3A_1106] : memref<1x512x512xf32, #tpu.memory_space<vmem>>, vector<1x128x64xf32>
    %swap3A_1108 = vector.shape_cast %swap3A_1107 : vector<1x128x64xf32> to vector<128x64xf32>
    %swap3A_1109 = vector.shape_cast %add3A_1103 : vector<128x64xf32> to vector<1x128x64xf32>
    tpu.vector_store %arg10[%swap3A_1104, %swap3A_1105, %swap3A_1106], %swap3A_1109 {strides = array<i32>} : memref<1x512x512xf32, #tpu.memory_space<vmem>>, vector<1x128x64xf32>,
    %slice3A_1110 = vector.extract_strided_slice %div3A_950 {offsets = [511, 0], sizes = [1, 31], strides = [1, 1]} : vector<512x31xf32> to vector<1x31xf32>
    %dot_general3A_1111 = arith.constant dense<0.000000e+00> : vector<1x16xf32>
    %dot_general3A_1112 = tpu.matmul %slice3A_1110, %add3A_687, %dot_general3A_1111 {dimension_numbers = #tpu.dot_dimension_numbers<[1], [0], [0], [1], [0, 0, 1, 1], [], []>, transpose_lhs_hint = false} : vector<1x31xf32>, vector<31x16xf32>, vector<1x16xf32> -> vector<1x16xf32>
    %slice3A_1113 = vector.extract_strided_slice %slice3A {offsets = [0, 128], sizes = [512, 64], strides = [1, 1]} : vector<512x512xf32> to vector<512x64xf32>
    %slice3A_1114 = vector.extract_strided_slice %slice3A_12 {offsets = [0, 128], sizes = [512, 64], strides = [1, 1]} : vector<512x512xf32> to vector<512x64xf32>
    %slice3A_1115 = vector.extract_strided_slice %slice3A_13 {offsets = [0, 128], sizes = [512, 64], strides = [1, 1]} : vector<512x512xf32> to vector<512x64xf32>
    %concatenate3A_1116 = tpu.concatenate %slice3A_1114, %slice3A_1115 in 1 : vector<512x64xf32>, vector<512x64xf32> -> vector<512x128xf32>
    %swap3A_1117 = arith.constant 1024 : index
    %swap3A_1118 = arith.constant 0 : index
    %swap3A_1119 = vector.load %arg11[%swap3A_1117, %swap3A_1118] : memref<4096x128xf32, #tpu.memory_space<vmem>>, vector<512x128xf32>
    tpu.vector_store %arg11[%swap3A_1117, %swap3A_1118], %concatenate3A_1116 {strides = array<i32>} : memref<4096x128xf32, #tpu.memory_space<vmem>>, vector<512x128xf32>,
    %slice3A_1120 = vector.extract_strided_slice %add3A_646 {offsets = [0, 128], sizes = [31, 64], strides = [1, 1]} : vector<31x512xf32> to vector<31x64xf32>
    %transpose3A_1121 = tpu.transpose %slice3A_1120, [1, 0] : vector<31x64xf32> -> vector<64x31xf32>
    %dot_general3A_1122 = arith.constant dense<0.000000e+00> : vector<512x31xf32>
    %dot_general3A_1123 = tpu.matmul %slice3A_1113, %transpose3A_1121, %dot_general3A_1122 {dimension_numbers = #tpu.dot_dimension_numbers<[1], [0], [0], [1], [0, 0, 1, 1], [], []>, transpose_lhs_hint = false} : vector<512x64xf32>, vector<64x31xf32>, vector<512x31xf32> -> vector<512x31xf32>
    %mul3A_1124 = arith.constant 1.250000e-01 : f32
    %mul3A_1125 = vector.broadcast %mul3A_1124 : f32 to vector<512x31xf32>
    %mul3A_1126 = arith.mulf %dot_general3A_1123, %mul3A_1125 : vector<512x31xf32>
    %jit3A_1127 = arith.constant 0xFF800000 : f32
    %broadcast_in_dim3A_1128 = vector.broadcast %jit3A_1127 : f32 to vector<512x31xf32>
    %select_n3A_1129 = arith.select %lt3A, %mul3A_1126, %broadcast_in_dim3A_1128 : vector<512x31xi1>, vector<512x31xf32>
    %reduce_max3A_1130 = arith.constant dense<0xFF800000> : vector<512xf32>
    %reduce_max3A_1131 = vector.multi_reduction <maximumf>, %select_n3A_1129, %reduce_max3A_1130 [1] : vector<512x31xf32> to vector<512xf32>
    %broadcast_in_dim3A_1132 = vector.shape_cast %reduce_max3A_1131 : vector<512xf32> to vector<512x1xf32>
    %sub3A_1133 = vector.broadcast %broadcast_in_dim3A_1132 : vector<512x1xf32> to vector<512x31xf32>
    %sub3A_1134 = arith.subf %select_n3A_1129, %sub3A_1133 : vector<512x31xf32>
    %exp3A_1135 = math.exp %sub3A_1134 : vector<512x31xf32>
    %reduce_sum3A_1136 = arith.constant dense<0.000000e+00> : vector<512xf32>
    %reduce_sum3A_1137 = vector.multi_reduction <add>, %exp3A_1135, %reduce_sum3A_1136 [1] : vector<512x31xf32> to vector<512xf32>
    %broadcast_in_dim3A_1138 = vector.shape_cast %reduce_sum3A_1137 : vector<512xf32> to vector<512x1xf32>
    %div3A_1139 = vector.broadcast %broadcast_in_dim3A_1138 : vector<512x1xf32> to vector<512x31xf32>
    %div3A_1140 = arith.divf %exp3A_1135, %div3A_1139 : vector<512x31xf32>
    %slice3A_1141 = vector.extract_strided_slice %add3A_654 {offsets = [0, 128], sizes = [31, 64], strides = [1, 1]} : vector<31x512xf32> to vector<31x64xf32>
    %dot_general3A_1142 = arith.constant dense<0.000000e+00> : vector<512x64xf32>
    %dot_general3A_1143 = tpu.matmul %div3A_1140, %slice3A_1141, %dot_general3A_1142 {dimension_numbers = #tpu.dot_dimension_numbers<[1], [0], [0], [1], [0, 0, 1, 1], [], []>, transpose_lhs_hint = false} : vector<512x31xf32>, vector<31x64xf32>, vector<512x64xf32> -> vector<512x64xf32>
    %slice3A_1144 = vector.extract_strided_slice %slice3A_1113 {offsets = [0, 0], sizes = [128, 64], strides = [1, 1]} : vector<512x64xf32> to vector<128x64xf32>
    %slice3A_1145 = vector.extract_strided_slice %slice3A_1114 {offsets = [0, 0], sizes = [256, 64], strides = [1, 1]} : vector<512x64xf32> to vector<256x64xf32>
    %slice3A_1146 = vector.extract_strided_slice %slice3A_1115 {offsets = [0, 0], sizes = [256, 64], strides = [1, 1]} : vector<512x64xf32> to vector<256x64xf32>
    %transpose3A_1147 = tpu.transpose %slice3A_1145, [1, 0] : vector<256x64xf32> -> vector<64x256xf32>
    %dot_general3A_1148 = arith.constant dense<0.000000e+00> : vector<128x256xf32>
    %dot_general3A_1149 = tpu.matmul %slice3A_1144, %transpose3A_1147, %dot_general3A_1148 {dimension_numbers = #tpu.dot_dimension_numbers<[1], [0], [0], [1], [0, 0, 1, 1], [], []>, transpose_lhs_hint = false} : vector<128x64xf32>, vector<64x256xf32>, vector<128x256xf32> -> vector<128x256xf32>
    %jit3A_1150 = arith.constant 0xFF800000 : f32
    %broadcast_in_dim3A_1151 = vector.broadcast %jit3A_1150 : f32 to vector<128x256xf32>
    %select_n3A_1152 = arith.select %and3A, %dot_general3A_1149, %broadcast_in_dim3A_1151 : vector<128x256xi1>, vector<128x256xf32>
    %mul3A_1153 = arith.constant 1.250000e-01 : f32
    %mul3A_1154 = vector.broadcast %mul3A_1153 : f32 to vector<128x256xf32>
    %mul3A_1155 = arith.mulf %select_n3A_1152, %mul3A_1154 : vector<128x256xf32>
    %reduce_max3A_1156 = arith.constant dense<0xFF800000> : vector<128xf32>
    %reduce_max3A_1157 = vector.multi_reduction <maximumf>, %mul3A_1155, %reduce_max3A_1156 [1] : vector<128x256xf32> to vector<128xf32>
    %broadcast_in_dim3A_1158 = vector.shape_cast %reduce_max3A_1157 : vector<128xf32> to vector<128x1xf32>
    %sub3A_1159 = vector.broadcast %broadcast_in_dim3A_1158 : vector<128x1xf32> to vector<128x256xf32>
    %sub3A_1160 = arith.subf %mul3A_1155, %sub3A_1159 : vector<128x256xf32>
    %exp3A_1161 = math.exp %sub3A_1160 : vector<128x256xf32>
    %reduce_sum3A_1162 = arith.constant dense<0.000000e+00> : vector<128xf32>
    %reduce_sum3A_1163 = vector.multi_reduction <add>, %exp3A_1161, %reduce_sum3A_1162 [1] : vector<128x256xf32> to vector<128xf32>
    %broadcast_in_dim3A_1164 = vector.shape_cast %reduce_sum3A_1163 : vector<128xf32> to vector<128x1xf32>
    %div3A_1165 = vector.broadcast %broadcast_in_dim3A_1164 : vector<128x1xf32> to vector<128x256xf32>
    %div3A_1166 = arith.divf %exp3A_1161, %div3A_1165 : vector<128x256xf32>
    %dot_general3A_1167 = arith.constant dense<0.000000e+00> : vector<128x64xf32>
    %dot_general3A_1168 = tpu.matmul %div3A_1166, %slice3A_1146, %dot_general3A_1167 {dimension_numbers = #tpu.dot_dimension_numbers<[1], [0], [0], [1], [0, 0, 1, 1], [], []>, transpose_lhs_hint = false} : vector<128x256xf32>, vector<256x64xf32>, vector<128x64xf32> -> vector<128x64xf32>
    %slice3A_1169 = vector.extract_strided_slice %slice3A_25 {offsets = [0, 0], sizes = [128, 1], strides = [1, 1]} : vector<512x1xf32> to vector<128x1xf32>
    %slice3A_1170 = vector.extract_strided_slice %dot_general3A_1143 {offsets = [0, 0], sizes = [128, 64], strides = [1, 1]} : vector<512x64xf32> to vector<128x64xf32>
    %mul3A_1171 = vector.broadcast %slice3A_1169 : vector<128x1xf32> to vector<128x64xf32>
    %mul3A_1172 = arith.mulf %mul3A_1171, %slice3A_1170 : vector<128x64xf32>
    %slice3A_1173 = vector.extract_strided_slice %slice3A_26 {offsets = [0, 0], sizes = [128, 1], strides = [1, 1]} : vector<512x1xf32> to vector<128x1xf32>
    %mul3A_1174 = vector.broadcast %slice3A_1173 : vector<128x1xf32> to vector<128x64xf32>
    %mul3A_1175 = arith.mulf %mul3A_1174, %dot_general3A_1168 : vector<128x64xf32>
    %add3A_1176 = arith.addf %mul3A_1172, %mul3A_1175 : vector<128x64xf32>
    %swap3A_1177 = arith.constant 0 : index
    %swap3A_1178 = arith.constant 0 : index
    %swap3A_1179 = arith.constant 128 : index
    %swap3A_1180 = vector.load %arg10[%swap3A_1177, %swap3A_1178, %swap3A_1179] : memref<1x512x512xf32, #tpu.memory_space<vmem>>, vector<1x128x64xf32>
    %swap3A_1181 = vector.shape_cast %swap3A_1180 : vector<1x128x64xf32> to vector<128x64xf32>
    %swap3A_1182 = vector.shape_cast %add3A_1176 : vector<128x64xf32> to vector<1x128x64xf32>
    tpu.vector_store %arg10[%swap3A_1177, %swap3A_1178, %swap3A_1179], %swap3A_1182 {strides = array<i32>} : memref<1x512x512xf32, #tpu.memory_space<vmem>>, vector<1x128x64xf32>,
    %slice3A_1183 = vector.extract_strided_slice %slice3A_1113 {offsets = [128, 0], sizes = [128, 64], strides = [1, 1]} : vector<512x64xf32> to vector<128x64xf32>
    %slice3A_1184 = vector.extract_strided_slice %slice3A_1114 {offsets = [0, 0], sizes = [256, 64], strides = [1, 1]} : vector<512x64xf32> to vector<256x64xf32>
    %slice3A_1185 = vector.extract_strided_slice %slice3A_1115 {offsets = [0, 0], sizes = [256, 64], strides = [1, 1]} : vector<512x64xf32> to vector<256x64xf32>
    %transpose3A_1186 = tpu.transpose %slice3A_1184, [1, 0] : vector<256x64xf32> -> vector<64x256xf32>
    %dot_general3A_1187 = arith.constant dense<0.000000e+00> : vector<128x256xf32>
    %dot_general3A_1188 = tpu.matmul %slice3A_1183, %transpose3A_1186, %dot_general3A_1187 {dimension_numbers = #tpu.dot_dimension_numbers<[1], [0], [0], [1], [0, 0, 1, 1], [], []>, transpose_lhs_hint = false} : vector<128x64xf32>, vector<64x256xf32>, vector<128x256xf32> -> vector<128x256xf32>
    %jit3A_1189 = arith.constant 0xFF800000 : f32
    %broadcast_in_dim3A_1190 = vector.broadcast %jit3A_1189 : f32 to vector<128x256xf32>
    %select_n3A_1191 = arith.select %and3A_712, %dot_general3A_1188, %broadcast_in_dim3A_1190 : vector<128x256xi1>, vector<128x256xf32>
    %mul3A_1192 = arith.constant 1.250000e-01 : f32
    %mul3A_1193 = vector.broadcast %mul3A_1192 : f32 to vector<128x256xf32>
    %mul3A_1194 = arith.mulf %select_n3A_1191, %mul3A_1193 : vector<128x256xf32>
    %reduce_max3A_1195 = arith.constant dense<0xFF800000> : vector<128xf32>
    %reduce_max3A_1196 = vector.multi_reduction <maximumf>, %mul3A_1194, %reduce_max3A_1195 [1] : vector<128x256xf32> to vector<128xf32>
    %broadcast_in_dim3A_1197 = vector.shape_cast %reduce_max3A_1196 : vector<128xf32> to vector<128x1xf32>
    %sub3A_1198 = vector.broadcast %broadcast_in_dim3A_1197 : vector<128x1xf32> to vector<128x256xf32>
    %sub3A_1199 = arith.subf %mul3A_1194, %sub3A_1198 : vector<128x256xf32>
    %exp3A_1200 = math.exp %sub3A_1199 : vector<128x256xf32>
    %reduce_sum3A_1201 = arith.constant dense<0.000000e+00> : vector<128xf32>
    %reduce_sum3A_1202 = vector.multi_reduction <add>, %exp3A_1200, %reduce_sum3A_1201 [1] : vector<128x256xf32> to vector<128xf32>
    %broadcast_in_dim3A_1203 = vector.shape_cast %reduce_sum3A_1202 : vector<128xf32> to vector<128x1xf32>
    %div3A_1204 = vector.broadcast %broadcast_in_dim3A_1203 : vector<128x1xf32> to vector<128x256xf32>
    %div3A_1205 = arith.divf %exp3A_1200, %div3A_1204 : vector<128x256xf32>
    %dot_general3A_1206 = arith.constant dense<0.000000e+00> : vector<128x64xf32>
    %dot_general3A_1207 = tpu.matmul %div3A_1205, %slice3A_1185, %dot_general3A_1206 {dimension_numbers = #tpu.dot_dimension_numbers<[1], [0], [0], [1], [0, 0, 1, 1], [], []>, transpose_lhs_hint = false} : vector<128x256xf32>, vector<256x64xf32>, vector<128x64xf32> -> vector<128x64xf32>
    %slice3A_1208 = vector.extract_strided_slice %slice3A_25 {offsets = [128, 0], sizes = [128, 1], strides = [1, 1]} : vector<512x1xf32> to vector<128x1xf32>
    %slice3A_1209 = vector.extract_strided_slice %dot_general3A_1143 {offsets = [128, 0], sizes = [128, 64], strides = [1, 1]} : vector<512x64xf32> to vector<128x64xf32>
    %mul3A_1210 = vector.broadcast %slice3A_1208 : vector<128x1xf32> to vector<128x64xf32>
    %mul3A_1211 = arith.mulf %mul3A_1210, %slice3A_1209 : vector<128x64xf32>
    %slice3A_1212 = vector.extract_strided_slice %slice3A_26 {offsets = [128, 0], sizes = [128, 1], strides = [1, 1]} : vector<512x1xf32> to vector<128x1xf32>
    %mul3A_1213 = vector.broadcast %slice3A_1212 : vector<128x1xf32> to vector<128x64xf32>
    %mul3A_1214 = arith.mulf %mul3A_1213, %dot_general3A_1207 : vector<128x64xf32>
    %add3A_1215 = arith.addf %mul3A_1211, %mul3A_1214 : vector<128x64xf32>
    %swap3A_1216 = arith.constant 0 : index
    %swap3A_1217 = arith.constant 128 : index
    %swap3A_1218 = arith.constant 128 : index
    %swap3A_1219 = vector.load %arg10[%swap3A_1216, %swap3A_1217, %swap3A_1218] : memref<1x512x512xf32, #tpu.memory_space<vmem>>, vector<1x128x64xf32>
    %swap3A_1220 = vector.shape_cast %swap3A_1219 : vector<1x128x64xf32> to vector<128x64xf32>
    %swap3A_1221 = vector.shape_cast %add3A_1215 : vector<128x64xf32> to vector<1x128x64xf32>
    tpu.vector_store %arg10[%swap3A_1216, %swap3A_1217, %swap3A_1218], %swap3A_1221 {strides = array<i32>} : memref<1x512x512xf32, #tpu.memory_space<vmem>>, vector<1x128x64xf32>,
    %slice3A_1222 = vector.extract_strided_slice %slice3A_1113 {offsets = [256, 0], sizes = [128, 64], strides = [1, 1]} : vector<512x64xf32> to vector<128x64xf32>
    %slice3A_1223 = vector.extract_strided_slice %slice3A_1114 {offsets = [128, 0], sizes = [256, 64], strides = [1, 1]} : vector<512x64xf32> to vector<256x64xf32>
    %slice3A_1224 = vector.extract_strided_slice %slice3A_1115 {offsets = [128, 0], sizes = [256, 64], strides = [1, 1]} : vector<512x64xf32> to vector<256x64xf32>
    %transpose3A_1225 = tpu.transpose %slice3A_1223, [1, 0] : vector<256x64xf32> -> vector<64x256xf32>
    %dot_general3A_1226 = arith.constant dense<0.000000e+00> : vector<128x256xf32>
    %dot_general3A_1227 = tpu.matmul %slice3A_1222, %transpose3A_1225, %dot_general3A_1226 {dimension_numbers = #tpu.dot_dimension_numbers<[1], [0], [0], [1], [0, 0, 1, 1], [], []>, transpose_lhs_hint = false} : vector<128x64xf32>, vector<64x256xf32>, vector<128x256xf32> -> vector<128x256xf32>
    %jit3A_1228 = arith.constant 0xFF800000 : f32
    %broadcast_in_dim3A_1229 = vector.broadcast %jit3A_1228 : f32 to vector<128x256xf32>
    %select_n3A_1230 = arith.select %and3A_726, %dot_general3A_1227, %broadcast_in_dim3A_1229 : vector<128x256xi1>, vector<128x256xf32>
    %mul3A_1231 = arith.constant 1.250000e-01 : f32
    %mul3A_1232 = vector.broadcast %mul3A_1231 : f32 to vector<128x256xf32>
    %mul3A_1233 = arith.mulf %select_n3A_1230, %mul3A_1232 : vector<128x256xf32>
    %reduce_max3A_1234 = arith.constant dense<0xFF800000> : vector<128xf32>
    %reduce_max3A_1235 = vector.multi_reduction <maximumf>, %mul3A_1233, %reduce_max3A_1234 [1] : vector<128x256xf32> to vector<128xf32>
    %broadcast_in_dim3A_1236 = vector.shape_cast %reduce_max3A_1235 : vector<128xf32> to vector<128x1xf32>
    %sub3A_1237 = vector.broadcast %broadcast_in_dim3A_1236 : vector<128x1xf32> to vector<128x256xf32>
    %sub3A_1238 = arith.subf %mul3A_1233, %sub3A_1237 : vector<128x256xf32>
    %exp3A_1239 = math.exp %sub3A_1238 : vector<128x256xf32>
    %reduce_sum3A_1240 = arith.constant dense<0.000000e+00> : vector<128xf32>
    %reduce_sum3A_1241 = vector.multi_reduction <add>, %exp3A_1239, %reduce_sum3A_1240 [1] : vector<128x256xf32> to vector<128xf32>
    %broadcast_in_dim3A_1242 = vector.shape_cast %reduce_sum3A_1241 : vector<128xf32> to vector<128x1xf32>
    %div3A_1243 = vector.broadcast %broadcast_in_dim3A_1242 : vector<128x1xf32> to vector<128x256xf32>
    %div3A_1244 = arith.divf %exp3A_1239, %div3A_1243 : vector<128x256xf32>
    %dot_general3A_1245 = arith.constant dense<0.000000e+00> : vector<128x64xf32>
    %dot_general3A_1246 = tpu.matmul %div3A_1244, %slice3A_1224, %dot_general3A_1245 {dimension_numbers = #tpu.dot_dimension_numbers<[1], [0], [0], [1], [0, 0, 1, 1], [], []>, transpose_lhs_hint = false} : vector<128x256xf32>, vector<256x64xf32>, vector<128x64xf32> -> vector<128x64xf32>
    %slice3A_1247 = vector.extract_strided_slice %slice3A_25 {offsets = [256, 0], sizes = [128, 1], strides = [1, 1]} : vector<512x1xf32> to vector<128x1xf32>
    %slice3A_1248 = vector.extract_strided_slice %dot_general3A_1143 {offsets = [256, 0], sizes = [128, 64], strides = [1, 1]} : vector<512x64xf32> to vector<128x64xf32>
    %mul3A_1249 = vector.broadcast %slice3A_1247 : vector<128x1xf32> to vector<128x64xf32>
    %mul3A_1250 = arith.mulf %mul3A_1249, %slice3A_1248 : vector<128x64xf32>
    %slice3A_1251 = vector.extract_strided_slice %slice3A_26 {offsets = [256, 0], sizes = [128, 1], strides = [1, 1]} : vector<512x1xf32> to vector<128x1xf32>
    %mul3A_1252 = vector.broadcast %slice3A_1251 : vector<128x1xf32> to vector<128x64xf32>
    %mul3A_1253 = arith.mulf %mul3A_1252, %dot_general3A_1246 : vector<128x64xf32>
    %add3A_1254 = arith.addf %mul3A_1250, %mul3A_1253 : vector<128x64xf32>
    %swap3A_1255 = arith.constant 0 : index
    %swap3A_1256 = arith.constant 256 : index
    %swap3A_1257 = arith.constant 128 : index
    %swap3A_1258 = vector.load %arg10[%swap3A_1255, %swap3A_1256, %swap3A_1257] : memref<1x512x512xf32, #tpu.memory_space<vmem>>, vector<1x128x64xf32>
    %swap3A_1259 = vector.shape_cast %swap3A_1258 : vector<1x128x64xf32> to vector<128x64xf32>
    %swap3A_1260 = vector.shape_cast %add3A_1254 : vector<128x64xf32> to vector<1x128x64xf32>
    tpu.vector_store %arg10[%swap3A_1255, %swap3A_1256, %swap3A_1257], %swap3A_1260 {strides = array<i32>} : memref<1x512x512xf32, #tpu.memory_space<vmem>>, vector<1x128x64xf32>,
    %slice3A_1261 = vector.extract_strided_slice %slice3A_1113 {offsets = [384, 0], sizes = [128, 64], strides = [1, 1]} : vector<512x64xf32> to vector<128x64xf32>
    %slice3A_1262 = vector.extract_strided_slice %slice3A_1114 {offsets = [256, 0], sizes = [256, 64], strides = [1, 1]} : vector<512x64xf32> to vector<256x64xf32>
    %slice3A_1263 = vector.extract_strided_slice %slice3A_1115 {offsets = [256, 0], sizes = [256, 64], strides = [1, 1]} : vector<512x64xf32> to vector<256x64xf32>
    %transpose3A_1264 = tpu.transpose %slice3A_1262, [1, 0] : vector<256x64xf32> -> vector<64x256xf32>
    %dot_general3A_1265 = arith.constant dense<0.000000e+00> : vector<128x256xf32>
    %dot_general3A_1266 = tpu.matmul %slice3A_1261, %transpose3A_1264, %dot_general3A_1265 {dimension_numbers = #tpu.dot_dimension_numbers<[1], [0], [0], [1], [0, 0, 1, 1], [], []>, transpose_lhs_hint = false} : vector<128x64xf32>, vector<64x256xf32>, vector<128x256xf32> -> vector<128x256xf32>
    %jit3A_1267 = arith.constant 0xFF800000 : f32
    %broadcast_in_dim3A_1268 = vector.broadcast %jit3A_1267 : f32 to vector<128x256xf32>
    %select_n3A_1269 = arith.select %and3A_740, %dot_general3A_1266, %broadcast_in_dim3A_1268 : vector<128x256xi1>, vector<128x256xf32>
    %mul3A_1270 = arith.constant 1.250000e-01 : f32
    %mul3A_1271 = vector.broadcast %mul3A_1270 : f32 to vector<128x256xf32>
    %mul3A_1272 = arith.mulf %select_n3A_1269, %mul3A_1271 : vector<128x256xf32>
    %reduce_max3A_1273 = arith.constant dense<0xFF800000> : vector<128xf32>
    %reduce_max3A_1274 = vector.multi_reduction <maximumf>, %mul3A_1272, %reduce_max3A_1273 [1] : vector<128x256xf32> to vector<128xf32>
    %broadcast_in_dim3A_1275 = vector.shape_cast %reduce_max3A_1274 : vector<128xf32> to vector<128x1xf32>
    %sub3A_1276 = vector.broadcast %broadcast_in_dim3A_1275 : vector<128x1xf32> to vector<128x256xf32>
    %sub3A_1277 = arith.subf %mul3A_1272, %sub3A_1276 : vector<128x256xf32>
    %exp3A_1278 = math.exp %sub3A_1277 : vector<128x256xf32>
    %reduce_sum3A_1279 = arith.constant dense<0.000000e+00> : vector<128xf32>
    %reduce_sum3A_1280 = vector.multi_reduction <add>, %exp3A_1278, %reduce_sum3A_1279 [1] : vector<128x256xf32> to vector<128xf32>
    %broadcast_in_dim3A_1281 = vector.shape_cast %reduce_sum3A_1280 : vector<128xf32> to vector<128x1xf32>
    %div3A_1282 = vector.broadcast %broadcast_in_dim3A_1281 : vector<128x1xf32> to vector<128x256xf32>
    %div3A_1283 = arith.divf %exp3A_1278, %div3A_1282 : vector<128x256xf32>
    %dot_general3A_1284 = arith.constant dense<0.000000e+00> : vector<128x64xf32>
    %dot_general3A_1285 = tpu.matmul %div3A_1283, %slice3A_1263, %dot_general3A_1284 {dimension_numbers = #tpu.dot_dimension_numbers<[1], [0], [0], [1], [0, 0, 1, 1], [], []>, transpose_lhs_hint = false} : vector<128x256xf32>, vector<256x64xf32>, vector<128x64xf32> -> vector<128x64xf32>
    %slice3A_1286 = vector.extract_strided_slice %slice3A_25 {offsets = [384, 0], sizes = [128, 1], strides = [1, 1]} : vector<512x1xf32> to vector<128x1xf32>
    %slice3A_1287 = vector.extract_strided_slice %dot_general3A_1143 {offsets = [384, 0], sizes = [128, 64], strides = [1, 1]} : vector<512x64xf32> to vector<128x64xf32>
    %mul3A_1288 = vector.broadcast %slice3A_1286 : vector<128x1xf32> to vector<128x64xf32>
    %mul3A_1289 = arith.mulf %mul3A_1288, %slice3A_1287 : vector<128x64xf32>
    %slice3A_1290 = vector.extract_strided_slice %slice3A_26 {offsets = [384, 0], sizes = [128, 1], strides = [1, 1]} : vector<512x1xf32> to vector<128x1xf32>
    %mul3A_1291 = vector.broadcast %slice3A_1290 : vector<128x1xf32> to vector<128x64xf32>
    %mul3A_1292 = arith.mulf %mul3A_1291, %dot_general3A_1285 : vector<128x64xf32>
    %add3A_1293 = arith.addf %mul3A_1289, %mul3A_1292 : vector<128x64xf32>
    %swap3A_1294 = arith.constant 0 : index
    %swap3A_1295 = arith.constant 384 : index
    %swap3A_1296 = arith.constant 128 : index
    %swap3A_1297 = vector.load %arg10[%swap3A_1294, %swap3A_1295, %swap3A_1296] : memref<1x512x512xf32, #tpu.memory_space<vmem>>, vector<1x128x64xf32>
    %swap3A_1298 = vector.shape_cast %swap3A_1297 : vector<1x128x64xf32> to vector<128x64xf32>
    %swap3A_1299 = vector.shape_cast %add3A_1293 : vector<128x64xf32> to vector<1x128x64xf32>
    tpu.vector_store %arg10[%swap3A_1294, %swap3A_1295, %swap3A_1296], %swap3A_1299 {strides = array<i32>} : memref<1x512x512xf32, #tpu.memory_space<vmem>>, vector<1x128x64xf32>,
    %slice3A_1300 = vector.extract_strided_slice %div3A_1140 {offsets = [511, 0], sizes = [1, 31], strides = [1, 1]} : vector<512x31xf32> to vector<1x31xf32>
    %dot_general3A_1301 = arith.constant dense<0.000000e+00> : vector<1x16xf32>
    %dot_general3A_1302 = tpu.matmul %slice3A_1300, %add3A_687, %dot_general3A_1301 {dimension_numbers = #tpu.dot_dimension_numbers<[1], [0], [0], [1], [0, 0, 1, 1], [], []>, transpose_lhs_hint = false} : vector<1x31xf32>, vector<31x16xf32>, vector<1x16xf32> -> vector<1x16xf32>
    %slice3A_1303 = vector.extract_strided_slice %slice3A {offsets = [0, 192], sizes = [512, 64], strides = [1, 1]} : vector<512x512xf32> to vector<512x64xf32>
    %slice3A_1304 = vector.extract_strided_slice %slice3A_12 {offsets = [0, 192], sizes = [512, 64], strides = [1, 1]} : vector<512x512xf32> to vector<512x64xf32>
    %slice3A_1305 = vector.extract_strided_slice %slice3A_13 {offsets = [0, 192], sizes = [512, 64], strides = [1, 1]} : vector<512x512xf32> to vector<512x64xf32>
    %concatenate3A_1306 = tpu.concatenate %slice3A_1304, %slice3A_1305 in 1 : vector<512x64xf32>, vector<512x64xf32> -> vector<512x128xf32>
    %swap3A_1307 = arith.constant 1536 : index
    %swap3A_1308 = arith.constant 0 : index
    %swap3A_1309 = vector.load %arg11[%swap3A_1307, %swap3A_1308] : memref<4096x128xf32, #tpu.memory_space<vmem>>, vector<512x128xf32>
    tpu.vector_store %arg11[%swap3A_1307, %swap3A_1308], %concatenate3A_1306 {strides = array<i32>} : memref<4096x128xf32, #tpu.memory_space<vmem>>, vector<512x128xf32>,
    %slice3A_1310 = vector.extract_strided_slice %add3A_646 {offsets = [0, 192], sizes = [31, 64], strides = [1, 1]} : vector<31x512xf32> to vector<31x64xf32>
    %transpose3A_1311 = tpu.transpose %slice3A_1310, [1, 0] : vector<31x64xf32> -> vector<64x31xf32>
    %dot_general3A_1312 = arith.constant dense<0.000000e+00> : vector<512x31xf32>
    %dot_general3A_1313 = tpu.matmul %slice3A_1303, %transpose3A_1311, %dot_general3A_1312 {dimension_numbers = #tpu.dot_dimension_numbers<[1], [0], [0], [1], [0, 0, 1, 1], [], []>, transpose_lhs_hint = false} : vector<512x64xf32>, vector<64x31xf32>, vector<512x31xf32> -> vector<512x31xf32>
    %mul3A_1314 = arith.constant 1.250000e-01 : f32
    %mul3A_1315 = vector.broadcast %mul3A_1314 : f32 to vector<512x31xf32>
    %mul3A_1316 = arith.mulf %dot_general3A_1313, %mul3A_1315 : vector<512x31xf32>
    %jit3A_1317 = arith.constant 0xFF800000 : f32
    %broadcast_in_dim3A_1318 = vector.broadcast %jit3A_1317 : f32 to vector<512x31xf32>
    %select_n3A_1319 = arith.select %lt3A, %mul3A_1316, %broadcast_in_dim3A_1318 : vector<512x31xi1>, vector<512x31xf32>
    %reduce_max3A_1320 = arith.constant dense<0xFF800000> : vector<512xf32>
    %reduce_max3A_1321 = vector.multi_reduction <maximumf>, %select_n3A_1319, %reduce_max3A_1320 [1] : vector<512x31xf32> to vector<512xf32>
    %broadcast_in_dim3A_1322 = vector.shape_cast %reduce_max3A_1321 : vector<512xf32> to vector<512x1xf32>
    %sub3A_1323 = vector.broadcast %broadcast_in_dim3A_1322 : vector<512x1xf32> to vector<512x31xf32>
    %sub3A_1324 = arith.subf %select_n3A_1319, %sub3A_1323 : vector<512x31xf32>
    %exp3A_1325 = math.exp %sub3A_1324 : vector<512x31xf32>
    %reduce_sum3A_1326 = arith.constant dense<0.000000e+00> : vector<512xf32>
    %reduce_sum3A_1327 = vector.multi_reduction <add>, %exp3A_1325, %reduce_sum3A_1326 [1] : vector<512x31xf32> to vector<512xf32>
    %broadcast_in_dim3A_1328 = vector.shape_cast %reduce_sum3A_1327 : vector<512xf32> to vector<512x1xf32>
    %div3A_1329 = vector.broadcast %broadcast_in_dim3A_1328 : vector<512x1xf32> to vector<512x31xf32>
    %div3A_1330 = arith.divf %exp3A_1325, %div3A_1329 : vector<512x31xf32>
    %slice3A_1331 = vector.extract_strided_slice %add3A_654 {offsets = [0, 192], sizes = [31, 64], strides = [1, 1]} : vector<31x512xf32> to vector<31x64xf32>
    %dot_general3A_1332 = arith.constant dense<0.000000e+00> : vector<512x64xf32>
    %dot_general3A_1333 = tpu.matmul %div3A_1330, %slice3A_1331, %dot_general3A_1332 {dimension_numbers = #tpu.dot_dimension_numbers<[1], [0], [0], [1], [0, 0, 1, 1], [], []>, transpose_lhs_hint = false} : vector<512x31xf32>, vector<31x64xf32>, vector<512x64xf32> -> vector<512x64xf32>
    %slice3A_1334 = vector.extract_strided_slice %slice3A_1303 {offsets = [0, 0], sizes = [128, 64], strides = [1, 1]} : vector<512x64xf32> to vector<128x64xf32>
    %slice3A_1335 = vector.extract_strided_slice %slice3A_1304 {offsets = [0, 0], sizes = [256, 64], strides = [1, 1]} : vector<512x64xf32> to vector<256x64xf32>
    %slice3A_1336 = vector.extract_strided_slice %slice3A_1305 {offsets = [0, 0], sizes = [256, 64], strides = [1, 1]} : vector<512x64xf32> to vector<256x64xf32>
    %transpose3A_1337 = tpu.transpose %slice3A_1335, [1, 0] : vector<256x64xf32> -> vector<64x256xf32>
    %dot_general3A_1338 = arith.constant dense<0.000000e+00> : vector<128x256xf32>
    %dot_general3A_1339 = tpu.matmul %slice3A_1334, %transpose3A_1337, %dot_general3A_1338 {dimension_numbers = #tpu.dot_dimension_numbers<[1], [0], [0], [1], [0, 0, 1, 1], [], []>, transpose_lhs_hint = false} : vector<128x64xf32>, vector<64x256xf32>, vector<128x256xf32> -> vector<128x256xf32>
    %jit3A_1340 = arith.constant 0xFF800000 : f32
    %broadcast_in_dim3A_1341 = vector.broadcast %jit3A_1340 : f32 to vector<128x256xf32>
    %select_n3A_1342 = arith.select %and3A, %dot_general3A_1339, %broadcast_in_dim3A_1341 : vector<128x256xi1>, vector<128x256xf32>
    %mul3A_1343 = arith.constant 1.250000e-01 : f32
    %mul3A_1344 = vector.broadcast %mul3A_1343 : f32 to vector<128x256xf32>
    %mul3A_1345 = arith.mulf %select_n3A_1342, %mul3A_1344 : vector<128x256xf32>
    %reduce_max3A_1346 = arith.constant dense<0xFF800000> : vector<128xf32>
    %reduce_max3A_1347 = vector.multi_reduction <maximumf>, %mul3A_1345, %reduce_max3A_1346 [1] : vector<128x256xf32> to vector<128xf32>
    %broadcast_in_dim3A_1348 = vector.shape_cast %reduce_max3A_1347 : vector<128xf32> to vector<128x1xf32>
    %sub3A_1349 = vector.broadcast %broadcast_in_dim3A_1348 : vector<128x1xf32> to vector<128x256xf32>
    %sub3A_1350 = arith.subf %mul3A_1345, %sub3A_1349 : vector<128x256xf32>
    %exp3A_1351 = math.exp %sub3A_1350 : vector<128x256xf32>
    %reduce_sum3A_1352 = arith.constant dense<0.000000e+00> : vector<128xf32>
    %reduce_sum3A_1353 = vector.multi_reduction <add>, %exp3A_1351, %reduce_sum3A_1352 [1] : vector<128x256xf32> to vector<128xf32>
    %broadcast_in_dim3A_1354 = vector.shape_cast %reduce_sum3A_1353 : vector<128xf32> to vector<128x1xf32>
    %div3A_1355 = vector.broadcast %broadcast_in_dim3A_1354 : vector<128x1xf32> to vector<128x256xf32>
    %div3A_1356 = arith.divf %exp3A_1351, %div3A_1355 : vector<128x256xf32>
    %dot_general3A_1357 = arith.constant dense<0.000000e+00> : vector<128x64xf32>
    %dot_general3A_1358 = tpu.matmul %div3A_1356, %slice3A_1336, %dot_general3A_1357 {dimension_numbers = #tpu.dot_dimension_numbers<[1], [0], [0], [1], [0, 0, 1, 1], [], []>, transpose_lhs_hint = false} : vector<128x256xf32>, vector<256x64xf32>, vector<128x64xf32> -> vector<128x64xf32>
    %slice3A_1359 = vector.extract_strided_slice %slice3A_25 {offsets = [0, 0], sizes = [128, 1], strides = [1, 1]} : vector<512x1xf32> to vector<128x1xf32>
    %slice3A_1360 = vector.extract_strided_slice %dot_general3A_1333 {offsets = [0, 0], sizes = [128, 64], strides = [1, 1]} : vector<512x64xf32> to vector<128x64xf32>
    %mul3A_1361 = vector.broadcast %slice3A_1359 : vector<128x1xf32> to vector<128x64xf32>
    %mul3A_1362 = arith.mulf %mul3A_1361, %slice3A_1360 : vector<128x64xf32>
    %slice3A_1363 = vector.extract_strided_slice %slice3A_26 {offsets = [0, 0], sizes = [128, 1], strides = [1, 1]} : vector<512x1xf32> to vector<128x1xf32>
    %mul3A_1364 = vector.broadcast %slice3A_1363 : vector<128x1xf32> to vector<128x64xf32>
    %mul3A_1365 = arith.mulf %mul3A_1364, %dot_general3A_1358 : vector<128x64xf32>
    %add3A_1366 = arith.addf %mul3A_1362, %mul3A_1365 : vector<128x64xf32>
    %swap3A_1367 = arith.constant 0 : index
    %swap3A_1368 = arith.constant 0 : index
    %swap3A_1369 = arith.constant 192 : index
    %swap3A_1370 = vector.load %arg10[%swap3A_1367, %swap3A_1368, %swap3A_1369] : memref<1x512x512xf32, #tpu.memory_space<vmem>>, vector<1x128x64xf32>
    %swap3A_1371 = vector.shape_cast %swap3A_1370 : vector<1x128x64xf32> to vector<128x64xf32>
    %swap3A_1372 = vector.shape_cast %add3A_1366 : vector<128x64xf32> to vector<1x128x64xf32>
    tpu.vector_store %arg10[%swap3A_1367, %swap3A_1368, %swap3A_1369], %swap3A_1372 {strides = array<i32>} : memref<1x512x512xf32, #tpu.memory_space<vmem>>, vector<1x128x64xf32>,
    %slice3A_1373 = vector.extract_strided_slice %slice3A_1303 {offsets = [128, 0], sizes = [128, 64], strides = [1, 1]} : vector<512x64xf32> to vector<128x64xf32>
    %slice3A_1374 = vector.extract_strided_slice %slice3A_1304 {offsets = [0, 0], sizes = [256, 64], strides = [1, 1]} : vector<512x64xf32> to vector<256x64xf32>
    %slice3A_1375 = vector.extract_strided_slice %slice3A_1305 {offsets = [0, 0], sizes = [256, 64], strides = [1, 1]} : vector<512x64xf32> to vector<256x64xf32>
    %transpose3A_1376 = tpu.transpose %slice3A_1374, [1, 0] : vector<256x64xf32> -> vector<64x256xf32>
    %dot_general3A_1377 = arith.constant dense<0.000000e+00> : vector<128x256xf32>
    %dot_general3A_1378 = tpu.matmul %slice3A_1373, %transpose3A_1376, %dot_general3A_1377 {dimension_numbers = #tpu.dot_dimension_numbers<[1], [0], [0], [1], [0, 0, 1, 1], [], []>, transpose_lhs_hint = false} : vector<128x64xf32>, vector<64x256xf32>, vector<128x256xf32> -> vector<128x256xf32>
    %jit3A_1379 = arith.constant 0xFF800000 : f32
    %broadcast_in_dim3A_1380 = vector.broadcast %jit3A_1379 : f32 to vector<128x256xf32>
    %select_n3A_1381 = arith.select %and3A_712, %dot_general3A_1378, %broadcast_in_dim3A_1380 : vector<128x256xi1>, vector<128x256xf32>
    %mul3A_1382 = arith.constant 1.250000e-01 : f32
    %mul3A_1383 = vector.broadcast %mul3A_1382 : f32 to vector<128x256xf32>
    %mul3A_1384 = arith.mulf %select_n3A_1381, %mul3A_1383 : vector<128x256xf32>
    %reduce_max3A_1385 = arith.constant dense<0xFF800000> : vector<128xf32>
    %reduce_max3A_1386 = vector.multi_reduction <maximumf>, %mul3A_1384, %reduce_max3A_1385 [1] : vector<128x256xf32> to vector<128xf32>
    %broadcast_in_dim3A_1387 = vector.shape_cast %reduce_max3A_1386 : vector<128xf32> to vector<128x1xf32>
    %sub3A_1388 = vector.broadcast %broadcast_in_dim3A_1387 : vector<128x1xf32> to vector<128x256xf32>
    %sub3A_1389 = arith.subf %mul3A_1384, %sub3A_1388 : vector<128x256xf32>
    %exp3A_1390 = math.exp %sub3A_1389 : vector<128x256xf32>
    %reduce_sum3A_1391 = arith.constant dense<0.000000e+00> : vector<128xf32>
    %reduce_sum3A_1392 = vector.multi_reduction <add>, %exp3A_1390, %reduce_sum3A_1391 [1] : vector<128x256xf32> to vector<128xf32>
    %broadcast_in_dim3A_1393 = vector.shape_cast %reduce_sum3A_1392 : vector<128xf32> to vector<128x1xf32>
    %div3A_1394 = vector.broadcast %broadcast_in_dim3A_1393 : vector<128x1xf32> to vector<128x256xf32>
    %div3A_1395 = arith.divf %exp3A_1390, %div3A_1394 : vector<128x256xf32>
    %dot_general3A_1396 = arith.constant dense<0.000000e+00> : vector<128x64xf32>
    %dot_general3A_1397 = tpu.matmul %div3A_1395, %slice3A_1375, %dot_general3A_1396 {dimension_numbers = #tpu.dot_dimension_numbers<[1], [0], [0], [1], [0, 0, 1, 1], [], []>, transpose_lhs_hint = false} : vector<128x256xf32>, vector<256x64xf32>, vector<128x64xf32> -> vector<128x64xf32>
    %slice3A_1398 = vector.extract_strided_slice %slice3A_25 {offsets = [128, 0], sizes = [128, 1], strides = [1, 1]} : vector<512x1xf32> to vector<128x1xf32>
    %slice3A_1399 = vector.extract_strided_slice %dot_general3A_1333 {offsets = [128, 0], sizes = [128, 64], strides = [1, 1]} : vector<512x64xf32> to vector<128x64xf32>
    %mul3A_1400 = vector.broadcast %slice3A_1398 : vector<128x1xf32> to vector<128x64xf32>
    %mul3A_1401 = arith.mulf %mul3A_1400, %slice3A_1399 : vector<128x64xf32>
    %slice3A_1402 = vector.extract_strided_slice %slice3A_26 {offsets = [128, 0], sizes = [128, 1], strides = [1, 1]} : vector<512x1xf32> to vector<128x1xf32>
    %mul3A_1403 = vector.broadcast %slice3A_1402 : vector<128x1xf32> to vector<128x64xf32>
    %mul3A_1404 = arith.mulf %mul3A_1403, %dot_general3A_1397 : vector<128x64xf32>
    %add3A_1405 = arith.addf %mul3A_1401, %mul3A_1404 : vector<128x64xf32>
    %swap3A_1406 = arith.constant 0 : index
    %swap3A_1407 = arith.constant 128 : index
    %swap3A_1408 = arith.constant 192 : index
    %swap3A_1409 = vector.load %arg10[%swap3A_1406, %swap3A_1407, %swap3A_1408] : memref<1x512x512xf32, #tpu.memory_space<vmem>>, vector<1x128x64xf32>
    %swap3A_1410 = vector.shape_cast %swap3A_1409 : vector<1x128x64xf32> to vector<128x64xf32>
    %swap3A_1411 = vector.shape_cast %add3A_1405 : vector<128x64xf32> to vector<1x128x64xf32>
    tpu.vector_store %arg10[%swap3A_1406, %swap3A_1407, %swap3A_1408], %swap3A_1411 {strides = array<i32>} : memref<1x512x512xf32, #tpu.memory_space<vmem>>, vector<1x128x64xf32>,
    %slice3A_1412 = vector.extract_strided_slice %slice3A_1303 {offsets = [256, 0], sizes = [128, 64], strides = [1, 1]} : vector<512x64xf32> to vector<128x64xf32>
    %slice3A_1413 = vector.extract_strided_slice %slice3A_1304 {offsets = [128, 0], sizes = [256, 64], strides = [1, 1]} : vector<512x64xf32> to vector<256x64xf32>
    %slice3A_1414 = vector.extract_strided_slice %slice3A_1305 {offsets = [128, 0], sizes = [256, 64], strides = [1, 1]} : vector<512x64xf32> to vector<256x64xf32>
    %transpose3A_1415 = tpu.transpose %slice3A_1413, [1, 0] : vector<256x64xf32> -> vector<64x256xf32>
    %dot_general3A_1416 = arith.constant dense<0.000000e+00> : vector<128x256xf32>
    %dot_general3A_1417 = tpu.matmul %slice3A_1412, %transpose3A_1415, %dot_general3A_1416 {dimension_numbers = #tpu.dot_dimension_numbers<[1], [0], [0], [1], [0, 0, 1, 1], [], []>, transpose_lhs_hint = false} : vector<128x64xf32>, vector<64x256xf32>, vector<128x256xf32> -> vector<128x256xf32>
    %jit3A_1418 = arith.constant 0xFF800000 : f32
    %broadcast_in_dim3A_1419 = vector.broadcast %jit3A_1418 : f32 to vector<128x256xf32>
    %select_n3A_1420 = arith.select %and3A_726, %dot_general3A_1417, %broadcast_in_dim3A_1419 : vector<128x256xi1>, vector<128x256xf32>
    %mul3A_1421 = arith.constant 1.250000e-01 : f32
    %mul3A_1422 = vector.broadcast %mul3A_1421 : f32 to vector<128x256xf32>
    %mul3A_1423 = arith.mulf %select_n3A_1420, %mul3A_1422 : vector<128x256xf32>
    %reduce_max3A_1424 = arith.constant dense<0xFF800000> : vector<128xf32>
    %reduce_max3A_1425 = vector.multi_reduction <maximumf>, %mul3A_1423, %reduce_max3A_1424 [1] : vector<128x256xf32> to vector<128xf32>
    %broadcast_in_dim3A_1426 = vector.shape_cast %reduce_max3A_1425 : vector<128xf32> to vector<128x1xf32>
    %sub3A_1427 = vector.broadcast %broadcast_in_dim3A_1426 : vector<128x1xf32> to vector<128x256xf32>
    %sub3A_1428 = arith.subf %mul3A_1423, %sub3A_1427 : vector<128x256xf32>
    %exp3A_1429 = math.exp %sub3A_1428 : vector<128x256xf32>
    %reduce_sum3A_1430 = arith.constant dense<0.000000e+00> : vector<128xf32>
    %reduce_sum3A_1431 = vector.multi_reduction <add>, %exp3A_1429, %reduce_sum3A_1430 [1] : vector<128x256xf32> to vector<128xf32>
    %broadcast_in_dim3A_1432 = vector.shape_cast %reduce_sum3A_1431 : vector<128xf32> to vector<128x1xf32>
    %div3A_1433 = vector.broadcast %broadcast_in_dim3A_1432 : vector<128x1xf32> to vector<128x256xf32>
    %div3A_1434 = arith.divf %exp3A_1429, %div3A_1433 : vector<128x256xf32>
    %dot_general3A_1435 = arith.constant dense<0.000000e+00> : vector<128x64xf32>
    %dot_general3A_1436 = tpu.matmul %div3A_1434, %slice3A_1414, %dot_general3A_1435 {dimension_numbers = #tpu.dot_dimension_numbers<[1], [0], [0], [1], [0, 0, 1, 1], [], []>, transpose_lhs_hint = false} : vector<128x256xf32>, vector<256x64xf32>, vector<128x64xf32> -> vector<128x64xf32>
    %slice3A_1437 = vector.extract_strided_slice %slice3A_25 {offsets = [256, 0], sizes = [128, 1], strides = [1, 1]} : vector<512x1xf32> to vector<128x1xf32>
    %slice3A_1438 = vector.extract_strided_slice %dot_general3A_1333 {offsets = [256, 0], sizes = [128, 64], strides = [1, 1]} : vector<512x64xf32> to vector<128x64xf32>
    %mul3A_1439 = vector.broadcast %slice3A_1437 : vector<128x1xf32> to vector<128x64xf32>
    %mul3A_1440 = arith.mulf %mul3A_1439, %slice3A_1438 : vector<128x64xf32>
    %slice3A_1441 = vector.extract_strided_slice %slice3A_26 {offsets = [256, 0], sizes = [128, 1], strides = [1, 1]} : vector<512x1xf32> to vector<128x1xf32>
    %mul3A_1442 = vector.broadcast %slice3A_1441 : vector<128x1xf32> to vector<128x64xf32>
    %mul3A_1443 = arith.mulf %mul3A_1442, %dot_general3A_1436 : vector<128x64xf32>
    %add3A_1444 = arith.addf %mul3A_1440, %mul3A_1443 : vector<128x64xf32>
    %swap3A_1445 = arith.constant 0 : index
    %swap3A_1446 = arith.constant 256 : index
    %swap3A_1447 = arith.constant 192 : index
    %swap3A_1448 = vector.load %arg10[%swap3A_1445, %swap3A_1446, %swap3A_1447] : memref<1x512x512xf32, #tpu.memory_space<vmem>>, vector<1x128x64xf32>
    %swap3A_1449 = vector.shape_cast %swap3A_1448 : vector<1x128x64xf32> to vector<128x64xf32>
    %swap3A_1450 = vector.shape_cast %add3A_1444 : vector<128x64xf32> to vector<1x128x64xf32>
    tpu.vector_store %arg10[%swap3A_1445, %swap3A_1446, %swap3A_1447], %swap3A_1450 {strides = array<i32>} : memref<1x512x512xf32, #tpu.memory_space<vmem>>, vector<1x128x64xf32>,
    %slice3A_1451 = vector.extract_strided_slice %slice3A_1303 {offsets = [384, 0], sizes = [128, 64], strides = [1, 1]} : vector<512x64xf32> to vector<128x64xf32>
    %slice3A_1452 = vector.extract_strided_slice %slice3A_1304 {offsets = [256, 0], sizes = [256, 64], strides = [1, 1]} : vector<512x64xf32> to vector<256x64xf32>
    %slice3A_1453 = vector.extract_strided_slice %slice3A_1305 {offsets = [256, 0], sizes = [256, 64], strides = [1, 1]} : vector<512x64xf32> to vector<256x64xf32>
    %transpose3A_1454 = tpu.transpose %slice3A_1452, [1, 0] : vector<256x64xf32> -> vector<64x256xf32>
    %dot_general3A_1455 = arith.constant dense<0.000000e+00> : vector<128x256xf32>
    %dot_general3A_1456 = tpu.matmul %slice3A_1451, %transpose3A_1454, %dot_general3A_1455 {dimension_numbers = #tpu.dot_dimension_numbers<[1], [0], [0], [1], [0, 0, 1, 1], [], []>, transpose_lhs_hint = false} : vector<128x64xf32>, vector<64x256xf32>, vector<128x256xf32> -> vector<128x256xf32>
    %jit3A_1457 = arith.constant 0xFF800000 : f32
    %broadcast_in_dim3A_1458 = vector.broadcast %jit3A_1457 : f32 to vector<128x256xf32>
    %select_n3A_1459 = arith.select %and3A_740, %dot_general3A_1456, %broadcast_in_dim3A_1458 : vector<128x256xi1>, vector<128x256xf32>
    %mul3A_1460 = arith.constant 1.250000e-01 : f32
    %mul3A_1461 = vector.broadcast %mul3A_1460 : f32 to vector<128x256xf32>
    %mul3A_1462 = arith.mulf %select_n3A_1459, %mul3A_1461 : vector<128x256xf32>
    %reduce_max3A_1463 = arith.constant dense<0xFF800000> : vector<128xf32>
    %reduce_max3A_1464 = vector.multi_reduction <maximumf>, %mul3A_1462, %reduce_max3A_1463 [1] : vector<128x256xf32> to vector<128xf32>
    %broadcast_in_dim3A_1465 = vector.shape_cast %reduce_max3A_1464 : vector<128xf32> to vector<128x1xf32>
    %sub3A_1466 = vector.broadcast %broadcast_in_dim3A_1465 : vector<128x1xf32> to vector<128x256xf32>
    %sub3A_1467 = arith.subf %mul3A_1462, %sub3A_1466 : vector<128x256xf32>
    %exp3A_1468 = math.exp %sub3A_1467 : vector<128x256xf32>
    %reduce_sum3A_1469 = arith.constant dense<0.000000e+00> : vector<128xf32>
    %reduce_sum3A_1470 = vector.multi_reduction <add>, %exp3A_1468, %reduce_sum3A_1469 [1] : vector<128x256xf32> to vector<128xf32>
    %broadcast_in_dim3A_1471 = vector.shape_cast %reduce_sum3A_1470 : vector<128xf32> to vector<128x1xf32>
    %div3A_1472 = vector.broadcast %broadcast_in_dim3A_1471 : vector<128x1xf32> to vector<128x256xf32>
    %div3A_1473 = arith.divf %exp3A_1468, %div3A_1472 : vector<128x256xf32>
    %dot_general3A_1474 = arith.constant dense<0.000000e+00> : vector<128x64xf32>
    %dot_general3A_1475 = tpu.matmul %div3A_1473, %slice3A_1453, %dot_general3A_1474 {dimension_numbers = #tpu.dot_dimension_numbers<[1], [0], [0], [1], [0, 0, 1, 1], [], []>, transpose_lhs_hint = false} : vector<128x256xf32>, vector<256x64xf32>, vector<128x64xf32> -> vector<128x64xf32>
    %slice3A_1476 = vector.extract_strided_slice %slice3A_25 {offsets = [384, 0], sizes = [128, 1], strides = [1, 1]} : vector<512x1xf32> to vector<128x1xf32>
    %slice3A_1477 = vector.extract_strided_slice %dot_general3A_1333 {offsets = [384, 0], sizes = [128, 64], strides = [1, 1]} : vector<512x64xf32> to vector<128x64xf32>
    %mul3A_1478 = vector.broadcast %slice3A_1476 : vector<128x1xf32> to vector<128x64xf32>
    %mul3A_1479 = arith.mulf %mul3A_1478, %slice3A_1477 : vector<128x64xf32>
    %slice3A_1480 = vector.extract_strided_slice %slice3A_26 {offsets = [384, 0], sizes = [128, 1], strides = [1, 1]} : vector<512x1xf32> to vector<128x1xf32>
    %mul3A_1481 = vector.broadcast %slice3A_1480 : vector<128x1xf32> to vector<128x64xf32>
    %mul3A_1482 = arith.mulf %mul3A_1481, %dot_general3A_1475 : vector<128x64xf32>
    %add3A_1483 = arith.addf %mul3A_1479, %mul3A_1482 : vector<128x64xf32>
    %swap3A_1484 = arith.constant 0 : index
    %swap3A_1485 = arith.constant 384 : index
    %swap3A_1486 = arith.constant 192 : index
    %swap3A_1487 = vector.load %arg10[%swap3A_1484, %swap3A_1485, %swap3A_1486] : memref<1x512x512xf32, #tpu.memory_space<vmem>>, vector<1x128x64xf32>
    %swap3A_1488 = vector.shape_cast %swap3A_1487 : vector<1x128x64xf32> to vector<128x64xf32>
    %swap3A_1489 = vector.shape_cast %add3A_1483 : vector<128x64xf32> to vector<1x128x64xf32>
    tpu.vector_store %arg10[%swap3A_1484, %swap3A_1485, %swap3A_1486], %swap3A_1489 {strides = array<i32>} : memref<1x512x512xf32, #tpu.memory_space<vmem>>, vector<1x128x64xf32>,
    %slice3A_1490 = vector.extract_strided_slice %div3A_1330 {offsets = [511, 0], sizes = [1, 31], strides = [1, 1]} : vector<512x31xf32> to vector<1x31xf32>
    %dot_general3A_1491 = arith.constant dense<0.000000e+00> : vector<1x16xf32>
    %dot_general3A_1492 = tpu.matmul %slice3A_1490, %add3A_687, %dot_general3A_1491 {dimension_numbers = #tpu.dot_dimension_numbers<[1], [0], [0], [1], [0, 0, 1, 1], [], []>, transpose_lhs_hint = false} : vector<1x31xf32>, vector<31x16xf32>, vector<1x16xf32> -> vector<1x16xf32>
    %slice3A_1493 = vector.extract_strided_slice %slice3A {offsets = [0, 256], sizes = [512, 64], strides = [1, 1]} : vector<512x512xf32> to vector<512x64xf32>
    %slice3A_1494 = vector.extract_strided_slice %slice3A_12 {offsets = [0, 256], sizes = [512, 64], strides = [1, 1]} : vector<512x512xf32> to vector<512x64xf32>
    %slice3A_1495 = vector.extract_strided_slice %slice3A_13 {offsets = [0, 256], sizes = [512, 64], strides = [1, 1]} : vector<512x512xf32> to vector<512x64xf32>
    %concatenate3A_1496 = tpu.concatenate %slice3A_1494, %slice3A_1495 in 1 : vector<512x64xf32>, vector<512x64xf32> -> vector<512x128xf32>
    %swap3A_1497 = arith.constant 2048 : index
    %swap3A_1498 = arith.constant 0 : index
    %swap3A_1499 = vector.load %arg11[%swap3A_1497, %swap3A_1498] : memref<4096x128xf32, #tpu.memory_space<vmem>>, vector<512x128xf32>
    tpu.vector_store %arg11[%swap3A_1497, %swap3A_1498], %concatenate3A_1496 {strides = array<i32>} : memref<4096x128xf32, #tpu.memory_space<vmem>>, vector<512x128xf32>,
    %slice3A_1500 = vector.extract_strided_slice %add3A_646 {offsets = [0, 256], sizes = [31, 64], strides = [1, 1]} : vector<31x512xf32> to vector<31x64xf32>
    %transpose3A_1501 = tpu.transpose %slice3A_1500, [1, 0] : vector<31x64xf32> -> vector<64x31xf32>
    %dot_general3A_1502 = arith.constant dense<0.000000e+00> : vector<512x31xf32>
    %dot_general3A_1503 = tpu.matmul %slice3A_1493, %transpose3A_1501, %dot_general3A_1502 {dimension_numbers = #tpu.dot_dimension_numbers<[1], [0], [0], [1], [0, 0, 1, 1], [], []>, transpose_lhs_hint = false} : vector<512x64xf32>, vector<64x31xf32>, vector<512x31xf32> -> vector<512x31xf32>
    %mul3A_1504 = arith.constant 1.250000e-01 : f32
    %mul3A_1505 = vector.broadcast %mul3A_1504 : f32 to vector<512x31xf32>
    %mul3A_1506 = arith.mulf %dot_general3A_1503, %mul3A_1505 : vector<512x31xf32>
    %jit3A_1507 = arith.constant 0xFF800000 : f32
    %broadcast_in_dim3A_1508 = vector.broadcast %jit3A_1507 : f32 to vector<512x31xf32>
    %select_n3A_1509 = arith.select %lt3A, %mul3A_1506, %broadcast_in_dim3A_1508 : vector<512x31xi1>, vector<512x31xf32>
    %reduce_max3A_1510 = arith.constant dense<0xFF800000> : vector<512xf32>
    %reduce_max3A_1511 = vector.multi_reduction <maximumf>, %select_n3A_1509, %reduce_max3A_1510 [1] : vector<512x31xf32> to vector<512xf32>
    %broadcast_in_dim3A_1512 = vector.shape_cast %reduce_max3A_1511 : vector<512xf32> to vector<512x1xf32>
    %sub3A_1513 = vector.broadcast %broadcast_in_dim3A_1512 : vector<512x1xf32> to vector<512x31xf32>
    %sub3A_1514 = arith.subf %select_n3A_1509, %sub3A_1513 : vector<512x31xf32>
    %exp3A_1515 = math.exp %sub3A_1514 : vector<512x31xf32>
    %reduce_sum3A_1516 = arith.constant dense<0.000000e+00> : vector<512xf32>
    %reduce_sum3A_1517 = vector.multi_reduction <add>, %exp3A_1515, %reduce_sum3A_1516 [1] : vector<512x31xf32> to vector<512xf32>
    %broadcast_in_dim3A_1518 = vector.shape_cast %reduce_sum3A_1517 : vector<512xf32> to vector<512x1xf32>
    %div3A_1519 = vector.broadcast %broadcast_in_dim3A_1518 : vector<512x1xf32> to vector<512x31xf32>
    %div3A_1520 = arith.divf %exp3A_1515, %div3A_1519 : vector<512x31xf32>
    %slice3A_1521 = vector.extract_strided_slice %add3A_654 {offsets = [0, 256], sizes = [31, 64], strides = [1, 1]} : vector<31x512xf32> to vector<31x64xf32>
    %dot_general3A_1522 = arith.constant dense<0.000000e+00> : vector<512x64xf32>
    %dot_general3A_1523 = tpu.matmul %div3A_1520, %slice3A_1521, %dot_general3A_1522 {dimension_numbers = #tpu.dot_dimension_numbers<[1], [0], [0], [1], [0, 0, 1, 1], [], []>, transpose_lhs_hint = false} : vector<512x31xf32>, vector<31x64xf32>, vector<512x64xf32> -> vector<512x64xf32>
    %slice3A_1524 = vector.extract_strided_slice %slice3A_1493 {offsets = [0, 0], sizes = [128, 64], strides = [1, 1]} : vector<512x64xf32> to vector<128x64xf32>
    %slice3A_1525 = vector.extract_strided_slice %slice3A_1494 {offsets = [0, 0], sizes = [256, 64], strides = [1, 1]} : vector<512x64xf32> to vector<256x64xf32>
    %slice3A_1526 = vector.extract_strided_slice %slice3A_1495 {offsets = [0, 0], sizes = [256, 64], strides = [1, 1]} : vector<512x64xf32> to vector<256x64xf32>
    %transpose3A_1527 = tpu.transpose %slice3A_1525, [1, 0] : vector<256x64xf32> -> vector<64x256xf32>
    %dot_general3A_1528 = arith.constant dense<0.000000e+00> : vector<128x256xf32>
    %dot_general3A_1529 = tpu.matmul %slice3A_1524, %transpose3A_1527, %dot_general3A_1528 {dimension_numbers = #tpu.dot_dimension_numbers<[1], [0], [0], [1], [0, 0, 1, 1], [], []>, transpose_lhs_hint = false} : vector<128x64xf32>, vector<64x256xf32>, vector<128x256xf32> -> vector<128x256xf32>
    %jit3A_1530 = arith.constant 0xFF800000 : f32
    %broadcast_in_dim3A_1531 = vector.broadcast %jit3A_1530 : f32 to vector<128x256xf32>
    %select_n3A_1532 = arith.select %and3A, %dot_general3A_1529, %broadcast_in_dim3A_1531 : vector<128x256xi1>, vector<128x256xf32>
    %mul3A_1533 = arith.constant 1.250000e-01 : f32
    %mul3A_1534 = vector.broadcast %mul3A_1533 : f32 to vector<128x256xf32>
    %mul3A_1535 = arith.mulf %select_n3A_1532, %mul3A_1534 : vector<128x256xf32>
    %reduce_max3A_1536 = arith.constant dense<0xFF800000> : vector<128xf32>
    %reduce_max3A_1537 = vector.multi_reduction <maximumf>, %mul3A_1535, %reduce_max3A_1536 [1] : vector<128x256xf32> to vector<128xf32>
    %broadcast_in_dim3A_1538 = vector.shape_cast %reduce_max3A_1537 : vector<128xf32> to vector<128x1xf32>
    %sub3A_1539 = vector.broadcast %broadcast_in_dim3A_1538 : vector<128x1xf32> to vector<128x256xf32>
    %sub3A_1540 = arith.subf %mul3A_1535, %sub3A_1539 : vector<128x256xf32>
    %exp3A_1541 = math.exp %sub3A_1540 : vector<128x256xf32>
    %reduce_sum3A_1542 = arith.constant dense<0.000000e+00> : vector<128xf32>
    %reduce_sum3A_1543 = vector.multi_reduction <add>, %exp3A_1541, %reduce_sum3A_1542 [1] : vector<128x256xf32> to vector<128xf32>
    %broadcast_in_dim3A_1544 = vector.shape_cast %reduce_sum3A_1543 : vector<128xf32> to vector<128x1xf32>
    %div3A_1545 = vector.broadcast %broadcast_in_dim3A_1544 : vector<128x1xf32> to vector<128x256xf32>
    %div3A_1546 = arith.divf %exp3A_1541, %div3A_1545 : vector<128x256xf32>
    %dot_general3A_1547 = arith.constant dense<0.000000e+00> : vector<128x64xf32>
    %dot_general3A_1548 = tpu.matmul %div3A_1546, %slice3A_1526, %dot_general3A_1547 {dimension_numbers = #tpu.dot_dimension_numbers<[1], [0], [0], [1], [0, 0, 1, 1], [], []>, transpose_lhs_hint = false} : vector<128x256xf32>, vector<256x64xf32>, vector<128x64xf32> -> vector<128x64xf32>
    %slice3A_1549 = vector.extract_strided_slice %slice3A_25 {offsets = [0, 0], sizes = [128, 1], strides = [1, 1]} : vector<512x1xf32> to vector<128x1xf32>
    %slice3A_1550 = vector.extract_strided_slice %dot_general3A_1523 {offsets = [0, 0], sizes = [128, 64], strides = [1, 1]} : vector<512x64xf32> to vector<128x64xf32>
    %mul3A_1551 = vector.broadcast %slice3A_1549 : vector<128x1xf32> to vector<128x64xf32>
    %mul3A_1552 = arith.mulf %mul3A_1551, %slice3A_1550 : vector<128x64xf32>
    %slice3A_1553 = vector.extract_strided_slice %slice3A_26 {offsets = [0, 0], sizes = [128, 1], strides = [1, 1]} : vector<512x1xf32> to vector<128x1xf32>
    %mul3A_1554 = vector.broadcast %slice3A_1553 : vector<128x1xf32> to vector<128x64xf32>
    %mul3A_1555 = arith.mulf %mul3A_1554, %dot_general3A_1548 : vector<128x64xf32>
    %add3A_1556 = arith.addf %mul3A_1552, %mul3A_1555 : vector<128x64xf32>
    %swap3A_1557 = arith.constant 0 : index
    %swap3A_1558 = arith.constant 0 : index
    %swap3A_1559 = arith.constant 256 : index
    %swap3A_1560 = vector.load %arg10[%swap3A_1557, %swap3A_1558, %swap3A_1559] : memref<1x512x512xf32, #tpu.memory_space<vmem>>, vector<1x128x64xf32>
    %swap3A_1561 = vector.shape_cast %swap3A_1560 : vector<1x128x64xf32> to vector<128x64xf32>
    %swap3A_1562 = vector.shape_cast %add3A_1556 : vector<128x64xf32> to vector<1x128x64xf32>
    tpu.vector_store %arg10[%swap3A_1557, %swap3A_1558, %swap3A_1559], %swap3A_1562 {strides = array<i32>} : memref<1x512x512xf32, #tpu.memory_space<vmem>>, vector<1x128x64xf32>,
    %slice3A_1563 = vector.extract_strided_slice %slice3A_1493 {offsets = [128, 0], sizes = [128, 64], strides = [1, 1]} : vector<512x64xf32> to vector<128x64xf32>
    %slice3A_1564 = vector.extract_strided_slice %slice3A_1494 {offsets = [0, 0], sizes = [256, 64], strides = [1, 1]} : vector<512x64xf32> to vector<256x64xf32>
    %slice3A_1565 = vector.extract_strided_slice %slice3A_1495 {offsets = [0, 0], sizes = [256, 64], strides = [1, 1]} : vector<512x64xf32> to vector<256x64xf32>
    %transpose3A_1566 = tpu.transpose %slice3A_1564, [1, 0] : vector<256x64xf32> -> vector<64x256xf32>
    %dot_general3A_1567 = arith.constant dense<0.000000e+00> : vector<128x256xf32>
    %dot_general3A_1568 = tpu.matmul %slice3A_1563, %transpose3A_1566, %dot_general3A_1567 {dimension_numbers = #tpu.dot_dimension_numbers<[1], [0], [0], [1], [0, 0, 1, 1], [], []>, transpose_lhs_hint = false} : vector<128x64xf32>, vector<64x256xf32>, vector<128x256xf32> -> vector<128x256xf32>
    %jit3A_1569 = arith.constant 0xFF800000 : f32
    %broadcast_in_dim3A_1570 = vector.broadcast %jit3A_1569 : f32 to vector<128x256xf32>
    %select_n3A_1571 = arith.select %and3A_712, %dot_general3A_1568, %broadcast_in_dim3A_1570 : vector<128x256xi1>, vector<128x256xf32>
    %mul3A_1572 = arith.constant 1.250000e-01 : f32
    %mul3A_1573 = vector.broadcast %mul3A_1572 : f32 to vector<128x256xf32>
    %mul3A_1574 = arith.mulf %select_n3A_1571, %mul3A_1573 : vector<128x256xf32>
    %reduce_max3A_1575 = arith.constant dense<0xFF800000> : vector<128xf32>
    %reduce_max3A_1576 = vector.multi_reduction <maximumf>, %mul3A_1574, %reduce_max3A_1575 [1] : vector<128x256xf32> to vector<128xf32>
    %broadcast_in_dim3A_1577 = vector.shape_cast %reduce_max3A_1576 : vector<128xf32> to vector<128x1xf32>
    %sub3A_1578 = vector.broadcast %broadcast_in_dim3A_1577 : vector<128x1xf32> to vector<128x256xf32>
    %sub3A_1579 = arith.subf %mul3A_1574, %sub3A_1578 : vector<128x256xf32>
    %exp3A_1580 = math.exp %sub3A_1579 : vector<128x256xf32>
    %reduce_sum3A_1581 = arith.constant dense<0.000000e+00> : vector<128xf32>
    %reduce_sum3A_1582 = vector.multi_reduction <add>, %exp3A_1580, %reduce_sum3A_1581 [1] : vector<128x256xf32> to vector<128xf32>
    %broadcast_in_dim3A_1583 = vector.shape_cast %reduce_sum3A_1582 : vector<128xf32> to vector<128x1xf32>
    %div3A_1584 = vector.broadcast %broadcast_in_dim3A_1583 : vector<128x1xf32> to vector<128x256xf32>
    %div3A_1585 = arith.divf %exp3A_1580, %div3A_1584 : vector<128x256xf32>
    %dot_general3A_1586 = arith.constant dense<0.000000e+00> : vector<128x64xf32>
    %dot_general3A_1587 = tpu.matmul %div3A_1585, %slice3A_1565, %dot_general3A_1586 {dimension_numbers = #tpu.dot_dimension_numbers<[1], [0], [0], [1], [0, 0, 1, 1], [], []>, transpose_lhs_hint = false} : vector<128x256xf32>, vector<256x64xf32>, vector<128x64xf32> -> vector<128x64xf32>
    %slice3A_1588 = vector.extract_strided_slice %slice3A_25 {offsets = [128, 0], sizes = [128, 1], strides = [1, 1]} : vector<512x1xf32> to vector<128x1xf32>
    %slice3A_1589 = vector.extract_strided_slice %dot_general3A_1523 {offsets = [128, 0], sizes = [128, 64], strides = [1, 1]} : vector<512x64xf32> to vector<128x64xf32>
    %mul3A_1590 = vector.broadcast %slice3A_1588 : vector<128x1xf32> to vector<128x64xf32>
    %mul3A_1591 = arith.mulf %mul3A_1590, %slice3A_1589 : vector<128x64xf32>
    %slice3A_1592 = vector.extract_strided_slice %slice3A_26 {offsets = [128, 0], sizes = [128, 1], strides = [1, 1]} : vector<512x1xf32> to vector<128x1xf32>
    %mul3A_1593 = vector.broadcast %slice3A_1592 : vector<128x1xf32> to vector<128x64xf32>
    %mul3A_1594 = arith.mulf %mul3A_1593, %dot_general3A_1587 : vector<128x64xf32>
    %add3A_1595 = arith.addf %mul3A_1591, %mul3A_1594 : vector<128x64xf32>
    %swap3A_1596 = arith.constant 0 : index
    %swap3A_1597 = arith.constant 128 : index
    %swap3A_1598 = arith.constant 256 : index
    %swap3A_1599 = vector.load %arg10[%swap3A_1596, %swap3A_1597, %swap3A_1598] : memref<1x512x512xf32, #tpu.memory_space<vmem>>, vector<1x128x64xf32>
    %swap3A_1600 = vector.shape_cast %swap3A_1599 : vector<1x128x64xf32> to vector<128x64xf32>
    %swap3A_1601 = vector.shape_cast %add3A_1595 : vector<128x64xf32> to vector<1x128x64xf32>
    tpu.vector_store %arg10[%swap3A_1596, %swap3A_1597, %swap3A_1598], %swap3A_1601 {strides = array<i32>} : memref<1x512x512xf32, #tpu.memory_space<vmem>>, vector<1x128x64xf32>,
    %slice3A_1602 = vector.extract_strided_slice %slice3A_1493 {offsets = [256, 0], sizes = [128, 64], strides = [1, 1]} : vector<512x64xf32> to vector<128x64xf32>
    %slice3A_1603 = vector.extract_strided_slice %slice3A_1494 {offsets = [128, 0], sizes = [256, 64], strides = [1, 1]} : vector<512x64xf32> to vector<256x64xf32>
    %slice3A_1604 = vector.extract_strided_slice %slice3A_1495 {offsets = [128, 0], sizes = [256, 64], strides = [1, 1]} : vector<512x64xf32> to vector<256x64xf32>
    %transpose3A_1605 = tpu.transpose %slice3A_1603, [1, 0] : vector<256x64xf32> -> vector<64x256xf32>
    %dot_general3A_1606 = arith.constant dense<0.000000e+00> : vector<128x256xf32>
    %dot_general3A_1607 = tpu.matmul %slice3A_1602, %transpose3A_1605, %dot_general3A_1606 {dimension_numbers = #tpu.dot_dimension_numbers<[1], [0], [0], [1], [0, 0, 1, 1], [], []>, transpose_lhs_hint = false} : vector<128x64xf32>, vector<64x256xf32>, vector<128x256xf32> -> vector<128x256xf32>
    %jit3A_1608 = arith.constant 0xFF800000 : f32
    %broadcast_in_dim3A_1609 = vector.broadcast %jit3A_1608 : f32 to vector<128x256xf32>
    %select_n3A_1610 = arith.select %and3A_726, %dot_general3A_1607, %broadcast_in_dim3A_1609 : vector<128x256xi1>, vector<128x256xf32>
    %mul3A_1611 = arith.constant 1.250000e-01 : f32
    %mul3A_1612 = vector.broadcast %mul3A_1611 : f32 to vector<128x256xf32>
    %mul3A_1613 = arith.mulf %select_n3A_1610, %mul3A_1612 : vector<128x256xf32>
    %reduce_max3A_1614 = arith.constant dense<0xFF800000> : vector<128xf32>
    %reduce_max3A_1615 = vector.multi_reduction <maximumf>, %mul3A_1613, %reduce_max3A_1614 [1] : vector<128x256xf32> to vector<128xf32>
    %broadcast_in_dim3A_1616 = vector.shape_cast %reduce_max3A_1615 : vector<128xf32> to vector<128x1xf32>
    %sub3A_1617 = vector.broadcast %broadcast_in_dim3A_1616 : vector<128x1xf32> to vector<128x256xf32>
    %sub3A_1618 = arith.subf %mul3A_1613, %sub3A_1617 : vector<128x256xf32>
    %exp3A_1619 = math.exp %sub3A_1618 : vector<128x256xf32>
    %reduce_sum3A_1620 = arith.constant dense<0.000000e+00> : vector<128xf32>
    %reduce_sum3A_1621 = vector.multi_reduction <add>, %exp3A_1619, %reduce_sum3A_1620 [1] : vector<128x256xf32> to vector<128xf32>
    %broadcast_in_dim3A_1622 = vector.shape_cast %reduce_sum3A_1621 : vector<128xf32> to vector<128x1xf32>
    %div3A_1623 = vector.broadcast %broadcast_in_dim3A_1622 : vector<128x1xf32> to vector<128x256xf32>
    %div3A_1624 = arith.divf %exp3A_1619, %div3A_1623 : vector<128x256xf32>
    %dot_general3A_1625 = arith.constant dense<0.000000e+00> : vector<128x64xf32>
    %dot_general3A_1626 = tpu.matmul %div3A_1624, %slice3A_1604, %dot_general3A_1625 {dimension_numbers = #tpu.dot_dimension_numbers<[1], [0], [0], [1], [0, 0, 1, 1], [], []>, transpose_lhs_hint = false} : vector<128x256xf32>, vector<256x64xf32>, vector<128x64xf32> -> vector<128x64xf32>
    %slice3A_1627 = vector.extract_strided_slice %slice3A_25 {offsets = [256, 0], sizes = [128, 1], strides = [1, 1]} : vector<512x1xf32> to vector<128x1xf32>
    %slice3A_1628 = vector.extract_strided_slice %dot_general3A_1523 {offsets = [256, 0], sizes = [128, 64], strides = [1, 1]} : vector<512x64xf32> to vector<128x64xf32>
    %mul3A_1629 = vector.broadcast %slice3A_1627 : vector<128x1xf32> to vector<128x64xf32>
    %mul3A_1630 = arith.mulf %mul3A_1629, %slice3A_1628 : vector<128x64xf32>
    %slice3A_1631 = vector.extract_strided_slice %slice3A_26 {offsets = [256, 0], sizes = [128, 1], strides = [1, 1]} : vector<512x1xf32> to vector<128x1xf32>
    %mul3A_1632 = vector.broadcast %slice3A_1631 : vector<128x1xf32> to vector<128x64xf32>
    %mul3A_1633 = arith.mulf %mul3A_1632, %dot_general3A_1626 : vector<128x64xf32>
    %add3A_1634 = arith.addf %mul3A_1630, %mul3A_1633 : vector<128x64xf32>
    %swap3A_1635 = arith.constant 0 : index
    %swap3A_1636 = arith.constant 256 : index
    %swap3A_1637 = arith.constant 256 : index
    %swap3A_1638 = vector.load %arg10[%swap3A_1635, %swap3A_1636, %swap3A_1637] : memref<1x512x512xf32, #tpu.memory_space<vmem>>, vector<1x128x64xf32>
    %swap3A_1639 = vector.shape_cast %swap3A_1638 : vector<1x128x64xf32> to vector<128x64xf32>
    %swap3A_1640 = vector.shape_cast %add3A_1634 : vector<128x64xf32> to vector<1x128x64xf32>
    tpu.vector_store %arg10[%swap3A_1635, %swap3A_1636, %swap3A_1637], %swap3A_1640 {strides = array<i32>} : memref<1x512x512xf32, #tpu.memory_space<vmem>>, vector<1x128x64xf32>,
    %slice3A_1641 = vector.extract_strided_slice %slice3A_1493 {offsets = [384, 0], sizes = [128, 64], strides = [1, 1]} : vector<512x64xf32> to vector<128x64xf32>
    %slice3A_1642 = vector.extract_strided_slice %slice3A_1494 {offsets = [256, 0], sizes = [256, 64], strides = [1, 1]} : vector<512x64xf32> to vector<256x64xf32>
    %slice3A_1643 = vector.extract_strided_slice %slice3A_1495 {offsets = [256, 0], sizes = [256, 64], strides = [1, 1]} : vector<512x64xf32> to vector<256x64xf32>
    %transpose3A_1644 = tpu.transpose %slice3A_1642, [1, 0] : vector<256x64xf32> -> vector<64x256xf32>
    %dot_general3A_1645 = arith.constant dense<0.000000e+00> : vector<128x256xf32>
    %dot_general3A_1646 = tpu.matmul %slice3A_1641, %transpose3A_1644, %dot_general3A_1645 {dimension_numbers = #tpu.dot_dimension_numbers<[1], [0], [0], [1], [0, 0, 1, 1], [], []>, transpose_lhs_hint = false} : vector<128x64xf32>, vector<64x256xf32>, vector<128x256xf32> -> vector<128x256xf32>
    %jit3A_1647 = arith.constant 0xFF800000 : f32
    %broadcast_in_dim3A_1648 = vector.broadcast %jit3A_1647 : f32 to vector<128x256xf32>
    %select_n3A_1649 = arith.select %and3A_740, %dot_general3A_1646, %broadcast_in_dim3A_1648 : vector<128x256xi1>, vector<128x256xf32>
    %mul3A_1650 = arith.constant 1.250000e-01 : f32
    %mul3A_1651 = vector.broadcast %mul3A_1650 : f32 to vector<128x256xf32>
    %mul3A_1652 = arith.mulf %select_n3A_1649, %mul3A_1651 : vector<128x256xf32>
    %reduce_max3A_1653 = arith.constant dense<0xFF800000> : vector<128xf32>
    %reduce_max3A_1654 = vector.multi_reduction <maximumf>, %mul3A_1652, %reduce_max3A_1653 [1] : vector<128x256xf32> to vector<128xf32>
    %broadcast_in_dim3A_1655 = vector.shape_cast %reduce_max3A_1654 : vector<128xf32> to vector<128x1xf32>
    %sub3A_1656 = vector.broadcast %broadcast_in_dim3A_1655 : vector<128x1xf32> to vector<128x256xf32>
    %sub3A_1657 = arith.subf %mul3A_1652, %sub3A_1656 : vector<128x256xf32>
    %exp3A_1658 = math.exp %sub3A_1657 : vector<128x256xf32>
    %reduce_sum3A_1659 = arith.constant dense<0.000000e+00> : vector<128xf32>
    %reduce_sum3A_1660 = vector.multi_reduction <add>, %exp3A_1658, %reduce_sum3A_1659 [1] : vector<128x256xf32> to vector<128xf32>
    %broadcast_in_dim3A_1661 = vector.shape_cast %reduce_sum3A_1660 : vector<128xf32> to vector<128x1xf32>
    %div3A_1662 = vector.broadcast %broadcast_in_dim3A_1661 : vector<128x1xf32> to vector<128x256xf32>
    %div3A_1663 = arith.divf %exp3A_1658, %div3A_1662 : vector<128x256xf32>
    %dot_general3A_1664 = arith.constant dense<0.000000e+00> : vector<128x64xf32>
    %dot_general3A_1665 = tpu.matmul %div3A_1663, %slice3A_1643, %dot_general3A_1664 {dimension_numbers = #tpu.dot_dimension_numbers<[1], [0], [0], [1], [0, 0, 1, 1], [], []>, transpose_lhs_hint = false} : vector<128x256xf32>, vector<256x64xf32>, vector<128x64xf32> -> vector<128x64xf32>
    %slice3A_1666 = vector.extract_strided_slice %slice3A_25 {offsets = [384, 0], sizes = [128, 1], strides = [1, 1]} : vector<512x1xf32> to vector<128x1xf32>
    %slice3A_1667 = vector.extract_strided_slice %dot_general3A_1523 {offsets = [384, 0], sizes = [128, 64], strides = [1, 1]} : vector<512x64xf32> to vector<128x64xf32>
    %mul3A_1668 = vector.broadcast %slice3A_1666 : vector<128x1xf32> to vector<128x64xf32>
    %mul3A_1669 = arith.mulf %mul3A_1668, %slice3A_1667 : vector<128x64xf32>
    %slice3A_1670 = vector.extract_strided_slice %slice3A_26 {offsets = [384, 0], sizes = [128, 1], strides = [1, 1]} : vector<512x1xf32> to vector<128x1xf32>
    %mul3A_1671 = vector.broadcast %slice3A_1670 : vector<128x1xf32> to vector<128x64xf32>
    %mul3A_1672 = arith.mulf %mul3A_1671, %dot_general3A_1665 : vector<128x64xf32>
    %add3A_1673 = arith.addf %mul3A_1669, %mul3A_1672 : vector<128x64xf32>
    %swap3A_1674 = arith.constant 0 : index
    %swap3A_1675 = arith.constant 384 : index
    %swap3A_1676 = arith.constant 256 : index
    %swap3A_1677 = vector.load %arg10[%swap3A_1674, %swap3A_1675, %swap3A_1676] : memref<1x512x512xf32, #tpu.memory_space<vmem>>, vector<1x128x64xf32>
    %swap3A_1678 = vector.shape_cast %swap3A_1677 : vector<1x128x64xf32> to vector<128x64xf32>
    %swap3A_1679 = vector.shape_cast %add3A_1673 : vector<128x64xf32> to vector<1x128x64xf32>
    tpu.vector_store %arg10[%swap3A_1674, %swap3A_1675, %swap3A_1676], %swap3A_1679 {strides = array<i32>} : memref<1x512x512xf32, #tpu.memory_space<vmem>>, vector<1x128x64xf32>,
    %slice3A_1680 = vector.extract_strided_slice %div3A_1520 {offsets = [511, 0], sizes = [1, 31], strides = [1, 1]} : vector<512x31xf32> to vector<1x31xf32>
    %dot_general3A_1681 = arith.constant dense<0.000000e+00> : vector<1x16xf32>
    %dot_general3A_1682 = tpu.matmul %slice3A_1680, %add3A_687, %dot_general3A_1681 {dimension_numbers = #tpu.dot_dimension_numbers<[1], [0], [0], [1], [0, 0, 1, 1], [], []>, transpose_lhs_hint = false} : vector<1x31xf32>, vector<31x16xf32>, vector<1x16xf32> -> vector<1x16xf32>
    %slice3A_1683 = vector.extract_strided_slice %slice3A {offsets = [0, 320], sizes = [512, 64], strides = [1, 1]} : vector<512x512xf32> to vector<512x64xf32>
    %slice3A_1684 = vector.extract_strided_slice %slice3A_12 {offsets = [0, 320], sizes = [512, 64], strides = [1, 1]} : vector<512x512xf32> to vector<512x64xf32>
    %slice3A_1685 = vector.extract_strided_slice %slice3A_13 {offsets = [0, 320], sizes = [512, 64], strides = [1, 1]} : vector<512x512xf32> to vector<512x64xf32>
    %concatenate3A_1686 = tpu.concatenate %slice3A_1684, %slice3A_1685 in 1 : vector<512x64xf32>, vector<512x64xf32> -> vector<512x128xf32>
    %swap3A_1687 = arith.constant 2560 : index
    %swap3A_1688 = arith.constant 0 : index
    %swap3A_1689 = vector.load %arg11[%swap3A_1687, %swap3A_1688] : memref<4096x128xf32, #tpu.memory_space<vmem>>, vector<512x128xf32>
    tpu.vector_store %arg11[%swap3A_1687, %swap3A_1688], %concatenate3A_1686 {strides = array<i32>} : memref<4096x128xf32, #tpu.memory_space<vmem>>, vector<512x128xf32>,
    %slice3A_1690 = vector.extract_strided_slice %add3A_646 {offsets = [0, 320], sizes = [31, 64], strides = [1, 1]} : vector<31x512xf32> to vector<31x64xf32>
    %transpose3A_1691 = tpu.transpose %slice3A_1690, [1, 0] : vector<31x64xf32> -> vector<64x31xf32>
    %dot_general3A_1692 = arith.constant dense<0.000000e+00> : vector<512x31xf32>
    %dot_general3A_1693 = tpu.matmul %slice3A_1683, %transpose3A_1691, %dot_general3A_1692 {dimension_numbers = #tpu.dot_dimension_numbers<[1], [0], [0], [1], [0, 0, 1, 1], [], []>, transpose_lhs_hint = false} : vector<512x64xf32>, vector<64x31xf32>, vector<512x31xf32> -> vector<512x31xf32>
    %mul3A_1694 = arith.constant 1.250000e-01 : f32
    %mul3A_1695 = vector.broadcast %mul3A_1694 : f32 to vector<512x31xf32>
    %mul3A_1696 = arith.mulf %dot_general3A_1693, %mul3A_1695 : vector<512x31xf32>
    %jit3A_1697 = arith.constant 0xFF800000 : f32
    %broadcast_in_dim3A_1698 = vector.broadcast %jit3A_1697 : f32 to vector<512x31xf32>
    %select_n3A_1699 = arith.select %lt3A, %mul3A_1696, %broadcast_in_dim3A_1698 : vector<512x31xi1>, vector<512x31xf32>
    %reduce_max3A_1700 = arith.constant dense<0xFF800000> : vector<512xf32>
    %reduce_max3A_1701 = vector.multi_reduction <maximumf>, %select_n3A_1699, %reduce_max3A_1700 [1] : vector<512x31xf32> to vector<512xf32>
    %broadcast_in_dim3A_1702 = vector.shape_cast %reduce_max3A_1701 : vector<512xf32> to vector<512x1xf32>
    %sub3A_1703 = vector.broadcast %broadcast_in_dim3A_1702 : vector<512x1xf32> to vector<512x31xf32>
    %sub3A_1704 = arith.subf %select_n3A_1699, %sub3A_1703 : vector<512x31xf32>
    %exp3A_1705 = math.exp %sub3A_1704 : vector<512x31xf32>
    %reduce_sum3A_1706 = arith.constant dense<0.000000e+00> : vector<512xf32>
    %reduce_sum3A_1707 = vector.multi_reduction <add>, %exp3A_1705, %reduce_sum3A_1706 [1] : vector<512x31xf32> to vector<512xf32>
    %broadcast_in_dim3A_1708 = vector.shape_cast %reduce_sum3A_1707 : vector<512xf32> to vector<512x1xf32>
    %div3A_1709 = vector.broadcast %broadcast_in_dim3A_1708 : vector<512x1xf32> to vector<512x31xf32>
    %div3A_1710 = arith.divf %exp3A_1705, %div3A_1709 : vector<512x31xf32>
    %slice3A_1711 = vector.extract_strided_slice %add3A_654 {offsets = [0, 320], sizes = [31, 64], strides = [1, 1]} : vector<31x512xf32> to vector<31x64xf32>
    %dot_general3A_1712 = arith.constant dense<0.000000e+00> : vector<512x64xf32>
    %dot_general3A_1713 = tpu.matmul %div3A_1710, %slice3A_1711, %dot_general3A_1712 {dimension_numbers = #tpu.dot_dimension_numbers<[1], [0], [0], [1], [0, 0, 1, 1], [], []>, transpose_lhs_hint = false} : vector<512x31xf32>, vector<31x64xf32>, vector<512x64xf32> -> vector<512x64xf32>
    %slice3A_1714 = vector.extract_strided_slice %slice3A_1683 {offsets = [0, 0], sizes = [128, 64], strides = [1, 1]} : vector<512x64xf32> to vector<128x64xf32>
    %slice3A_1715 = vector.extract_strided_slice %slice3A_1684 {offsets = [0, 0], sizes = [256, 64], strides = [1, 1]} : vector<512x64xf32> to vector<256x64xf32>
    %slice3A_1716 = vector.extract_strided_slice %slice3A_1685 {offsets = [0, 0], sizes = [256, 64], strides = [1, 1]} : vector<512x64xf32> to vector<256x64xf32>
    %transpose3A_1717 = tpu.transpose %slice3A_1715, [1, 0] : vector<256x64xf32> -> vector<64x256xf32>
    %dot_general3A_1718 = arith.constant dense<0.000000e+00> : vector<128x256xf32>
    %dot_general3A_1719 = tpu.matmul %slice3A_1714, %transpose3A_1717, %dot_general3A_1718 {dimension_numbers = #tpu.dot_dimension_numbers<[1], [0], [0], [1], [0, 0, 1, 1], [], []>, transpose_lhs_hint = false} : vector<128x64xf32>, vector<64x256xf32>, vector<128x256xf32> -> vector<128x256xf32>
    %jit3A_1720 = arith.constant 0xFF800000 : f32
    %broadcast_in_dim3A_1721 = vector.broadcast %jit3A_1720 : f32 to vector<128x256xf32>
    %select_n3A_1722 = arith.select %and3A, %dot_general3A_1719, %broadcast_in_dim3A_1721 : vector<128x256xi1>, vector<128x256xf32>
    %mul3A_1723 = arith.constant 1.250000e-01 : f32
    %mul3A_1724 = vector.broadcast %mul3A_1723 : f32 to vector<128x256xf32>
    %mul3A_1725 = arith.mulf %select_n3A_1722, %mul3A_1724 : vector<128x256xf32>
    %reduce_max3A_1726 = arith.constant dense<0xFF800000> : vector<128xf32>
    %reduce_max3A_1727 = vector.multi_reduction <maximumf>, %mul3A_1725, %reduce_max3A_1726 [1] : vector<128x256xf32> to vector<128xf32>
    %broadcast_in_dim3A_1728 = vector.shape_cast %reduce_max3A_1727 : vector<128xf32> to vector<128x1xf32>
    %sub3A_1729 = vector.broadcast %broadcast_in_dim3A_1728 : vector<128x1xf32> to vector<128x256xf32>
    %sub3A_1730 = arith.subf %mul3A_1725, %sub3A_1729 : vector<128x256xf32>
    %exp3A_1731 = math.exp %sub3A_1730 : vector<128x256xf32>
    %reduce_sum3A_1732 = arith.constant dense<0.000000e+00> : vector<128xf32>
    %reduce_sum3A_1733 = vector.multi_reduction <add>, %exp3A_1731, %reduce_sum3A_1732 [1] : vector<128x256xf32> to vector<128xf32>
    %broadcast_in_dim3A_1734 = vector.shape_cast %reduce_sum3A_1733 : vector<128xf32> to vector<128x1xf32>
    %div3A_1735 = vector.broadcast %broadcast_in_dim3A_1734 : vector<128x1xf32> to vector<128x256xf32>
    %div3A_1736 = arith.divf %exp3A_1731, %div3A_1735 : vector<128x256xf32>
    %dot_general3A_1737 = arith.constant dense<0.000000e+00> : vector<128x64xf32>
    %dot_general3A_1738 = tpu.matmul %div3A_1736, %slice3A_1716, %dot_general3A_1737 {dimension_numbers = #tpu.dot_dimension_numbers<[1], [0], [0], [1], [0, 0, 1, 1], [], []>, transpose_lhs_hint = false} : vector<128x256xf32>, vector<256x64xf32>, vector<128x64xf32> -> vector<128x64xf32>
    %slice3A_1739 = vector.extract_strided_slice %slice3A_25 {offsets = [0, 0], sizes = [128, 1], strides = [1, 1]} : vector<512x1xf32> to vector<128x1xf32>
    %slice3A_1740 = vector.extract_strided_slice %dot_general3A_1713 {offsets = [0, 0], sizes = [128, 64], strides = [1, 1]} : vector<512x64xf32> to vector<128x64xf32>
    %mul3A_1741 = vector.broadcast %slice3A_1739 : vector<128x1xf32> to vector<128x64xf32>
    %mul3A_1742 = arith.mulf %mul3A_1741, %slice3A_1740 : vector<128x64xf32>
    %slice3A_1743 = vector.extract_strided_slice %slice3A_26 {offsets = [0, 0], sizes = [128, 1], strides = [1, 1]} : vector<512x1xf32> to vector<128x1xf32>
    %mul3A_1744 = vector.broadcast %slice3A_1743 : vector<128x1xf32> to vector<128x64xf32>
    %mul3A_1745 = arith.mulf %mul3A_1744, %dot_general3A_1738 : vector<128x64xf32>
    %add3A_1746 = arith.addf %mul3A_1742, %mul3A_1745 : vector<128x64xf32>
    %swap3A_1747 = arith.constant 0 : index
    %swap3A_1748 = arith.constant 0 : index
    %swap3A_1749 = arith.constant 320 : index
    %swap3A_1750 = vector.load %arg10[%swap3A_1747, %swap3A_1748, %swap3A_1749] : memref<1x512x512xf32, #tpu.memory_space<vmem>>, vector<1x128x64xf32>
    %swap3A_1751 = vector.shape_cast %swap3A_1750 : vector<1x128x64xf32> to vector<128x64xf32>
    %swap3A_1752 = vector.shape_cast %add3A_1746 : vector<128x64xf32> to vector<1x128x64xf32>
    tpu.vector_store %arg10[%swap3A_1747, %swap3A_1748, %swap3A_1749], %swap3A_1752 {strides = array<i32>} : memref<1x512x512xf32, #tpu.memory_space<vmem>>, vector<1x128x64xf32>,
    %slice3A_1753 = vector.extract_strided_slice %slice3A_1683 {offsets = [128, 0], sizes = [128, 64], strides = [1, 1]} : vector<512x64xf32> to vector<128x64xf32>
    %slice3A_1754 = vector.extract_strided_slice %slice3A_1684 {offsets = [0, 0], sizes = [256, 64], strides = [1, 1]} : vector<512x64xf32> to vector<256x64xf32>
    %slice3A_1755 = vector.extract_strided_slice %slice3A_1685 {offsets = [0, 0], sizes = [256, 64], strides = [1, 1]} : vector<512x64xf32> to vector<256x64xf32>
    %transpose3A_1756 = tpu.transpose %slice3A_1754, [1, 0] : vector<256x64xf32> -> vector<64x256xf32>
    %dot_general3A_1757 = arith.constant dense<0.000000e+00> : vector<128x256xf32>
    %dot_general3A_1758 = tpu.matmul %slice3A_1753, %transpose3A_1756, %dot_general3A_1757 {dimension_numbers = #tpu.dot_dimension_numbers<[1], [0], [0], [1], [0, 0, 1, 1], [], []>, transpose_lhs_hint = false} : vector<128x64xf32>, vector<64x256xf32>, vector<128x256xf32> -> vector<128x256xf32>
    %jit3A_1759 = arith.constant 0xFF800000 : f32
    %broadcast_in_dim3A_1760 = vector.broadcast %jit3A_1759 : f32 to vector<128x256xf32>
    %select_n3A_1761 = arith.select %and3A_712, %dot_general3A_1758, %broadcast_in_dim3A_1760 : vector<128x256xi1>, vector<128x256xf32>
    %mul3A_1762 = arith.constant 1.250000e-01 : f32
    %mul3A_1763 = vector.broadcast %mul3A_1762 : f32 to vector<128x256xf32>
    %mul3A_1764 = arith.mulf %select_n3A_1761, %mul3A_1763 : vector<128x256xf32>
    %reduce_max3A_1765 = arith.constant dense<0xFF800000> : vector<128xf32>
    %reduce_max3A_1766 = vector.multi_reduction <maximumf>, %mul3A_1764, %reduce_max3A_1765 [1] : vector<128x256xf32> to vector<128xf32>
    %broadcast_in_dim3A_1767 = vector.shape_cast %reduce_max3A_1766 : vector<128xf32> to vector<128x1xf32>
    %sub3A_1768 = vector.broadcast %broadcast_in_dim3A_1767 : vector<128x1xf32> to vector<128x256xf32>
    %sub3A_1769 = arith.subf %mul3A_1764, %sub3A_1768 : vector<128x256xf32>
    %exp3A_1770 = math.exp %sub3A_1769 : vector<128x256xf32>
    %reduce_sum3A_1771 = arith.constant dense<0.000000e+00> : vector<128xf32>
    %reduce_sum3A_1772 = vector.multi_reduction <add>, %exp3A_1770, %reduce_sum3A_1771 [1] : vector<128x256xf32> to vector<128xf32>
    %broadcast_in_dim3A_1773 = vector.shape_cast %reduce_sum3A_1772 : vector<128xf32> to vector<128x1xf32>
    %div3A_1774 = vector.broadcast %broadcast_in_dim3A_1773 : vector<128x1xf32> to vector<128x256xf32>
    %div3A_1775 = arith.divf %exp3A_1770, %div3A_1774 : vector<128x256xf32>
    %dot_general3A_1776 = arith.constant dense<0.000000e+00> : vector<128x64xf32>
    %dot_general3A_1777 = tpu.matmul %div3A_1775, %slice3A_1755, %dot_general3A_1776 {dimension_numbers = #tpu.dot_dimension_numbers<[1], [0], [0], [1], [0, 0, 1, 1], [], []>, transpose_lhs_hint = false} : vector<128x256xf32>, vector<256x64xf32>, vector<128x64xf32> -> vector<128x64xf32>
    %slice3A_1778 = vector.extract_strided_slice %slice3A_25 {offsets = [128, 0], sizes = [128, 1], strides = [1, 1]} : vector<512x1xf32> to vector<128x1xf32>
    %slice3A_1779 = vector.extract_strided_slice %dot_general3A_1713 {offsets = [128, 0], sizes = [128, 64], strides = [1, 1]} : vector<512x64xf32> to vector<128x64xf32>
    %mul3A_1780 = vector.broadcast %slice3A_1778 : vector<128x1xf32> to vector<128x64xf32>
    %mul3A_1781 = arith.mulf %mul3A_1780, %slice3A_1779 : vector<128x64xf32>
    %slice3A_1782 = vector.extract_strided_slice %slice3A_26 {offsets = [128, 0], sizes = [128, 1], strides = [1, 1]} : vector<512x1xf32> to vector<128x1xf32>
    %mul3A_1783 = vector.broadcast %slice3A_1782 : vector<128x1xf32> to vector<128x64xf32>
    %mul3A_1784 = arith.mulf %mul3A_1783, %dot_general3A_1777 : vector<128x64xf32>
    %add3A_1785 = arith.addf %mul3A_1781, %mul3A_1784 : vector<128x64xf32>
    %swap3A_1786 = arith.constant 0 : index
    %swap3A_1787 = arith.constant 128 : index
    %swap3A_1788 = arith.constant 320 : index
    %swap3A_1789 = vector.load %arg10[%swap3A_1786, %swap3A_1787, %swap3A_1788] : memref<1x512x512xf32, #tpu.memory_space<vmem>>, vector<1x128x64xf32>
    %swap3A_1790 = vector.shape_cast %swap3A_1789 : vector<1x128x64xf32> to vector<128x64xf32>
    %swap3A_1791 = vector.shape_cast %add3A_1785 : vector<128x64xf32> to vector<1x128x64xf32>
    tpu.vector_store %arg10[%swap3A_1786, %swap3A_1787, %swap3A_1788], %swap3A_1791 {strides = array<i32>} : memref<1x512x512xf32, #tpu.memory_space<vmem>>, vector<1x128x64xf32>,
    %slice3A_1792 = vector.extract_strided_slice %slice3A_1683 {offsets = [256, 0], sizes = [128, 64], strides = [1, 1]} : vector<512x64xf32> to vector<128x64xf32>
    %slice3A_1793 = vector.extract_strided_slice %slice3A_1684 {offsets = [128, 0], sizes = [256, 64], strides = [1, 1]} : vector<512x64xf32> to vector<256x64xf32>
    %slice3A_1794 = vector.extract_strided_slice %slice3A_1685 {offsets = [128, 0], sizes = [256, 64], strides = [1, 1]} : vector<512x64xf32> to vector<256x64xf32>
    %transpose3A_1795 = tpu.transpose %slice3A_1793, [1, 0] : vector<256x64xf32> -> vector<64x256xf32>
    %dot_general3A_1796 = arith.constant dense<0.000000e+00> : vector<128x256xf32>
    %dot_general3A_1797 = tpu.matmul %slice3A_1792, %transpose3A_1795, %dot_general3A_1796 {dimension_numbers = #tpu.dot_dimension_numbers<[1], [0], [0], [1], [0, 0, 1, 1], [], []>, transpose_lhs_hint = false} : vector<128x64xf32>, vector<64x256xf32>, vector<128x256xf32> -> vector<128x256xf32>
    %jit3A_1798 = arith.constant 0xFF800000 : f32
    %broadcast_in_dim3A_1799 = vector.broadcast %jit3A_1798 : f32 to vector<128x256xf32>
    %select_n3A_1800 = arith.select %and3A_726, %dot_general3A_1797, %broadcast_in_dim3A_1799 : vector<128x256xi1>, vector<128x256xf32>
    %mul3A_1801 = arith.constant 1.250000e-01 : f32
    %mul3A_1802 = vector.broadcast %mul3A_1801 : f32 to vector<128x256xf32>
    %mul3A_1803 = arith.mulf %select_n3A_1800, %mul3A_1802 : vector<128x256xf32>
    %reduce_max3A_1804 = arith.constant dense<0xFF800000> : vector<128xf32>
    %reduce_max3A_1805 = vector.multi_reduction <maximumf>, %mul3A_1803, %reduce_max3A_1804 [1] : vector<128x256xf32> to vector<128xf32>
    %broadcast_in_dim3A_1806 = vector.shape_cast %reduce_max3A_1805 : vector<128xf32> to vector<128x1xf32>
    %sub3A_1807 = vector.broadcast %broadcast_in_dim3A_1806 : vector<128x1xf32> to vector<128x256xf32>
    %sub3A_1808 = arith.subf %mul3A_1803, %sub3A_1807 : vector<128x256xf32>
    %exp3A_1809 = math.exp %sub3A_1808 : vector<128x256xf32>
    %reduce_sum3A_1810 = arith.constant dense<0.000000e+00> : vector<128xf32>
    %reduce_sum3A_1811 = vector.multi_reduction <add>, %exp3A_1809, %reduce_sum3A_1810 [1] : vector<128x256xf32> to vector<128xf32>
    %broadcast_in_dim3A_1812 = vector.shape_cast %reduce_sum3A_1811 : vector<128xf32> to vector<128x1xf32>
    %div3A_1813 = vector.broadcast %broadcast_in_dim3A_1812 : vector<128x1xf32> to vector<128x256xf32>
    %div3A_1814 = arith.divf %exp3A_1809, %div3A_1813 : vector<128x256xf32>
    %dot_general3A_1815 = arith.constant dense<0.000000e+00> : vector<128x64xf32>
    %dot_general3A_1816 = tpu.matmul %div3A_1814, %slice3A_1794, %dot_general3A_1815 {dimension_numbers = #tpu.dot_dimension_numbers<[1], [0], [0], [1], [0, 0, 1, 1], [], []>, transpose_lhs_hint = false} : vector<128x256xf32>, vector<256x64xf32>, vector<128x64xf32> -> vector<128x64xf32>
    %slice3A_1817 = vector.extract_strided_slice %slice3A_25 {offsets = [256, 0], sizes = [128, 1], strides = [1, 1]} : vector<512x1xf32> to vector<128x1xf32>
    %slice3A_1818 = vector.extract_strided_slice %dot_general3A_1713 {offsets = [256, 0], sizes = [128, 64], strides = [1, 1]} : vector<512x64xf32> to vector<128x64xf32>
    %mul3A_1819 = vector.broadcast %slice3A_1817 : vector<128x1xf32> to vector<128x64xf32>
    %mul3A_1820 = arith.mulf %mul3A_1819, %slice3A_1818 : vector<128x64xf32>
    %slice3A_1821 = vector.extract_strided_slice %slice3A_26 {offsets = [256, 0], sizes = [128, 1], strides = [1, 1]} : vector<512x1xf32> to vector<128x1xf32>
    %mul3A_1822 = vector.broadcast %slice3A_1821 : vector<128x1xf32> to vector<128x64xf32>
    %mul3A_1823 = arith.mulf %mul3A_1822, %dot_general3A_1816 : vector<128x64xf32>
    %add3A_1824 = arith.addf %mul3A_1820, %mul3A_1823 : vector<128x64xf32>
    %swap3A_1825 = arith.constant 0 : index
    %swap3A_1826 = arith.constant 256 : index
    %swap3A_1827 = arith.constant 320 : index
    %swap3A_1828 = vector.load %arg10[%swap3A_1825, %swap3A_1826, %swap3A_1827] : memref<1x512x512xf32, #tpu.memory_space<vmem>>, vector<1x128x64xf32>
    %swap3A_1829 = vector.shape_cast %swap3A_1828 : vector<1x128x64xf32> to vector<128x64xf32>
    %swap3A_1830 = vector.shape_cast %add3A_1824 : vector<128x64xf32> to vector<1x128x64xf32>
    tpu.vector_store %arg10[%swap3A_1825, %swap3A_1826, %swap3A_1827], %swap3A_1830 {strides = array<i32>} : memref<1x512x512xf32, #tpu.memory_space<vmem>>, vector<1x128x64xf32>,
    %slice3A_1831 = vector.extract_strided_slice %slice3A_1683 {offsets = [384, 0], sizes = [128, 64], strides = [1, 1]} : vector<512x64xf32> to vector<128x64xf32>
    %slice3A_1832 = vector.extract_strided_slice %slice3A_1684 {offsets = [256, 0], sizes = [256, 64], strides = [1, 1]} : vector<512x64xf32> to vector<256x64xf32>
    %slice3A_1833 = vector.extract_strided_slice %slice3A_1685 {offsets = [256, 0], sizes = [256, 64], strides = [1, 1]} : vector<512x64xf32> to vector<256x64xf32>
    %transpose3A_1834 = tpu.transpose %slice3A_1832, [1, 0] : vector<256x64xf32> -> vector<64x256xf32>
    %dot_general3A_1835 = arith.constant dense<0.000000e+00> : vector<128x256xf32>
    %dot_general3A_1836 = tpu.matmul %slice3A_1831, %transpose3A_1834, %dot_general3A_1835 {dimension_numbers = #tpu.dot_dimension_numbers<[1], [0], [0], [1], [0, 0, 1, 1], [], []>, transpose_lhs_hint = false} : vector<128x64xf32>, vector<64x256xf32>, vector<128x256xf32> -> vector<128x256xf32>
    %jit3A_1837 = arith.constant 0xFF800000 : f32
    %broadcast_in_dim3A_1838 = vector.broadcast %jit3A_1837 : f32 to vector<128x256xf32>
    %select_n3A_1839 = arith.select %and3A_740, %dot_general3A_1836, %broadcast_in_dim3A_1838 : vector<128x256xi1>, vector<128x256xf32>
    %mul3A_1840 = arith.constant 1.250000e-01 : f32
    %mul3A_1841 = vector.broadcast %mul3A_1840 : f32 to vector<128x256xf32>
    %mul3A_1842 = arith.mulf %select_n3A_1839, %mul3A_1841 : vector<128x256xf32>
    %reduce_max3A_1843 = arith.constant dense<0xFF800000> : vector<128xf32>
    %reduce_max3A_1844 = vector.multi_reduction <maximumf>, %mul3A_1842, %reduce_max3A_1843 [1] : vector<128x256xf32> to vector<128xf32>
    %broadcast_in_dim3A_1845 = vector.shape_cast %reduce_max3A_1844 : vector<128xf32> to vector<128x1xf32>
    %sub3A_1846 = vector.broadcast %broadcast_in_dim3A_1845 : vector<128x1xf32> to vector<128x256xf32>
    %sub3A_1847 = arith.subf %mul3A_1842, %sub3A_1846 : vector<128x256xf32>
    %exp3A_1848 = math.exp %sub3A_1847 : vector<128x256xf32>
    %reduce_sum3A_1849 = arith.constant dense<0.000000e+00> : vector<128xf32>
    %reduce_sum3A_1850 = vector.multi_reduction <add>, %exp3A_1848, %reduce_sum3A_1849 [1] : vector<128x256xf32> to vector<128xf32>
    %broadcast_in_dim3A_1851 = vector.shape_cast %reduce_sum3A_1850 : vector<128xf32> to vector<128x1xf32>
    %div3A_1852 = vector.broadcast %broadcast_in_dim3A_1851 : vector<128x1xf32> to vector<128x256xf32>
    %div3A_1853 = arith.divf %exp3A_1848, %div3A_1852 : vector<128x256xf32>
    %dot_general3A_1854 = arith.constant dense<0.000000e+00> : vector<128x64xf32>
    %dot_general3A_1855 = tpu.matmul %div3A_1853, %slice3A_1833, %dot_general3A_1854 {dimension_numbers = #tpu.dot_dimension_numbers<[1], [0], [0], [1], [0, 0, 1, 1], [], []>, transpose_lhs_hint = false} : vector<128x256xf32>, vector<256x64xf32>, vector<128x64xf32> -> vector<128x64xf32>
    %slice3A_1856 = vector.extract_strided_slice %slice3A_25 {offsets = [384, 0], sizes = [128, 1], strides = [1, 1]} : vector<512x1xf32> to vector<128x1xf32>
    %slice3A_1857 = vector.extract_strided_slice %dot_general3A_1713 {offsets = [384, 0], sizes = [128, 64], strides = [1, 1]} : vector<512x64xf32> to vector<128x64xf32>
    %mul3A_1858 = vector.broadcast %slice3A_1856 : vector<128x1xf32> to vector<128x64xf32>
    %mul3A_1859 = arith.mulf %mul3A_1858, %slice3A_1857 : vector<128x64xf32>
    %slice3A_1860 = vector.extract_strided_slice %slice3A_26 {offsets = [384, 0], sizes = [128, 1], strides = [1, 1]} : vector<512x1xf32> to vector<128x1xf32>
    %mul3A_1861 = vector.broadcast %slice3A_1860 : vector<128x1xf32> to vector<128x64xf32>
    %mul3A_1862 = arith.mulf %mul3A_1861, %dot_general3A_1855 : vector<128x64xf32>
    %add3A_1863 = arith.addf %mul3A_1859, %mul3A_1862 : vector<128x64xf32>
    %swap3A_1864 = arith.constant 0 : index
    %swap3A_1865 = arith.constant 384 : index
    %swap3A_1866 = arith.constant 320 : index
    %swap3A_1867 = vector.load %arg10[%swap3A_1864, %swap3A_1865, %swap3A_1866] : memref<1x512x512xf32, #tpu.memory_space<vmem>>, vector<1x128x64xf32>
    %swap3A_1868 = vector.shape_cast %swap3A_1867 : vector<1x128x64xf32> to vector<128x64xf32>
    %swap3A_1869 = vector.shape_cast %add3A_1863 : vector<128x64xf32> to vector<1x128x64xf32>
    tpu.vector_store %arg10[%swap3A_1864, %swap3A_1865, %swap3A_1866], %swap3A_1869 {strides = array<i32>} : memref<1x512x512xf32, #tpu.memory_space<vmem>>, vector<1x128x64xf32>,
    %slice3A_1870 = vector.extract_strided_slice %div3A_1710 {offsets = [511, 0], sizes = [1, 31], strides = [1, 1]} : vector<512x31xf32> to vector<1x31xf32>
    %dot_general3A_1871 = arith.constant dense<0.000000e+00> : vector<1x16xf32>
    %dot_general3A_1872 = tpu.matmul %slice3A_1870, %add3A_687, %dot_general3A_1871 {dimension_numbers = #tpu.dot_dimension_numbers<[1], [0], [0], [1], [0, 0, 1, 1], [], []>, transpose_lhs_hint = false} : vector<1x31xf32>, vector<31x16xf32>, vector<1x16xf32> -> vector<1x16xf32>
    %slice3A_1873 = vector.extract_strided_slice %slice3A {offsets = [0, 384], sizes = [512, 64], strides = [1, 1]} : vector<512x512xf32> to vector<512x64xf32>
    %slice3A_1874 = vector.extract_strided_slice %slice3A_12 {offsets = [0, 384], sizes = [512, 64], strides = [1, 1]} : vector<512x512xf32> to vector<512x64xf32>
    %slice3A_1875 = vector.extract_strided_slice %slice3A_13 {offsets = [0, 384], sizes = [512, 64], strides = [1, 1]} : vector<512x512xf32> to vector<512x64xf32>
    %concatenate3A_1876 = tpu.concatenate %slice3A_1874, %slice3A_1875 in 1 : vector<512x64xf32>, vector<512x64xf32> -> vector<512x128xf32>
    %swap3A_1877 = arith.constant 3072 : index
    %swap3A_1878 = arith.constant 0 : index
    %swap3A_1879 = vector.load %arg11[%swap3A_1877, %swap3A_1878] : memref<4096x128xf32, #tpu.memory_space<vmem>>, vector<512x128xf32>
    tpu.vector_store %arg11[%swap3A_1877, %swap3A_1878], %concatenate3A_1876 {strides = array<i32>} : memref<4096x128xf32, #tpu.memory_space<vmem>>, vector<512x128xf32>,
    %slice3A_1880 = vector.extract_strided_slice %add3A_646 {offsets = [0, 384], sizes = [31, 64], strides = [1, 1]} : vector<31x512xf32> to vector<31x64xf32>
    %transpose3A_1881 = tpu.transpose %slice3A_1880, [1, 0] : vector<31x64xf32> -> vector<64x31xf32>
    %dot_general3A_1882 = arith.constant dense<0.000000e+00> : vector<512x31xf32>
    %dot_general3A_1883 = tpu.matmul %slice3A_1873, %transpose3A_1881, %dot_general3A_1882 {dimension_numbers = #tpu.dot_dimension_numbers<[1], [0], [0], [1], [0, 0, 1, 1], [], []>, transpose_lhs_hint = false} : vector<512x64xf32>, vector<64x31xf32>, vector<512x31xf32> -> vector<512x31xf32>
    %mul3A_1884 = arith.constant 1.250000e-01 : f32
    %mul3A_1885 = vector.broadcast %mul3A_1884 : f32 to vector<512x31xf32>
    %mul3A_1886 = arith.mulf %dot_general3A_1883, %mul3A_1885 : vector<512x31xf32>
    %jit3A_1887 = arith.constant 0xFF800000 : f32
    %broadcast_in_dim3A_1888 = vector.broadcast %jit3A_1887 : f32 to vector<512x31xf32>
    %select_n3A_1889 = arith.select %lt3A, %mul3A_1886, %broadcast_in_dim3A_1888 : vector<512x31xi1>, vector<512x31xf32>
    %reduce_max3A_1890 = arith.constant dense<0xFF800000> : vector<512xf32>
    %reduce_max3A_1891 = vector.multi_reduction <maximumf>, %select_n3A_1889, %reduce_max3A_1890 [1] : vector<512x31xf32> to vector<512xf32>
    %broadcast_in_dim3A_1892 = vector.shape_cast %reduce_max3A_1891 : vector<512xf32> to vector<512x1xf32>
    %sub3A_1893 = vector.broadcast %broadcast_in_dim3A_1892 : vector<512x1xf32> to vector<512x31xf32>
    %sub3A_1894 = arith.subf %select_n3A_1889, %sub3A_1893 : vector<512x31xf32>
    %exp3A_1895 = math.exp %sub3A_1894 : vector<512x31xf32>
    %reduce_sum3A_1896 = arith.constant dense<0.000000e+00> : vector<512xf32>
    %reduce_sum3A_1897 = vector.multi_reduction <add>, %exp3A_1895, %reduce_sum3A_1896 [1] : vector<512x31xf32> to vector<512xf32>
    %broadcast_in_dim3A_1898 = vector.shape_cast %reduce_sum3A_1897 : vector<512xf32> to vector<512x1xf32>
    %div3A_1899 = vector.broadcast %broadcast_in_dim3A_1898 : vector<512x1xf32> to vector<512x31xf32>
    %div3A_1900 = arith.divf %exp3A_1895, %div3A_1899 : vector<512x31xf32>
    %slice3A_1901 = vector.extract_strided_slice %add3A_654 {offsets = [0, 384], sizes = [31, 64], strides = [1, 1]} : vector<31x512xf32> to vector<31x64xf32>
    %dot_general3A_1902 = arith.constant dense<0.000000e+00> : vector<512x64xf32>
    %dot_general3A_1903 = tpu.matmul %div3A_1900, %slice3A_1901, %dot_general3A_1902 {dimension_numbers = #tpu.dot_dimension_numbers<[1], [0], [0], [1], [0, 0, 1, 1], [], []>, transpose_lhs_hint = false} : vector<512x31xf32>, vector<31x64xf32>, vector<512x64xf32> -> vector<512x64xf32>
    %slice3A_1904 = vector.extract_strided_slice %slice3A_1873 {offsets = [0, 0], sizes = [128, 64], strides = [1, 1]} : vector<512x64xf32> to vector<128x64xf32>
    %slice3A_1905 = vector.extract_strided_slice %slice3A_1874 {offsets = [0, 0], sizes = [256, 64], strides = [1, 1]} : vector<512x64xf32> to vector<256x64xf32>
    %slice3A_1906 = vector.extract_strided_slice %slice3A_1875 {offsets = [0, 0], sizes = [256, 64], strides = [1, 1]} : vector<512x64xf32> to vector<256x64xf32>
    %transpose3A_1907 = tpu.transpose %slice3A_1905, [1, 0] : vector<256x64xf32> -> vector<64x256xf32>
    %dot_general3A_1908 = arith.constant dense<0.000000e+00> : vector<128x256xf32>
    %dot_general3A_1909 = tpu.matmul %slice3A_1904, %transpose3A_1907, %dot_general3A_1908 {dimension_numbers = #tpu.dot_dimension_numbers<[1], [0], [0], [1], [0, 0, 1, 1], [], []>, transpose_lhs_hint = false} : vector<128x64xf32>, vector<64x256xf32>, vector<128x256xf32> -> vector<128x256xf32>
    %jit3A_1910 = arith.constant 0xFF800000 : f32
    %broadcast_in_dim3A_1911 = vector.broadcast %jit3A_1910 : f32 to vector<128x256xf32>
    %select_n3A_1912 = arith.select %and3A, %dot_general3A_1909, %broadcast_in_dim3A_1911 : vector<128x256xi1>, vector<128x256xf32>
    %mul3A_1913 = arith.constant 1.250000e-01 : f32
    %mul3A_1914 = vector.broadcast %mul3A_1913 : f32 to vector<128x256xf32>
    %mul3A_1915 = arith.mulf %select_n3A_1912, %mul3A_1914 : vector<128x256xf32>
    %reduce_max3A_1916 = arith.constant dense<0xFF800000> : vector<128xf32>
    %reduce_max3A_1917 = vector.multi_reduction <maximumf>, %mul3A_1915, %reduce_max3A_1916 [1] : vector<128x256xf32> to vector<128xf32>
    %broadcast_in_dim3A_1918 = vector.shape_cast %reduce_max3A_1917 : vector<128xf32> to vector<128x1xf32>
    %sub3A_1919 = vector.broadcast %broadcast_in_dim3A_1918 : vector<128x1xf32> to vector<128x256xf32>
    %sub3A_1920 = arith.subf %mul3A_1915, %sub3A_1919 : vector<128x256xf32>
    %exp3A_1921 = math.exp %sub3A_1920 : vector<128x256xf32>
    %reduce_sum3A_1922 = arith.constant dense<0.000000e+00> : vector<128xf32>
    %reduce_sum3A_1923 = vector.multi_reduction <add>, %exp3A_1921, %reduce_sum3A_1922 [1] : vector<128x256xf32> to vector<128xf32>
    %broadcast_in_dim3A_1924 = vector.shape_cast %reduce_sum3A_1923 : vector<128xf32> to vector<128x1xf32>
    %div3A_1925 = vector.broadcast %broadcast_in_dim3A_1924 : vector<128x1xf32> to vector<128x256xf32>
    %div3A_1926 = arith.divf %exp3A_1921, %div3A_1925 : vector<128x256xf32>
    %dot_general3A_1927 = arith.constant dense<0.000000e+00> : vector<128x64xf32>
    %dot_general3A_1928 = tpu.matmul %div3A_1926, %slice3A_1906, %dot_general3A_1927 {dimension_numbers = #tpu.dot_dimension_numbers<[1], [0], [0], [1], [0, 0, 1, 1], [], []>, transpose_lhs_hint = false} : vector<128x256xf32>, vector<256x64xf32>, vector<128x64xf32> -> vector<128x64xf32>
    %slice3A_1929 = vector.extract_strided_slice %slice3A_25 {offsets = [0, 0], sizes = [128, 1], strides = [1, 1]} : vector<512x1xf32> to vector<128x1xf32>
    %slice3A_1930 = vector.extract_strided_slice %dot_general3A_1903 {offsets = [0, 0], sizes = [128, 64], strides = [1, 1]} : vector<512x64xf32> to vector<128x64xf32>
    %mul3A_1931 = vector.broadcast %slice3A_1929 : vector<128x1xf32> to vector<128x64xf32>
    %mul3A_1932 = arith.mulf %mul3A_1931, %slice3A_1930 : vector<128x64xf32>
    %slice3A_1933 = vector.extract_strided_slice %slice3A_26 {offsets = [0, 0], sizes = [128, 1], strides = [1, 1]} : vector<512x1xf32> to vector<128x1xf32>
    %mul3A_1934 = vector.broadcast %slice3A_1933 : vector<128x1xf32> to vector<128x64xf32>
    %mul3A_1935 = arith.mulf %mul3A_1934, %dot_general3A_1928 : vector<128x64xf32>
    %add3A_1936 = arith.addf %mul3A_1932, %mul3A_1935 : vector<128x64xf32>
    %swap3A_1937 = arith.constant 0 : index
    %swap3A_1938 = arith.constant 0 : index
    %swap3A_1939 = arith.constant 384 : index
    %swap3A_1940 = vector.load %arg10[%swap3A_1937, %swap3A_1938, %swap3A_1939] : memref<1x512x512xf32, #tpu.memory_space<vmem>>, vector<1x128x64xf32>
    %swap3A_1941 = vector.shape_cast %swap3A_1940 : vector<1x128x64xf32> to vector<128x64xf32>
    %swap3A_1942 = vector.shape_cast %add3A_1936 : vector<128x64xf32> to vector<1x128x64xf32>
    tpu.vector_store %arg10[%swap3A_1937, %swap3A_1938, %swap3A_1939], %swap3A_1942 {strides = array<i32>} : memref<1x512x512xf32, #tpu.memory_space<vmem>>, vector<1x128x64xf32>,
    %slice3A_1943 = vector.extract_strided_slice %slice3A_1873 {offsets = [128, 0], sizes = [128, 64], strides = [1, 1]} : vector<512x64xf32> to vector<128x64xf32>
    %slice3A_1944 = vector.extract_strided_slice %slice3A_1874 {offsets = [0, 0], sizes = [256, 64], strides = [1, 1]} : vector<512x64xf32> to vector<256x64xf32>
    %slice3A_1945 = vector.extract_strided_slice %slice3A_1875 {offsets = [0, 0], sizes = [256, 64], strides = [1, 1]} : vector<512x64xf32> to vector<256x64xf32>
    %transpose3A_1946 = tpu.transpose %slice3A_1944, [1, 0] : vector<256x64xf32> -> vector<64x256xf32>
    %dot_general3A_1947 = arith.constant dense<0.000000e+00> : vector<128x256xf32>
    %dot_general3A_1948 = tpu.matmul %slice3A_1943, %transpose3A_1946, %dot_general3A_1947 {dimension_numbers = #tpu.dot_dimension_numbers<[1], [0], [0], [1], [0, 0, 1, 1], [], []>, transpose_lhs_hint = false} : vector<128x64xf32>, vector<64x256xf32>, vector<128x256xf32> -> vector<128x256xf32>
    %jit3A_1949 = arith.constant 0xFF800000 : f32
    %broadcast_in_dim3A_1950 = vector.broadcast %jit3A_1949 : f32 to vector<128x256xf32>
    %select_n3A_1951 = arith.select %and3A_712, %dot_general3A_1948, %broadcast_in_dim3A_1950 : vector<128x256xi1>, vector<128x256xf32>
    %mul3A_1952 = arith.constant 1.250000e-01 : f32
    %mul3A_1953 = vector.broadcast %mul3A_1952 : f32 to vector<128x256xf32>
    %mul3A_1954 = arith.mulf %select_n3A_1951, %mul3A_1953 : vector<128x256xf32>
    %reduce_max3A_1955 = arith.constant dense<0xFF800000> : vector<128xf32>
    %reduce_max3A_1956 = vector.multi_reduction <maximumf>, %mul3A_1954, %reduce_max3A_1955 [1] : vector<128x256xf32> to vector<128xf32>
    %broadcast_in_dim3A_1957 = vector.shape_cast %reduce_max3A_1956 : vector<128xf32> to vector<128x1xf32>
    %sub3A_1958 = vector.broadcast %broadcast_in_dim3A_1957 : vector<128x1xf32> to vector<128x256xf32>
    %sub3A_1959 = arith.subf %mul3A_1954, %sub3A_1958 : vector<128x256xf32>
    %exp3A_1960 = math.exp %sub3A_1959 : vector<128x256xf32>
    %reduce_sum3A_1961 = arith.constant dense<0.000000e+00> : vector<128xf32>
    %reduce_sum3A_1962 = vector.multi_reduction <add>, %exp3A_1960, %reduce_sum3A_1961 [1] : vector<128x256xf32> to vector<128xf32>
    %broadcast_in_dim3A_1963 = vector.shape_cast %reduce_sum3A_1962 : vector<128xf32> to vector<128x1xf32>
    %div3A_1964 = vector.broadcast %broadcast_in_dim3A_1963 : vector<128x1xf32> to vector<128x256xf32>
    %div3A_1965 = arith.divf %exp3A_1960, %div3A_1964 : vector<128x256xf32>
    %dot_general3A_1966 = arith.constant dense<0.000000e+00> : vector<128x64xf32>
    %dot_general3A_1967 = tpu.matmul %div3A_1965, %slice3A_1945, %dot_general3A_1966 {dimension_numbers = #tpu.dot_dimension_numbers<[1], [0], [0], [1], [0, 0, 1, 1], [], []>, transpose_lhs_hint = false} : vector<128x256xf32>, vector<256x64xf32>, vector<128x64xf32> -> vector<128x64xf32>
    %slice3A_1968 = vector.extract_strided_slice %slice3A_25 {offsets = [128, 0], sizes = [128, 1], strides = [1, 1]} : vector<512x1xf32> to vector<128x1xf32>
    %slice3A_1969 = vector.extract_strided_slice %dot_general3A_1903 {offsets = [128, 0], sizes = [128, 64], strides = [1, 1]} : vector<512x64xf32> to vector<128x64xf32>
    %mul3A_1970 = vector.broadcast %slice3A_1968 : vector<128x1xf32> to vector<128x64xf32>
    %mul3A_1971 = arith.mulf %mul3A_1970, %slice3A_1969 : vector<128x64xf32>
    %slice3A_1972 = vector.extract_strided_slice %slice3A_26 {offsets = [128, 0], sizes = [128, 1], strides = [1, 1]} : vector<512x1xf32> to vector<128x1xf32>
    %mul3A_1973 = vector.broadcast %slice3A_1972 : vector<128x1xf32> to vector<128x64xf32>
    %mul3A_1974 = arith.mulf %mul3A_1973, %dot_general3A_1967 : vector<128x64xf32>
    %add3A_1975 = arith.addf %mul3A_1971, %mul3A_1974 : vector<128x64xf32>
    %swap3A_1976 = arith.constant 0 : index
    %swap3A_1977 = arith.constant 128 : index
    %swap3A_1978 = arith.constant 384 : index
    %swap3A_1979 = vector.load %arg10[%swap3A_1976, %swap3A_1977, %swap3A_1978] : memref<1x512x512xf32, #tpu.memory_space<vmem>>, vector<1x128x64xf32>
    %swap3A_1980 = vector.shape_cast %swap3A_1979 : vector<1x128x64xf32> to vector<128x64xf32>
    %swap3A_1981 = vector.shape_cast %add3A_1975 : vector<128x64xf32> to vector<1x128x64xf32>
    tpu.vector_store %arg10[%swap3A_1976, %swap3A_1977, %swap3A_1978], %swap3A_1981 {strides = array<i32>} : memref<1x512x512xf32, #tpu.memory_space<vmem>>, vector<1x128x64xf32>,
    %slice3A_1982 = vector.extract_strided_slice %slice3A_1873 {offsets = [256, 0], sizes = [128, 64], strides = [1, 1]} : vector<512x64xf32> to vector<128x64xf32>
    %slice3A_1983 = vector.extract_strided_slice %slice3A_1874 {offsets = [128, 0], sizes = [256, 64], strides = [1, 1]} : vector<512x64xf32> to vector<256x64xf32>
    %slice3A_1984 = vector.extract_strided_slice %slice3A_1875 {offsets = [128, 0], sizes = [256, 64], strides = [1, 1]} : vector<512x64xf32> to vector<256x64xf32>
    %transpose3A_1985 = tpu.transpose %slice3A_1983, [1, 0] : vector<256x64xf32> -> vector<64x256xf32>
    %dot_general3A_1986 = arith.constant dense<0.000000e+00> : vector<128x256xf32>
    %dot_general3A_1987 = tpu.matmul %slice3A_1982, %transpose3A_1985, %dot_general3A_1986 {dimension_numbers = #tpu.dot_dimension_numbers<[1], [0], [0], [1], [0, 0, 1, 1], [], []>, transpose_lhs_hint = false} : vector<128x64xf32>, vector<64x256xf32>, vector<128x256xf32> -> vector<128x256xf32>
    %jit3A_1988 = arith.constant 0xFF800000 : f32
    %broadcast_in_dim3A_1989 = vector.broadcast %jit3A_1988 : f32 to vector<128x256xf32>
    %select_n3A_1990 = arith.select %and3A_726, %dot_general3A_1987, %broadcast_in_dim3A_1989 : vector<128x256xi1>, vector<128x256xf32>
    %mul3A_1991 = arith.constant 1.250000e-01 : f32
    %mul3A_1992 = vector.broadcast %mul3A_1991 : f32 to vector<128x256xf32>
    %mul3A_1993 = arith.mulf %select_n3A_1990, %mul3A_1992 : vector<128x256xf32>
    %reduce_max3A_1994 = arith.constant dense<0xFF800000> : vector<128xf32>
    %reduce_max3A_1995 = vector.multi_reduction <maximumf>, %mul3A_1993, %reduce_max3A_1994 [1] : vector<128x256xf32> to vector<128xf32>
    %broadcast_in_dim3A_1996 = vector.shape_cast %reduce_max3A_1995 : vector<128xf32> to vector<128x1xf32>
    %sub3A_1997 = vector.broadcast %broadcast_in_dim3A_1996 : vector<128x1xf32> to vector<128x256xf32>
    %sub3A_1998 = arith.subf %mul3A_1993, %sub3A_1997 : vector<128x256xf32>
    %exp3A_1999 = math.exp %sub3A_1998 : vector<128x256xf32>
    %reduce_sum3A_2000 = arith.constant dense<0.000000e+00> : vector<128xf32>
    %reduce_sum3A_2001 = vector.multi_reduction <add>, %exp3A_1999, %reduce_sum3A_2000 [1] : vector<128x256xf32> to vector<128xf32>
    %broadcast_in_dim3A_2002 = vector.shape_cast %reduce_sum3A_2001 : vector<128xf32> to vector<128x1xf32>
    %div3A_2003 = vector.broadcast %broadcast_in_dim3A_2002 : vector<128x1xf32> to vector<128x256xf32>
    %div3A_2004 = arith.divf %exp3A_1999, %div3A_2003 : vector<128x256xf32>
    %dot_general3A_2005 = arith.constant dense<0.000000e+00> : vector<128x64xf32>
    %dot_general3A_2006 = tpu.matmul %div3A_2004, %slice3A_1984, %dot_general3A_2005 {dimension_numbers = #tpu.dot_dimension_numbers<[1], [0], [0], [1], [0, 0, 1, 1], [], []>, transpose_lhs_hint = false} : vector<128x256xf32>, vector<256x64xf32>, vector<128x64xf32> -> vector<128x64xf32>
    %slice3A_2007 = vector.extract_strided_slice %slice3A_25 {offsets = [256, 0], sizes = [128, 1], strides = [1, 1]} : vector<512x1xf32> to vector<128x1xf32>
    %slice3A_2008 = vector.extract_strided_slice %dot_general3A_1903 {offsets = [256, 0], sizes = [128, 64], strides = [1, 1]} : vector<512x64xf32> to vector<128x64xf32>
    %mul3A_2009 = vector.broadcast %slice3A_2007 : vector<128x1xf32> to vector<128x64xf32>
    %mul3A_2010 = arith.mulf %mul3A_2009, %slice3A_2008 : vector<128x64xf32>
    %slice3A_2011 = vector.extract_strided_slice %slice3A_26 {offsets = [256, 0], sizes = [128, 1], strides = [1, 1]} : vector<512x1xf32> to vector<128x1xf32>
    %mul3A_2012 = vector.broadcast %slice3A_2011 : vector<128x1xf32> to vector<128x64xf32>
    %mul3A_2013 = arith.mulf %mul3A_2012, %dot_general3A_2006 : vector<128x64xf32>
    %add3A_2014 = arith.addf %mul3A_2010, %mul3A_2013 : vector<128x64xf32>
    %swap3A_2015 = arith.constant 0 : index
    %swap3A_2016 = arith.constant 256 : index
    %swap3A_2017 = arith.constant 384 : index
    %swap3A_2018 = vector.load %arg10[%swap3A_2015, %swap3A_2016, %swap3A_2017] : memref<1x512x512xf32, #tpu.memory_space<vmem>>, vector<1x128x64xf32>
    %swap3A_2019 = vector.shape_cast %swap3A_2018 : vector<1x128x64xf32> to vector<128x64xf32>
    %swap3A_2020 = vector.shape_cast %add3A_2014 : vector<128x64xf32> to vector<1x128x64xf32>
    tpu.vector_store %arg10[%swap3A_2015, %swap3A_2016, %swap3A_2017], %swap3A_2020 {strides = array<i32>} : memref<1x512x512xf32, #tpu.memory_space<vmem>>, vector<1x128x64xf32>,
    %slice3A_2021 = vector.extract_strided_slice %slice3A_1873 {offsets = [384, 0], sizes = [128, 64], strides = [1, 1]} : vector<512x64xf32> to vector<128x64xf32>
    %slice3A_2022 = vector.extract_strided_slice %slice3A_1874 {offsets = [256, 0], sizes = [256, 64], strides = [1, 1]} : vector<512x64xf32> to vector<256x64xf32>
    %slice3A_2023 = vector.extract_strided_slice %slice3A_1875 {offsets = [256, 0], sizes = [256, 64], strides = [1, 1]} : vector<512x64xf32> to vector<256x64xf32>
    %transpose3A_2024 = tpu.transpose %slice3A_2022, [1, 0] : vector<256x64xf32> -> vector<64x256xf32>
    %dot_general3A_2025 = arith.constant dense<0.000000e+00> : vector<128x256xf32>
    %dot_general3A_2026 = tpu.matmul %slice3A_2021, %transpose3A_2024, %dot_general3A_2025 {dimension_numbers = #tpu.dot_dimension_numbers<[1], [0], [0], [1], [0, 0, 1, 1], [], []>, transpose_lhs_hint = false} : vector<128x64xf32>, vector<64x256xf32>, vector<128x256xf32> -> vector<128x256xf32>
    %jit3A_2027 = arith.constant 0xFF800000 : f32
    %broadcast_in_dim3A_2028 = vector.broadcast %jit3A_2027 : f32 to vector<128x256xf32>
    %select_n3A_2029 = arith.select %and3A_740, %dot_general3A_2026, %broadcast_in_dim3A_2028 : vector<128x256xi1>, vector<128x256xf32>
    %mul3A_2030 = arith.constant 1.250000e-01 : f32
    %mul3A_2031 = vector.broadcast %mul3A_2030 : f32 to vector<128x256xf32>
    %mul3A_2032 = arith.mulf %select_n3A_2029, %mul3A_2031 : vector<128x256xf32>
    %reduce_max3A_2033 = arith.constant dense<0xFF800000> : vector<128xf32>
    %reduce_max3A_2034 = vector.multi_reduction <maximumf>, %mul3A_2032, %reduce_max3A_2033 [1] : vector<128x256xf32> to vector<128xf32>
    %broadcast_in_dim3A_2035 = vector.shape_cast %reduce_max3A_2034 : vector<128xf32> to vector<128x1xf32>
    %sub3A_2036 = vector.broadcast %broadcast_in_dim3A_2035 : vector<128x1xf32> to vector<128x256xf32>
    %sub3A_2037 = arith.subf %mul3A_2032, %sub3A_2036 : vector<128x256xf32>
    %exp3A_2038 = math.exp %sub3A_2037 : vector<128x256xf32>
    %reduce_sum3A_2039 = arith.constant dense<0.000000e+00> : vector<128xf32>
    %reduce_sum3A_2040 = vector.multi_reduction <add>, %exp3A_2038, %reduce_sum3A_2039 [1] : vector<128x256xf32> to vector<128xf32>
    %broadcast_in_dim3A_2041 = vector.shape_cast %reduce_sum3A_2040 : vector<128xf32> to vector<128x1xf32>
    %div3A_2042 = vector.broadcast %broadcast_in_dim3A_2041 : vector<128x1xf32> to vector<128x256xf32>
    %div3A_2043 = arith.divf %exp3A_2038, %div3A_2042 : vector<128x256xf32>
    %dot_general3A_2044 = arith.constant dense<0.000000e+00> : vector<128x64xf32>
    %dot_general3A_2045 = tpu.matmul %div3A_2043, %slice3A_2023, %dot_general3A_2044 {dimension_numbers = #tpu.dot_dimension_numbers<[1], [0], [0], [1], [0, 0, 1, 1], [], []>, transpose_lhs_hint = false} : vector<128x256xf32>, vector<256x64xf32>, vector<128x64xf32> -> vector<128x64xf32>
    %slice3A_2046 = vector.extract_strided_slice %slice3A_25 {offsets = [384, 0], sizes = [128, 1], strides = [1, 1]} : vector<512x1xf32> to vector<128x1xf32>
    %slice3A_2047 = vector.extract_strided_slice %dot_general3A_1903 {offsets = [384, 0], sizes = [128, 64], strides = [1, 1]} : vector<512x64xf32> to vector<128x64xf32>
    %mul3A_2048 = vector.broadcast %slice3A_2046 : vector<128x1xf32> to vector<128x64xf32>
    %mul3A_2049 = arith.mulf %mul3A_2048, %slice3A_2047 : vector<128x64xf32>
    %slice3A_2050 = vector.extract_strided_slice %slice3A_26 {offsets = [384, 0], sizes = [128, 1], strides = [1, 1]} : vector<512x1xf32> to vector<128x1xf32>
    %mul3A_2051 = vector.broadcast %slice3A_2050 : vector<128x1xf32> to vector<128x64xf32>
    %mul3A_2052 = arith.mulf %mul3A_2051, %dot_general3A_2045 : vector<128x64xf32>
    %add3A_2053 = arith.addf %mul3A_2049, %mul3A_2052 : vector<128x64xf32>
    %swap3A_2054 = arith.constant 0 : index
    %swap3A_2055 = arith.constant 384 : index
    %swap3A_2056 = arith.constant 384 : index
    %swap3A_2057 = vector.load %arg10[%swap3A_2054, %swap3A_2055, %swap3A_2056] : memref<1x512x512xf32, #tpu.memory_space<vmem>>, vector<1x128x64xf32>
    %swap3A_2058 = vector.shape_cast %swap3A_2057 : vector<1x128x64xf32> to vector<128x64xf32>
    %swap3A_2059 = vector.shape_cast %add3A_2053 : vector<128x64xf32> to vector<1x128x64xf32>
    tpu.vector_store %arg10[%swap3A_2054, %swap3A_2055, %swap3A_2056], %swap3A_2059 {strides = array<i32>} : memref<1x512x512xf32, #tpu.memory_space<vmem>>, vector<1x128x64xf32>,
    %slice3A_2060 = vector.extract_strided_slice %div3A_1900 {offsets = [511, 0], sizes = [1, 31], strides = [1, 1]} : vector<512x31xf32> to vector<1x31xf32>
    %dot_general3A_2061 = arith.constant dense<0.000000e+00> : vector<1x16xf32>
    %dot_general3A_2062 = tpu.matmul %slice3A_2060, %add3A_687, %dot_general3A_2061 {dimension_numbers = #tpu.dot_dimension_numbers<[1], [0], [0], [1], [0, 0, 1, 1], [], []>, transpose_lhs_hint = false} : vector<1x31xf32>, vector<31x16xf32>, vector<1x16xf32> -> vector<1x16xf32>
    %slice3A_2063 = vector.extract_strided_slice %slice3A {offsets = [0, 448], sizes = [512, 64], strides = [1, 1]} : vector<512x512xf32> to vector<512x64xf32>
    %slice3A_2064 = vector.extract_strided_slice %slice3A_12 {offsets = [0, 448], sizes = [512, 64], strides = [1, 1]} : vector<512x512xf32> to vector<512x64xf32>
    %slice3A_2065 = vector.extract_strided_slice %slice3A_13 {offsets = [0, 448], sizes = [512, 64], strides = [1, 1]} : vector<512x512xf32> to vector<512x64xf32>
    %concatenate3A_2066 = tpu.concatenate %slice3A_2064, %slice3A_2065 in 1 : vector<512x64xf32>, vector<512x64xf32> -> vector<512x128xf32>
    %swap3A_2067 = arith.constant 3584 : index
    %swap3A_2068 = arith.constant 0 : index
    %swap3A_2069 = vector.load %arg11[%swap3A_2067, %swap3A_2068] : memref<4096x128xf32, #tpu.memory_space<vmem>>, vector<512x128xf32>
    tpu.vector_store %arg11[%swap3A_2067, %swap3A_2068], %concatenate3A_2066 {strides = array<i32>} : memref<4096x128xf32, #tpu.memory_space<vmem>>, vector<512x128xf32>,
    %slice3A_2070 = vector.extract_strided_slice %add3A_646 {offsets = [0, 448], sizes = [31, 64], strides = [1, 1]} : vector<31x512xf32> to vector<31x64xf32>
    %transpose3A_2071 = tpu.transpose %slice3A_2070, [1, 0] : vector<31x64xf32> -> vector<64x31xf32>
    %dot_general3A_2072 = arith.constant dense<0.000000e+00> : vector<512x31xf32>
    %dot_general3A_2073 = tpu.matmul %slice3A_2063, %transpose3A_2071, %dot_general3A_2072 {dimension_numbers = #tpu.dot_dimension_numbers<[1], [0], [0], [1], [0, 0, 1, 1], [], []>, transpose_lhs_hint = false} : vector<512x64xf32>, vector<64x31xf32>, vector<512x31xf32> -> vector<512x31xf32>
    %mul3A_2074 = arith.constant 1.250000e-01 : f32
    %mul3A_2075 = vector.broadcast %mul3A_2074 : f32 to vector<512x31xf32>
    %mul3A_2076 = arith.mulf %dot_general3A_2073, %mul3A_2075 : vector<512x31xf32>
    %jit3A_2077 = arith.constant 0xFF800000 : f32
    %broadcast_in_dim3A_2078 = vector.broadcast %jit3A_2077 : f32 to vector<512x31xf32>
    %select_n3A_2079 = arith.select %lt3A, %mul3A_2076, %broadcast_in_dim3A_2078 : vector<512x31xi1>, vector<512x31xf32>
    %reduce_max3A_2080 = arith.constant dense<0xFF800000> : vector<512xf32>
    %reduce_max3A_2081 = vector.multi_reduction <maximumf>, %select_n3A_2079, %reduce_max3A_2080 [1] : vector<512x31xf32> to vector<512xf32>
    %broadcast_in_dim3A_2082 = vector.shape_cast %reduce_max3A_2081 : vector<512xf32> to vector<512x1xf32>
    %sub3A_2083 = vector.broadcast %broadcast_in_dim3A_2082 : vector<512x1xf32> to vector<512x31xf32>
    %sub3A_2084 = arith.subf %select_n3A_2079, %sub3A_2083 : vector<512x31xf32>
    %exp3A_2085 = math.exp %sub3A_2084 : vector<512x31xf32>
    %reduce_sum3A_2086 = arith.constant dense<0.000000e+00> : vector<512xf32>
    %reduce_sum3A_2087 = vector.multi_reduction <add>, %exp3A_2085, %reduce_sum3A_2086 [1] : vector<512x31xf32> to vector<512xf32>
    %broadcast_in_dim3A_2088 = vector.shape_cast %reduce_sum3A_2087 : vector<512xf32> to vector<512x1xf32>
    %div3A_2089 = vector.broadcast %broadcast_in_dim3A_2088 : vector<512x1xf32> to vector<512x31xf32>
    %div3A_2090 = arith.divf %exp3A_2085, %div3A_2089 : vector<512x31xf32>
    %slice3A_2091 = vector.extract_strided_slice %add3A_654 {offsets = [0, 448], sizes = [31, 64], strides = [1, 1]} : vector<31x512xf32> to vector<31x64xf32>
    %dot_general3A_2092 = arith.constant dense<0.000000e+00> : vector<512x64xf32>
    %dot_general3A_2093 = tpu.matmul %div3A_2090, %slice3A_2091, %dot_general3A_2092 {dimension_numbers = #tpu.dot_dimension_numbers<[1], [0], [0], [1], [0, 0, 1, 1], [], []>, transpose_lhs_hint = false} : vector<512x31xf32>, vector<31x64xf32>, vector<512x64xf32> -> vector<512x64xf32>
    %slice3A_2094 = vector.extract_strided_slice %slice3A_2063 {offsets = [0, 0], sizes = [128, 64], strides = [1, 1]} : vector<512x64xf32> to vector<128x64xf32>
    %slice3A_2095 = vector.extract_strided_slice %slice3A_2064 {offsets = [0, 0], sizes = [256, 64], strides = [1, 1]} : vector<512x64xf32> to vector<256x64xf32>
    %slice3A_2096 = vector.extract_strided_slice %slice3A_2065 {offsets = [0, 0], sizes = [256, 64], strides = [1, 1]} : vector<512x64xf32> to vector<256x64xf32>
    %transpose3A_2097 = tpu.transpose %slice3A_2095, [1, 0] : vector<256x64xf32> -> vector<64x256xf32>
    %dot_general3A_2098 = arith.constant dense<0.000000e+00> : vector<128x256xf32>
    %dot_general3A_2099 = tpu.matmul %slice3A_2094, %transpose3A_2097, %dot_general3A_2098 {dimension_numbers = #tpu.dot_dimension_numbers<[1], [0], [0], [1], [0, 0, 1, 1], [], []>, transpose_lhs_hint = false} : vector<128x64xf32>, vector<64x256xf32>, vector<128x256xf32> -> vector<128x256xf32>
    %jit3A_2100 = arith.constant 0xFF800000 : f32
    %broadcast_in_dim3A_2101 = vector.broadcast %jit3A_2100 : f32 to vector<128x256xf32>
    %select_n3A_2102 = arith.select %and3A, %dot_general3A_2099, %broadcast_in_dim3A_2101 : vector<128x256xi1>, vector<128x256xf32>
    %mul3A_2103 = arith.constant 1.250000e-01 : f32
    %mul3A_2104 = vector.broadcast %mul3A_2103 : f32 to vector<128x256xf32>
    %mul3A_2105 = arith.mulf %select_n3A_2102, %mul3A_2104 : vector<128x256xf32>
    %reduce_max3A_2106 = arith.constant dense<0xFF800000> : vector<128xf32>
    %reduce_max3A_2107 = vector.multi_reduction <maximumf>, %mul3A_2105, %reduce_max3A_2106 [1] : vector<128x256xf32> to vector<128xf32>
    %broadcast_in_dim3A_2108 = vector.shape_cast %reduce_max3A_2107 : vector<128xf32> to vector<128x1xf32>
    %sub3A_2109 = vector.broadcast %broadcast_in_dim3A_2108 : vector<128x1xf32> to vector<128x256xf32>
    %sub3A_2110 = arith.subf %mul3A_2105, %sub3A_2109 : vector<128x256xf32>
    %exp3A_2111 = math.exp %sub3A_2110 : vector<128x256xf32>
    %reduce_sum3A_2112 = arith.constant dense<0.000000e+00> : vector<128xf32>
    %reduce_sum3A_2113 = vector.multi_reduction <add>, %exp3A_2111, %reduce_sum3A_2112 [1] : vector<128x256xf32> to vector<128xf32>
    %broadcast_in_dim3A_2114 = vector.shape_cast %reduce_sum3A_2113 : vector<128xf32> to vector<128x1xf32>
    %div3A_2115 = vector.broadcast %broadcast_in_dim3A_2114 : vector<128x1xf32> to vector<128x256xf32>
    %div3A_2116 = arith.divf %exp3A_2111, %div3A_2115 : vector<128x256xf32>
    %dot_general3A_2117 = arith.constant dense<0.000000e+00> : vector<128x64xf32>
    %dot_general3A_2118 = tpu.matmul %div3A_2116, %slice3A_2096, %dot_general3A_2117 {dimension_numbers = #tpu.dot_dimension_numbers<[1], [0], [0], [1], [0, 0, 1, 1], [], []>, transpose_lhs_hint = false} : vector<128x256xf32>, vector<256x64xf32>, vector<128x64xf32> -> vector<128x64xf32>
    %slice3A_2119 = vector.extract_strided_slice %slice3A_25 {offsets = [0, 0], sizes = [128, 1], strides = [1, 1]} : vector<512x1xf32> to vector<128x1xf32>
    %slice3A_2120 = vector.extract_strided_slice %dot_general3A_2093 {offsets = [0, 0], sizes = [128, 64], strides = [1, 1]} : vector<512x64xf32> to vector<128x64xf32>
    %mul3A_2121 = vector.broadcast %slice3A_2119 : vector<128x1xf32> to vector<128x64xf32>
    %mul3A_2122 = arith.mulf %mul3A_2121, %slice3A_2120 : vector<128x64xf32>
    %slice3A_2123 = vector.extract_strided_slice %slice3A_26 {offsets = [0, 0], sizes = [128, 1], strides = [1, 1]} : vector<512x1xf32> to vector<128x1xf32>
    %mul3A_2124 = vector.broadcast %slice3A_2123 : vector<128x1xf32> to vector<128x64xf32>
    %mul3A_2125 = arith.mulf %mul3A_2124, %dot_general3A_2118 : vector<128x64xf32>
    %add3A_2126 = arith.addf %mul3A_2122, %mul3A_2125 : vector<128x64xf32>
    %swap3A_2127 = arith.constant 0 : index
    %swap3A_2128 = arith.constant 0 : index
    %swap3A_2129 = arith.constant 448 : index
    %swap3A_2130 = vector.load %arg10[%swap3A_2127, %swap3A_2128, %swap3A_2129] : memref<1x512x512xf32, #tpu.memory_space<vmem>>, vector<1x128x64xf32>
    %swap3A_2131 = vector.shape_cast %swap3A_2130 : vector<1x128x64xf32> to vector<128x64xf32>
    %swap3A_2132 = vector.shape_cast %add3A_2126 : vector<128x64xf32> to vector<1x128x64xf32>
    tpu.vector_store %arg10[%swap3A_2127, %swap3A_2128, %swap3A_2129], %swap3A_2132 {strides = array<i32>} : memref<1x512x512xf32, #tpu.memory_space<vmem>>, vector<1x128x64xf32>,
    %slice3A_2133 = vector.extract_strided_slice %slice3A_2063 {offsets = [128, 0], sizes = [128, 64], strides = [1, 1]} : vector<512x64xf32> to vector<128x64xf32>
    %slice3A_2134 = vector.extract_strided_slice %slice3A_2064 {offsets = [0, 0], sizes = [256, 64], strides = [1, 1]} : vector<512x64xf32> to vector<256x64xf32>
    %slice3A_2135 = vector.extract_strided_slice %slice3A_2065 {offsets = [0, 0], sizes = [256, 64], strides = [1, 1]} : vector<512x64xf32> to vector<256x64xf32>
    %transpose3A_2136 = tpu.transpose %slice3A_2134, [1, 0] : vector<256x64xf32> -> vector<64x256xf32>
    %dot_general3A_2137 = arith.constant dense<0.000000e+00> : vector<128x256xf32>
    %dot_general3A_2138 = tpu.matmul %slice3A_2133, %transpose3A_2136, %dot_general3A_2137 {dimension_numbers = #tpu.dot_dimension_numbers<[1], [0], [0], [1], [0, 0, 1, 1], [], []>, transpose_lhs_hint = false} : vector<128x64xf32>, vector<64x256xf32>, vector<128x256xf32> -> vector<128x256xf32>
    %jit3A_2139 = arith.constant 0xFF800000 : f32
    %broadcast_in_dim3A_2140 = vector.broadcast %jit3A_2139 : f32 to vector<128x256xf32>
    %select_n3A_2141 = arith.select %and3A_712, %dot_general3A_2138, %broadcast_in_dim3A_2140 : vector<128x256xi1>, vector<128x256xf32>
    %mul3A_2142 = arith.constant 1.250000e-01 : f32
    %mul3A_2143 = vector.broadcast %mul3A_2142 : f32 to vector<128x256xf32>
    %mul3A_2144 = arith.mulf %select_n3A_2141, %mul3A_2143 : vector<128x256xf32>
    %reduce_max3A_2145 = arith.constant dense<0xFF800000> : vector<128xf32>
    %reduce_max3A_2146 = vector.multi_reduction <maximumf>, %mul3A_2144, %reduce_max3A_2145 [1] : vector<128x256xf32> to vector<128xf32>
    %broadcast_in_dim3A_2147 = vector.shape_cast %reduce_max3A_2146 : vector<128xf32> to vector<128x1xf32>
    %sub3A_2148 = vector.broadcast %broadcast_in_dim3A_2147 : vector<128x1xf32> to vector<128x256xf32>
    %sub3A_2149 = arith.subf %mul3A_2144, %sub3A_2148 : vector<128x256xf32>
    %exp3A_2150 = math.exp %sub3A_2149 : vector<128x256xf32>
    %reduce_sum3A_2151 = arith.constant dense<0.000000e+00> : vector<128xf32>
    %reduce_sum3A_2152 = vector.multi_reduction <add>, %exp3A_2150, %reduce_sum3A_2151 [1] : vector<128x256xf32> to vector<128xf32>
    %broadcast_in_dim3A_2153 = vector.shape_cast %reduce_sum3A_2152 : vector<128xf32> to vector<128x1xf32>
    %div3A_2154 = vector.broadcast %broadcast_in_dim3A_2153 : vector<128x1xf32> to vector<128x256xf32>
    %div3A_2155 = arith.divf %exp3A_2150, %div3A_2154 : vector<128x256xf32>
    %dot_general3A_2156 = arith.constant dense<0.000000e+00> : vector<128x64xf32>
    %dot_general3A_2157 = tpu.matmul %div3A_2155, %slice3A_2135, %dot_general3A_2156 {dimension_numbers = #tpu.dot_dimension_numbers<[1], [0], [0], [1], [0, 0, 1, 1], [], []>, transpose_lhs_hint = false} : vector<128x256xf32>, vector<256x64xf32>, vector<128x64xf32> -> vector<128x64xf32>
    %slice3A_2158 = vector.extract_strided_slice %slice3A_25 {offsets = [128, 0], sizes = [128, 1], strides = [1, 1]} : vector<512x1xf32> to vector<128x1xf32>
    %slice3A_2159 = vector.extract_strided_slice %dot_general3A_2093 {offsets = [128, 0], sizes = [128, 64], strides = [1, 1]} : vector<512x64xf32> to vector<128x64xf32>
    %mul3A_2160 = vector.broadcast %slice3A_2158 : vector<128x1xf32> to vector<128x64xf32>
    %mul3A_2161 = arith.mulf %mul3A_2160, %slice3A_2159 : vector<128x64xf32>
    %slice3A_2162 = vector.extract_strided_slice %slice3A_26 {offsets = [128, 0], sizes = [128, 1], strides = [1, 1]} : vector<512x1xf32> to vector<128x1xf32>
    %mul3A_2163 = vector.broadcast %slice3A_2162 : vector<128x1xf32> to vector<128x64xf32>
    %mul3A_2164 = arith.mulf %mul3A_2163, %dot_general3A_2157 : vector<128x64xf32>
    %add3A_2165 = arith.addf %mul3A_2161, %mul3A_2164 : vector<128x64xf32>
    %swap3A_2166 = arith.constant 0 : index
    %swap3A_2167 = arith.constant 128 : index
    %swap3A_2168 = arith.constant 448 : index
    %swap3A_2169 = vector.load %arg10[%swap3A_2166, %swap3A_2167, %swap3A_2168] : memref<1x512x512xf32, #tpu.memory_space<vmem>>, vector<1x128x64xf32>
    %swap3A_2170 = vector.shape_cast %swap3A_2169 : vector<1x128x64xf32> to vector<128x64xf32>
    %swap3A_2171 = vector.shape_cast %add3A_2165 : vector<128x64xf32> to vector<1x128x64xf32>
    tpu.vector_store %arg10[%swap3A_2166, %swap3A_2167, %swap3A_2168], %swap3A_2171 {strides = array<i32>} : memref<1x512x512xf32, #tpu.memory_space<vmem>>, vector<1x128x64xf32>,
    %slice3A_2172 = vector.extract_strided_slice %slice3A_2063 {offsets = [256, 0], sizes = [128, 64], strides = [1, 1]} : vector<512x64xf32> to vector<128x64xf32>
    %slice3A_2173 = vector.extract_strided_slice %slice3A_2064 {offsets = [128, 0], sizes = [256, 64], strides = [1, 1]} : vector<512x64xf32> to vector<256x64xf32>
    %slice3A_2174 = vector.extract_strided_slice %slice3A_2065 {offsets = [128, 0], sizes = [256, 64], strides = [1, 1]} : vector<512x64xf32> to vector<256x64xf32>
    %transpose3A_2175 = tpu.transpose %slice3A_2173, [1, 0] : vector<256x64xf32> -> vector<64x256xf32>
    %dot_general3A_2176 = arith.constant dense<0.000000e+00> : vector<128x256xf32>
    %dot_general3A_2177 = tpu.matmul %slice3A_2172, %transpose3A_2175, %dot_general3A_2176 {dimension_numbers = #tpu.dot_dimension_numbers<[1], [0], [0], [1], [0, 0, 1, 1], [], []>, transpose_lhs_hint = false} : vector<128x64xf32>, vector<64x256xf32>, vector<128x256xf32> -> vector<128x256xf32>
    %jit3A_2178 = arith.constant 0xFF800000 : f32
    %broadcast_in_dim3A_2179 = vector.broadcast %jit3A_2178 : f32 to vector<128x256xf32>
    %select_n3A_2180 = arith.select %and3A_726, %dot_general3A_2177, %broadcast_in_dim3A_2179 : vector<128x256xi1>, vector<128x256xf32>
    %mul3A_2181 = arith.constant 1.250000e-01 : f32
    %mul3A_2182 = vector.broadcast %mul3A_2181 : f32 to vector<128x256xf32>
    %mul3A_2183 = arith.mulf %select_n3A_2180, %mul3A_2182 : vector<128x256xf32>
    %reduce_max3A_2184 = arith.constant dense<0xFF800000> : vector<128xf32>
    %reduce_max3A_2185 = vector.multi_reduction <maximumf>, %mul3A_2183, %reduce_max3A_2184 [1] : vector<128x256xf32> to vector<128xf32>
    %broadcast_in_dim3A_2186 = vector.shape_cast %reduce_max3A_2185 : vector<128xf32> to vector<128x1xf32>
    %sub3A_2187 = vector.broadcast %broadcast_in_dim3A_2186 : vector<128x1xf32> to vector<128x256xf32>
    %sub3A_2188 = arith.subf %mul3A_2183, %sub3A_2187 : vector<128x256xf32>
    %exp3A_2189 = math.exp %sub3A_2188 : vector<128x256xf32>
    %reduce_sum3A_2190 = arith.constant dense<0.000000e+00> : vector<128xf32>
    %reduce_sum3A_2191 = vector.multi_reduction <add>, %exp3A_2189, %reduce_sum3A_2190 [1] : vector<128x256xf32> to vector<128xf32>
    %broadcast_in_dim3A_2192 = vector.shape_cast %reduce_sum3A_2191 : vector<128xf32> to vector<128x1xf32>
    %div3A_2193 = vector.broadcast %broadcast_in_dim3A_2192 : vector<128x1xf32> to vector<128x256xf32>
    %div3A_2194 = arith.divf %exp3A_2189, %div3A_2193 : vector<128x256xf32>
    %dot_general3A_2195 = arith.constant dense<0.000000e+00> : vector<128x64xf32>
    %dot_general3A_2196 = tpu.matmul %div3A_2194, %slice3A_2174, %dot_general3A_2195 {dimension_numbers = #tpu.dot_dimension_numbers<[1], [0], [0], [1], [0, 0, 1, 1], [], []>, transpose_lhs_hint = false} : vector<128x256xf32>, vector<256x64xf32>, vector<128x64xf32> -> vector<128x64xf32>
    %slice3A_2197 = vector.extract_strided_slice %slice3A_25 {offsets = [256, 0], sizes = [128, 1], strides = [1, 1]} : vector<512x1xf32> to vector<128x1xf32>
    %slice3A_2198 = vector.extract_strided_slice %dot_general3A_2093 {offsets = [256, 0], sizes = [128, 64], strides = [1, 1]} : vector<512x64xf32> to vector<128x64xf32>
    %mul3A_2199 = vector.broadcast %slice3A_2197 : vector<128x1xf32> to vector<128x64xf32>
    %mul3A_2200 = arith.mulf %mul3A_2199, %slice3A_2198 : vector<128x64xf32>
    %slice3A_2201 = vector.extract_strided_slice %slice3A_26 {offsets = [256, 0], sizes = [128, 1], strides = [1, 1]} : vector<512x1xf32> to vector<128x1xf32>
    %mul3A_2202 = vector.broadcast %slice3A_2201 : vector<128x1xf32> to vector<128x64xf32>
    %mul3A_2203 = arith.mulf %mul3A_2202, %dot_general3A_2196 : vector<128x64xf32>
    %add3A_2204 = arith.addf %mul3A_2200, %mul3A_2203 : vector<128x64xf32>
    %swap3A_2205 = arith.constant 0 : index
    %swap3A_2206 = arith.constant 256 : index
    %swap3A_2207 = arith.constant 448 : index
    %swap3A_2208 = vector.load %arg10[%swap3A_2205, %swap3A_2206, %swap3A_2207] : memref<1x512x512xf32, #tpu.memory_space<vmem>>, vector<1x128x64xf32>
    %swap3A_2209 = vector.shape_cast %swap3A_2208 : vector<1x128x64xf32> to vector<128x64xf32>
    %swap3A_2210 = vector.shape_cast %add3A_2204 : vector<128x64xf32> to vector<1x128x64xf32>
    tpu.vector_store %arg10[%swap3A_2205, %swap3A_2206, %swap3A_2207], %swap3A_2210 {strides = array<i32>} : memref<1x512x512xf32, #tpu.memory_space<vmem>>, vector<1x128x64xf32>,
    %slice3A_2211 = vector.extract_strided_slice %slice3A_2063 {offsets = [384, 0], sizes = [128, 64], strides = [1, 1]} : vector<512x64xf32> to vector<128x64xf32>
    %slice3A_2212 = vector.extract_strided_slice %slice3A_2064 {offsets = [256, 0], sizes = [256, 64], strides = [1, 1]} : vector<512x64xf32> to vector<256x64xf32>
    %slice3A_2213 = vector.extract_strided_slice %slice3A_2065 {offsets = [256, 0], sizes = [256, 64], strides = [1, 1]} : vector<512x64xf32> to vector<256x64xf32>
    %transpose3A_2214 = tpu.transpose %slice3A_2212, [1, 0] : vector<256x64xf32> -> vector<64x256xf32>
    %dot_general3A_2215 = arith.constant dense<0.000000e+00> : vector<128x256xf32>
    %dot_general3A_2216 = tpu.matmul %slice3A_2211, %transpose3A_2214, %dot_general3A_2215 {dimension_numbers = #tpu.dot_dimension_numbers<[1], [0], [0], [1], [0, 0, 1, 1], [], []>, transpose_lhs_hint = false} : vector<128x64xf32>, vector<64x256xf32>, vector<128x256xf32> -> vector<128x256xf32>
    %jit3A_2217 = arith.constant 0xFF800000 : f32
    %broadcast_in_dim3A_2218 = vector.broadcast %jit3A_2217 : f32 to vector<128x256xf32>
    %select_n3A_2219 = arith.select %and3A_740, %dot_general3A_2216, %broadcast_in_dim3A_2218 : vector<128x256xi1>, vector<128x256xf32>
    %mul3A_2220 = arith.constant 1.250000e-01 : f32
    %mul3A_2221 = vector.broadcast %mul3A_2220 : f32 to vector<128x256xf32>
    %mul3A_2222 = arith.mulf %select_n3A_2219, %mul3A_2221 : vector<128x256xf32>
    %reduce_max3A_2223 = arith.constant dense<0xFF800000> : vector<128xf32>
    %reduce_max3A_2224 = vector.multi_reduction <maximumf>, %mul3A_2222, %reduce_max3A_2223 [1] : vector<128x256xf32> to vector<128xf32>
    %broadcast_in_dim3A_2225 = vector.shape_cast %reduce_max3A_2224 : vector<128xf32> to vector<128x1xf32>
    %sub3A_2226 = vector.broadcast %broadcast_in_dim3A_2225 : vector<128x1xf32> to vector<128x256xf32>
    %sub3A_2227 = arith.subf %mul3A_2222, %sub3A_2226 : vector<128x256xf32>
    %exp3A_2228 = math.exp %sub3A_2227 : vector<128x256xf32>
    %reduce_sum3A_2229 = arith.constant dense<0.000000e+00> : vector<128xf32>
    %reduce_sum3A_2230 = vector.multi_reduction <add>, %exp3A_2228, %reduce_sum3A_2229 [1] : vector<128x256xf32> to vector<128xf32>
    %broadcast_in_dim3A_2231 = vector.shape_cast %reduce_sum3A_2230 : vector<128xf32> to vector<128x1xf32>
    %div3A_2232 = vector.broadcast %broadcast_in_dim3A_2231 : vector<128x1xf32> to vector<128x256xf32>
    %div3A_2233 = arith.divf %exp3A_2228, %div3A_2232 : vector<128x256xf32>
    %dot_general3A_2234 = arith.constant dense<0.000000e+00> : vector<128x64xf32>
    %dot_general3A_2235 = tpu.matmul %div3A_2233, %slice3A_2213, %dot_general3A_2234 {dimension_numbers = #tpu.dot_dimension_numbers<[1], [0], [0], [1], [0, 0, 1, 1], [], []>, transpose_lhs_hint = false} : vector<128x256xf32>, vector<256x64xf32>, vector<128x64xf32> -> vector<128x64xf32>
    %slice3A_2236 = vector.extract_strided_slice %slice3A_25 {offsets = [384, 0], sizes = [128, 1], strides = [1, 1]} : vector<512x1xf32> to vector<128x1xf32>
    %slice3A_2237 = vector.extract_strided_slice %dot_general3A_2093 {offsets = [384, 0], sizes = [128, 64], strides = [1, 1]} : vector<512x64xf32> to vector<128x64xf32>
    %mul3A_2238 = vector.broadcast %slice3A_2236 : vector<128x1xf32> to vector<128x64xf32>
    %mul3A_2239 = arith.mulf %mul3A_2238, %slice3A_2237 : vector<128x64xf32>
    %slice3A_2240 = vector.extract_strided_slice %slice3A_26 {offsets = [384, 0], sizes = [128, 1], strides = [1, 1]} : vector<512x1xf32> to vector<128x1xf32>
    %mul3A_2241 = vector.broadcast %slice3A_2240 : vector<128x1xf32> to vector<128x64xf32>
    %mul3A_2242 = arith.mulf %mul3A_2241, %dot_general3A_2235 : vector<128x64xf32>
    %add3A_2243 = arith.addf %mul3A_2239, %mul3A_2242 : vector<128x64xf32>
    %swap3A_2244 = arith.constant 0 : index
    %swap3A_2245 = arith.constant 384 : index
    %swap3A_2246 = arith.constant 448 : index
    %swap3A_2247 = vector.load %arg10[%swap3A_2244, %swap3A_2245, %swap3A_2246] : memref<1x512x512xf32, #tpu.memory_space<vmem>>, vector<1x128x64xf32>
    %swap3A_2248 = vector.shape_cast %swap3A_2247 : vector<1x128x64xf32> to vector<128x64xf32>
    %swap3A_2249 = vector.shape_cast %add3A_2243 : vector<128x64xf32> to vector<1x128x64xf32>
    tpu.vector_store %arg10[%swap3A_2244, %swap3A_2245, %swap3A_2246], %swap3A_2249 {strides = array<i32>} : memref<1x512x512xf32, #tpu.memory_space<vmem>>, vector<1x128x64xf32>,
    %slice3A_2250 = vector.extract_strided_slice %div3A_2090 {offsets = [511, 0], sizes = [1, 31], strides = [1, 1]} : vector<512x31xf32> to vector<1x31xf32>
    %dot_general3A_2251 = arith.constant dense<0.000000e+00> : vector<1x16xf32>
    %dot_general3A_2252 = tpu.matmul %slice3A_2250, %add3A_687, %dot_general3A_2251 {dimension_numbers = #tpu.dot_dimension_numbers<[1], [0], [0], [1], [0, 0, 1, 1], [], []>, transpose_lhs_hint = false} : vector<1x31xf32>, vector<31x16xf32>, vector<1x16xf32> -> vector<1x16xf32>
    %concatenate3A_2253 = tpu.concatenate %dot_general3A_922, %dot_general3A_1112, %dot_general3A_1302, %dot_general3A_1492, %dot_general3A_1682, %dot_general3A_1872, %dot_general3A_2062, %dot_general3A_2252 in 0 : vector<1x16xf32>, vector<1x16xf32>, vector<1x16xf32>, vector<1x16xf32>, vector<1x16xf32>, vector<1x16xf32>, vector<1x16xf32>, vector<1x16xf32> -> vector<8x16xf32>
    %swap3A_2254 = arith.constant 0 : index
    %swap3A_2255 = arith.constant 0 : index
    %swap3A_2256 = arith.constant 0 : index
    %swap3A_2257 = vector.load %arg12[%swap3A_2254, %swap3A_2255, %swap3A_2256] : memref<1x8x16xf32, #tpu.memory_space<vmem>>, vector<1x8x16xf32>
    %swap3A_2258 = vector.shape_cast %swap3A_2257 : vector<1x8x16xf32> to vector<8x16xf32>
    %swap3A_2259 = vector.shape_cast %concatenate3A_2253 : vector<8x16xf32> to vector<1x8x16xf32>
    tpu.vector_store %arg12[%swap3A_2254, %swap3A_2255, %swap3A_2256], %swap3A_2259 {strides = array<i32>} : memref<1x8x16xf32, #tpu.memory_space<vmem>>, vector<1x8x16xf32>,
    %slice3A_2260 = vector.extract_strided_slice %slice3A {offsets = [511, 0], sizes = [1, 512], strides = [1, 1]} : vector<512x512xf32> to vector<1x512xf32>
    %broadcast_in_dim3A_2261 = vector.shape_cast %slice3A_2260 : vector<1x512xf32> to vector<1x512xf32>
    %broadcast_in_dim3A_2262 = vector.broadcast %broadcast_in_dim3A_2261 : vector<1x512xf32> to vector<8x512xf32>
    %swap3A_2263 = arith.constant 0 : index
    %swap3A_2264 = arith.constant 0 : index
    %swap3A_2265 = arith.constant 0 : index
    %swap3A_2266 = vector.load %arg13[%swap3A_2263, %swap3A_2264, %swap3A_2265] : memref<1x8x512xf32, #tpu.memory_space<vmem>>, vector<1x8x512xf32>
    %swap3A_2267 = vector.shape_cast %swap3A_2266 : vector<1x8x512xf32> to vector<8x512xf32>
    %swap3A_2268 = vector.shape_cast %broadcast_in_dim3A_2262 : vector<8x512xf32> to vector<1x8x512xf32>
    tpu.vector_store %arg13[%swap3A_2263, %swap3A_2264, %swap3A_2265], %swap3A_2268 {strides = array<i32>} : memref<1x8x512xf32, #tpu.memory_space<vmem>>, vector<1x8x512xf32>,
    return
  }
  func.func @transform_0(%arg0: i32) -> (i32, i32, i32) {
    %c0_i32 = arith.constant 0 : i32
    %c0_i32_0 = arith.constant 0 : i32
    %c0_i32_1 = arith.constant 0 : i32
    return %arg0, %c0_i32, %c0_i32_0 : i32, i32, i32
  }
  func.func @transform_1(%arg0: i32) -> (i32, i32) {
    %c0_i32 = arith.constant 0 : i32
    %c0_i32_0 = arith.constant 0 : i32
    %c0_i32_1 = arith.constant 0 : i32
    return %c0_i32, %c0_i32_0 : i32, i32
  }
  func.func @transform_2(%arg0: i32) -> (i32, i32) {
    %c0_i32 = arith.constant 0 : i32
    %c0_i32_0 = arith.constant 0 : i32
    %c0_i32_1 = arith.constant 0 : i32
    return %c0_i32, %c0_i32_0 : i32, i32
  }
  func.func @transform_3(%arg0: i32) -> (i32, i32) {
    %c0_i32 = arith.constant 0 : i32
    %c0_i32_0 = arith.constant 0 : i32
    %c0_i32_1 = arith.constant 0 : i32
    return %c0_i32, %c0_i32_0 : i32, i32
  }
  func.func @transform_4(%arg0: i32) -> (i32, i32) {
    %c0_i32 = arith.constant 0 : i32
    %c0_i32_0 = arith.constant 0 : i32
    %c0_i32_1 = arith.constant 0 : i32
    return %c0_i32, %c0_i32_0 : i32, i32
  }
  func.func @transform_5(%arg0: i32) -> (i32, i32) {
    %c0_i32 = arith.constant 0 : i32
    %c0_i32_0 = arith.constant 0 : i32
    %c0_i32_1 = arith.constant 0 : i32
    return %c0_i32, %c0_i32_0 : i32, i32
  }
  func.func @transform_6(%arg0: i32) -> (i32, i32) {
    %c0_i32 = arith.constant 0 : i32
    %c0_i32_0 = arith.constant 0 : i32
    %c0_i32_1 = arith.constant 0 : i32
    return %c0_i32, %c0_i32_0 : i32, i32
  }
  func.func @transform_7(%arg0: i32) -> (i32, i32) {
    %c0_i32 = arith.constant 0 : i32
    %c0_i32_0 = arith.constant 0 : i32
    %c0_i32_1 = arith.constant 0 : i32
    return %c0_i32, %c0_i32_0 : i32, i32
  }
  func.func @transform_8(%arg0: i32) -> (i32, i32) {
    %c0_i32 = arith.constant 0 : i32
    %c0_i32_0 = arith.constant 0 : i32
    %c0_i32_1 = arith.constant 0 : i32
    return %c0_i32, %c0_i32_0 : i32, i32
  }
  func.func @transform_9(%arg0: i32) -> (i32, i32, i32) {
    %c0_i32 = arith.constant 0 : i32
    %c0_i32_0 = arith.constant 0 : i32
    %c0_i32_1 = arith.constant 0 : i32
    return %arg0, %c0_i32, %c0_i32_0 : i32, i32, i32
  }
  func.func @transform_10(%arg0: i32) -> (i32, i32) {
    %c0_i32 = arith.constant 0 : i32
    %c0_i32_0 = arith.constant 0 : i32
    return %arg0, %c0_i32 : i32, i32
  }
  func.func @transform_11(%arg0: i32) -> (i32, i32, i32) {
    %c0_i32 = arith.constant 0 : i32
    %c0_i32_0 = arith.constant 0 : i32
    %c0_i32_1 = arith.constant 0 : i32
    return %arg0, %c0_i32, %c0_i32_0 : i32, i32, i32
  }
  func.func @transform_12(%arg0: i32) -> (i32, i32, i32) {
    %c0_i32 = arith.constant 0 : i32
    %c0_i32_0 = arith.constant 0 : i32
    %c0_i32_1 = arith.constant 0 : i32
    return %arg0, %c0_i32, %c0_i32_0 : i32, i32, i32
  }
}

</mosaic_0001>

<sc_bundles>
// kernel: kernel.5.cloned.1.call-start
scs
__scs_entry_jumppad:
0x0: {  	(pc) =	sbr.rel $0x88, $3  }
0x1: {  	(tag) =	ssettag $0x0;
	lr =	simm.s32 $0x1  }
0x2: {  	[smem:$0x3F98] =	sst lr;
	_ =	strace $0xD0000000  }
0x3: {  	_ = 	snop  }
0x4: {  	_ = 	snop  }
0x5: {  	_ = 	snop  }
0x6: {  	_ = 	snop  }
0x7: {  	_ = 	snop  }
__scs_overlays_trampoline_lowered:
0x8: {  	[smem:$0x3FA7] =	sst s0  }
0x9: {  	[smem:$0x3FA8] =	sst s1  }
0xa: {  	[smem:$0x3FA9] =	sst s2  }
0xb: {  	[smem:$0x3FAA] =	sst s3  }
0xc: {  	[smem:$0x3FAB] =	sst s4  }
0xd: {  	[smem:$0x3FAC] =	sst s5  }
0xe: {  	[smem:$0x3FAD] =	sst s6  }
0xf: {  	[smem:$0x3FAE] =	sst s7  }
0x10: {  	[smem:$0x3FAF] =	sst s8  }
0x11: {  	[smem:$0x3FB0] =	sst s9;
	s0 =	simm.s32 @!p0 $0x0  }
0x12: {  	s1 =	sld [smem:$0x3F96];
	s0 =	simm.s32 @p0 $0x1  }
0x13: {  	[smem:$0x3FB1] =	sst s0;
	s0 =	simm.s32 @!p1 $0x0  }
0x14: {  	s2 =	sld [smem:$0x3F95];
	s0 =	simm.s32 @p1 $0x1  }
0x15: {  	[smem:$0x3FB2] =	sst s0;
	s0 =	simm.s32 @!p2 $0x0  }
0x16: {  	s3 =	sld [smem:$0x3FDB];
	s0 =	simm.s32 @p2 $0x1  }
0x17: {  	s4 =	simm.s32 $0x1BF5;
	[smem:$0x3FB4] =	sst s0  }
0x18: {  	s0 =	sld [smem:$0x3F97];
	_ =	swait.ge [sflag:s4], $0x0  }
0x19: {  	s7 =	sld [smem:$0x3F98]  }
0x1a: {  	s8 =	sadd.s32 $0xFFFFE003, lr  }
0x1b: {  	s9 =	sadd.s32 $0xFFFFFEF7, lr;
	s5 =	simm.s32 $0xFFFFFFFF;
	p2 =	slt.u32 s8, $0xFFFFF086  }
0x1c: {  	p1 =	slt.u32 s9, $0xF7A;
	s5 =	simm.s32 @!p2 $0x0  }
0x1d: {  	s5 =	simm.s32 @p1 $0x1;
	p0 =	seq.s32 s7, s2  }
0x1e: {  	s7 =	smul.u32 @!p0 $0xF7A, s2;
	p2 =	seq.s32 @!p0 s5, $0x0  }
0x1f: {  	s9 =	smul.u32 $0xF7A, s1;
	s8 =	simm.s32 @!p0 $0x1BF5;
	p2 =	por !p2, p0  }
0x20: {  	[sflag:s8] =	ssyncset.s32 @!p0 $0xFFFFF086;
	s6 =	sadd.s32 @!p0 s3, s7;
	s7 =	simm.s32 @!p0 $0x108  }
0x21: {  	s3 =	sadd.s32 s3, s9;
	s6 =	sadd.s32 @!p0 $0x88, s6;
	s7 =	simm.s32 @p2 $0x1082  }
0x22: {  	[simem:s7], [sflag:s8] =	dma.local @!p0 [hbm:s6], $0xF7A  }
0x23: {  	s9 =	sor.u32 $0xD0000000, s2;
	s6 =	simm.s32 $0x108;
	_ =	swait.ge @!p0 [sflag:s8], $0x0  }
0x24: {  	s3 =	sadd.s32 $0x88, s3;
	s6 =	simm.s32 @!p1 $0x1082;
	[sflag:s4] =	ssyncset.s32 $0xFFFFF086  }
0x25: {  	[simem:s6], [sflag:s4] =	dma.local [hbm:s3], $0xF7A  }
0x26: {  	[smem:$0x3F98] =	sst s1;
	(tag) =	ssettag s2;
	_ =	strace s9  }
0x27: {  	s1 =	sld [smem:$0x3FA8]  }
0x28: {  	s2 =	sld [smem:$0x3FA9]  }
0x29: {  	s4 =	sld [smem:$0x3FAB]  }
0x2a: {  	p0 =	seq.s32 s5, $0x0;
	s5 =	sld [smem:$0x3FAC]  }
0x2b: {  	s6 =	sld [smem:$0x3FAD]  }
0x2c: {  	s7 =	sld [smem:$0x3FAE]  }
0x2d: {  	s3 =	simm.s32 $0x108;
	s8 =	sld [smem:$0x3FAF]  }
0x2e: {  	s3 =	simm.s32 @!p0 $0x1082;
	s9 =	sld [smem:$0x3FB0]  }
0x2f: {  	lr =	sadd.s32 s0, s3;
	s0 =	sld [smem:$0x3FA7]  }
0x30: {  	s3 =	sld [smem:$0x3FAA]  }
0x31: {  	[smem:$0x3FB3] =	sst s10  }
0x32: {  	s10 =	sld [smem:$0x3FB1];
	_ =	sdelay $0x3  }
0x33: {  	p0 =	seq.s32 s10, $0x1;
	s10 =	sld [smem:$0x3FB3];
	_ =	sdelay $0x3  }
0x34: {  	[smem:$0x3FB3] =	sst s10  }
0x35: {  	s10 =	sld [smem:$0x3FB2];
	_ =	sdelay $0x3  }
0x36: {  	p1 =	seq.s32 s10, $0x1;
	s10 =	sld [smem:$0x3FB3];
	_ =	sdelay $0x3  }
0x37: {  	[smem:$0x3FB3] =	sst s10  }
0x38: {  	s10 =	sld [smem:$0x3FB4]  }
0x39: {  	_ = 	snop;
	(pc) =	sbr.ind lr, $3  }
0x3a: {  	_ = 	snop  }
0x3b: {  	_ = 	snop  }
0x3c: {  	p2 =	seq.s32 s10, $0x1;
	s10 =	sld [smem:$0x3FB3]  }
0x3d: {  	_ =	shalt  }
0x3e: {  	_ =	shalt  }
0x3f: {  	_ =	shalt  }
0x40: {  	_ =	shalt  }
0x41: {  	_ =	shalt  }
0x42: {  	_ =	shalt  }
0x43: {  	_ =	shalt  }
0x44: {  	_ =	shalt  }
0x45: {  	_ =	shalt  }
0x46: {  	_ =	shalt  }
0x47: {  	_ =	shalt  }
0x48: {  	_ =	shalt  }
0x49: {  	_ =	shalt  }
0x4a: {  	_ =	shalt  }
0x4b: {  	_ =	shalt  }
0x4c: {  	_ =	shalt  }
0x4d: {  	_ =	shalt  }
0x4e: {  	_ =	shalt  }
0x4f: {  	_ =	shalt  }
0x50: {  	_ =	shalt  }
0x51: {  	_ =	shalt  }
0x52: {  	_ =	shalt  }
0x53: {  	_ =	shalt  }
0x54: {  	_ =	shalt  }
0x55: {  	_ =	shalt  }
0x56: {  	_ =	shalt  }
0x57: {  	_ =	shalt  }
0x58: {  	_ =	shalt  }
0x59: {  	_ =	shalt  }
0x5a: {  	_ =	shalt  }
0x5b: {  	_ =	shalt  }
0x5c: {  	_ =	shalt  }
0x5d: {  	_ =	shalt  }
0x5e: {  	_ =	shalt  }
0x5f: {  	_ =	shalt  }
0x60: {  	_ =	shalt  }
0x61: {  	_ =	shalt  }
0x62: {  	_ =	shalt  }
0x63: {  	_ =	shalt  }
0x64: {  	_ =	shalt  }
0x65: {  	_ =	shalt  }
0x66: {  	_ =	shalt  }
0x67: {  	_ =	shalt  }
0x68: {  	_ =	shalt  }
0x69: {  	_ =	shalt  }
0x6a: {  	_ =	shalt  }
0x6b: {  	_ =	shalt  }
0x6c: {  	_ =	shalt  }
0x6d: {  	_ =	shalt  }
0x6e: {  	_ =	shalt  }
0x6f: {  	_ =	shalt  }
0x70: {  	_ =	shalt  }
0x71: {  	_ =	shalt  }
0x72: {  	_ =	shalt  }
0x73: {  	_ =	shalt  }
0x74: {  	_ =	shalt  }
0x75: {  	_ =	shalt  }
0x76: {  	_ =	shalt  }
0x77: {  	_ =	shalt  }
0x78: {  	_ =	shalt  }
0x79: {  	_ =	shalt  }
0x7a: {  	_ =	shalt  }
0x7b: {  	_ =	shalt  }
0x7c: {  	_ =	shalt  }
0x7d: {  	_ =	shalt  }
0x7e: {  	_ =	shalt  }
0x7f: {  	_ =	shalt  }
0x80: {  	_ =	shalt  }
0x81: {  	_ =	shalt  }
0x82: {  	_ =	shalt  }
0x83: {  	_ =	shalt  }
0x84: {  	_ =	shalt  }
0x85: {  	_ =	shalt  }
0x86: {  	_ =	shalt  }
0x87: {  	_ =	shalt  }
.Lfunc_end0:
.L_simem_size_0:
called_computation_lowered:
.L_overlay_start_0:
0x88: {  	s2 =	sld [smem:$0x3FD9]  }
0x89: {  	s3 =	sld [smem:$0x3FFE];
	_ =	sdelay $0x1  }
0x8a: {  	s1 =	srdreg.scid  }
0x8b: {  	s0 =	sand.u32 $0x1, s1  }
0x8c: {  	s16 =	sshll.u32 s0, $0xA;
	s2 =	sadd.s32 s3, s2  }
0x8d: {  	s2 =	sadd.s32 s2, s16  }
0x8e: {  	[smem:$0x3FBF] =	sst s2  }
0x8f: {  	_ = 	snop  }
0x90: {  	(tm) =	ssettm $0x1  }
0x91: {  	s17 =	sld [smem:$0x3FFB];
	_ =	sdelay $0x3  }
0x92: {  	_ =	strace s17  }
0x93: {  	s2 =	sld [smem:$0x3FFC];
	_ =	sdelay $0x3  }
0x94: {  	_ =	strace s2  }
0x95: {  	s2 =	sld [smem:$0x3FFD];
	_ =	sdelay $0x3  }
0x96: {  	_ =	strace s2  }
0x97: {  	_ =	strace $0x8FFFFFFF  }
0x98: {  	s18 =	sld [smem:$0x3FDB];
	_ =	sdelay $0x1  }
0x99: {  	s19 =	simm.s32 $_scs_section_size  }
0x9a: {  	s4 =	simm.s32 $_size__tile_overlayer_lowered;
	s5 =	simm.s32 $_tile_overlayer_lowered  }
0x9b: {  	s22 =	simm.s32 $0x1BFF;
	s21 =	sshll.u32 s5, $0x1;
	s2 =	sadd.s32 s19, s18  }
0x9c: {  	s6 =	simm.s32 $0x0;
	s20 =	sshll.u32 s4, $0x1;
	s4 =	sadd.s32 s21, s2  }
0x9d: {  	[timem:s6], [sflag:s22] =	dma.local [hbm:s4], s20  }
0x9e: {  	_ =	swait.ge [sflag:s22], s20  }
0x9f: {  	s3 =	ssub.s32 $0x0, s20;
	[sflag:s22] =	ssyncset.done $0x0  }
0xa0: {  	[sflag:s22] =	ssyncadd.s32 s3;
	_ =	sdelay $0x1  }
0xa1: {  	s23 =	simm.s32 $0x1B8B  }
0xa2: {  	_ =	swait.ge [sflag:s23], $0x1  }
0xa3: {  	[sflag:s23] =	ssyncset.done $0x0  }
0xa4: {  	s25 =	simm.s32 $0x1B8E;
	s24 =	sld [smem:$0x3FFE];
	[sflag:s23] =	ssyncadd.s32 $0xFFFFFFFF  }
0xa5: {  	s26 =	simm.s32 $execute0_lowered;
	[smem:$0x3FD2] =	sst s25  }
0xa6: {  	s4 =	sshll.u32 s26, $0x1;
	_ =	strace $0x80000046;
	[dreg:$0x1] =	wrdreg $0xFFFFFFFF  }
0xa7: {  	s28 =	simm.s32 $_size_execute0_lowered;
	s2 =	sadd.s32 s2, s4;
	[dreg:$0x0] =	wrdreg $0x0  }
0xa8: {  	s4 =	sshll.u32 s28, $0x1;
	[dreg:$0x2] =	wrdreg s2  }
0xa9: {  	[dreg:$0x3] =	wrdreg s4  }
0xaa: {  	[dreg:$0x4] =	wrdreg $0xC0  }
0xab: {  	_ =	task [dreg:s6], $0x5FFFF  }
0xac: {  	[dreg:$0x1] =	wrdreg $0xFFFFFFFF  }
0xad: {  	[dreg:$0x0] =	wrdreg $0x60  }
0xae: {  	[dreg:$0x2] =	wrdreg s24  }
0xaf: {  	[dreg:$0x3] =	wrdreg $0x21800  }
0xb0: {  	[dreg:$0x4] =	wrdreg $0x9  }
0xb1: {  	_ =	task.clear_ibuf [dreg:s6], $0x5FFFF;
	_ =	strace $0x90000046  }
0xb2: {  	s29 =	simm.s32 $0x9;
	_ =	strace $0x80000048  }
0xb3: {  	_ =	swait.ge [sflag:s29], $0x1  }
0xb4: {  	[sflag:s29] =	ssyncadd.s32 $0xFFFFFFFF  }
0xb5: {  	_ =	strace $0x90000048  }
0xb6: {  	_ =	sfence  }
0xb7: {  	s30 =	sld [smem:$0x0];
	_ =	sdelay $0x2  }
0xb8: {  	s31 =	sshll.u32 s1, $0xD;
	s1 =	sshrl.u32 s1, $0x2  }
0xb9: {  	s3 =	sand.u32 $0x4000, s31;
	s1 =	sadd.s32 s1, s30  }
0xba: {  	s0 =	sor.u32 s3, s0;
	s1 =	sshll.u32 s1, $0x11  }
0xbb: {  	s0 =	sor.u32 s1, s0  }
0xbc: {  	s0 =	sadd.s32 $0x8F2B, s0  }
0xbd: {  	[sflag:s0] =	ssyncadd.remote.s32 $0x1  }
0xbe: {  	_ =	sfence.sel $0xFFFF  }
0xbf: {  	[dreg:$0x0] =	wrdreg $0xFFFFFFFF;
	(pc) =	sbr.abs _section_cstart, $3  }
0xc0: {  	[dreg:$0x1] =	wrdreg $0xFFFFFFFF  }
0xc1: {  	_ =	task.clear_ibuf [dreg:s6], $0x2FFFF;
	_ =	strace $0x9FFFFFFF  }
0xc2: {  	(tm) =	ssettm $0x7FFFFFFF  }
0xc3: {  	_ =	shalt  }
tec
execute0_lowered:
.L_overlay_start_1:
0x0: {  	(tag) =	ssettag $0x1  }
0x1: {  	s5 =	rddreg [dreg:$0x0]  }
0x2: {  	s1 =	rddreg [dreg:$0x1]  }
0x3: {  	s0 =	rddreg [dreg:$0x2]  }
0x4: {  	s3 =	simm.s32 $0x0;
	s2 =	stileid.u32;
	s6 =	srdreg.scid  }
0x5: {  	s11 =	simm.s32 $0x180;
	[smem:$0x7FF] =	sst s3;
	s4 =	sadd.s32 $0x1800, s5  }
0x6: {  	s7 =	sshll.u32 s2, $0x4;
	s6 =	sand.u32 $0x1, s6;
	s31 =	sshll.u32 s2, $0x9  }
0x7: {  	p0 =	sgt.u32 s2, $0x7;
	p1 =	seq.s32 s2, $0x0;
	_ =	strace $0x80000047  }
0x8: {  	s7 =	sadd.s32 s7, s5;
	s8 =	sshll.u32 s6, $0xA;
	s9 =	ssub.s32 $0x2, s6  }
.Ltmp0:
0x9: {  	s10 =	sshll.u32 s6, $0x7;
	s6 =	sshll.u32 s6, $0xC;
	(pc) =	sbr.rel .LBB2_1-.Ltmp0, $4  }
0xa: {  	v0 =	vlaneseq.u32;
	s12 =	sshrl.u32 @p1 s1, $0x3;
	s8 =	sadd.s32 s8, s5;
	s30 =	sshrl.u32 s9, $0x1  }
0xb: {  	v3 =	vmul.u32 $0xFFFFFFFF, v0;
	s7 =	sadd.s32 s10, s7;
	s10 =	sadd.s32 s31, s6;
	s9 =	ssub.s32 s9, s30  }
0xc: {  	v4 =	vor.u32 $0x10, v0;
	v5 =	vor.u32 $0x20, v0;
	v6 =	vor.u32 $0x30, v0;
	s5 =	sadd.s32 $0x21800, s7;
	s6 =	sadd.s32 $0x21A00, s8;
	s8 =	simm.s32 $0x1  }
0xd: {  	v2 =	vadd.s32 $0xF, v3;
	v3 =	vadd.s32 $0x80000000, v3;
	v1 =	vmov s10;
	s10 =	simm.s32 $0x80;
	s7 =	smax.u32 s9, $0x1;
	s9 =	simm.s32 $0x40  }
.LBB2_3:
0xe: {  	[bflag:$0x0] =	sbarrier.arrive $0xFFFF  }
0xf: {  	[bflag:$0x0] =	sbarrier.arrive $0xFFFF  }
.LBB2_4:
0x10: {  	s7 =	sadd.s32 $0xFFFFFFFF, s7  }
0x11: {  	p2 =	sne.s32 s7, $0x0  }
.Ltmp1:
0x12: {  	_ = 	snop;
	(pc) =	sbr.rel @!p2 .LBB2_5-.Ltmp1, $1  }
0x13: {  	_ =	sdelay $0x3  }
.LBB2_1:
.Ltmp2:
0x14: {  	(pc) =	sbr.rel @p0 .LBB2_3-.Ltmp2, $1  }
0x15: {  	_ =	sdelay $0x3  }
0x16: {  	[tilespmem:s3], [sflag:$0x1] =	stream.linear.gather [hbm4b:s5+s3], $0x80, $0x38;
	[tilespmem:$0x2380] =	vst v63  }
0x17: {  	_ =	swait.ge [sflag:s8], $0x80  }
0x18: {  	[sflag:s8] =	ssyncset.done $0x0  }
0x19: {  	[sflag:s8] =	ssyncadd.s32 $0xFFFFFF80  }
0x1a: {  	v7 =	vld [tilespmem:$0x0];
	_ =	sdelay $0x4  }
0x1b: {  	(xrf0) =	vmax.scan.msk.f32 $0xffff, v7;
	_ =	sdelay $0x5  }
0x1c: {  	v8, _, _ =	vpop (xrf0)  }
0x1d: {  	v8 =	vperm.xlane v8, v2;
	_ =	sdelay $0x1  }
0x1e: {  	(xrf0) =	vmax.scan.msk.f32 $0xffff, v8;
	_ =	sdelay $0x5  }
0x1f: {  	v8, _, _ =	vpop (xrf0)  }
0x20: {  	vm0 =	veq.f32 v7, v8  }
0x21: {  	v8 =	vnsel vm0, $0x7FFFFFF0, v3  }
0x22: {  	(xrf0) =	vmax.scan.msk.u32 $0xffff, v8;
	_ =	sdelay $0x5  }
0x23: {  	v8, _, _ =	vpop (xrf0)  }
0x24: {  	v8 =	vxor.u32 $0x80000000, v8  }
0x25: {  	v8 =	vperm.xlane v8, v2;
	_ =	sdelay $0x1  }
0x26: {  	v8 =	vxor.u32 $0x80000000, v8  }
0x27: {  	(xrf0) =	vmax.scan.msk.u32 $0xffff, v8;
	_ =	sdelay $0x5  }
0x28: {  	v8, _, _ =	vpop (xrf0)  }
0x29: {  	v8 =	vxor.u32 $0x7FFFFFFF, v8  }
0x2a: {  	v8 =	vadd.s32 $0x1, v8  }
0x2b: {  	vm15 =	veq.s32 v8, v0  }
0x2c: {  	v7 =	vsel vm15, $0xFF800000, v7  }
0x2d: {  	(xrf0) =	vmax.scan.msk.f32 $0xffff, v7;
	_ =	sdelay $0x5  }
0x2e: {  	v9, _, _ =	vpop (xrf0)  }
0x2f: {  	v9 =	vperm.xlane v9, v2;
	_ =	sdelay $0x1  }
0x30: {  	(xrf0) =	vmax.scan.msk.f32 $0xffff, v9;
	_ =	sdelay $0x5  }
0x31: {  	v9, _, _ =	vpop (xrf0)  }
0x32: {  	vm0 =	veq.f32 v7, v9  }
0x33: {  	v7 =	vnsel vm0, $0x7FFFFFF0, v3  }
0x34: {  	(xrf0) =	vmax.scan.msk.u32 $0xffff, v7;
	_ =	sdelay $0x5  }
0x35: {  	v7, _, _ =	vpop (xrf0)  }
0x36: {  	v7 =	vxor.u32 $0x80000000, v7  }
0x37: {  	v7 =	vperm.xlane v7, v2;
	_ =	sdelay $0x1  }
0x38: {  	v7 =	vxor.u32 $0x80000000, v7  }
0x39: {  	(xrf0) =	vmax.scan.msk.u32 $0xffff, v7;
	_ =	sdelay $0x3  }
0x3a: {  	[tilespmem:$0x100] =	vst v0  }
0x3b: {  	[tilespmem:$0x110] =	vst v4;
	v7 =	vshll.u32 v8, $0x5  }
0x3c: {  	[tilespmem:$0x120] =	vst v5;
	v7 =	vadd.s32 v1, v7;
	v8, _, _ =	vpop (xrf0)  }
0x3d: {  	[tilespmem:$0x130] =	vst v6;
	v63 =	vor.u32 v0, v7;
	v8 =	vshll.u32 v8, $0x5  }
0x3e: {  	v7 =	vor.u32 v4, v7;
	[tilespmem:$0x80] =	vst v63;
	v8 =	vsub.s32 v1, v8  }
0x3f: {  	[tilespmem:$0x90] =	vst v7;
	v7 =	vor.u32 v0, v8  }
0x40: {  	[tilespmem:$0xA0] =	vst v7;
	v7 =	vor.u32 v4, v8  }
0x41: {  	[tilespmem:$0xB0] =	vst v7  }
0x42: {  	[tilespmem:s11], [sflag:$0x1] =	stream.indirect.gather [hbm4b:s4+s9], $0x80, s10, s9, $0xb8;
	[tilespmem:$0x2380] =	vst v63  }
0x43: {  	_ =	swait.ge [sflag:s8], $0x2000  }
0x44: {  	[sflag:s8] =	ssyncset.done $0x0  }
0x45: {  	s13 =	simm.s32 @p1 $0x180;
	[sflag:s8] =	ssyncadd.s32 $0xFFFFE000  }
0x46: {  	[spmem:s1] =	stream.linear.scatter @p1 [tilespmem:s13], [sflag:$0x1], $0x2000, $0x38;
	[tilespmem:$0x2380] =	vst v63  }
0x47: {  	s13 =	simm.s32 @p1 $0x1  }
0x48: {  	_ =	swait.ge @p1 [sflag:s13], $0x2000  }
0x49: {  	[sflag:s13] =	ssyncset.done @p1 $0x0  }
0x4a: {  	[sflag:s13] =	ssyncadd.s32 @p1 $0xFFFFE000  }
0x4b: {  	[bflag:$0x0] =	sbarrier.arrive @p1 $0xFFFF  }
0x4c: {  	s14 =	simm.s32 @p1 $0x1C01;
	[bflag:$0x0] =	sbarrier.arrive @p1 $0xFFFF  }
0x4d: {  	[hbm:s6], [sflag:s14] =	dma.local @p1 [spmem:s12], $0x400  }
0x4e: {  	_ =	swait.ge @p1 [sflag:s13], $0x400  }
0x4f: {  	[sflag:s13] =	ssyncset.done @p1 $0x0  }
0x50: {  	s15 =	simm.s32 @!p1 $0x180;
	[sflag:s13] =	ssyncadd.s32 @p1 $0xFFFFFC00  }
0x51: {  	s14 =	simm.s32 @!p1 $0x100;
	s13 =	simm.s32 @!p1 $0x40;
	[bflag:$0x0] =	sbarrier.arrive @!p1 $0xFFFF  }
0x52: {  	[spmem:s1] =	stream.indirect.scatter.add.f32 @!p1 [tilespmem:s15], [sflag:$0x1], $0x80, s14, s13, $0xb8;
	[tilespmem:$0x2380] =	vst v63  }
0x53: {  	s13 =	simm.s32 @!p1 $0x1  }
.Ltmp3:
0x54: {  	_ =	swait.ge @!p1 [sflag:s13], $0x2000;
	(pc) =	sbr.rel .LBB2_4-.Ltmp3, $3  }
0x55: {  	[sflag:s13] =	ssyncset.done @!p1 $0x0  }
0x56: {  	[sflag:s13] =	ssyncadd.s32 @!p1 $0xFFFFE000  }
0x57: {  	[bflag:$0x0] =	sbarrier.arrive @!p1 $0xFFFF;
	_ =	sdelay $0x1  }
.LBB2_5:
0x58: {  	_ =	sfence.sel $0x180000  }
0x59: {  	[bflag:$0x0] =	sbarrier.arrive $0xFFFF  }
0x5a: {  	p0 =	sne.s32 s2, $0x0;
	_ =	strace $0x90000047  }
0x5b: {  	s0 =	sadd.s32 @!p0 $0x100000, s0;
	[bflag:$0x2] =	sbarrier.arrive $0xFFFF  }
0x5c: {  	[sflag:s0] =	ssyncadd.tile.s32 @!p0 $0x1;
	_ =	shalt  }
.Lfunc_end2:
_tile_overlayer_lowered:
.L_overlay_start_2:
0x5d: {  	(tag) =	ssettag $0x2  }
0x5e: {  	s0 =	rddreg [dreg:$0x0];
	s2 =	stileid.u32  }
0x5f: {  	s1 =	rddreg [dreg:$0x1];
	p0 =	sne.s32 s2, $0x0  }
0x60: {  	s3 =	rddreg [dreg:$0x2];
	[bflag:$0x3] =	sbarrier.arrive $0xFFFF;
	s2 =	simm.s32 @!p0 $0x1C01  }
0x61: {  	[timem:s3], [sflag:s2] =	dma.local @!p0 [hbm:s0], s1  }
0x62: {  	s0 =	simm.s32 @!p0 $0x1  }
0x63: {  	_ =	swait.ge @!p0 [sflag:s0], s1  }
0x64: {  	s1 =	ssub.s32 @!p0 $0x0, s1;
	[sflag:s0] =	ssyncset.done @!p0 $0x0  }
0x65: {  	[sflag:s0] =	ssyncadd.s32 @!p0 s1  }
0x66: {  	[bflag:$0x3] =	sbarrier.arrive $0xFFFF  }
0x67: {  	_ =	shalt  }

</sc_bundles>
